<compile_context>
chip_gen: v7x
topology: tpu7x:2x2x1
jax: 0.10.2.dev20260603
libtpu: 0.0.44.dev20260713+nightly
codegen_flags: <defaults>
</compile_context>

<pallas_src>
import jax
import jax.numpy as jnp
from jax import lax
from jax.experimental import pallas as pl
from jax.experimental.pallas import tpu as pltpu
from jax.experimental.pallas import tpu_sc as plsc

N = 50000
D = 64
HW = 32
NT = 16
NC = 2
C = 128
RPT = 3200
NROW = NT * RPT
TRASH = NROW - 1

E = 800000
CJ_AGG = 392
E_AGG = NT * CJ_AGG * C
CJ_DEG = 196
E_DEG = NC * NT * CJ_DEG * C
L = 100000
CJ_DEC = 25
L_PAD = NC * NT * CJ_DEC * C

GRP = 28
BR = 2000
BRL = 2048

_mesh = plsc.VectorSubcoreMesh(
    core_axis_name="c", subcore_axis_name="s", num_cores=NC, num_subcores=NT
)
_sc_params = pltpu.CompilerParams(use_tc_tiling_on_sc=False)


def _deg_body(dst_hbm, ones_hbm, zeros_hbm, out_hbm, idx_all, ones_v, buf_v, acc, sem):
    c = lax.axis_index("c")
    s = lax.axis_index("s")
    base = s * RPT
    pltpu.sync_copy(zeros_hbm, buf_v)
    pltpu.sync_copy(ones_hbm, ones_v)
    pltpu.sync_copy(dst_hbm.at[c * NT + s], idx_all)

    def zero_step(k, _):
        pltpu.sync_copy(buf_v, acc.at[pl.ds(base + k * C, C)])
        return 0

    lax.fori_loop(0, RPT // C, zero_step, 0)
    plsc.subcore_barrier()

    K = 7
    def step(t, _):
        for b in range(K):
            pltpu.async_copy(ones_v, acc.at[idx_all.at[t * K + b]], sem, add=True)
        for b in range(K):
            pltpu.make_async_copy(ones_v, acc.at[idx_all.at[t * K + b]], sem).wait()
        return 0

    lax.fori_loop(0, CJ_DEG // K, step, 0)
    plsc.subcore_barrier()

    def out_step(k, _):
        pltpu.sync_copy(acc.at[pl.ds(base + k * C, C)], buf_v)
        pltpu.sync_copy(buf_v, out_hbm.at[pl.ds(c * NROW + base + k * C, C)])
        return 0

    lax.fori_loop(0, RPT // C, out_step, 0)


def _deg_call(dstd, ones16, zeros16):
    return pl.kernel(
        _deg_body,
        out_type=jax.ShapeDtypeStruct((NC * NROW, 16), jnp.float32),
        mesh=_mesh,
        compiler_params=_sc_params,
        scratch_types=[
            pltpu.VMEM((CJ_DEG, C), jnp.int32),
            pltpu.VMEM((C, 16), jnp.float32),
            pltpu.VMEM((C, 16), jnp.float32),
            pltpu.VMEM_SHARED((NROW, 16), jnp.float32),
            pltpu.SemaphoreType.DMA,
        ],
    )(dstd, ones16, zeros16)


def _agg_body(g3, src_hbm, dst_hbm, zeros_hbm, out_hbm,
              sidx_all, didx_all, rows_a1, rows_b1, rows_a2, rows_b2, buf, acc,
              gs_a1, gs_b1, gs_a2, gs_b2, ss_a1, ss_b1, ss_a2, ss_b2):
    c = lax.axis_index("c")
    s = lax.axis_index("s")
    base = s * RPT
    pltpu.sync_copy(zeros_hbm, buf)

    def zero_step(k, _):
        pltpu.sync_copy(buf, acc.at[pl.ds(base + k * C, C)])
        return 0

    lax.fori_loop(0, RPT // C, zero_step, 0)
    plsc.subcore_barrier()

    T = GRP // 2

    def run(g_hbm):
        sets = ((rows_a1, rows_b1, gs_a1, gs_b1, ss_a1, ss_b1),
                (rows_a2, rows_b2, gs_a2, gs_b2, ss_a2, ss_b2))

        def group(g, _):
            pltpu.sync_copy(src_hbm.at[s, pl.ds(g * GRP, GRP)], sidx_all)
            pltpu.sync_copy(dst_hbm.at[s, pl.ds(g * GRP, GRP)], didx_all)
            ra0, rb0, ga0, gb0, _sa0, _sb0 = sets[0]
            pltpu.async_copy(g_hbm.at[sidx_all.at[0]], ra0, ga0)
            pltpu.async_copy(g_hbm.at[sidx_all.at[1]], rb0, gb0)

            def halfstep(t, parity):
                cur = sets[parity]
                nxt = sets[1 - parity]
                ra, rb, ga, gb, sa, sb = cur
                nra, nrb, nga, ngb, nsa, nsb = nxt
                ja = 2 * t
                jb = 2 * t + 1

                @pl.when(t > 0)
                def _():
                    pltpu.make_async_copy(nra, acc.at[didx_all.at[ja]], nsa).wait()
                    pltpu.make_async_copy(nrb, acc.at[didx_all.at[jb]], nsb).wait()

                @pl.when(t < T - 1)
                def _():
                    pltpu.async_copy(g_hbm.at[sidx_all.at[ja + 2]], nra, nga)
                    pltpu.async_copy(g_hbm.at[sidx_all.at[jb + 2]], nrb, ngb)

                pltpu.make_async_copy(g_hbm.at[sidx_all.at[ja]], ra, ga).wait()
                pltpu.async_copy(ra, acc.at[didx_all.at[ja]], sa, add=True)
                pltpu.make_async_copy(g_hbm.at[sidx_all.at[jb]], rb, gb).wait()
                pltpu.async_copy(rb, acc.at[didx_all.at[jb]], sb, add=True)
                return 0

            def step2(u, _):
                halfstep(2 * u, 0)
                halfstep(2 * u + 1, 1)
                return 0

            lax.fori_loop(0, T // 2, step2, 0)
            lra, lrb, _lga, _lgb, lsa, lsb = sets[(T - 1) % 2]
            pltpu.make_async_copy(lra, acc.at[didx_all.at[0]], lsa).wait()
            pltpu.make_async_copy(lrb, acc.at[didx_all.at[1]], lsb).wait()
            return 0

        lax.fori_loop(0, CJ_AGG // GRP, group, 0)

    pl.when(c == 0)(lambda: run(g3.at[0]))
    pl.when(c == 1)(lambda: run(g3.at[1]))
    plsc.subcore_barrier()

    def out_step(k, _):
        pltpu.sync_copy(acc.at[pl.ds(base + k * C, C)], rows_a1)
        pltpu.sync_copy(rows_a1, out_hbm.at[pl.ds(c * NROW + base + k * C, C)])
        return 0

    lax.fori_loop(0, RPT // C, out_step, 0)


def _agg_call(g3, srcp, dstp, zeros32):
    return pl.kernel(
        _agg_body,
        out_type=jax.ShapeDtypeStruct((NC * NROW, HW), jnp.float32),
        mesh=_mesh,
        compiler_params=_sc_params,
        scratch_types=[
            pltpu.VMEM((GRP, C), jnp.int32),
            pltpu.VMEM((GRP, C), jnp.int32),
            pltpu.VMEM((C, HW), jnp.float32),
            pltpu.VMEM((C, HW), jnp.float32),
            pltpu.VMEM((C, HW), jnp.float32),
            pltpu.VMEM((C, HW), jnp.float32),
            pltpu.VMEM((C, HW), jnp.float32),
            pltpu.VMEM_SHARED((NROW, HW), jnp.float32),
            pltpu.SemaphoreType.DMA,
            pltpu.SemaphoreType.DMA,
            pltpu.SemaphoreType.DMA,
            pltpu.SemaphoreType.DMA,
            pltpu.SemaphoreType.DMA,
            pltpu.SemaphoreType.DMA,
            pltpu.SemaphoreType.DMA,
            pltpu.SemaphoreType.DMA,
        ],
    )(g3, srcp, dstp, zeros32)


def _dec_body(z_hbm, es_hbm, ed_hbm, sout_hbm, dout_hbm,
              sidx_all, didx_all, srows, drows, sem_s, sem_d):
    c = lax.axis_index("c")
    s = lax.axis_index("s")
    w = c * NT + s
    pltpu.sync_copy(es_hbm.at[w], sidx_all)
    pltpu.sync_copy(ed_hbm.at[w], didx_all)

    def step(j, _):
        off = (w * CJ_DEC + j) * C
        pltpu.async_copy(z_hbm.at[sidx_all.at[j]], srows, sem_s)
        pltpu.async_copy(z_hbm.at[didx_all.at[j]], drows, sem_d)
        pltpu.make_async_copy(z_hbm.at[sidx_all.at[j]], srows, sem_s).wait()
        pltpu.sync_copy(srows, sout_hbm.at[pl.ds(off, C)])
        pltpu.make_async_copy(z_hbm.at[didx_all.at[j]], drows, sem_d).wait()
        pltpu.sync_copy(drows, dout_hbm.at[pl.ds(off, C)])
        return 0

    lax.fori_loop(0, CJ_DEC, step, 0)


def _dec_call(z2, es, ed):
    return pl.kernel(
        _dec_body,
        out_type=(
            jax.ShapeDtypeStruct((L_PAD, D), jnp.float32),
            jax.ShapeDtypeStruct((L_PAD, D), jnp.float32),
        ),
        mesh=_mesh,
        compiler_params=_sc_params,
        scratch_types=[
            pltpu.VMEM((CJ_DEC, C), jnp.int32),
            pltpu.VMEM((CJ_DEC, C), jnp.int32),
            pltpu.VMEM((C, D), jnp.float32),
            pltpu.VMEM((C, D), jnp.float32),
            pltpu.SemaphoreType.DMA,
            pltpu.SemaphoreType.DMA,
        ],
    )(z2, es, ed)


def _dinv_block(deg_ref):
    dsum = deg_ref[0][:, 0:1] + deg_ref[1][:, 0:1]
    return lax.rsqrt(dsum + 1.0)


def _prep1_body(deg_ref, emb_ref, w1_ref, outg_ref, outh_ref):
    dinv = _dinv_block(deg_ref)
    h = jnp.dot(emb_ref[...], w1_ref[...], preferred_element_type=jnp.float32)
    outh_ref[...] = h
    g = h * dinv
    outg_ref[0] = g[:, :HW]
    outg_ref[1] = g[:, HW:]


def _mid_body(deg_ref, acc_ref, h_ref, b_ref, w2_ref, outg_ref, outh_ref):
    dinv = _dinv_block(deg_ref)
    accf = jnp.concatenate([acc_ref[0], acc_ref[1]], axis=1)
    z = jnp.maximum(accf * dinv + h_ref[...] * (dinv * dinv) + b_ref[...], 0.0)
    h2 = jnp.dot(z, w2_ref[...], preferred_element_type=jnp.float32)
    outh_ref[...] = h2
    g2 = h2 * dinv
    outg_ref[0] = g2[:, :HW]
    outg_ref[1] = g2[:, HW:]


def _fin_body(deg_ref, acc_ref, h_ref, b_ref, out_ref):
    dinv = _dinv_block(deg_ref)
    accf = jnp.concatenate([acc_ref[0], acc_ref[1]], axis=1)
    out_ref[...] = accf * dinv + h_ref[...] * (dinv * dinv) + b_ref[...]


def _dot_body(s_ref, d_ref, o_ref):
    o_ref[...] = jnp.sum(s_ref[...] * d_ref[...], axis=1).reshape(BRL // 256, 256)


_deg_spec = pl.BlockSpec((NC, BR, 16), lambda i: (0, i, 0))
_acc_spec = pl.BlockSpec((NC, BR, HW), lambda i: (0, i, 0))
_row_spec = pl.BlockSpec((BR, D), lambda i: (i, 0))
_g_spec = pl.BlockSpec((NC, BR, HW), lambda i: (0, i, 0))
_w_spec = pl.BlockSpec((D, D), lambda i: (0, 0))
_b_spec = pl.BlockSpec((1, D), lambda i: (0, 0))


def _prep1(deg3, emb, W1):
    return pl.pallas_call(
        _prep1_body,
        grid=(N // BR,),
        in_specs=[_deg_spec, _row_spec, _w_spec],
        out_specs=(_g_spec, _row_spec),
        out_shape=(
            jax.ShapeDtypeStruct((NC, N, HW), jnp.float32),
            jax.ShapeDtypeStruct((N, D), jnp.float32),
        ),
    )(deg3, emb, W1)


def _mid(deg3, acc3, h1, b1, W2):
    return pl.pallas_call(
        _mid_body,
        grid=(N // BR,),
        in_specs=[_deg_spec, _acc_spec, _row_spec, _b_spec, _w_spec],
        out_specs=(_g_spec, _row_spec),
        out_shape=(
            jax.ShapeDtypeStruct((NC, N, HW), jnp.float32),
            jax.ShapeDtypeStruct((N, D), jnp.float32),
        ),
    )(deg3, acc3, h1, b1, W2)


def _fin(deg3, acc3, h2, b2):
    return pl.pallas_call(
        _fin_body,
        grid=(N // BR,),
        in_specs=[_deg_spec, _acc_spec, _row_spec, _b_spec],
        out_specs=_row_spec,
        out_shape=jax.ShapeDtypeStruct((N, D), jnp.float32),
    )(deg3, acc3, h2, b2)


def _dot(srows, drows):
    return pl.pallas_call(
        _dot_body,
        grid=(L_PAD // BRL,),
        in_specs=[
            pl.BlockSpec((BRL, D), lambda i: (i, 0)),
            pl.BlockSpec((BRL, D), lambda i: (i, 0)),
        ],
        out_specs=pl.BlockSpec((BRL // 256, 256), lambda i: (i, 0)),
        out_shape=jax.ShapeDtypeStruct((L_PAD // 256, 256), jnp.float32),
    )(srows, drows)


def kernel(edge_index, edge_label_index, emb, W1, b1, W2, b2):
    src = edge_index[0]
    dst = edge_index[1]

    ones16 = jnp.ones((C, 16), jnp.float32)
    zeros16 = jnp.zeros((C, 16), jnp.float32)
    zeros32 = jnp.zeros((C, HW), jnp.float32)

    dstd = jnp.concatenate(
        [dst, jnp.full((E_DEG - E,), TRASH, jnp.int32)]
    ).reshape(NC * NT, CJ_DEG, C)
    deg3 = _deg_call(dstd, ones16, zeros16).reshape(NC, NROW, 16)

    g1, h1 = _prep1(deg3, emb, W1)

    srcp = jnp.concatenate(
        [src, jnp.zeros((E_AGG - E,), jnp.int32)]
    ).reshape(NT, CJ_AGG, C)
    dstp = jnp.concatenate(
        [dst, jnp.full((E_AGG - E,), TRASH, jnp.int32)]
    ).reshape(NT, CJ_AGG, C)

    acc1 = _agg_call(g1, srcp, dstp, zeros32).reshape(NC, NROW, HW)
    g2, h2 = _mid(deg3, acc1, h1, b1.reshape(1, D), W2)
    acc2 = _agg_call(g2, srcp, dstp, zeros32).reshape(NC, NROW, HW)
    z2 = _fin(deg3, acc2, h2, b2.reshape(1, D))

    es = jnp.concatenate(
        [edge_label_index[0], jnp.zeros((L_PAD - L,), jnp.int32)]
    ).reshape(NC * NT, CJ_DEC, C)
    ed = jnp.concatenate(
        [edge_label_index[1], jnp.zeros((L_PAD - L,), jnp.int32)]
    ).reshape(NC * NT, CJ_DEC, C)
    srows, drows = _dec_call(z2, es, ed)
    return _dot(srows, drows).reshape(L_PAD)[:L]

# --- scband reference (transcript-rebuilt; emitter-appended) ---
"""Pipeline reference for scband-card-gcn-58669253263800 (READ-ONLY COPY).

The authoritative reference and input builder live on the scoring server;
editing this copy changes nothing except your own understanding.
"""

import jax, jax.numpy as jnp
import numpy as np

N_NODES = 50000
N_EDGES = 800000
N_LABEL = 100000
EMB_DIM = 64
HID = 64


def setup_inputs(seed: int = 0) -> dict:
    key = jax.random.key(seed)
    ks = jax.random.split(key, 6)
    edge_index = jax.random.randint(ks[0], (2, N_EDGES), 0, N_NODES, dtype=jnp.int32)
    edge_label_index = jax.random.randint(ks[1], (2, N_LABEL), 0, N_NODES, dtype=jnp.int32)
    emb = jax.random.normal(ks[2], (N_NODES, EMB_DIM), dtype=jnp.float32) * 0.1
    W1 = jax.random.normal(ks[3], (EMB_DIM, HID), dtype=jnp.float32) * 0.1
    b1 = jnp.zeros((HID,), dtype=jnp.float32)
    W2 = jax.random.normal(ks[4], (HID, HID), dtype=jnp.float32) * 0.1
    b2 = jnp.zeros((HID,), dtype=jnp.float32)
    return {"edge_index": edge_index, "edge_label_index": edge_label_index, "emb": emb, "W1": W1, "b1": b1, "W2": W2, "b2": b2}


def reference(edge_index, edge_label_index, emb, W1, b1, W2, b2):
    N = emb.shape[0]
    loop = jnp.arange(N, dtype=edge_index.dtype)
    src = jnp.concatenate([edge_index[0], loop])
    dst = jnp.concatenate([edge_index[1], loop])
    deg = jax.ops.segment_sum(jnp.ones_like(src, dtype=emb.dtype), dst, num_segments=N)
    dinv = jax.lax.rsqrt(jnp.clip(deg, 1.0, None))
    norm = dinv[src] * dinv[dst]

    def gcn(x, W, b):
        h = x @ W
        msg = h[src] * norm[:, None]
        agg = jax.ops.segment_sum(msg, dst, num_segments=N)
        return agg + b

    z = jax.nn.relu(gcn(emb, W1, b1))
    z = gcn(z, W2, b2)
    s = z[edge_label_index[0]]
    d = z[edge_label_index[1]]
    return jnp.sum(s * d, axis=-1)

if __name__ == "__main__":
    import jax
    _d = setup_inputs()
    print(jax.jit(kernel)(*tuple(_d.values())))

</pallas_src>

<mosaic_0001>
#map = affine_map<(d0, d1) -> (0, 0)>
#map1 = affine_map<(d0, d1) -> (0, 0, 0)>
module attributes {stable_mosaic.version = 14 : i64} {
  func.func @_dec_body(%arg0: i32, %arg1: i32, %arg2: memref<50000x64xf32, #tpu.memory_space<hbm>>, %arg3: memref<32x25x128xi32, #tpu.memory_space<hbm>>, %arg4: memref<32x25x128xi32, #tpu.memory_space<hbm>>, %arg5: memref<102400x64xf32, #tpu.memory_space<hbm>>, %arg6: memref<102400x64xf32, #tpu.memory_space<hbm>>, %arg7: memref<25x128xi32, #tpu.memory_space<vmem>>, %arg8: memref<25x128xi32, #tpu.memory_space<vmem>>, %arg9: memref<128x64xf32, #tpu.memory_space<vmem>>, %arg10: memref<128x64xf32, #tpu.memory_space<vmem>>, %arg11: memref<!tpu.dma_semaphore, #tpu.memory_space<semaphore_mem>>, %arg12: memref<!tpu.dma_semaphore, #tpu.memory_space<semaphore_mem>>) attributes {dimension_semantics = [#tpu.dimension_semantics<core_parallel>, #tpu.dimension_semantics<subcore_parallel>], iteration_bounds = array<i64: 2, 16>, scalar_prefetch = 0 : i64, scratch_operands = 6 : i64, tpu.core_type = #tpu.core_type<sc_vector_subcore>, window_params = [{transform_indices = #map}, {transform_indices = #map1}, {transform_indices = #map1}, {transform_indices = #map}, {transform_indices = #map}]} {
    %mul3A = arith.constant 16 : i32
    %mul3A_0 = arith.muli %arg0, %mul3A : i32
    %add3A = arith.addi %mul3A_0, %arg1 : i32
    "tpu.region"() ({
      %run_scoped3A = tpu.sem_alloc : memref<!tpu.dma_semaphore, #tpu.memory_space<semaphore_mem>>
      %dma_start3A = arith.constant 0 : i32
      %dma_start3A_7 = arith.constant 0 : i32
      %dma_start3A_8 = tpu.memref_slice %arg3[%add3A, %dma_start3A, %dma_start3A_7] : memref<32x25x128xi32, #tpu.memory_space<hbm>> -> memref<1x25x128xi32, #tpu.memory_space<hbm>>
      %dma_start3A_9 = tpu.memref_squeeze %dma_start3A_8 : memref<1x25x128xi32, #tpu.memory_space<hbm>> -> memref<25x128xi32, #tpu.memory_space<hbm>>
      %dma_start3A_10 = arith.constant 0 : i32
      %dma_start3A_11 = arith.constant 0 : i32
      %dma_start3A_12 = tpu.memref_slice %arg3[%add3A, %dma_start3A_10, %dma_start3A_11] : memref<32x25x128xi32, #tpu.memory_space<hbm>> -> memref<1x25x128xi32, #tpu.memory_space<hbm>>
      %dma_start3A_13 = tpu.memref_squeeze %dma_start3A_12 : memref<1x25x128xi32, #tpu.memory_space<hbm>> -> memref<25x128xi32, #tpu.memory_space<hbm>>
      tpu.enqueue_dma source(%dma_start3A_13 : memref<25x128xi32, #tpu.memory_space<hbm>>) target(%arg7 : memref<25x128xi32, #tpu.memory_space<vmem>>) target_semaphore(%run_scoped3A : memref<!tpu.dma_semaphore, #tpu.memory_space<semaphore_mem>>)
      %dma_wait3A = arith.constant 0 : i32
      %dma_wait3A_14 = arith.constant 0 : i32
      %dma_wait3A_15 = tpu.memref_slice %arg3[%add3A, %dma_wait3A, %dma_wait3A_14] : memref<32x25x128xi32, #tpu.memory_space<hbm>> -> memref<1x25x128xi32, #tpu.memory_space<hbm>>
      %dma_wait3A_16 = tpu.memref_squeeze %dma_wait3A_15 : memref<1x25x128xi32, #tpu.memory_space<hbm>> -> memref<25x128xi32, #tpu.memory_space<hbm>>
      %dma_wait3A_17 = arith.constant 0 : i32
      %dma_wait3A_18 = arith.constant 0 : i32
      %dma_wait3A_19 = tpu.memref_slice %arg3[%add3A, %dma_wait3A_17, %dma_wait3A_18] : memref<32x25x128xi32, #tpu.memory_space<hbm>> -> memref<1x25x128xi32, #tpu.memory_space<hbm>>
      %dma_wait3A_20 = tpu.memref_squeeze %dma_wait3A_19 : memref<1x25x128xi32, #tpu.memory_space<hbm>> -> memref<25x128xi32, #tpu.memory_space<hbm>>
      tpu.wait_dma2 semaphore(%run_scoped3A : memref<!tpu.dma_semaphore, #tpu.memory_space<semaphore_mem>>) src(%dma_wait3A_20 : memref<25x128xi32, #tpu.memory_space<hbm>>) dst(%arg7 : memref<25x128xi32, #tpu.memory_space<vmem>>)
      tpu.yield
    }) : () -> ()
    "tpu.region"() ({
      %run_scoped3A = tpu.sem_alloc : memref<!tpu.dma_semaphore, #tpu.memory_space<semaphore_mem>>
      %dma_start3A = arith.constant 0 : i32
      %dma_start3A_7 = arith.constant 0 : i32
      %dma_start3A_8 = tpu.memref_slice %arg4[%add3A, %dma_start3A, %dma_start3A_7] : memref<32x25x128xi32, #tpu.memory_space<hbm>> -> memref<1x25x128xi32, #tpu.memory_space<hbm>>
      %dma_start3A_9 = tpu.memref_squeeze %dma_start3A_8 : memref<1x25x128xi32, #tpu.memory_space<hbm>> -> memref<25x128xi32, #tpu.memory_space<hbm>>
      %dma_start3A_10 = arith.constant 0 : i32
      %dma_start3A_11 = arith.constant 0 : i32
      %dma_start3A_12 = tpu.memref_slice %arg4[%add3A, %dma_start3A_10, %dma_start3A_11] : memref<32x25x128xi32, #tpu.memory_space<hbm>> -> memref<1x25x128xi32, #tpu.memory_space<hbm>>
      %dma_start3A_13 = tpu.memref_squeeze %dma_start3A_12 : memref<1x25x128xi32, #tpu.memory_space<hbm>> -> memref<25x128xi32, #tpu.memory_space<hbm>>
      tpu.enqueue_dma source(%dma_start3A_13 : memref<25x128xi32, #tpu.memory_space<hbm>>) target(%arg8 : memref<25x128xi32, #tpu.memory_space<vmem>>) target_semaphore(%run_scoped3A : memref<!tpu.dma_semaphore, #tpu.memory_space<semaphore_mem>>)
      %dma_wait3A = arith.constant 0 : i32
      %dma_wait3A_14 = arith.constant 0 : i32
      %dma_wait3A_15 = tpu.memref_slice %arg4[%add3A, %dma_wait3A, %dma_wait3A_14] : memref<32x25x128xi32, #tpu.memory_space<hbm>> -> memref<1x25x128xi32, #tpu.memory_space<hbm>>
      %dma_wait3A_16 = tpu.memref_squeeze %dma_wait3A_15 : memref<1x25x128xi32, #tpu.memory_space<hbm>> -> memref<25x128xi32, #tpu.memory_space<hbm>>
      %dma_wait3A_17 = arith.constant 0 : i32
      %dma_wait3A_18 = arith.constant 0 : i32
      %dma_wait3A_19 = tpu.memref_slice %arg4[%add3A, %dma_wait3A_17, %dma_wait3A_18] : memref<32x25x128xi32, #tpu.memory_space<hbm>> -> memref<1x25x128xi32, #tpu.memory_space<hbm>>
      %dma_wait3A_20 = tpu.memref_squeeze %dma_wait3A_19 : memref<1x25x128xi32, #tpu.memory_space<hbm>> -> memref<25x128xi32, #tpu.memory_space<hbm>>
      tpu.wait_dma2 semaphore(%run_scoped3A : memref<!tpu.dma_semaphore, #tpu.memory_space<semaphore_mem>>) src(%dma_wait3A_20 : memref<25x128xi32, #tpu.memory_space<hbm>>) dst(%arg8 : memref<25x128xi32, #tpu.memory_space<vmem>>)
      tpu.yield
    }) : () -> ()
    %scan3A = arith.constant 0 : i32
    %scan3A_1 = arith.constant 0 : i32
    %scan3A_2 = arith.constant 25 : i32
    %scan3A_3 = arith.addi %scan3A_1, %scan3A_2 : i32
    %scan3A_4 = arith.constant 1 : i32
    %scan3A_5 = scf.for %scan3A_7 = %scan3A_1 to %scan3A_3 step %scan3A_4 iter_args(%scan3A_8 = %scan3A) -> (i32)  : i32 {
      %mul3A_9 = arith.constant 25 : i32
      %mul3A_10 = arith.muli %add3A, %mul3A_9 : i32
      %add3A_11 = arith.addi %mul3A_10, %scan3A_7 : i32
      %mul3A_12 = arith.constant 128 : i32
      %mul3A_13 = arith.muli %add3A_11, %mul3A_12 : i32
      %dma_start3A = arith.constant 0 : i32
      %dma_start3A_14 = tpu.memref_slice %arg7[%scan3A_7, %dma_start3A] : memref<25x128xi32, #tpu.memory_space<vmem>> -> memref<1x128xi32, #tpu.memory_space<vmem>>
      %dma_start3A_15 = tpu.memref_squeeze %dma_start3A_14 : memref<1x128xi32, #tpu.memory_space<vmem>> -> memref<128xi32, #tpu.memory_space<vmem>>
      %dma_start3A_16 = arith.constant 0 : i32
      %dma_start3A_17 = arith.constant 0 : i32
      %dma_start3A_18 = tpu.memref_slice %arg2[%dma_start3A_16, %dma_start3A_17] : memref<50000x64xf32, #tpu.memory_space<hbm>> -> memref<50000x64xf32, #tpu.memory_space<hbm>>
      tpu.enqueue_indirect_dma source(%dma_start3A_18 : memref<50000x64xf32, #tpu.memory_space<hbm>>) target(%arg9 : memref<128x64xf32, #tpu.memory_space<vmem>>) offsets(%dma_start3A_15 : memref<128xi32, #tpu.memory_space<vmem>>) semaphore(%arg11 : memref<!tpu.dma_semaphore, #tpu.memory_space<semaphore_mem>>)
      %dma_start3A_19 = arith.constant 0 : i32
      %dma_start3A_20 = tpu.memref_slice %arg8[%scan3A_7, %dma_start3A_19] : memref<25x128xi32, #tpu.memory_space<vmem>> -> memref<1x128xi32, #tpu.memory_space<vmem>>
      %dma_start3A_21 = tpu.memref_squeeze %dma_start3A_20 : memref<1x128xi32, #tpu.memory_space<vmem>> -> memref<128xi32, #tpu.memory_space<vmem>>
      %dma_start3A_22 = arith.constant 0 : i32
      %dma_start3A_23 = arith.constant 0 : i32
      %dma_start3A_24 = tpu.memref_slice %arg2[%dma_start3A_22, %dma_start3A_23] : memref<50000x64xf32, #tpu.memory_space<hbm>> -> memref<50000x64xf32, #tpu.memory_space<hbm>>
      tpu.enqueue_indirect_dma source(%dma_start3A_24 : memref<50000x64xf32, #tpu.memory_space<hbm>>) target(%arg10 : memref<128x64xf32, #tpu.memory_space<vmem>>) offsets(%dma_start3A_21 : memref<128xi32, #tpu.memory_space<vmem>>) semaphore(%arg12 : memref<!tpu.dma_semaphore, #tpu.memory_space<semaphore_mem>>)
      %dma_wait3A = arith.constant 0 : i32
      %dma_wait3A_25 = tpu.memref_slice %arg7[%scan3A_7, %dma_wait3A] : memref<25x128xi32, #tpu.memory_space<vmem>> -> memref<1x128xi32, #tpu.memory_space<vmem>>
      %dma_wait3A_26 = tpu.memref_squeeze %dma_wait3A_25 : memref<1x128xi32, #tpu.memory_space<vmem>> -> memref<128xi32, #tpu.memory_space<vmem>>
      %dma_wait3A_27 = arith.constant 0 : i32
      %dma_wait3A_28 = arith.constant 0 : i32
      %dma_wait3A_29 = tpu.memref_slice %arg2[%dma_wait3A_27, %dma_wait3A_28] : memref<50000x64xf32, #tpu.memory_space<hbm>> -> memref<50000x64xf32, #tpu.memory_space<hbm>>
      tpu.wait_indirect_dma semaphore(%arg11 : memref<!tpu.dma_semaphore, #tpu.memory_space<semaphore_mem>>) src(%dma_wait3A_29 : memref<50000x64xf32, #tpu.memory_space<hbm>>) dst(%arg9 : memref<128x64xf32, #tpu.memory_space<vmem>>)
      "tpu.region"() ({
        %run_scoped3A = tpu.sem_alloc : memref<!tpu.dma_semaphore, #tpu.memory_space<semaphore_mem>>
        %dma_start3A_37 = arith.constant 0 : i32
        %dma_start3A_38 = tpu.memref_slice %arg5[%mul3A_13, %dma_start3A_37] : memref<102400x64xf32, #tpu.memory_space<hbm>> -> memref<128x64xf32, #tpu.memory_space<hbm>>
        %dma_start3A_39 = arith.constant 0 : i32
        %dma_start3A_40 = tpu.memref_slice %arg5[%mul3A_13, %dma_start3A_39] : memref<102400x64xf32, #tpu.memory_space<hbm>> -> memref<128x64xf32, #tpu.memory_space<hbm>>
        tpu.enqueue_dma source(%arg9 : memref<128x64xf32, #tpu.memory_space<vmem>>) target(%dma_start3A_40 : memref<128x64xf32, #tpu.memory_space<hbm>>) target_semaphore(%run_scoped3A : memref<!tpu.dma_semaphore, #tpu.memory_space<semaphore_mem>>)
        %dma_wait3A_41 = arith.constant 0 : i32
        %dma_wait3A_42 = tpu.memref_slice %arg5[%mul3A_13, %dma_wait3A_41] : memref<102400x64xf32, #tpu.memory_space<hbm>> -> memref<128x64xf32, #tpu.memory_space<hbm>>
        %dma_wait3A_43 = arith.constant 0 : i32
        %dma_wait3A_44 = tpu.memref_slice %arg5[%mul3A_13, %dma_wait3A_43] : memref<102400x64xf32, #tpu.memory_space<hbm>> -> memref<128x64xf32, #tpu.memory_space<hbm>>
        tpu.wait_dma2 semaphore(%run_scoped3A : memref<!tpu.dma_semaphore, #tpu.memory_space<semaphore_mem>>) src(%arg9 : memref<128x64xf32, #tpu.memory_space<vmem>>) dst(%dma_wait3A_44 : memref<128x64xf32, #tpu.memory_space<hbm>>)
        tpu.yield
      }) : () -> ()
      %dma_wait3A_30 = arith.constant 0 : i32
      %dma_wait3A_31 = tpu.memref_slice %arg8[%scan3A_7, %dma_wait3A_30] : memref<25x128xi32, #tpu.memory_space<vmem>> -> memref<1x128xi32, #tpu.memory_space<vmem>>
      %dma_wait3A_32 = tpu.memref_squeeze %dma_wait3A_31 : memref<1x128xi32, #tpu.memory_space<vmem>> -> memref<128xi32, #tpu.memory_space<vmem>>
      %dma_wait3A_33 = arith.constant 0 : i32
      %dma_wait3A_34 = arith.constant 0 : i32
      %dma_wait3A_35 = tpu.memref_slice %arg2[%dma_wait3A_33, %dma_wait3A_34] : memref<50000x64xf32, #tpu.memory_space<hbm>> -> memref<50000x64xf32, #tpu.memory_space<hbm>>
      tpu.wait_indirect_dma semaphore(%arg12 : memref<!tpu.dma_semaphore, #tpu.memory_space<semaphore_mem>>) src(%dma_wait3A_35 : memref<50000x64xf32, #tpu.memory_space<hbm>>) dst(%arg10 : memref<128x64xf32, #tpu.memory_space<vmem>>)
      "tpu.region"() ({
        %run_scoped3A = tpu.sem_alloc : memref<!tpu.dma_semaphore, #tpu.memory_space<semaphore_mem>>
        %dma_start3A_37 = arith.constant 0 : i32
        %dma_start3A_38 = tpu.memref_slice %arg6[%mul3A_13, %dma_start3A_37] : memref<102400x64xf32, #tpu.memory_space<hbm>> -> memref<128x64xf32, #tpu.memory_space<hbm>>
        %dma_start3A_39 = arith.constant 0 : i32
        %dma_start3A_40 = tpu.memref_slice %arg6[%mul3A_13, %dma_start3A_39] : memref<102400x64xf32, #tpu.memory_space<hbm>> -> memref<128x64xf32, #tpu.memory_space<hbm>>
        tpu.enqueue_dma source(%arg10 : memref<128x64xf32, #tpu.memory_space<vmem>>) target(%dma_start3A_40 : memref<128x64xf32, #tpu.memory_space<hbm>>) target_semaphore(%run_scoped3A : memref<!tpu.dma_semaphore, #tpu.memory_space<semaphore_mem>>)
        %dma_wait3A_41 = arith.constant 0 : i32
        %dma_wait3A_42 = tpu.memref_slice %arg6[%mul3A_13, %dma_wait3A_41] : memref<102400x64xf32, #tpu.memory_space<hbm>> -> memref<128x64xf32, #tpu.memory_space<hbm>>
        %dma_wait3A_43 = arith.constant 0 : i32
        %dma_wait3A_44 = tpu.memref_slice %arg6[%mul3A_13, %dma_wait3A_43] : memref<102400x64xf32, #tpu.memory_space<hbm>> -> memref<128x64xf32, #tpu.memory_space<hbm>>
        tpu.wait_dma2 semaphore(%run_scoped3A : memref<!tpu.dma_semaphore, #tpu.memory_space<semaphore_mem>>) src(%arg10 : memref<128x64xf32, #tpu.memory_space<vmem>>) dst(%dma_wait3A_44 : memref<128x64xf32, #tpu.memory_space<hbm>>)
        tpu.yield
      }) : () -> ()
      %scan3A_36 = arith.constant 0 : i32
      scf.yield %scan3A_36 : i32
    }
    %scan3A_6 = arith.constant 25 : i32
    return
  }
}

#map = affine_map<(d0, d1) -> (0, 0, 0)>
#map1 = affine_map<(d0, d1) -> (0, 0)>
module attributes {stable_mosaic.version = 14 : i64} {
  func.func @_deg_body(%arg0: i32, %arg1: i32, %arg2: memref<32x196x128xi32, #tpu.memory_space<hbm>>, %arg3: memref<128x16xf32, #tpu.memory_space<hbm>>, %arg4: memref<128x16xf32, #tpu.memory_space<hbm>>, %arg5: memref<102400x16xf32, #tpu.memory_space<hbm>>, %arg6: memref<196x128xi32, #tpu.memory_space<vmem>>, %arg7: memref<128x16xf32, #tpu.memory_space<vmem>>, %arg8: memref<128x16xf32, #tpu.memory_space<vmem>>, %arg9: memref<51200x16xf32, #tpu.memory_space<vmem_shared>>, %arg10: memref<!tpu.dma_semaphore, #tpu.memory_space<semaphore_mem>>) attributes {dimension_semantics = [#tpu.dimension_semantics<core_parallel>, #tpu.dimension_semantics<subcore_parallel>], iteration_bounds = array<i64: 2, 16>, scalar_prefetch = 0 : i64, scratch_operands = 5 : i64, tpu.core_type = #tpu.core_type<sc_vector_subcore>, window_params = [{transform_indices = #map}, {transform_indices = #map1}, {transform_indices = #map1}, {transform_indices = #map1}]} {
    %mul3A = arith.constant 3200 : i32
    %mul3A_0 = arith.muli %arg1, %mul3A : i32
    "tpu.region"() ({
      %run_scoped3A = tpu.sem_alloc : memref<!tpu.dma_semaphore, #tpu.memory_space<semaphore_mem>>
      tpu.enqueue_dma source(%arg4 : memref<128x16xf32, #tpu.memory_space<hbm>>) target(%arg8 : memref<128x16xf32, #tpu.memory_space<vmem>>) target_semaphore(%run_scoped3A : memref<!tpu.dma_semaphore, #tpu.memory_space<semaphore_mem>>)
      tpu.wait_dma2 semaphore(%run_scoped3A : memref<!tpu.dma_semaphore, #tpu.memory_space<semaphore_mem>>) src(%arg4 : memref<128x16xf32, #tpu.memory_space<hbm>>) dst(%arg8 : memref<128x16xf32, #tpu.memory_space<vmem>>)
      tpu.yield
    }) : () -> ()
    "tpu.region"() ({
      %run_scoped3A = tpu.sem_alloc : memref<!tpu.dma_semaphore, #tpu.memory_space<semaphore_mem>>
      tpu.enqueue_dma source(%arg3 : memref<128x16xf32, #tpu.memory_space<hbm>>) target(%arg7 : memref<128x16xf32, #tpu.memory_space<vmem>>) target_semaphore(%run_scoped3A : memref<!tpu.dma_semaphore, #tpu.memory_space<semaphore_mem>>)
      tpu.wait_dma2 semaphore(%run_scoped3A : memref<!tpu.dma_semaphore, #tpu.memory_space<semaphore_mem>>) src(%arg3 : memref<128x16xf32, #tpu.memory_space<hbm>>) dst(%arg7 : memref<128x16xf32, #tpu.memory_space<vmem>>)
      tpu.yield
    }) : () -> ()
    %mul3A_1 = arith.constant 16 : i32
    %mul3A_2 = arith.muli %arg0, %mul3A_1 : i32
    %add3A = arith.addi %mul3A_2, %arg1 : i32
    "tpu.region"() ({
      %run_scoped3A = tpu.sem_alloc : memref<!tpu.dma_semaphore, #tpu.memory_space<semaphore_mem>>
      %dma_start3A = arith.constant 0 : i32
      %dma_start3A_24 = arith.constant 0 : i32
      %dma_start3A_25 = tpu.memref_slice %arg2[%add3A, %dma_start3A, %dma_start3A_24] : memref<32x196x128xi32, #tpu.memory_space<hbm>> -> memref<1x196x128xi32, #tpu.memory_space<hbm>>
      %dma_start3A_26 = tpu.memref_squeeze %dma_start3A_25 : memref<1x196x128xi32, #tpu.memory_space<hbm>> -> memref<196x128xi32, #tpu.memory_space<hbm>>
      %dma_start3A_27 = arith.constant 0 : i32
      %dma_start3A_28 = arith.constant 0 : i32
      %dma_start3A_29 = tpu.memref_slice %arg2[%add3A, %dma_start3A_27, %dma_start3A_28] : memref<32x196x128xi32, #tpu.memory_space<hbm>> -> memref<1x196x128xi32, #tpu.memory_space<hbm>>
      %dma_start3A_30 = tpu.memref_squeeze %dma_start3A_29 : memref<1x196x128xi32, #tpu.memory_space<hbm>> -> memref<196x128xi32, #tpu.memory_space<hbm>>
      tpu.enqueue_dma source(%dma_start3A_30 : memref<196x128xi32, #tpu.memory_space<hbm>>) target(%arg6 : memref<196x128xi32, #tpu.memory_space<vmem>>) target_semaphore(%run_scoped3A : memref<!tpu.dma_semaphore, #tpu.memory_space<semaphore_mem>>)
      %dma_wait3A = arith.constant 0 : i32
      %dma_wait3A_31 = arith.constant 0 : i32
      %dma_wait3A_32 = tpu.memref_slice %arg2[%add3A, %dma_wait3A, %dma_wait3A_31] : memref<32x196x128xi32, #tpu.memory_space<hbm>> -> memref<1x196x128xi32, #tpu.memory_space<hbm>>
      %dma_wait3A_33 = tpu.memref_squeeze %dma_wait3A_32 : memref<1x196x128xi32, #tpu.memory_space<hbm>> -> memref<196x128xi32, #tpu.memory_space<hbm>>
      %dma_wait3A_34 = arith.constant 0 : i32
      %dma_wait3A_35 = arith.constant 0 : i32
      %dma_wait3A_36 = tpu.memref_slice %arg2[%add3A, %dma_wait3A_34, %dma_wait3A_35] : memref<32x196x128xi32, #tpu.memory_space<hbm>> -> memref<1x196x128xi32, #tpu.memory_space<hbm>>
      %dma_wait3A_37 = tpu.memref_squeeze %dma_wait3A_36 : memref<1x196x128xi32, #tpu.memory_space<hbm>> -> memref<196x128xi32, #tpu.memory_space<hbm>>
      tpu.wait_dma2 semaphore(%run_scoped3A : memref<!tpu.dma_semaphore, #tpu.memory_space<semaphore_mem>>) src(%dma_wait3A_37 : memref<196x128xi32, #tpu.memory_space<hbm>>) dst(%arg6 : memref<196x128xi32, #tpu.memory_space<vmem>>)
      tpu.yield
    }) : () -> ()
    %scan3A = arith.constant 0 : i32
    %scan3A_3 = arith.constant 0 : i32
    %scan3A_4 = arith.constant 25 : i32
    %scan3A_5 = arith.addi %scan3A_3, %scan3A_4 : i32
    %scan3A_6 = arith.constant 1 : i32
    %scan3A_7 = scf.for %scan3A_24 = %scan3A_3 to %scan3A_5 step %scan3A_6 iter_args(%scan3A_25 = %scan3A) -> (i32)  : i32 {
      %mul3A_26 = arith.constant 128 : i32
      %mul3A_27 = arith.muli %scan3A_24, %mul3A_26 : i32
      %add3A_28 = arith.addi %mul3A_0, %mul3A_27 : i32
      "tpu.region"() ({
        %run_scoped3A = tpu.sem_alloc : memref<!tpu.dma_semaphore, #tpu.memory_space<semaphore_mem>>
        %dma_start3A = arith.constant 0 : i32
        %dma_start3A_30 = tpu.memref_slice %arg9[%add3A_28, %dma_start3A] : memref<51200x16xf32, #tpu.memory_space<vmem_shared>> -> memref<128x16xf32, #tpu.memory_space<vmem_shared>>
        %dma_start3A_31 = arith.constant 0 : i32
        %dma_start3A_32 = tpu.memref_slice %arg9[%add3A_28, %dma_start3A_31] : memref<51200x16xf32, #tpu.memory_space<vmem_shared>> -> memref<128x16xf32, #tpu.memory_space<vmem_shared>>
        tpu.enqueue_dma source(%arg8 : memref<128x16xf32, #tpu.memory_space<vmem>>) target(%dma_start3A_32 : memref<128x16xf32, #tpu.memory_space<vmem_shared>>) target_semaphore(%run_scoped3A : memref<!tpu.dma_semaphore, #tpu.memory_space<semaphore_mem>>)
        %dma_wait3A = arith.constant 0 : i32
        %dma_wait3A_33 = tpu.memref_slice %arg9[%add3A_28, %dma_wait3A] : memref<51200x16xf32, #tpu.memory_space<vmem_shared>> -> memref<128x16xf32, #tpu.memory_space<vmem_shared>>
        %dma_wait3A_34 = arith.constant 0 : i32
        %dma_wait3A_35 = tpu.memref_slice %arg9[%add3A_28, %dma_wait3A_34] : memref<51200x16xf32, #tpu.memory_space<vmem_shared>> -> memref<128x16xf32, #tpu.memory_space<vmem_shared>>
        tpu.wait_dma2 semaphore(%run_scoped3A : memref<!tpu.dma_semaphore, #tpu.memory_space<semaphore_mem>>) src(%arg8 : memref<128x16xf32, #tpu.memory_space<vmem>>) dst(%dma_wait3A_35 : memref<128x16xf32, #tpu.memory_space<vmem_shared>>)
        tpu.yield
      }) : () -> ()
      %scan3A_29 = arith.constant 0 : i32
      scf.yield %scan3A_29 : i32
    }
    %scan3A_8 = arith.constant 25 : i32
    %barrier3A = arith.constant 0 : index
    tpu.barrier barrier_id(%barrier3A)
    %scan3A_9 = arith.constant 0 : i32
    %scan3A_10 = arith.constant 0 : i32
    %scan3A_11 = arith.constant 28 : i32
    %scan3A_12 = arith.addi %scan3A_10, %scan3A_11 : i32
    %scan3A_13 = arith.constant 1 : i32
    %scan3A_14 = scf.for %scan3A_24 = %scan3A_10 to %scan3A_12 step %scan3A_13 iter_args(%scan3A_25 = %scan3A_9) -> (i32)  : i32 {
      %mul3A_26 = arith.constant 7 : i32
      %mul3A_27 = arith.muli %scan3A_24, %mul3A_26 : i32
      %add3A_28 = arith.constant 0 : i32
      %add3A_29 = arith.addi %mul3A_27, %add3A_28 : i32
      %dma_start3A = arith.constant 0 : i32
      %dma_start3A_30 = tpu.memref_slice %arg6[%add3A_29, %dma_start3A] : memref<196x128xi32, #tpu.memory_space<vmem>> -> memref<1x128xi32, #tpu.memory_space<vmem>>
      %dma_start3A_31 = tpu.memref_squeeze %dma_start3A_30 : memref<1x128xi32, #tpu.memory_space<vmem>> -> memref<128xi32, #tpu.memory_space<vmem>>
      %dma_start3A_32 = arith.constant 0 : i32
      %dma_start3A_33 = arith.constant 0 : i32
      %dma_start3A_34 = tpu.memref_slice %arg9[%dma_start3A_32, %dma_start3A_33] : memref<51200x16xf32, #tpu.memory_space<vmem_shared>> -> memref<51200x16xf32, #tpu.memory_space<vmem_shared>>
      tpu.enqueue_indirect_dma source(%arg7 : memref<128x16xf32, #tpu.memory_space<vmem>>) target(%dma_start3A_34 : memref<51200x16xf32, #tpu.memory_space<vmem_shared>>) offsets(%dma_start3A_31 : memref<128xi32, #tpu.memory_space<vmem>>) semaphore(%arg10 : memref<!tpu.dma_semaphore, #tpu.memory_space<semaphore_mem>>) {add = true}
      %mul3A_35 = arith.constant 7 : i32
      %mul3A_36 = arith.muli %scan3A_24, %mul3A_35 : i32
      %add3A_37 = arith.constant 1 : i32
      %add3A_38 = arith.addi %mul3A_36, %add3A_37 : i32
      %dma_start3A_39 = arith.constant 0 : i32
      %dma_start3A_40 = tpu.memref_slice %arg6[%add3A_38, %dma_start3A_39] : memref<196x128xi32, #tpu.memory_space<vmem>> -> memref<1x128xi32, #tpu.memory_space<vmem>>
      %dma_start3A_41 = tpu.memref_squeeze %dma_start3A_40 : memref<1x128xi32, #tpu.memory_space<vmem>> -> memref<128xi32, #tpu.memory_space<vmem>>
      %dma_start3A_42 = arith.constant 0 : i32
      %dma_start3A_43 = arith.constant 0 : i32
      %dma_start3A_44 = tpu.memref_slice %arg9[%dma_start3A_42, %dma_start3A_43] : memref<51200x16xf32, #tpu.memory_space<vmem_shared>> -> memref<51200x16xf32, #tpu.memory_space<vmem_shared>>
      tpu.enqueue_indirect_dma source(%arg7 : memref<128x16xf32, #tpu.memory_space<vmem>>) target(%dma_start3A_44 : memref<51200x16xf32, #tpu.memory_space<vmem_shared>>) offsets(%dma_start3A_41 : memref<128xi32, #tpu.memory_space<vmem>>) semaphore(%arg10 : memref<!tpu.dma_semaphore, #tpu.memory_space<semaphore_mem>>) {add = true}
      %mul3A_45 = arith.constant 7 : i32
      %mul3A_46 = arith.muli %scan3A_24, %mul3A_45 : i32
      %add3A_47 = arith.constant 2 : i32
      %add3A_48 = arith.addi %mul3A_46, %add3A_47 : i32
      %dma_start3A_49 = arith.constant 0 : i32
      %dma_start3A_50 = tpu.memref_slice %arg6[%add3A_48, %dma_start3A_49] : memref<196x128xi32, #tpu.memory_space<vmem>> -> memref<1x128xi32, #tpu.memory_space<vmem>>
      %dma_start3A_51 = tpu.memref_squeeze %dma_start3A_50 : memref<1x128xi32, #tpu.memory_space<vmem>> -> memref<128xi32, #tpu.memory_space<vmem>>
      %dma_start3A_52 = arith.constant 0 : i32
      %dma_start3A_53 = arith.constant 0 : i32
      %dma_start3A_54 = tpu.memref_slice %arg9[%dma_start3A_52, %dma_start3A_53] : memref<51200x16xf32, #tpu.memory_space<vmem_shared>> -> memref<51200x16xf32, #tpu.memory_space<vmem_shared>>
      tpu.enqueue_indirect_dma source(%arg7 : memref<128x16xf32, #tpu.memory_space<vmem>>) target(%dma_start3A_54 : memref<51200x16xf32, #tpu.memory_space<vmem_shared>>) offsets(%dma_start3A_51 : memref<128xi32, #tpu.memory_space<vmem>>) semaphore(%arg10 : memref<!tpu.dma_semaphore, #tpu.memory_space<semaphore_mem>>) {add = true}
      %mul3A_55 = arith.constant 7 : i32
      %mul3A_56 = arith.muli %scan3A_24, %mul3A_55 : i32
      %add3A_57 = arith.constant 3 : i32
      %add3A_58 = arith.addi %mul3A_56, %add3A_57 : i32
      %dma_start3A_59 = arith.constant 0 : i32
      %dma_start3A_60 = tpu.memref_slice %arg6[%add3A_58, %dma_start3A_59] : memref<196x128xi32, #tpu.memory_space<vmem>> -> memref<1x128xi32, #tpu.memory_space<vmem>>
      %dma_start3A_61 = tpu.memref_squeeze %dma_start3A_60 : memref<1x128xi32, #tpu.memory_space<vmem>> -> memref<128xi32, #tpu.memory_space<vmem>>
      %dma_start3A_62 = arith.constant 0 : i32
      %dma_start3A_63 = arith.constant 0 : i32
      %dma_start3A_64 = tpu.memref_slice %arg9[%dma_start3A_62, %dma_start3A_63] : memref<51200x16xf32, #tpu.memory_space<vmem_shared>> -> memref<51200x16xf32, #tpu.memory_space<vmem_shared>>
      tpu.enqueue_indirect_dma source(%arg7 : memref<128x16xf32, #tpu.memory_space<vmem>>) target(%dma_start3A_64 : memref<51200x16xf32, #tpu.memory_space<vmem_shared>>) offsets(%dma_start3A_61 : memref<128xi32, #tpu.memory_space<vmem>>) semaphore(%arg10 : memref<!tpu.dma_semaphore, #tpu.memory_space<semaphore_mem>>) {add = true}
      %mul3A_65 = arith.constant 7 : i32
      %mul3A_66 = arith.muli %scan3A_24, %mul3A_65 : i32
      %add3A_67 = arith.constant 4 : i32
      %add3A_68 = arith.addi %mul3A_66, %add3A_67 : i32
      %dma_start3A_69 = arith.constant 0 : i32
      %dma_start3A_70 = tpu.memref_slice %arg6[%add3A_68, %dma_start3A_69] : memref<196x128xi32, #tpu.memory_space<vmem>> -> memref<1x128xi32, #tpu.memory_space<vmem>>
      %dma_start3A_71 = tpu.memref_squeeze %dma_start3A_70 : memref<1x128xi32, #tpu.memory_space<vmem>> -> memref<128xi32, #tpu.memory_space<vmem>>
      %dma_start3A_72 = arith.constant 0 : i32
      %dma_start3A_73 = arith.constant 0 : i32
      %dma_start3A_74 = tpu.memref_slice %arg9[%dma_start3A_72, %dma_start3A_73] : memref<51200x16xf32, #tpu.memory_space<vmem_shared>> -> memref<51200x16xf32, #tpu.memory_space<vmem_shared>>
      tpu.enqueue_indirect_dma source(%arg7 : memref<128x16xf32, #tpu.memory_space<vmem>>) target(%dma_start3A_74 : memref<51200x16xf32, #tpu.memory_space<vmem_shared>>) offsets(%dma_start3A_71 : memref<128xi32, #tpu.memory_space<vmem>>) semaphore(%arg10 : memref<!tpu.dma_semaphore, #tpu.memory_space<semaphore_mem>>) {add = true}
      %mul3A_75 = arith.constant 7 : i32
      %mul3A_76 = arith.muli %scan3A_24, %mul3A_75 : i32
      %add3A_77 = arith.constant 5 : i32
      %add3A_78 = arith.addi %mul3A_76, %add3A_77 : i32
      %dma_start3A_79 = arith.constant 0 : i32
      %dma_start3A_80 = tpu.memref_slice %arg6[%add3A_78, %dma_start3A_79] : memref<196x128xi32, #tpu.memory_space<vmem>> -> memref<1x128xi32, #tpu.memory_space<vmem>>
      %dma_start3A_81 = tpu.memref_squeeze %dma_start3A_80 : memref<1x128xi32, #tpu.memory_space<vmem>> -> memref<128xi32, #tpu.memory_space<vmem>>
      %dma_start3A_82 = arith.constant 0 : i32
      %dma_start3A_83 = arith.constant 0 : i32
      %dma_start3A_84 = tpu.memref_slice %arg9[%dma_start3A_82, %dma_start3A_83] : memref<51200x16xf32, #tpu.memory_space<vmem_shared>> -> memref<51200x16xf32, #tpu.memory_space<vmem_shared>>
      tpu.enqueue_indirect_dma source(%arg7 : memref<128x16xf32, #tpu.memory_space<vmem>>) target(%dma_start3A_84 : memref<51200x16xf32, #tpu.memory_space<vmem_shared>>) offsets(%dma_start3A_81 : memref<128xi32, #tpu.memory_space<vmem>>) semaphore(%arg10 : memref<!tpu.dma_semaphore, #tpu.memory_space<semaphore_mem>>) {add = true}
      %mul3A_85 = arith.constant 7 : i32
      %mul3A_86 = arith.muli %scan3A_24, %mul3A_85 : i32
      %add3A_87 = arith.constant 6 : i32
      %add3A_88 = arith.addi %mul3A_86, %add3A_87 : i32
      %dma_start3A_89 = arith.constant 0 : i32
      %dma_start3A_90 = tpu.memref_slice %arg6[%add3A_88, %dma_start3A_89] : memref<196x128xi32, #tpu.memory_space<vmem>> -> memref<1x128xi32, #tpu.memory_space<vmem>>
      %dma_start3A_91 = tpu.memref_squeeze %dma_start3A_90 : memref<1x128xi32, #tpu.memory_space<vmem>> -> memref<128xi32, #tpu.memory_space<vmem>>
      %dma_start3A_92 = arith.constant 0 : i32
      %dma_start3A_93 = arith.constant 0 : i32
      %dma_start3A_94 = tpu.memref_slice %arg9[%dma_start3A_92, %dma_start3A_93] : memref<51200x16xf32, #tpu.memory_space<vmem_shared>> -> memref<51200x16xf32, #tpu.memory_space<vmem_shared>>
      tpu.enqueue_indirect_dma source(%arg7 : memref<128x16xf32, #tpu.memory_space<vmem>>) target(%dma_start3A_94 : memref<51200x16xf32, #tpu.memory_space<vmem_shared>>) offsets(%dma_start3A_91 : memref<128xi32, #tpu.memory_space<vmem>>) semaphore(%arg10 : memref<!tpu.dma_semaphore, #tpu.memory_space<semaphore_mem>>) {add = true}
      %mul3A_95 = arith.constant 7 : i32
      %mul3A_96 = arith.muli %scan3A_24, %mul3A_95 : i32
      %add3A_97 = arith.constant 0 : i32
      %add3A_98 = arith.addi %mul3A_96, %add3A_97 : i32
      %dma_wait3A = arith.constant 0 : i32
      %dma_wait3A_99 = tpu.memref_slice %arg6[%add3A_98, %dma_wait3A] : memref<196x128xi32, #tpu.memory_space<vmem>> -> memref<1x128xi32, #tpu.memory_space<vmem>>
      %dma_wait3A_100 = tpu.memref_squeeze %dma_wait3A_99 : memref<1x128xi32, #tpu.memory_space<vmem>> -> memref<128xi32, #tpu.memory_space<vmem>>
      %dma_wait3A_101 = arith.constant 0 : i32
      %dma_wait3A_102 = arith.constant 0 : i32
      %dma_wait3A_103 = tpu.memref_slice %arg9[%dma_wait3A_101, %dma_wait3A_102] : memref<51200x16xf32, #tpu.memory_space<vmem_shared>> -> memref<51200x16xf32, #tpu.memory_space<vmem_shared>>
      tpu.wait_indirect_dma semaphore(%arg10 : memref<!tpu.dma_semaphore, #tpu.memory_space<semaphore_mem>>) src(%arg7 : memref<128x16xf32, #tpu.memory_space<vmem>>) dst(%dma_wait3A_103 : memref<51200x16xf32, #tpu.memory_space<vmem_shared>>)
      %mul3A_104 = arith.constant 7 : i32
      %mul3A_105 = arith.muli %scan3A_24, %mul3A_104 : i32
      %add3A_106 = arith.constant 1 : i32
      %add3A_107 = arith.addi %mul3A_105, %add3A_106 : i32
      %dma_wait3A_108 = arith.constant 0 : i32
      %dma_wait3A_109 = tpu.memref_slice %arg6[%add3A_107, %dma_wait3A_108] : memref<196x128xi32, #tpu.memory_space<vmem>> -> memref<1x128xi32, #tpu.memory_space<vmem>>
      %dma_wait3A_110 = tpu.memref_squeeze %dma_wait3A_109 : memref<1x128xi32, #tpu.memory_space<vmem>> -> memref<128xi32, #tpu.memory_space<vmem>>
      %dma_wait3A_111 = arith.constant 0 : i32
      %dma_wait3A_112 = arith.constant 0 : i32
      %dma_wait3A_113 = tpu.memref_slice %arg9[%dma_wait3A_111, %dma_wait3A_112] : memref<51200x16xf32, #tpu.memory_space<vmem_shared>> -> memref<51200x16xf32, #tpu.memory_space<vmem_shared>>
      tpu.wait_indirect_dma semaphore(%arg10 : memref<!tpu.dma_semaphore, #tpu.memory_space<semaphore_mem>>) src(%arg7 : memref<128x16xf32, #tpu.memory_space<vmem>>) dst(%dma_wait3A_113 : memref<51200x16xf32, #tpu.memory_space<vmem_shared>>)
      %mul3A_114 = arith.constant 7 : i32
      %mul3A_115 = arith.muli %scan3A_24, %mul3A_114 : i32
      %add3A_116 = arith.constant 2 : i32
      %add3A_117 = arith.addi %mul3A_115, %add3A_116 : i32
      %dma_wait3A_118 = arith.constant 0 : i32
      %dma_wait3A_119 = tpu.memref_slice %arg6[%add3A_117, %dma_wait3A_118] : memref<196x128xi32, #tpu.memory_space<vmem>> -> memref<1x128xi32, #tpu.memory_space<vmem>>
      %dma_wait3A_120 = tpu.memref_squeeze %dma_wait3A_119 : memref<1x128xi32, #tpu.memory_space<vmem>> -> memref<128xi32, #tpu.memory_space<vmem>>
      %dma_wait3A_121 = arith.constant 0 : i32
      %dma_wait3A_122 = arith.constant 0 : i32
      %dma_wait3A_123 = tpu.memref_slice %arg9[%dma_wait3A_121, %dma_wait3A_122] : memref<51200x16xf32, #tpu.memory_space<vmem_shared>> -> memref<51200x16xf32, #tpu.memory_space<vmem_shared>>
      tpu.wait_indirect_dma semaphore(%arg10 : memref<!tpu.dma_semaphore, #tpu.memory_space<semaphore_mem>>) src(%arg7 : memref<128x16xf32, #tpu.memory_space<vmem>>) dst(%dma_wait3A_123 : memref<51200x16xf32, #tpu.memory_space<vmem_shared>>)
      %mul3A_124 = arith.constant 7 : i32
      %mul3A_125 = arith.muli %scan3A_24, %mul3A_124 : i32
      %add3A_126 = arith.constant 3 : i32
      %add3A_127 = arith.addi %mul3A_125, %add3A_126 : i32
      %dma_wait3A_128 = arith.constant 0 : i32
      %dma_wait3A_129 = tpu.memref_slice %arg6[%add3A_127, %dma_wait3A_128] : memref<196x128xi32, #tpu.memory_space<vmem>> -> memref<1x128xi32, #tpu.memory_space<vmem>>
      %dma_wait3A_130 = tpu.memref_squeeze %dma_wait3A_129 : memref<1x128xi32, #tpu.memory_space<vmem>> -> memref<128xi32, #tpu.memory_space<vmem>>
      %dma_wait3A_131 = arith.constant 0 : i32
      %dma_wait3A_132 = arith.constant 0 : i32
      %dma_wait3A_133 = tpu.memref_slice %arg9[%dma_wait3A_131, %dma_wait3A_132] : memref<51200x16xf32, #tpu.memory_space<vmem_shared>> -> memref<51200x16xf32, #tpu.memory_space<vmem_shared>>
      tpu.wait_indirect_dma semaphore(%arg10 : memref<!tpu.dma_semaphore, #tpu.memory_space<semaphore_mem>>) src(%arg7 : memref<128x16xf32, #tpu.memory_space<vmem>>) dst(%dma_wait3A_133 : memref<51200x16xf32, #tpu.memory_space<vmem_shared>>)
      %mul3A_134 = arith.constant 7 : i32
      %mul3A_135 = arith.muli %scan3A_24, %mul3A_134 : i32
      %add3A_136 = arith.constant 4 : i32
      %add3A_137 = arith.addi %mul3A_135, %add3A_136 : i32
      %dma_wait3A_138 = arith.constant 0 : i32
      %dma_wait3A_139 = tpu.memref_slice %arg6[%add3A_137, %dma_wait3A_138] : memref<196x128xi32, #tpu.memory_space<vmem>> -> memref<1x128xi32, #tpu.memory_space<vmem>>
      %dma_wait3A_140 = tpu.memref_squeeze %dma_wait3A_139 : memref<1x128xi32, #tpu.memory_space<vmem>> -> memref<128xi32, #tpu.memory_space<vmem>>
      %dma_wait3A_141 = arith.constant 0 : i32
      %dma_wait3A_142 = arith.constant 0 : i32
      %dma_wait3A_143 = tpu.memref_slice %arg9[%dma_wait3A_141, %dma_wait3A_142] : memref<51200x16xf32, #tpu.memory_space<vmem_shared>> -> memref<51200x16xf32, #tpu.memory_space<vmem_shared>>
      tpu.wait_indirect_dma semaphore(%arg10 : memref<!tpu.dma_semaphore, #tpu.memory_space<semaphore_mem>>) src(%arg7 : memref<128x16xf32, #tpu.memory_space<vmem>>) dst(%dma_wait3A_143 : memref<51200x16xf32, #tpu.memory_space<vmem_shared>>)
      %mul3A_144 = arith.constant 7 : i32
      %mul3A_145 = arith.muli %scan3A_24, %mul3A_144 : i32
      %add3A_146 = arith.constant 5 : i32
      %add3A_147 = arith.addi %mul3A_145, %add3A_146 : i32
      %dma_wait3A_148 = arith.constant 0 : i32
      %dma_wait3A_149 = tpu.memref_slice %arg6[%add3A_147, %dma_wait3A_148] : memref<196x128xi32, #tpu.memory_space<vmem>> -> memref<1x128xi32, #tpu.memory_space<vmem>>
      %dma_wait3A_150 = tpu.memref_squeeze %dma_wait3A_149 : memref<1x128xi32, #tpu.memory_space<vmem>> -> memref<128xi32, #tpu.memory_space<vmem>>
      %dma_wait3A_151 = arith.constant 0 : i32
      %dma_wait3A_152 = arith.constant 0 : i32
      %dma_wait3A_153 = tpu.memref_slice %arg9[%dma_wait3A_151, %dma_wait3A_152] : memref<51200x16xf32, #tpu.memory_space<vmem_shared>> -> memref<51200x16xf32, #tpu.memory_space<vmem_shared>>
      tpu.wait_indirect_dma semaphore(%arg10 : memref<!tpu.dma_semaphore, #tpu.memory_space<semaphore_mem>>) src(%arg7 : memref<128x16xf32, #tpu.memory_space<vmem>>) dst(%dma_wait3A_153 : memref<51200x16xf32, #tpu.memory_space<vmem_shared>>)
      %mul3A_154 = arith.constant 7 : i32
      %mul3A_155 = arith.muli %scan3A_24, %mul3A_154 : i32
      %add3A_156 = arith.constant 6 : i32
      %add3A_157 = arith.addi %mul3A_155, %add3A_156 : i32
      %dma_wait3A_158 = arith.constant 0 : i32
      %dma_wait3A_159 = tpu.memref_slice %arg6[%add3A_157, %dma_wait3A_158] : memref<196x128xi32, #tpu.memory_space<vmem>> -> memref<1x128xi32, #tpu.memory_space<vmem>>
      %dma_wait3A_160 = tpu.memref_squeeze %dma_wait3A_159 : memref<1x128xi32, #tpu.memory_space<vmem>> -> memref<128xi32, #tpu.memory_space<vmem>>
      %dma_wait3A_161 = arith.constant 0 : i32
      %dma_wait3A_162 = arith.constant 0 : i32
      %dma_wait3A_163 = tpu.memref_slice %arg9[%dma_wait3A_161, %dma_wait3A_162] : memref<51200x16xf32, #tpu.memory_space<vmem_shared>> -> memref<51200x16xf32, #tpu.memory_space<vmem_shared>>
      tpu.wait_indirect_dma semaphore(%arg10 : memref<!tpu.dma_semaphore, #tpu.memory_space<semaphore_mem>>) src(%arg7 : memref<128x16xf32, #tpu.memory_space<vmem>>) dst(%dma_wait3A_163 : memref<51200x16xf32, #tpu.memory_space<vmem_shared>>)
      %scan3A_164 = arith.constant 0 : i32
      scf.yield %scan3A_164 : i32
    }
    %scan3A_15 = arith.constant 28 : i32
    %barrier3A_16 = arith.constant 0 : index
    tpu.barrier barrier_id(%barrier3A_16)
    %scan3A_17 = arith.constant 0 : i32
    %scan3A_18 = arith.constant 0 : i32
    %scan3A_19 = arith.constant 25 : i32
    %scan3A_20 = arith.addi %scan3A_18, %scan3A_19 : i32
    %scan3A_21 = arith.constant 1 : i32
    %scan3A_22 = scf.for %scan3A_24 = %scan3A_18 to %scan3A_20 step %scan3A_21 iter_args(%scan3A_25 = %scan3A_17) -> (i32)  : i32 {
      %mul3A_26 = arith.constant 128 : i32
      %mul3A_27 = arith.muli %scan3A_24, %mul3A_26 : i32
      %add3A_28 = arith.addi %mul3A_0, %mul3A_27 : i32
      "tpu.region"() ({
        %run_scoped3A = tpu.sem_alloc : memref<!tpu.dma_semaphore, #tpu.memory_space<semaphore_mem>>
        %dma_start3A = arith.constant 0 : i32
        %dma_start3A_36 = tpu.memref_slice %arg9[%add3A_28, %dma_start3A] : memref<51200x16xf32, #tpu.memory_space<vmem_shared>> -> memref<128x16xf32, #tpu.memory_space<vmem_shared>>
        %dma_start3A_37 = arith.constant 0 : i32
        %dma_start3A_38 = tpu.memref_slice %arg9[%add3A_28, %dma_start3A_37] : memref<51200x16xf32, #tpu.memory_space<vmem_shared>> -> memref<128x16xf32, #tpu.memory_space<vmem_shared>>
        tpu.enqueue_dma source(%dma_start3A_38 : memref<128x16xf32, #tpu.memory_space<vmem_shared>>) target(%arg8 : memref<128x16xf32, #tpu.memory_space<vmem>>) target_semaphore(%run_scoped3A : memref<!tpu.dma_semaphore, #tpu.memory_space<semaphore_mem>>)
        %dma_wait3A = arith.constant 0 : i32
        %dma_wait3A_39 = tpu.memref_slice %arg9[%add3A_28, %dma_wait3A] : memref<51200x16xf32, #tpu.memory_space<vmem_shared>> -> memref<128x16xf32, #tpu.memory_space<vmem_shared>>
        %dma_wait3A_40 = arith.constant 0 : i32
        %dma_wait3A_41 = tpu.memref_slice %arg9[%add3A_28, %dma_wait3A_40] : memref<51200x16xf32, #tpu.memory_space<vmem_shared>> -> memref<128x16xf32, #tpu.memory_space<vmem_shared>>
        tpu.wait_dma2 semaphore(%run_scoped3A : memref<!tpu.dma_semaphore, #tpu.memory_space<semaphore_mem>>) src(%dma_wait3A_41 : memref<128x16xf32, #tpu.memory_space<vmem_shared>>) dst(%arg8 : memref<128x16xf32, #tpu.memory_space<vmem>>)
        tpu.yield
      }) : () -> ()
      %mul3A_29 = arith.constant 51200 : i32
      %mul3A_30 = arith.muli %arg0, %mul3A_29 : i32
      %add3A_31 = arith.addi %mul3A_30, %mul3A_0 : i32
      %mul3A_32 = arith.constant 128 : i32
      %mul3A_33 = arith.muli %scan3A_24, %mul3A_32 : i32
      %add3A_34 = arith.addi %add3A_31, %mul3A_33 : i32
      "tpu.region"() ({
        %run_scoped3A = tpu.sem_alloc : memref<!tpu.dma_semaphore, #tpu.memory_space<semaphore_mem>>
        %dma_start3A = arith.constant 0 : i32
        %dma_start3A_36 = tpu.memref_slice %arg5[%add3A_34, %dma_start3A] : memref<102400x16xf32, #tpu.memory_space<hbm>> -> memref<128x16xf32, #tpu.memory_space<hbm>>
        %dma_start3A_37 = arith.constant 0 : i32
        %dma_start3A_38 = tpu.memref_slice %arg5[%add3A_34, %dma_start3A_37] : memref<102400x16xf32, #tpu.memory_space<hbm>> -> memref<128x16xf32, #tpu.memory_space<hbm>>
        tpu.enqueue_dma source(%arg8 : memref<128x16xf32, #tpu.memory_space<vmem>>) target(%dma_start3A_38 : memref<128x16xf32, #tpu.memory_space<hbm>>) target_semaphore(%run_scoped3A : memref<!tpu.dma_semaphore, #tpu.memory_space<semaphore_mem>>)
        %dma_wait3A = arith.constant 0 : i32
        %dma_wait3A_39 = tpu.memref_slice %arg5[%add3A_34, %dma_wait3A] : memref<102400x16xf32, #tpu.memory_space<hbm>> -> memref<128x16xf32, #tpu.memory_space<hbm>>
        %dma_wait3A_40 = arith.constant 0 : i32
        %dma_wait3A_41 = tpu.memref_slice %arg5[%add3A_34, %dma_wait3A_40] : memref<102400x16xf32, #tpu.memory_space<hbm>> -> memref<128x16xf32, #tpu.memory_space<hbm>>
        tpu.wait_dma2 semaphore(%run_scoped3A : memref<!tpu.dma_semaphore, #tpu.memory_space<semaphore_mem>>) src(%arg8 : memref<128x16xf32, #tpu.memory_space<vmem>>) dst(%dma_wait3A_41 : memref<128x16xf32, #tpu.memory_space<hbm>>)
        tpu.yield
      }) : () -> ()
      %scan3A_35 = arith.constant 0 : i32
      scf.yield %scan3A_35 : i32
    }
    %scan3A_23 = arith.constant 25 : i32
    return
  }
}

#map = affine_map<(d0, d1) -> (0, 0, 0)>
#map1 = affine_map<(d0, d1) -> (0, 0)>
module attributes {stable_mosaic.version = 14 : i64} {
  func.func @_agg_body(%arg0: i32, %arg1: i32, %arg2: memref<2x50000x32xf32, #tpu.memory_space<hbm>>, %arg3: memref<16x392x128xi32, #tpu.memory_space<hbm>>, %arg4: memref<16x392x128xi32, #tpu.memory_space<hbm>>, %arg5: memref<128x32xf32, #tpu.memory_space<hbm>>, %arg6: memref<102400x32xf32, #tpu.memory_space<hbm>>, %arg7: memref<28x128xi32, #tpu.memory_space<vmem>>, %arg8: memref<28x128xi32, #tpu.memory_space<vmem>>, %arg9: memref<128x32xf32, #tpu.memory_space<vmem>>, %arg10: memref<128x32xf32, #tpu.memory_space<vmem>>, %arg11: memref<128x32xf32, #tpu.memory_space<vmem>>, %arg12: memref<128x32xf32, #tpu.memory_space<vmem>>, %arg13: memref<128x32xf32, #tpu.memory_space<vmem>>, %arg14: memref<51200x32xf32, #tpu.memory_space<vmem_shared>>, %arg15: memref<!tpu.dma_semaphore, #tpu.memory_space<semaphore_mem>>, %arg16: memref<!tpu.dma_semaphore, #tpu.memory_space<semaphore_mem>>, %arg17: memref<!tpu.dma_semaphore, #tpu.memory_space<semaphore_mem>>, %arg18: memref<!tpu.dma_semaphore, #tpu.memory_space<semaphore_mem>>, %arg19: memref<!tpu.dma_semaphore, #tpu.memory_space<semaphore_mem>>, %arg20: memref<!tpu.dma_semaphore, #tpu.memory_space<semaphore_mem>>, %arg21: memref<!tpu.dma_semaphore, #tpu.memory_space<semaphore_mem>>, %arg22: memref<!tpu.dma_semaphore, #tpu.memory_space<semaphore_mem>>) attributes {dimension_semantics = [#tpu.dimension_semantics<core_parallel>, #tpu.dimension_semantics<subcore_parallel>], iteration_bounds = array<i64: 2, 16>, scalar_prefetch = 0 : i64, scratch_operands = 16 : i64, tpu.core_type = #tpu.core_type<sc_vector_subcore>, window_params = [{transform_indices = #map}, {transform_indices = #map}, {transform_indices = #map}, {transform_indices = #map1}, {transform_indices = #map1}]} {
    %mul3A = arith.constant 3200 : i32
    %mul3A_0 = arith.muli %arg1, %mul3A : i32
    "tpu.region"() ({
      %run_scoped3A = tpu.sem_alloc : memref<!tpu.dma_semaphore, #tpu.memory_space<semaphore_mem>>
      tpu.enqueue_dma source(%arg5 : memref<128x32xf32, #tpu.memory_space<hbm>>) target(%arg13 : memref<128x32xf32, #tpu.memory_space<vmem>>) target_semaphore(%run_scoped3A : memref<!tpu.dma_semaphore, #tpu.memory_space<semaphore_mem>>)
      tpu.wait_dma2 semaphore(%run_scoped3A : memref<!tpu.dma_semaphore, #tpu.memory_space<semaphore_mem>>) src(%arg5 : memref<128x32xf32, #tpu.memory_space<hbm>>) dst(%arg13 : memref<128x32xf32, #tpu.memory_space<vmem>>)
      tpu.yield
    }) : () -> ()
    %scan3A = arith.constant 0 : i32
    %scan3A_1 = arith.constant 0 : i32
    %scan3A_2 = arith.constant 25 : i32
    %scan3A_3 = arith.addi %scan3A_1, %scan3A_2 : i32
    %scan3A_4 = arith.constant 1 : i32
    %scan3A_5 = scf.for %scan3A_22 = %scan3A_1 to %scan3A_3 step %scan3A_4 iter_args(%scan3A_23 = %scan3A) -> (i32)  : i32 {
      %mul3A_24 = arith.constant 128 : i32
      %mul3A_25 = arith.muli %scan3A_22, %mul3A_24 : i32
      %add3A = arith.addi %mul3A_0, %mul3A_25 : i32
      "tpu.region"() ({
        %run_scoped3A = tpu.sem_alloc : memref<!tpu.dma_semaphore, #tpu.memory_space<semaphore_mem>>
        %dma_start3A = arith.constant 0 : i32
        %dma_start3A_27 = tpu.memref_slice %arg14[%add3A, %dma_start3A] : memref<51200x32xf32, #tpu.memory_space<vmem_shared>> -> memref<128x32xf32, #tpu.memory_space<vmem_shared>>
        %dma_start3A_28 = arith.constant 0 : i32
        %dma_start3A_29 = tpu.memref_slice %arg14[%add3A, %dma_start3A_28] : memref<51200x32xf32, #tpu.memory_space<vmem_shared>> -> memref<128x32xf32, #tpu.memory_space<vmem_shared>>
        tpu.enqueue_dma source(%arg13 : memref<128x32xf32, #tpu.memory_space<vmem>>) target(%dma_start3A_29 : memref<128x32xf32, #tpu.memory_space<vmem_shared>>) target_semaphore(%run_scoped3A : memref<!tpu.dma_semaphore, #tpu.memory_space<semaphore_mem>>)
        %dma_wait3A = arith.constant 0 : i32
        %dma_wait3A_30 = tpu.memref_slice %arg14[%add3A, %dma_wait3A] : memref<51200x32xf32, #tpu.memory_space<vmem_shared>> -> memref<128x32xf32, #tpu.memory_space<vmem_shared>>
        %dma_wait3A_31 = arith.constant 0 : i32
        %dma_wait3A_32 = tpu.memref_slice %arg14[%add3A, %dma_wait3A_31] : memref<51200x32xf32, #tpu.memory_space<vmem_shared>> -> memref<128x32xf32, #tpu.memory_space<vmem_shared>>
        tpu.wait_dma2 semaphore(%run_scoped3A : memref<!tpu.dma_semaphore, #tpu.memory_space<semaphore_mem>>) src(%arg13 : memref<128x32xf32, #tpu.memory_space<vmem>>) dst(%dma_wait3A_32 : memref<128x32xf32, #tpu.memory_space<vmem_shared>>)
        tpu.yield
      }) : () -> ()
      %scan3A_26 = arith.constant 0 : i32
      scf.yield %scan3A_26 : i32
    }
    %scan3A_6 = arith.constant 25 : i32
    %barrier3A = arith.constant 0 : index
    tpu.barrier barrier_id(%barrier3A)
    %eq3A = arith.constant 0 : i32
    %eq3A_7 = arith.cmpi eq, %arg0, %eq3A : i32
    %convert_element_type3A = arith.extui %eq3A_7 : i1 to i32
    %cond3A = arith.constant 0 : i32
    %cond3A_8 = arith.cmpi ne, %convert_element_type3A, %cond3A : i32
    scf.if %cond3A_8 {
      %scan3A_22 = arith.constant 0 : i32
      %scan3A_23 = arith.constant 0 : i32
      %scan3A_24 = arith.constant 0 : i32
      %scan3A_25 = arith.constant 14 : i32
      %scan3A_26 = arith.addi %scan3A_24, %scan3A_25 : i32
      %scan3A_27 = arith.constant 1 : i32
      %scan3A_28 = scf.for %scan3A_30 = %scan3A_24 to %scan3A_26 step %scan3A_27 iter_args(%scan3A_31 = %scan3A_23) -> (i32)  : i32 {
        %mul3A_32 = arith.constant 28 : i32
        %mul3A_33 = arith.muli %scan3A_30, %mul3A_32 : i32
        "tpu.region"() ({
          %run_scoped3A = tpu.sem_alloc : memref<!tpu.dma_semaphore, #tpu.memory_space<semaphore_mem>>
          %dma_start3A_78 = arith.constant 0 : i32
          %dma_start3A_79 = tpu.memref_slice %arg3[%arg1, %mul3A_33, %dma_start3A_78] : memref<16x392x128xi32, #tpu.memory_space<hbm>> -> memref<1x28x128xi32, #tpu.memory_space<hbm>>
          %dma_start3A_80 = tpu.memref_squeeze %dma_start3A_79 : memref<1x28x128xi32, #tpu.memory_space<hbm>> -> memref<28x128xi32, #tpu.memory_space<hbm>>
          %dma_start3A_81 = arith.constant 0 : i32
          %dma_start3A_82 = tpu.memref_slice %arg3[%arg1, %mul3A_33, %dma_start3A_81] : memref<16x392x128xi32, #tpu.memory_space<hbm>> -> memref<1x28x128xi32, #tpu.memory_space<hbm>>
          %dma_start3A_83 = tpu.memref_squeeze %dma_start3A_82 : memref<1x28x128xi32, #tpu.memory_space<hbm>> -> memref<28x128xi32, #tpu.memory_space<hbm>>
          tpu.enqueue_dma source(%dma_start3A_83 : memref<28x128xi32, #tpu.memory_space<hbm>>) target(%arg7 : memref<28x128xi32, #tpu.memory_space<vmem>>) target_semaphore(%run_scoped3A : memref<!tpu.dma_semaphore, #tpu.memory_space<semaphore_mem>>)
          %dma_wait3A_84 = arith.constant 0 : i32
          %dma_wait3A_85 = tpu.memref_slice %arg3[%arg1, %mul3A_33, %dma_wait3A_84] : memref<16x392x128xi32, #tpu.memory_space<hbm>> -> memref<1x28x128xi32, #tpu.memory_space<hbm>>
          %dma_wait3A_86 = tpu.memref_squeeze %dma_wait3A_85 : memref<1x28x128xi32, #tpu.memory_space<hbm>> -> memref<28x128xi32, #tpu.memory_space<hbm>>
          %dma_wait3A_87 = arith.constant 0 : i32
          %dma_wait3A_88 = tpu.memref_slice %arg3[%arg1, %mul3A_33, %dma_wait3A_87] : memref<16x392x128xi32, #tpu.memory_space<hbm>> -> memref<1x28x128xi32, #tpu.memory_space<hbm>>
          %dma_wait3A_89 = tpu.memref_squeeze %dma_wait3A_88 : memref<1x28x128xi32, #tpu.memory_space<hbm>> -> memref<28x128xi32, #tpu.memory_space<hbm>>
          tpu.wait_dma2 semaphore(%run_scoped3A : memref<!tpu.dma_semaphore, #tpu.memory_space<semaphore_mem>>) src(%dma_wait3A_89 : memref<28x128xi32, #tpu.memory_space<hbm>>) dst(%arg7 : memref<28x128xi32, #tpu.memory_space<vmem>>)
          tpu.yield
        }) : () -> ()
        %mul3A_34 = arith.constant 28 : i32
        %mul3A_35 = arith.muli %scan3A_30, %mul3A_34 : i32
        "tpu.region"() ({
          %run_scoped3A = tpu.sem_alloc : memref<!tpu.dma_semaphore, #tpu.memory_space<semaphore_mem>>
          %dma_start3A_78 = arith.constant 0 : i32
          %dma_start3A_79 = tpu.memref_slice %arg4[%arg1, %mul3A_35, %dma_start3A_78] : memref<16x392x128xi32, #tpu.memory_space<hbm>> -> memref<1x28x128xi32, #tpu.memory_space<hbm>>
          %dma_start3A_80 = tpu.memref_squeeze %dma_start3A_79 : memref<1x28x128xi32, #tpu.memory_space<hbm>> -> memref<28x128xi32, #tpu.memory_space<hbm>>
          %dma_start3A_81 = arith.constant 0 : i32
          %dma_start3A_82 = tpu.memref_slice %arg4[%arg1, %mul3A_35, %dma_start3A_81] : memref<16x392x128xi32, #tpu.memory_space<hbm>> -> memref<1x28x128xi32, #tpu.memory_space<hbm>>
          %dma_start3A_83 = tpu.memref_squeeze %dma_start3A_82 : memref<1x28x128xi32, #tpu.memory_space<hbm>> -> memref<28x128xi32, #tpu.memory_space<hbm>>
          tpu.enqueue_dma source(%dma_start3A_83 : memref<28x128xi32, #tpu.memory_space<hbm>>) target(%arg8 : memref<28x128xi32, #tpu.memory_space<vmem>>) target_semaphore(%run_scoped3A : memref<!tpu.dma_semaphore, #tpu.memory_space<semaphore_mem>>)
          %dma_wait3A_84 = arith.constant 0 : i32
          %dma_wait3A_85 = tpu.memref_slice %arg4[%arg1, %mul3A_35, %dma_wait3A_84] : memref<16x392x128xi32, #tpu.memory_space<hbm>> -> memref<1x28x128xi32, #tpu.memory_space<hbm>>
          %dma_wait3A_86 = tpu.memref_squeeze %dma_wait3A_85 : memref<1x28x128xi32, #tpu.memory_space<hbm>> -> memref<28x128xi32, #tpu.memory_space<hbm>>
          %dma_wait3A_87 = arith.constant 0 : i32
          %dma_wait3A_88 = tpu.memref_slice %arg4[%arg1, %mul3A_35, %dma_wait3A_87] : memref<16x392x128xi32, #tpu.memory_space<hbm>> -> memref<1x28x128xi32, #tpu.memory_space<hbm>>
          %dma_wait3A_89 = tpu.memref_squeeze %dma_wait3A_88 : memref<1x28x128xi32, #tpu.memory_space<hbm>> -> memref<28x128xi32, #tpu.memory_space<hbm>>
          tpu.wait_dma2 semaphore(%run_scoped3A : memref<!tpu.dma_semaphore, #tpu.memory_space<semaphore_mem>>) src(%dma_wait3A_89 : memref<28x128xi32, #tpu.memory_space<hbm>>) dst(%arg8 : memref<28x128xi32, #tpu.memory_space<vmem>>)
          tpu.yield
        }) : () -> ()
        %dma_start3A = arith.constant 0 : i32
        %dma_start3A_36 = arith.constant 0 : i32
        %dma_start3A_37 = tpu.memref_slice %arg7[%dma_start3A, %dma_start3A_36] : memref<28x128xi32, #tpu.memory_space<vmem>> -> memref<1x128xi32, #tpu.memory_space<vmem>>
        %dma_start3A_38 = tpu.memref_squeeze %dma_start3A_37 : memref<1x128xi32, #tpu.memory_space<vmem>> -> memref<128xi32, #tpu.memory_space<vmem>>
        %dma_start3A_39 = arith.constant 0 : i32
        %dma_start3A_40 = arith.constant 0 : i32
        %dma_start3A_41 = tpu.memref_slice %arg2[%scan3A_22, %dma_start3A_39, %dma_start3A_40] : memref<2x50000x32xf32, #tpu.memory_space<hbm>> -> memref<1x50000x32xf32, #tpu.memory_space<hbm>>
        %dma_start3A_42 = tpu.memref_squeeze %dma_start3A_41 : memref<1x50000x32xf32, #tpu.memory_space<hbm>> -> memref<50000x32xf32, #tpu.memory_space<hbm>>
        %dma_start3A_43 = arith.constant 0 : i32
        %dma_start3A_44 = arith.constant 0 : i32
        %dma_start3A_45 = tpu.memref_slice %dma_start3A_42[%dma_start3A_43, %dma_start3A_44] : memref<50000x32xf32, #tpu.memory_space<hbm>> -> memref<50000x32xf32, #tpu.memory_space<hbm>>
        tpu.enqueue_indirect_dma source(%dma_start3A_45 : memref<50000x32xf32, #tpu.memory_space<hbm>>) target(%arg9 : memref<128x32xf32, #tpu.memory_space<vmem>>) offsets(%dma_start3A_38 : memref<128xi32, #tpu.memory_space<vmem>>) semaphore(%arg15 : memref<!tpu.dma_semaphore, #tpu.memory_space<semaphore_mem>>)
        %dma_start3A_46 = arith.constant 1 : i32
        %dma_start3A_47 = arith.constant 0 : i32
        %dma_start3A_48 = tpu.memref_slice %arg7[%dma_start3A_46, %dma_start3A_47] : memref<28x128xi32, #tpu.memory_space<vmem>> -> memref<1x128xi32, #tpu.memory_space<vmem>>
        %dma_start3A_49 = tpu.memref_squeeze %dma_start3A_48 : memref<1x128xi32, #tpu.memory_space<vmem>> -> memref<128xi32, #tpu.memory_space<vmem>>
        %dma_start3A_50 = arith.constant 0 : i32
        %dma_start3A_51 = arith.constant 0 : i32
        %dma_start3A_52 = tpu.memref_slice %arg2[%scan3A_22, %dma_start3A_50, %dma_start3A_51] : memref<2x50000x32xf32, #tpu.memory_space<hbm>> -> memref<1x50000x32xf32, #tpu.memory_space<hbm>>
        %dma_start3A_53 = tpu.memref_squeeze %dma_start3A_52 : memref<1x50000x32xf32, #tpu.memory_space<hbm>> -> memref<50000x32xf32, #tpu.memory_space<hbm>>
        %dma_start3A_54 = arith.constant 0 : i32
        %dma_start3A_55 = arith.constant 0 : i32
        %dma_start3A_56 = tpu.memref_slice %dma_start3A_53[%dma_start3A_54, %dma_start3A_55] : memref<50000x32xf32, #tpu.memory_space<hbm>> -> memref<50000x32xf32, #tpu.memory_space<hbm>>
        tpu.enqueue_indirect_dma source(%dma_start3A_56 : memref<50000x32xf32, #tpu.memory_space<hbm>>) target(%arg10 : memref<128x32xf32, #tpu.memory_space<vmem>>) offsets(%dma_start3A_49 : memref<128xi32, #tpu.memory_space<vmem>>) semaphore(%arg16 : memref<!tpu.dma_semaphore, #tpu.memory_space<semaphore_mem>>)
        %scan3A_57 = arith.constant 0 : i32
        %scan3A_58 = arith.constant 0 : i32
        %scan3A_59 = arith.constant 7 : i32
        %scan3A_60 = arith.addi %scan3A_58, %scan3A_59 : i32
        %scan3A_61 = arith.constant 1 : i32
        %scan3A_62 = scf.for %scan3A_78 = %scan3A_58 to %scan3A_60 step %scan3A_61 iter_args(%scan3A_79 = %scan3A_57) -> (i32)  : i32 {
          %mul3A_80 = arith.constant 2 : i32
          %mul3A_81 = arith.muli %mul3A_80, %scan3A_78 : i32
          %mul3A_82 = arith.constant 2 : i32
          %mul3A_83 = arith.muli %mul3A_82, %mul3A_81 : i32
          %mul3A_84 = arith.constant 2 : i32
          %mul3A_85 = arith.muli %mul3A_84, %mul3A_81 : i32
          %add3A = arith.constant 1 : i32
          %add3A_86 = arith.addi %mul3A_85, %add3A : i32
          %gt3A = arith.constant 0 : i32
          %gt3A_87 = arith.cmpi sgt, %mul3A_81, %gt3A : i32
          %convert_element_type3A_88 = arith.extui %gt3A_87 : i1 to i32
          %cond3A_89 = arith.constant 0 : i32
          %cond3A_90 = arith.cmpi ne, %convert_element_type3A_88, %cond3A_89 : i32
          scf.if %cond3A_90 {
            %dma_wait3A_180 = arith.constant 0 : i32
            %dma_wait3A_181 = tpu.memref_slice %arg8[%mul3A_83, %dma_wait3A_180] : memref<28x128xi32, #tpu.memory_space<vmem>> -> memref<1x128xi32, #tpu.memory_space<vmem>>
            %dma_wait3A_182 = tpu.memref_squeeze %dma_wait3A_181 : memref<1x128xi32, #tpu.memory_space<vmem>> -> memref<128xi32, #tpu.memory_space<vmem>>
            %dma_wait3A_183 = arith.constant 0 : i32
            %dma_wait3A_184 = arith.constant 0 : i32
            %dma_wait3A_185 = tpu.memref_slice %arg14[%dma_wait3A_183, %dma_wait3A_184] : memref<51200x32xf32, #tpu.memory_space<vmem_shared>> -> memref<51200x32xf32, #tpu.memory_space<vmem_shared>>
            tpu.wait_indirect_dma semaphore(%arg21 : memref<!tpu.dma_semaphore, #tpu.memory_space<semaphore_mem>>) src(%arg11 : memref<128x32xf32, #tpu.memory_space<vmem>>) dst(%dma_wait3A_185 : memref<51200x32xf32, #tpu.memory_space<vmem_shared>>)
            %dma_wait3A_186 = arith.constant 0 : i32
            %dma_wait3A_187 = tpu.memref_slice %arg8[%add3A_86, %dma_wait3A_186] : memref<28x128xi32, #tpu.memory_space<vmem>> -> memref<1x128xi32, #tpu.memory_space<vmem>>
            %dma_wait3A_188 = tpu.memref_squeeze %dma_wait3A_187 : memref<1x128xi32, #tpu.memory_space<vmem>> -> memref<128xi32, #tpu.memory_space<vmem>>
            %dma_wait3A_189 = arith.constant 0 : i32
            %dma_wait3A_190 = arith.constant 0 : i32
            %dma_wait3A_191 = tpu.memref_slice %arg14[%dma_wait3A_189, %dma_wait3A_190] : memref<51200x32xf32, #tpu.memory_space<vmem_shared>> -> memref<51200x32xf32, #tpu.memory_space<vmem_shared>>
            tpu.wait_indirect_dma semaphore(%arg22 : memref<!tpu.dma_semaphore, #tpu.memory_space<semaphore_mem>>) src(%arg12 : memref<128x32xf32, #tpu.memory_space<vmem>>) dst(%dma_wait3A_191 : memref<51200x32xf32, #tpu.memory_space<vmem_shared>>)
          } else {
          }
          %lt3A = arith.constant 13 : i32
          %lt3A_91 = arith.cmpi slt, %mul3A_81, %lt3A : i32
          %convert_element_type3A_92 = arith.extui %lt3A_91 : i1 to i32
          %cond3A_93 = arith.constant 0 : i32
          %cond3A_94 = arith.cmpi ne, %convert_element_type3A_92, %cond3A_93 : i32
          scf.if %cond3A_94 {
            %add3A_180 = arith.constant 2 : i32
            %add3A_181 = arith.addi %mul3A_83, %add3A_180 : i32
            %dma_start3A_182 = arith.constant 0 : i32
            %dma_start3A_183 = tpu.memref_slice %arg7[%add3A_181, %dma_start3A_182] : memref<28x128xi32, #tpu.memory_space<vmem>> -> memref<1x128xi32, #tpu.memory_space<vmem>>
            %dma_start3A_184 = tpu.memref_squeeze %dma_start3A_183 : memref<1x128xi32, #tpu.memory_space<vmem>> -> memref<128xi32, #tpu.memory_space<vmem>>
            %dma_start3A_185 = arith.constant 0 : i32
            %dma_start3A_186 = arith.constant 0 : i32
            %dma_start3A_187 = tpu.memref_slice %arg2[%scan3A_22, %dma_start3A_185, %dma_start3A_186] : memref<2x50000x32xf32, #tpu.memory_space<hbm>> -> memref<1x50000x32xf32, #tpu.memory_space<hbm>>
            %dma_start3A_188 = tpu.memref_squeeze %dma_start3A_187 : memref<1x50000x32xf32, #tpu.memory_space<hbm>> -> memref<50000x32xf32, #tpu.memory_space<hbm>>
            %dma_start3A_189 = arith.constant 0 : i32
            %dma_start3A_190 = arith.constant 0 : i32
            %dma_start3A_191 = tpu.memref_slice %dma_start3A_188[%dma_start3A_189, %dma_start3A_190] : memref<50000x32xf32, #tpu.memory_space<hbm>> -> memref<50000x32xf32, #tpu.memory_space<hbm>>
            tpu.enqueue_indirect_dma source(%dma_start3A_191 : memref<50000x32xf32, #tpu.memory_space<hbm>>) target(%arg11 : memref<128x32xf32, #tpu.memory_space<vmem>>) offsets(%dma_start3A_184 : memref<128xi32, #tpu.memory_space<vmem>>) semaphore(%arg17 : memref<!tpu.dma_semaphore, #tpu.memory_space<semaphore_mem>>)
            %add3A_192 = arith.constant 2 : i32
            %add3A_193 = arith.addi %add3A_86, %add3A_192 : i32
            %dma_start3A_194 = arith.constant 0 : i32
            %dma_start3A_195 = tpu.memref_slice %arg7[%add3A_193, %dma_start3A_194] : memref<28x128xi32, #tpu.memory_space<vmem>> -> memref<1x128xi32, #tpu.memory_space<vmem>>
            %dma_start3A_196 = tpu.memref_squeeze %dma_start3A_195 : memref<1x128xi32, #tpu.memory_space<vmem>> -> memref<128xi32, #tpu.memory_space<vmem>>
            %dma_start3A_197 = arith.constant 0 : i32
            %dma_start3A_198 = arith.constant 0 : i32
            %dma_start3A_199 = tpu.memref_slice %arg2[%scan3A_22, %dma_start3A_197, %dma_start3A_198] : memref<2x50000x32xf32, #tpu.memory_space<hbm>> -> memref<1x50000x32xf32, #tpu.memory_space<hbm>>
            %dma_start3A_200 = tpu.memref_squeeze %dma_start3A_199 : memref<1x50000x32xf32, #tpu.memory_space<hbm>> -> memref<50000x32xf32, #tpu.memory_space<hbm>>
            %dma_start3A_201 = arith.constant 0 : i32
            %dma_start3A_202 = arith.constant 0 : i32
            %dma_start3A_203 = tpu.memref_slice %dma_start3A_200[%dma_start3A_201, %dma_start3A_202] : memref<50000x32xf32, #tpu.memory_space<hbm>> -> memref<50000x32xf32, #tpu.memory_space<hbm>>
            tpu.enqueue_indirect_dma source(%dma_start3A_203 : memref<50000x32xf32, #tpu.memory_space<hbm>>) target(%arg12 : memref<128x32xf32, #tpu.memory_space<vmem>>) offsets(%dma_start3A_196 : memref<128xi32, #tpu.memory_space<vmem>>) semaphore(%arg18 : memref<!tpu.dma_semaphore, #tpu.memory_space<semaphore_mem>>)
          } else {
          }
          %dma_wait3A_95 = arith.constant 0 : i32
          %dma_wait3A_96 = tpu.memref_slice %arg7[%mul3A_83, %dma_wait3A_95] : memref<28x128xi32, #tpu.memory_space<vmem>> -> memref<1x128xi32, #tpu.memory_space<vmem>>
          %dma_wait3A_97 = tpu.memref_squeeze %dma_wait3A_96 : memref<1x128xi32, #tpu.memory_space<vmem>> -> memref<128xi32, #tpu.memory_space<vmem>>
          %dma_wait3A_98 = arith.constant 0 : i32
          %dma_wait3A_99 = arith.constant 0 : i32
          %dma_wait3A_100 = tpu.memref_slice %arg2[%scan3A_22, %dma_wait3A_98, %dma_wait3A_99] : memref<2x50000x32xf32, #tpu.memory_space<hbm>> -> memref<1x50000x32xf32, #tpu.memory_space<hbm>>
          %dma_wait3A_101 = tpu.memref_squeeze %dma_wait3A_100 : memref<1x50000x32xf32, #tpu.memory_space<hbm>> -> memref<50000x32xf32, #tpu.memory_space<hbm>>
          %dma_wait3A_102 = arith.constant 0 : i32
          %dma_wait3A_103 = arith.constant 0 : i32
          %dma_wait3A_104 = tpu.memref_slice %dma_wait3A_101[%dma_wait3A_102, %dma_wait3A_103] : memref<50000x32xf32, #tpu.memory_space<hbm>> -> memref<50000x32xf32, #tpu.memory_space<hbm>>
          tpu.wait_indirect_dma semaphore(%arg15 : memref<!tpu.dma_semaphore, #tpu.memory_space<semaphore_mem>>) src(%dma_wait3A_104 : memref<50000x32xf32, #tpu.memory_space<hbm>>) dst(%arg9 : memref<128x32xf32, #tpu.memory_space<vmem>>)
          %dma_start3A_105 = arith.constant 0 : i32
          %dma_start3A_106 = tpu.memref_slice %arg8[%mul3A_83, %dma_start3A_105] : memref<28x128xi32, #tpu.memory_space<vmem>> -> memref<1x128xi32, #tpu.memory_space<vmem>>
          %dma_start3A_107 = tpu.memref_squeeze %dma_start3A_106 : memref<1x128xi32, #tpu.memory_space<vmem>> -> memref<128xi32, #tpu.memory_space<vmem>>
          %dma_start3A_108 = arith.constant 0 : i32
          %dma_start3A_109 = arith.constant 0 : i32
          %dma_start3A_110 = tpu.memref_slice %arg14[%dma_start3A_108, %dma_start3A_109] : memref<51200x32xf32, #tpu.memory_space<vmem_shared>> -> memref<51200x32xf32, #tpu.memory_space<vmem_shared>>
          tpu.enqueue_indirect_dma source(%arg9 : memref<128x32xf32, #tpu.memory_space<vmem>>) target(%dma_start3A_110 : memref<51200x32xf32, #tpu.memory_space<vmem_shared>>) offsets(%dma_start3A_107 : memref<128xi32, #tpu.memory_space<vmem>>) semaphore(%arg19 : memref<!tpu.dma_semaphore, #tpu.memory_space<semaphore_mem>>) {add = true}
          %dma_wait3A_111 = arith.constant 0 : i32
          %dma_wait3A_112 = tpu.memref_slice %arg7[%add3A_86, %dma_wait3A_111] : memref<28x128xi32, #tpu.memory_space<vmem>> -> memref<1x128xi32, #tpu.memory_space<vmem>>
          %dma_wait3A_113 = tpu.memref_squeeze %dma_wait3A_112 : memref<1x128xi32, #tpu.memory_space<vmem>> -> memref<128xi32, #tpu.memory_space<vmem>>
          %dma_wait3A_114 = arith.constant 0 : i32
          %dma_wait3A_115 = arith.constant 0 : i32
          %dma_wait3A_116 = tpu.memref_slice %arg2[%scan3A_22, %dma_wait3A_114, %dma_wait3A_115] : memref<2x50000x32xf32, #tpu.memory_space<hbm>> -> memref<1x50000x32xf32, #tpu.memory_space<hbm>>
          %dma_wait3A_117 = tpu.memref_squeeze %dma_wait3A_116 : memref<1x50000x32xf32, #tpu.memory_space<hbm>> -> memref<50000x32xf32, #tpu.memory_space<hbm>>
          %dma_wait3A_118 = arith.constant 0 : i32
          %dma_wait3A_119 = arith.constant 0 : i32
          %dma_wait3A_120 = tpu.memref_slice %dma_wait3A_117[%dma_wait3A_118, %dma_wait3A_119] : memref<50000x32xf32, #tpu.memory_space<hbm>> -> memref<50000x32xf32, #tpu.memory_space<hbm>>
          tpu.wait_indirect_dma semaphore(%arg16 : memref<!tpu.dma_semaphore, #tpu.memory_space<semaphore_mem>>) src(%dma_wait3A_120 : memref<50000x32xf32, #tpu.memory_space<hbm>>) dst(%arg10 : memref<128x32xf32, #tpu.memory_space<vmem>>)
          %dma_start3A_121 = arith.constant 0 : i32
          %dma_start3A_122 = tpu.memref_slice %arg8[%add3A_86, %dma_start3A_121] : memref<28x128xi32, #tpu.memory_space<vmem>> -> memref<1x128xi32, #tpu.memory_space<vmem>>
          %dma_start3A_123 = tpu.memref_squeeze %dma_start3A_122 : memref<1x128xi32, #tpu.memory_space<vmem>> -> memref<128xi32, #tpu.memory_space<vmem>>
          %dma_start3A_124 = arith.constant 0 : i32
          %dma_start3A_125 = arith.constant 0 : i32
          %dma_start3A_126 = tpu.memref_slice %arg14[%dma_start3A_124, %dma_start3A_125] : memref<51200x32xf32, #tpu.memory_space<vmem_shared>> -> memref<51200x32xf32, #tpu.memory_space<vmem_shared>>
          tpu.enqueue_indirect_dma source(%arg10 : memref<128x32xf32, #tpu.memory_space<vmem>>) target(%dma_start3A_126 : memref<51200x32xf32, #tpu.memory_space<vmem_shared>>) offsets(%dma_start3A_123 : memref<128xi32, #tpu.memory_space<vmem>>) semaphore(%arg20 : memref<!tpu.dma_semaphore, #tpu.memory_space<semaphore_mem>>) {add = true}
          %mul3A_127 = arith.constant 2 : i32
          %mul3A_128 = arith.muli %mul3A_127, %scan3A_78 : i32
          %add3A_129 = arith.constant 1 : i32
          %add3A_130 = arith.addi %mul3A_128, %add3A_129 : i32
          %mul3A_131 = arith.constant 2 : i32
          %mul3A_132 = arith.muli %mul3A_131, %add3A_130 : i32
          %mul3A_133 = arith.constant 2 : i32
          %mul3A_134 = arith.muli %mul3A_133, %add3A_130 : i32
          %add3A_135 = arith.constant 1 : i32
          %add3A_136 = arith.addi %mul3A_134, %add3A_135 : i32
          %gt3A_137 = arith.constant 0 : i32
          %gt3A_138 = arith.cmpi sgt, %add3A_130, %gt3A_137 : i32
          %convert_element_type3A_139 = arith.extui %gt3A_138 : i1 to i32
          %cond3A_140 = arith.constant 0 : i32
          %cond3A_141 = arith.cmpi ne, %convert_element_type3A_139, %cond3A_140 : i32
          scf.if %cond3A_141 {
            %dma_wait3A_180 = arith.constant 0 : i32
            %dma_wait3A_181 = tpu.memref_slice %arg8[%mul3A_132, %dma_wait3A_180] : memref<28x128xi32, #tpu.memory_space<vmem>> -> memref<1x128xi32, #tpu.memory_space<vmem>>
            %dma_wait3A_182 = tpu.memref_squeeze %dma_wait3A_181 : memref<1x128xi32, #tpu.memory_space<vmem>> -> memref<128xi32, #tpu.memory_space<vmem>>
            %dma_wait3A_183 = arith.constant 0 : i32
            %dma_wait3A_184 = arith.constant 0 : i32
            %dma_wait3A_185 = tpu.memref_slice %arg14[%dma_wait3A_183, %dma_wait3A_184] : memref<51200x32xf32, #tpu.memory_space<vmem_shared>> -> memref<51200x32xf32, #tpu.memory_space<vmem_shared>>
            tpu.wait_indirect_dma semaphore(%arg19 : memref<!tpu.dma_semaphore, #tpu.memory_space<semaphore_mem>>) src(%arg9 : memref<128x32xf32, #tpu.memory_space<vmem>>) dst(%dma_wait3A_185 : memref<51200x32xf32, #tpu.memory_space<vmem_shared>>)
            %dma_wait3A_186 = arith.constant 0 : i32
            %dma_wait3A_187 = tpu.memref_slice %arg8[%add3A_136, %dma_wait3A_186] : memref<28x128xi32, #tpu.memory_space<vmem>> -> memref<1x128xi32, #tpu.memory_space<vmem>>
            %dma_wait3A_188 = tpu.memref_squeeze %dma_wait3A_187 : memref<1x128xi32, #tpu.memory_space<vmem>> -> memref<128xi32, #tpu.memory_space<vmem>>
            %dma_wait3A_189 = arith.constant 0 : i32
            %dma_wait3A_190 = arith.constant 0 : i32
            %dma_wait3A_191 = tpu.memref_slice %arg14[%dma_wait3A_189, %dma_wait3A_190] : memref<51200x32xf32, #tpu.memory_space<vmem_shared>> -> memref<51200x32xf32, #tpu.memory_space<vmem_shared>>
            tpu.wait_indirect_dma semaphore(%arg20 : memref<!tpu.dma_semaphore, #tpu.memory_space<semaphore_mem>>) src(%arg10 : memref<128x32xf32, #tpu.memory_space<vmem>>) dst(%dma_wait3A_191 : memref<51200x32xf32, #tpu.memory_space<vmem_shared>>)
          } else {
          }
          %lt3A_142 = arith.constant 13 : i32
          %lt3A_143 = arith.cmpi slt, %add3A_130, %lt3A_142 : i32
          %convert_element_type3A_144 = arith.extui %lt3A_143 : i1 to i32
          %cond3A_145 = arith.constant 0 : i32
          %cond3A_146 = arith.cmpi ne, %convert_element_type3A_144, %cond3A_145 : i32
          scf.if %cond3A_146 {
            %add3A_180 = arith.constant 2 : i32
            %add3A_181 = arith.addi %mul3A_132, %add3A_180 : i32
            %dma_start3A_182 = arith.constant 0 : i32
            %dma_start3A_183 = tpu.memref_slice %arg7[%add3A_181, %dma_start3A_182] : memref<28x128xi32, #tpu.memory_space<vmem>> -> memref<1x128xi32, #tpu.memory_space<vmem>>
            %dma_start3A_184 = tpu.memref_squeeze %dma_start3A_183 : memref<1x128xi32, #tpu.memory_space<vmem>> -> memref<128xi32, #tpu.memory_space<vmem>>
            %dma_start3A_185 = arith.constant 0 : i32
            %dma_start3A_186 = arith.constant 0 : i32
            %dma_start3A_187 = tpu.memref_slice %arg2[%scan3A_22, %dma_start3A_185, %dma_start3A_186] : memref<2x50000x32xf32, #tpu.memory_space<hbm>> -> memref<1x50000x32xf32, #tpu.memory_space<hbm>>
            %dma_start3A_188 = tpu.memref_squeeze %dma_start3A_187 : memref<1x50000x32xf32, #tpu.memory_space<hbm>> -> memref<50000x32xf32, #tpu.memory_space<hbm>>
            %dma_start3A_189 = arith.constant 0 : i32
            %dma_start3A_190 = arith.constant 0 : i32
            %dma_start3A_191 = tpu.memref_slice %dma_start3A_188[%dma_start3A_189, %dma_start3A_190] : memref<50000x32xf32, #tpu.memory_space<hbm>> -> memref<50000x32xf32, #tpu.memory_space<hbm>>
            tpu.enqueue_indirect_dma source(%dma_start3A_191 : memref<50000x32xf32, #tpu.memory_space<hbm>>) target(%arg9 : memref<128x32xf32, #tpu.memory_space<vmem>>) offsets(%dma_start3A_184 : memref<128xi32, #tpu.memory_space<vmem>>) semaphore(%arg15 : memref<!tpu.dma_semaphore, #tpu.memory_space<semaphore_mem>>)
            %add3A_192 = arith.constant 2 : i32
            %add3A_193 = arith.addi %add3A_136, %add3A_192 : i32
            %dma_start3A_194 = arith.constant 0 : i32
            %dma_start3A_195 = tpu.memref_slice %arg7[%add3A_193, %dma_start3A_194] : memref<28x128xi32, #tpu.memory_space<vmem>> -> memref<1x128xi32, #tpu.memory_space<vmem>>
            %dma_start3A_196 = tpu.memref_squeeze %dma_start3A_195 : memref<1x128xi32, #tpu.memory_space<vmem>> -> memref<128xi32, #tpu.memory_space<vmem>>
            %dma_start3A_197 = arith.constant 0 : i32
            %dma_start3A_198 = arith.constant 0 : i32
            %dma_start3A_199 = tpu.memref_slice %arg2[%scan3A_22, %dma_start3A_197, %dma_start3A_198] : memref<2x50000x32xf32, #tpu.memory_space<hbm>> -> memref<1x50000x32xf32, #tpu.memory_space<hbm>>
            %dma_start3A_200 = tpu.memref_squeeze %dma_start3A_199 : memref<1x50000x32xf32, #tpu.memory_space<hbm>> -> memref<50000x32xf32, #tpu.memory_space<hbm>>
            %dma_start3A_201 = arith.constant 0 : i32
            %dma_start3A_202 = arith.constant 0 : i32
            %dma_start3A_203 = tpu.memref_slice %dma_start3A_200[%dma_start3A_201, %dma_start3A_202] : memref<50000x32xf32, #tpu.memory_space<hbm>> -> memref<50000x32xf32, #tpu.memory_space<hbm>>
            tpu.enqueue_indirect_dma source(%dma_start3A_203 : memref<50000x32xf32, #tpu.memory_space<hbm>>) target(%arg10 : memref<128x32xf32, #tpu.memory_space<vmem>>) offsets(%dma_start3A_196 : memref<128xi32, #tpu.memory_space<vmem>>) semaphore(%arg16 : memref<!tpu.dma_semaphore, #tpu.memory_space<semaphore_mem>>)
          } else {
          }
          %dma_wait3A_147 = arith.constant 0 : i32
          %dma_wait3A_148 = tpu.memref_slice %arg7[%mul3A_132, %dma_wait3A_147] : memref<28x128xi32, #tpu.memory_space<vmem>> -> memref<1x128xi32, #tpu.memory_space<vmem>>
          %dma_wait3A_149 = tpu.memref_squeeze %dma_wait3A_148 : memref<1x128xi32, #tpu.memory_space<vmem>> -> memref<128xi32, #tpu.memory_space<vmem>>
          %dma_wait3A_150 = arith.constant 0 : i32
          %dma_wait3A_151 = arith.constant 0 : i32
          %dma_wait3A_152 = tpu.memref_slice %arg2[%scan3A_22, %dma_wait3A_150, %dma_wait3A_151] : memref<2x50000x32xf32, #tpu.memory_space<hbm>> -> memref<1x50000x32xf32, #tpu.memory_space<hbm>>
          %dma_wait3A_153 = tpu.memref_squeeze %dma_wait3A_152 : memref<1x50000x32xf32, #tpu.memory_space<hbm>> -> memref<50000x32xf32, #tpu.memory_space<hbm>>
          %dma_wait3A_154 = arith.constant 0 : i32
          %dma_wait3A_155 = arith.constant 0 : i32
          %dma_wait3A_156 = tpu.memref_slice %dma_wait3A_153[%dma_wait3A_154, %dma_wait3A_155] : memref<50000x32xf32, #tpu.memory_space<hbm>> -> memref<50000x32xf32, #tpu.memory_space<hbm>>
          tpu.wait_indirect_dma semaphore(%arg17 : memref<!tpu.dma_semaphore, #tpu.memory_space<semaphore_mem>>) src(%dma_wait3A_156 : memref<50000x32xf32, #tpu.memory_space<hbm>>) dst(%arg11 : memref<128x32xf32, #tpu.memory_space<vmem>>)
          %dma_start3A_157 = arith.constant 0 : i32
          %dma_start3A_158 = tpu.memref_slice %arg8[%mul3A_132, %dma_start3A_157] : memref<28x128xi32, #tpu.memory_space<vmem>> -> memref<1x128xi32, #tpu.memory_space<vmem>>
          %dma_start3A_159 = tpu.memref_squeeze %dma_start3A_158 : memref<1x128xi32, #tpu.memory_space<vmem>> -> memref<128xi32, #tpu.memory_space<vmem>>
          %dma_start3A_160 = arith.constant 0 : i32
          %dma_start3A_161 = arith.constant 0 : i32
          %dma_start3A_162 = tpu.memref_slice %arg14[%dma_start3A_160, %dma_start3A_161] : memref<51200x32xf32, #tpu.memory_space<vmem_shared>> -> memref<51200x32xf32, #tpu.memory_space<vmem_shared>>
          tpu.enqueue_indirect_dma source(%arg11 : memref<128x32xf32, #tpu.memory_space<vmem>>) target(%dma_start3A_162 : memref<51200x32xf32, #tpu.memory_space<vmem_shared>>) offsets(%dma_start3A_159 : memref<128xi32, #tpu.memory_space<vmem>>) semaphore(%arg21 : memref<!tpu.dma_semaphore, #tpu.memory_space<semaphore_mem>>) {add = true}
          %dma_wait3A_163 = arith.constant 0 : i32
          %dma_wait3A_164 = tpu.memref_slice %arg7[%add3A_136, %dma_wait3A_163] : memref<28x128xi32, #tpu.memory_space<vmem>> -> memref<1x128xi32, #tpu.memory_space<vmem>>
          %dma_wait3A_165 = tpu.memref_squeeze %dma_wait3A_164 : memref<1x128xi32, #tpu.memory_space<vmem>> -> memref<128xi32, #tpu.memory_space<vmem>>
          %dma_wait3A_166 = arith.constant 0 : i32
          %dma_wait3A_167 = arith.constant 0 : i32
          %dma_wait3A_168 = tpu.memref_slice %arg2[%scan3A_22, %dma_wait3A_166, %dma_wait3A_167] : memref<2x50000x32xf32, #tpu.memory_space<hbm>> -> memref<1x50000x32xf32, #tpu.memory_space<hbm>>
          %dma_wait3A_169 = tpu.memref_squeeze %dma_wait3A_168 : memref<1x50000x32xf32, #tpu.memory_space<hbm>> -> memref<50000x32xf32, #tpu.memory_space<hbm>>
          %dma_wait3A_170 = arith.constant 0 : i32
          %dma_wait3A_171 = arith.constant 0 : i32
          %dma_wait3A_172 = tpu.memref_slice %dma_wait3A_169[%dma_wait3A_170, %dma_wait3A_171] : memref<50000x32xf32, #tpu.memory_space<hbm>> -> memref<50000x32xf32, #tpu.memory_space<hbm>>
          tpu.wait_indirect_dma semaphore(%arg18 : memref<!tpu.dma_semaphore, #tpu.memory_space<semaphore_mem>>) src(%dma_wait3A_172 : memref<50000x32xf32, #tpu.memory_space<hbm>>) dst(%arg12 : memref<128x32xf32, #tpu.memory_space<vmem>>)
          %dma_start3A_173 = arith.constant 0 : i32
          %dma_start3A_174 = tpu.memref_slice %arg8[%add3A_136, %dma_start3A_173] : memref<28x128xi32, #tpu.memory_space<vmem>> -> memref<1x128xi32, #tpu.memory_space<vmem>>
          %dma_start3A_175 = tpu.memref_squeeze %dma_start3A_174 : memref<1x128xi32, #tpu.memory_space<vmem>> -> memref<128xi32, #tpu.memory_space<vmem>>
          %dma_start3A_176 = arith.constant 0 : i32
          %dma_start3A_177 = arith.constant 0 : i32
          %dma_start3A_178 = tpu.memref_slice %arg14[%dma_start3A_176, %dma_start3A_177] : memref<51200x32xf32, #tpu.memory_space<vmem_shared>> -> memref<51200x32xf32, #tpu.memory_space<vmem_shared>>
          tpu.enqueue_indirect_dma source(%arg12 : memref<128x32xf32, #tpu.memory_space<vmem>>) target(%dma_start3A_178 : memref<51200x32xf32, #tpu.memory_space<vmem_shared>>) offsets(%dma_start3A_175 : memref<128xi32, #tpu.memory_space<vmem>>) semaphore(%arg22 : memref<!tpu.dma_semaphore, #tpu.memory_space<semaphore_mem>>) {add = true}
          %scan3A_179 = arith.constant 0 : i32
          scf.yield %scan3A_179 : i32
        }
        %scan3A_63 = arith.constant 7 : i32
        %dma_wait3A = arith.constant 0 : i32
        %dma_wait3A_64 = arith.constant 0 : i32
        %dma_wait3A_65 = tpu.memref_slice %arg8[%dma_wait3A, %dma_wait3A_64] : memref<28x128xi32, #tpu.memory_space<vmem>> -> memref<1x128xi32, #tpu.memory_space<vmem>>
        %dma_wait3A_66 = tpu.memref_squeeze %dma_wait3A_65 : memref<1x128xi32, #tpu.memory_space<vmem>> -> memref<128xi32, #tpu.memory_space<vmem>>
        %dma_wait3A_67 = arith.constant 0 : i32
        %dma_wait3A_68 = arith.constant 0 : i32
        %dma_wait3A_69 = tpu.memref_slice %arg14[%dma_wait3A_67, %dma_wait3A_68] : memref<51200x32xf32, #tpu.memory_space<vmem_shared>> -> memref<51200x32xf32, #tpu.memory_space<vmem_shared>>
        tpu.wait_indirect_dma semaphore(%arg21 : memref<!tpu.dma_semaphore, #tpu.memory_space<semaphore_mem>>) src(%arg11 : memref<128x32xf32, #tpu.memory_space<vmem>>) dst(%dma_wait3A_69 : memref<51200x32xf32, #tpu.memory_space<vmem_shared>>)
        %dma_wait3A_70 = arith.constant 1 : i32
        %dma_wait3A_71 = arith.constant 0 : i32
        %dma_wait3A_72 = tpu.memref_slice %arg8[%dma_wait3A_70, %dma_wait3A_71] : memref<28x128xi32, #tpu.memory_space<vmem>> -> memref<1x128xi32, #tpu.memory_space<vmem>>
        %dma_wait3A_73 = tpu.memref_squeeze %dma_wait3A_72 : memref<1x128xi32, #tpu.memory_space<vmem>> -> memref<128xi32, #tpu.memory_space<vmem>>
        %dma_wait3A_74 = arith.constant 0 : i32
        %dma_wait3A_75 = arith.constant 0 : i32
        %dma_wait3A_76 = tpu.memref_slice %arg14[%dma_wait3A_74, %dma_wait3A_75] : memref<51200x32xf32, #tpu.memory_space<vmem_shared>> -> memref<51200x32xf32, #tpu.memory_space<vmem_shared>>
        tpu.wait_indirect_dma semaphore(%arg22 : memref<!tpu.dma_semaphore, #tpu.memory_space<semaphore_mem>>) src(%arg12 : memref<128x32xf32, #tpu.memory_space<vmem>>) dst(%dma_wait3A_76 : memref<51200x32xf32, #tpu.memory_space<vmem_shared>>)
        %scan3A_77 = arith.constant 0 : i32
        scf.yield %scan3A_77 : i32
      }
      %scan3A_29 = arith.constant 14 : i32
    } else {
    }
    %eq3A_9 = arith.constant 1 : i32
    %eq3A_10 = arith.cmpi eq, %arg0, %eq3A_9 : i32
    %convert_element_type3A_11 = arith.extui %eq3A_10 : i1 to i32
    %cond3A_12 = arith.constant 0 : i32
    %cond3A_13 = arith.cmpi ne, %convert_element_type3A_11, %cond3A_12 : i32
    scf.if %cond3A_13 {
      %scan3A_22 = arith.constant 1 : i32
      %scan3A_23 = arith.constant 0 : i32
      %scan3A_24 = arith.constant 0 : i32
      %scan3A_25 = arith.constant 14 : i32
      %scan3A_26 = arith.addi %scan3A_24, %scan3A_25 : i32
      %scan3A_27 = arith.constant 1 : i32
      %scan3A_28 = scf.for %scan3A_30 = %scan3A_24 to %scan3A_26 step %scan3A_27 iter_args(%scan3A_31 = %scan3A_23) -> (i32)  : i32 {
        %mul3A_32 = arith.constant 28 : i32
        %mul3A_33 = arith.muli %scan3A_30, %mul3A_32 : i32
        "tpu.region"() ({
          %run_scoped3A = tpu.sem_alloc : memref<!tpu.dma_semaphore, #tpu.memory_space<semaphore_mem>>
          %dma_start3A_78 = arith.constant 0 : i32
          %dma_start3A_79 = tpu.memref_slice %arg3[%arg1, %mul3A_33, %dma_start3A_78] : memref<16x392x128xi32, #tpu.memory_space<hbm>> -> memref<1x28x128xi32, #tpu.memory_space<hbm>>
          %dma_start3A_80 = tpu.memref_squeeze %dma_start3A_79 : memref<1x28x128xi32, #tpu.memory_space<hbm>> -> memref<28x128xi32, #tpu.memory_space<hbm>>
          %dma_start3A_81 = arith.constant 0 : i32
          %dma_start3A_82 = tpu.memref_slice %arg3[%arg1, %mul3A_33, %dma_start3A_81] : memref<16x392x128xi32, #tpu.memory_space<hbm>> -> memref<1x28x128xi32, #tpu.memory_space<hbm>>
          %dma_start3A_83 = tpu.memref_squeeze %dma_start3A_82 : memref<1x28x128xi32, #tpu.memory_space<hbm>> -> memref<28x128xi32, #tpu.memory_space<hbm>>
          tpu.enqueue_dma source(%dma_start3A_83 : memref<28x128xi32, #tpu.memory_space<hbm>>) target(%arg7 : memref<28x128xi32, #tpu.memory_space<vmem>>) target_semaphore(%run_scoped3A : memref<!tpu.dma_semaphore, #tpu.memory_space<semaphore_mem>>)
          %dma_wait3A_84 = arith.constant 0 : i32
          %dma_wait3A_85 = tpu.memref_slice %arg3[%arg1, %mul3A_33, %dma_wait3A_84] : memref<16x392x128xi32, #tpu.memory_space<hbm>> -> memref<1x28x128xi32, #tpu.memory_space<hbm>>
          %dma_wait3A_86 = tpu.memref_squeeze %dma_wait3A_85 : memref<1x28x128xi32, #tpu.memory_space<hbm>> -> memref<28x128xi32, #tpu.memory_space<hbm>>
          %dma_wait3A_87 = arith.constant 0 : i32
          %dma_wait3A_88 = tpu.memref_slice %arg3[%arg1, %mul3A_33, %dma_wait3A_87] : memref<16x392x128xi32, #tpu.memory_space<hbm>> -> memref<1x28x128xi32, #tpu.memory_space<hbm>>
          %dma_wait3A_89 = tpu.memref_squeeze %dma_wait3A_88 : memref<1x28x128xi32, #tpu.memory_space<hbm>> -> memref<28x128xi32, #tpu.memory_space<hbm>>
          tpu.wait_dma2 semaphore(%run_scoped3A : memref<!tpu.dma_semaphore, #tpu.memory_space<semaphore_mem>>) src(%dma_wait3A_89 : memref<28x128xi32, #tpu.memory_space<hbm>>) dst(%arg7 : memref<28x128xi32, #tpu.memory_space<vmem>>)
          tpu.yield
        }) : () -> ()
        %mul3A_34 = arith.constant 28 : i32
        %mul3A_35 = arith.muli %scan3A_30, %mul3A_34 : i32
        "tpu.region"() ({
          %run_scoped3A = tpu.sem_alloc : memref<!tpu.dma_semaphore, #tpu.memory_space<semaphore_mem>>
          %dma_start3A_78 = arith.constant 0 : i32
          %dma_start3A_79 = tpu.memref_slice %arg4[%arg1, %mul3A_35, %dma_start3A_78] : memref<16x392x128xi32, #tpu.memory_space<hbm>> -> memref<1x28x128xi32, #tpu.memory_space<hbm>>
          %dma_start3A_80 = tpu.memref_squeeze %dma_start3A_79 : memref<1x28x128xi32, #tpu.memory_space<hbm>> -> memref<28x128xi32, #tpu.memory_space<hbm>>
          %dma_start3A_81 = arith.constant 0 : i32
          %dma_start3A_82 = tpu.memref_slice %arg4[%arg1, %mul3A_35, %dma_start3A_81] : memref<16x392x128xi32, #tpu.memory_space<hbm>> -> memref<1x28x128xi32, #tpu.memory_space<hbm>>
          %dma_start3A_83 = tpu.memref_squeeze %dma_start3A_82 : memref<1x28x128xi32, #tpu.memory_space<hbm>> -> memref<28x128xi32, #tpu.memory_space<hbm>>
          tpu.enqueue_dma source(%dma_start3A_83 : memref<28x128xi32, #tpu.memory_space<hbm>>) target(%arg8 : memref<28x128xi32, #tpu.memory_space<vmem>>) target_semaphore(%run_scoped3A : memref<!tpu.dma_semaphore, #tpu.memory_space<semaphore_mem>>)
          %dma_wait3A_84 = arith.constant 0 : i32
          %dma_wait3A_85 = tpu.memref_slice %arg4[%arg1, %mul3A_35, %dma_wait3A_84] : memref<16x392x128xi32, #tpu.memory_space<hbm>> -> memref<1x28x128xi32, #tpu.memory_space<hbm>>
          %dma_wait3A_86 = tpu.memref_squeeze %dma_wait3A_85 : memref<1x28x128xi32, #tpu.memory_space<hbm>> -> memref<28x128xi32, #tpu.memory_space<hbm>>
          %dma_wait3A_87 = arith.constant 0 : i32
          %dma_wait3A_88 = tpu.memref_slice %arg4[%arg1, %mul3A_35, %dma_wait3A_87] : memref<16x392x128xi32, #tpu.memory_space<hbm>> -> memref<1x28x128xi32, #tpu.memory_space<hbm>>
          %dma_wait3A_89 = tpu.memref_squeeze %dma_wait3A_88 : memref<1x28x128xi32, #tpu.memory_space<hbm>> -> memref<28x128xi32, #tpu.memory_space<hbm>>
          tpu.wait_dma2 semaphore(%run_scoped3A : memref<!tpu.dma_semaphore, #tpu.memory_space<semaphore_mem>>) src(%dma_wait3A_89 : memref<28x128xi32, #tpu.memory_space<hbm>>) dst(%arg8 : memref<28x128xi32, #tpu.memory_space<vmem>>)
          tpu.yield
        }) : () -> ()
        %dma_start3A = arith.constant 0 : i32
        %dma_start3A_36 = arith.constant 0 : i32
        %dma_start3A_37 = tpu.memref_slice %arg7[%dma_start3A, %dma_start3A_36] : memref<28x128xi32, #tpu.memory_space<vmem>> -> memref<1x128xi32, #tpu.memory_space<vmem>>
        %dma_start3A_38 = tpu.memref_squeeze %dma_start3A_37 : memref<1x128xi32, #tpu.memory_space<vmem>> -> memref<128xi32, #tpu.memory_space<vmem>>
        %dma_start3A_39 = arith.constant 0 : i32
        %dma_start3A_40 = arith.constant 0 : i32
        %dma_start3A_41 = tpu.memref_slice %arg2[%scan3A_22, %dma_start3A_39, %dma_start3A_40] : memref<2x50000x32xf32, #tpu.memory_space<hbm>> -> memref<1x50000x32xf32, #tpu.memory_space<hbm>>
        %dma_start3A_42 = tpu.memref_squeeze %dma_start3A_41 : memref<1x50000x32xf32, #tpu.memory_space<hbm>> -> memref<50000x32xf32, #tpu.memory_space<hbm>>
        %dma_start3A_43 = arith.constant 0 : i32
        %dma_start3A_44 = arith.constant 0 : i32
        %dma_start3A_45 = tpu.memref_slice %dma_start3A_42[%dma_start3A_43, %dma_start3A_44] : memref<50000x32xf32, #tpu.memory_space<hbm>> -> memref<50000x32xf32, #tpu.memory_space<hbm>>
        tpu.enqueue_indirect_dma source(%dma_start3A_45 : memref<50000x32xf32, #tpu.memory_space<hbm>>) target(%arg9 : memref<128x32xf32, #tpu.memory_space<vmem>>) offsets(%dma_start3A_38 : memref<128xi32, #tpu.memory_space<vmem>>) semaphore(%arg15 : memref<!tpu.dma_semaphore, #tpu.memory_space<semaphore_mem>>)
        %dma_start3A_46 = arith.constant 1 : i32
        %dma_start3A_47 = arith.constant 0 : i32
        %dma_start3A_48 = tpu.memref_slice %arg7[%dma_start3A_46, %dma_start3A_47] : memref<28x128xi32, #tpu.memory_space<vmem>> -> memref<1x128xi32, #tpu.memory_space<vmem>>
        %dma_start3A_49 = tpu.memref_squeeze %dma_start3A_48 : memref<1x128xi32, #tpu.memory_space<vmem>> -> memref<128xi32, #tpu.memory_space<vmem>>
        %dma_start3A_50 = arith.constant 0 : i32
        %dma_start3A_51 = arith.constant 0 : i32
        %dma_start3A_52 = tpu.memref_slice %arg2[%scan3A_22, %dma_start3A_50, %dma_start3A_51] : memref<2x50000x32xf32, #tpu.memory_space<hbm>> -> memref<1x50000x32xf32, #tpu.memory_space<hbm>>
        %dma_start3A_53 = tpu.memref_squeeze %dma_start3A_52 : memref<1x50000x32xf32, #tpu.memory_space<hbm>> -> memref<50000x32xf32, #tpu.memory_space<hbm>>
        %dma_start3A_54 = arith.constant 0 : i32
        %dma_start3A_55 = arith.constant 0 : i32
        %dma_start3A_56 = tpu.memref_slice %dma_start3A_53[%dma_start3A_54, %dma_start3A_55] : memref<50000x32xf32, #tpu.memory_space<hbm>> -> memref<50000x32xf32, #tpu.memory_space<hbm>>
        tpu.enqueue_indirect_dma source(%dma_start3A_56 : memref<50000x32xf32, #tpu.memory_space<hbm>>) target(%arg10 : memref<128x32xf32, #tpu.memory_space<vmem>>) offsets(%dma_start3A_49 : memref<128xi32, #tpu.memory_space<vmem>>) semaphore(%arg16 : memref<!tpu.dma_semaphore, #tpu.memory_space<semaphore_mem>>)
        %scan3A_57 = arith.constant 0 : i32
        %scan3A_58 = arith.constant 0 : i32
        %scan3A_59 = arith.constant 7 : i32
        %scan3A_60 = arith.addi %scan3A_58, %scan3A_59 : i32
        %scan3A_61 = arith.constant 1 : i32
        %scan3A_62 = scf.for %scan3A_78 = %scan3A_58 to %scan3A_60 step %scan3A_61 iter_args(%scan3A_79 = %scan3A_57) -> (i32)  : i32 {
          %mul3A_80 = arith.constant 2 : i32
          %mul3A_81 = arith.muli %mul3A_80, %scan3A_78 : i32
          %mul3A_82 = arith.constant 2 : i32
          %mul3A_83 = arith.muli %mul3A_82, %mul3A_81 : i32
          %mul3A_84 = arith.constant 2 : i32
          %mul3A_85 = arith.muli %mul3A_84, %mul3A_81 : i32
          %add3A = arith.constant 1 : i32
          %add3A_86 = arith.addi %mul3A_85, %add3A : i32
          %gt3A = arith.constant 0 : i32
          %gt3A_87 = arith.cmpi sgt, %mul3A_81, %gt3A : i32
          %convert_element_type3A_88 = arith.extui %gt3A_87 : i1 to i32
          %cond3A_89 = arith.constant 0 : i32
          %cond3A_90 = arith.cmpi ne, %convert_element_type3A_88, %cond3A_89 : i32
          scf.if %cond3A_90 {
            %dma_wait3A_180 = arith.constant 0 : i32
            %dma_wait3A_181 = tpu.memref_slice %arg8[%mul3A_83, %dma_wait3A_180] : memref<28x128xi32, #tpu.memory_space<vmem>> -> memref<1x128xi32, #tpu.memory_space<vmem>>
            %dma_wait3A_182 = tpu.memref_squeeze %dma_wait3A_181 : memref<1x128xi32, #tpu.memory_space<vmem>> -> memref<128xi32, #tpu.memory_space<vmem>>
            %dma_wait3A_183 = arith.constant 0 : i32
            %dma_wait3A_184 = arith.constant 0 : i32
            %dma_wait3A_185 = tpu.memref_slice %arg14[%dma_wait3A_183, %dma_wait3A_184] : memref<51200x32xf32, #tpu.memory_space<vmem_shared>> -> memref<51200x32xf32, #tpu.memory_space<vmem_shared>>
            tpu.wait_indirect_dma semaphore(%arg21 : memref<!tpu.dma_semaphore, #tpu.memory_space<semaphore_mem>>) src(%arg11 : memref<128x32xf32, #tpu.memory_space<vmem>>) dst(%dma_wait3A_185 : memref<51200x32xf32, #tpu.memory_space<vmem_shared>>)
            %dma_wait3A_186 = arith.constant 0 : i32
            %dma_wait3A_187 = tpu.memref_slice %arg8[%add3A_86, %dma_wait3A_186] : memref<28x128xi32, #tpu.memory_space<vmem>> -> memref<1x128xi32, #tpu.memory_space<vmem>>
            %dma_wait3A_188 = tpu.memref_squeeze %dma_wait3A_187 : memref<1x128xi32, #tpu.memory_space<vmem>> -> memref<128xi32, #tpu.memory_space<vmem>>
            %dma_wait3A_189 = arith.constant 0 : i32
            %dma_wait3A_190 = arith.constant 0 : i32
            %dma_wait3A_191 = tpu.memref_slice %arg14[%dma_wait3A_189, %dma_wait3A_190] : memref<51200x32xf32, #tpu.memory_space<vmem_shared>> -> memref<51200x32xf32, #tpu.memory_space<vmem_shared>>
            tpu.wait_indirect_dma semaphore(%arg22 : memref<!tpu.dma_semaphore, #tpu.memory_space<semaphore_mem>>) src(%arg12 : memref<128x32xf32, #tpu.memory_space<vmem>>) dst(%dma_wait3A_191 : memref<51200x32xf32, #tpu.memory_space<vmem_shared>>)
          } else {
          }
          %lt3A = arith.constant 13 : i32
          %lt3A_91 = arith.cmpi slt, %mul3A_81, %lt3A : i32
          %convert_element_type3A_92 = arith.extui %lt3A_91 : i1 to i32
          %cond3A_93 = arith.constant 0 : i32
          %cond3A_94 = arith.cmpi ne, %convert_element_type3A_92, %cond3A_93 : i32
          scf.if %cond3A_94 {
            %add3A_180 = arith.constant 2 : i32
            %add3A_181 = arith.addi %mul3A_83, %add3A_180 : i32
            %dma_start3A_182 = arith.constant 0 : i32
            %dma_start3A_183 = tpu.memref_slice %arg7[%add3A_181, %dma_start3A_182] : memref<28x128xi32, #tpu.memory_space<vmem>> -> memref<1x128xi32, #tpu.memory_space<vmem>>
            %dma_start3A_184 = tpu.memref_squeeze %dma_start3A_183 : memref<1x128xi32, #tpu.memory_space<vmem>> -> memref<128xi32, #tpu.memory_space<vmem>>
            %dma_start3A_185 = arith.constant 0 : i32
            %dma_start3A_186 = arith.constant 0 : i32
            %dma_start3A_187 = tpu.memref_slice %arg2[%scan3A_22, %dma_start3A_185, %dma_start3A_186] : memref<2x50000x32xf32, #tpu.memory_space<hbm>> -> memref<1x50000x32xf32, #tpu.memory_space<hbm>>
            %dma_start3A_188 = tpu.memref_squeeze %dma_start3A_187 : memref<1x50000x32xf32, #tpu.memory_space<hbm>> -> memref<50000x32xf32, #tpu.memory_space<hbm>>
            %dma_start3A_189 = arith.constant 0 : i32
            %dma_start3A_190 = arith.constant 0 : i32
            %dma_start3A_191 = tpu.memref_slice %dma_start3A_188[%dma_start3A_189, %dma_start3A_190] : memref<50000x32xf32, #tpu.memory_space<hbm>> -> memref<50000x32xf32, #tpu.memory_space<hbm>>
            tpu.enqueue_indirect_dma source(%dma_start3A_191 : memref<50000x32xf32, #tpu.memory_space<hbm>>) target(%arg11 : memref<128x32xf32, #tpu.memory_space<vmem>>) offsets(%dma_start3A_184 : memref<128xi32, #tpu.memory_space<vmem>>) semaphore(%arg17 : memref<!tpu.dma_semaphore, #tpu.memory_space<semaphore_mem>>)
            %add3A_192 = arith.constant 2 : i32
            %add3A_193 = arith.addi %add3A_86, %add3A_192 : i32
            %dma_start3A_194 = arith.constant 0 : i32
            %dma_start3A_195 = tpu.memref_slice %arg7[%add3A_193, %dma_start3A_194] : memref<28x128xi32, #tpu.memory_space<vmem>> -> memref<1x128xi32, #tpu.memory_space<vmem>>
            %dma_start3A_196 = tpu.memref_squeeze %dma_start3A_195 : memref<1x128xi32, #tpu.memory_space<vmem>> -> memref<128xi32, #tpu.memory_space<vmem>>
            %dma_start3A_197 = arith.constant 0 : i32
            %dma_start3A_198 = arith.constant 0 : i32
            %dma_start3A_199 = tpu.memref_slice %arg2[%scan3A_22, %dma_start3A_197, %dma_start3A_198] : memref<2x50000x32xf32, #tpu.memory_space<hbm>> -> memref<1x50000x32xf32, #tpu.memory_space<hbm>>
            %dma_start3A_200 = tpu.memref_squeeze %dma_start3A_199 : memref<1x50000x32xf32, #tpu.memory_space<hbm>> -> memref<50000x32xf32, #tpu.memory_space<hbm>>
            %dma_start3A_201 = arith.constant 0 : i32
            %dma_start3A_202 = arith.constant 0 : i32
            %dma_start3A_203 = tpu.memref_slice %dma_start3A_200[%dma_start3A_201, %dma_start3A_202] : memref<50000x32xf32, #tpu.memory_space<hbm>> -> memref<50000x32xf32, #tpu.memory_space<hbm>>
            tpu.enqueue_indirect_dma source(%dma_start3A_203 : memref<50000x32xf32, #tpu.memory_space<hbm>>) target(%arg12 : memref<128x32xf32, #tpu.memory_space<vmem>>) offsets(%dma_start3A_196 : memref<128xi32, #tpu.memory_space<vmem>>) semaphore(%arg18 : memref<!tpu.dma_semaphore, #tpu.memory_space<semaphore_mem>>)
          } else {
          }
          %dma_wait3A_95 = arith.constant 0 : i32
          %dma_wait3A_96 = tpu.memref_slice %arg7[%mul3A_83, %dma_wait3A_95] : memref<28x128xi32, #tpu.memory_space<vmem>> -> memref<1x128xi32, #tpu.memory_space<vmem>>
          %dma_wait3A_97 = tpu.memref_squeeze %dma_wait3A_96 : memref<1x128xi32, #tpu.memory_space<vmem>> -> memref<128xi32, #tpu.memory_space<vmem>>
          %dma_wait3A_98 = arith.constant 0 : i32
          %dma_wait3A_99 = arith.constant 0 : i32
          %dma_wait3A_100 = tpu.memref_slice %arg2[%scan3A_22, %dma_wait3A_98, %dma_wait3A_99] : memref<2x50000x32xf32, #tpu.memory_space<hbm>> -> memref<1x50000x32xf32, #tpu.memory_space<hbm>>
          %dma_wait3A_101 = tpu.memref_squeeze %dma_wait3A_100 : memref<1x50000x32xf32, #tpu.memory_space<hbm>> -> memref<50000x32xf32, #tpu.memory_space<hbm>>
          %dma_wait3A_102 = arith.constant 0 : i32
          %dma_wait3A_103 = arith.constant 0 : i32
          %dma_wait3A_104 = tpu.memref_slice %dma_wait3A_101[%dma_wait3A_102, %dma_wait3A_103] : memref<50000x32xf32, #tpu.memory_space<hbm>> -> memref<50000x32xf32, #tpu.memory_space<hbm>>
          tpu.wait_indirect_dma semaphore(%arg15 : memref<!tpu.dma_semaphore, #tpu.memory_space<semaphore_mem>>) src(%dma_wait3A_104 : memref<50000x32xf32, #tpu.memory_space<hbm>>) dst(%arg9 : memref<128x32xf32, #tpu.memory_space<vmem>>)
          %dma_start3A_105 = arith.constant 0 : i32
          %dma_start3A_106 = tpu.memref_slice %arg8[%mul3A_83, %dma_start3A_105] : memref<28x128xi32, #tpu.memory_space<vmem>> -> memref<1x128xi32, #tpu.memory_space<vmem>>
          %dma_start3A_107 = tpu.memref_squeeze %dma_start3A_106 : memref<1x128xi32, #tpu.memory_space<vmem>> -> memref<128xi32, #tpu.memory_space<vmem>>
          %dma_start3A_108 = arith.constant 0 : i32
          %dma_start3A_109 = arith.constant 0 : i32
          %dma_start3A_110 = tpu.memref_slice %arg14[%dma_start3A_108, %dma_start3A_109] : memref<51200x32xf32, #tpu.memory_space<vmem_shared>> -> memref<51200x32xf32, #tpu.memory_space<vmem_shared>>
          tpu.enqueue_indirect_dma source(%arg9 : memref<128x32xf32, #tpu.memory_space<vmem>>) target(%dma_start3A_110 : memref<51200x32xf32, #tpu.memory_space<vmem_shared>>) offsets(%dma_start3A_107 : memref<128xi32, #tpu.memory_space<vmem>>) semaphore(%arg19 : memref<!tpu.dma_semaphore, #tpu.memory_space<semaphore_mem>>) {add = true}
          %dma_wait3A_111 = arith.constant 0 : i32
          %dma_wait3A_112 = tpu.memref_slice %arg7[%add3A_86, %dma_wait3A_111] : memref<28x128xi32, #tpu.memory_space<vmem>> -> memref<1x128xi32, #tpu.memory_space<vmem>>
          %dma_wait3A_113 = tpu.memref_squeeze %dma_wait3A_112 : memref<1x128xi32, #tpu.memory_space<vmem>> -> memref<128xi32, #tpu.memory_space<vmem>>
          %dma_wait3A_114 = arith.constant 0 : i32
          %dma_wait3A_115 = arith.constant 0 : i32
          %dma_wait3A_116 = tpu.memref_slice %arg2[%scan3A_22, %dma_wait3A_114, %dma_wait3A_115] : memref<2x50000x32xf32, #tpu.memory_space<hbm>> -> memref<1x50000x32xf32, #tpu.memory_space<hbm>>
          %dma_wait3A_117 = tpu.memref_squeeze %dma_wait3A_116 : memref<1x50000x32xf32, #tpu.memory_space<hbm>> -> memref<50000x32xf32, #tpu.memory_space<hbm>>
          %dma_wait3A_118 = arith.constant 0 : i32
          %dma_wait3A_119 = arith.constant 0 : i32
          %dma_wait3A_120 = tpu.memref_slice %dma_wait3A_117[%dma_wait3A_118, %dma_wait3A_119] : memref<50000x32xf32, #tpu.memory_space<hbm>> -> memref<50000x32xf32, #tpu.memory_space<hbm>>
          tpu.wait_indirect_dma semaphore(%arg16 : memref<!tpu.dma_semaphore, #tpu.memory_space<semaphore_mem>>) src(%dma_wait3A_120 : memref<50000x32xf32, #tpu.memory_space<hbm>>) dst(%arg10 : memref<128x32xf32, #tpu.memory_space<vmem>>)
          %dma_start3A_121 = arith.constant 0 : i32
          %dma_start3A_122 = tpu.memref_slice %arg8[%add3A_86, %dma_start3A_121] : memref<28x128xi32, #tpu.memory_space<vmem>> -> memref<1x128xi32, #tpu.memory_space<vmem>>
          %dma_start3A_123 = tpu.memref_squeeze %dma_start3A_122 : memref<1x128xi32, #tpu.memory_space<vmem>> -> memref<128xi32, #tpu.memory_space<vmem>>
          %dma_start3A_124 = arith.constant 0 : i32
          %dma_start3A_125 = arith.constant 0 : i32
          %dma_start3A_126 = tpu.memref_slice %arg14[%dma_start3A_124, %dma_start3A_125] : memref<51200x32xf32, #tpu.memory_space<vmem_shared>> -> memref<51200x32xf32, #tpu.memory_space<vmem_shared>>
          tpu.enqueue_indirect_dma source(%arg10 : memref<128x32xf32, #tpu.memory_space<vmem>>) target(%dma_start3A_126 : memref<51200x32xf32, #tpu.memory_space<vmem_shared>>) offsets(%dma_start3A_123 : memref<128xi32, #tpu.memory_space<vmem>>) semaphore(%arg20 : memref<!tpu.dma_semaphore, #tpu.memory_space<semaphore_mem>>) {add = true}
          %mul3A_127 = arith.constant 2 : i32
          %mul3A_128 = arith.muli %mul3A_127, %scan3A_78 : i32
          %add3A_129 = arith.constant 1 : i32
          %add3A_130 = arith.addi %mul3A_128, %add3A_129 : i32
          %mul3A_131 = arith.constant 2 : i32
          %mul3A_132 = arith.muli %mul3A_131, %add3A_130 : i32
          %mul3A_133 = arith.constant 2 : i32
          %mul3A_134 = arith.muli %mul3A_133, %add3A_130 : i32
          %add3A_135 = arith.constant 1 : i32
          %add3A_136 = arith.addi %mul3A_134, %add3A_135 : i32
          %gt3A_137 = arith.constant 0 : i32
          %gt3A_138 = arith.cmpi sgt, %add3A_130, %gt3A_137 : i32
          %convert_element_type3A_139 = arith.extui %gt3A_138 : i1 to i32
          %cond3A_140 = arith.constant 0 : i32
          %cond3A_141 = arith.cmpi ne, %convert_element_type3A_139, %cond3A_140 : i32
          scf.if %cond3A_141 {
            %dma_wait3A_180 = arith.constant 0 : i32
            %dma_wait3A_181 = tpu.memref_slice %arg8[%mul3A_132, %dma_wait3A_180] : memref<28x128xi32, #tpu.memory_space<vmem>> -> memref<1x128xi32, #tpu.memory_space<vmem>>
            %dma_wait3A_182 = tpu.memref_squeeze %dma_wait3A_181 : memref<1x128xi32, #tpu.memory_space<vmem>> -> memref<128xi32, #tpu.memory_space<vmem>>
            %dma_wait3A_183 = arith.constant 0 : i32
            %dma_wait3A_184 = arith.constant 0 : i32
            %dma_wait3A_185 = tpu.memref_slice %arg14[%dma_wait3A_183, %dma_wait3A_184] : memref<51200x32xf32, #tpu.memory_space<vmem_shared>> -> memref<51200x32xf32, #tpu.memory_space<vmem_shared>>
            tpu.wait_indirect_dma semaphore(%arg19 : memref<!tpu.dma_semaphore, #tpu.memory_space<semaphore_mem>>) src(%arg9 : memref<128x32xf32, #tpu.memory_space<vmem>>) dst(%dma_wait3A_185 : memref<51200x32xf32, #tpu.memory_space<vmem_shared>>)
            %dma_wait3A_186 = arith.constant 0 : i32
            %dma_wait3A_187 = tpu.memref_slice %arg8[%add3A_136, %dma_wait3A_186] : memref<28x128xi32, #tpu.memory_space<vmem>> -> memref<1x128xi32, #tpu.memory_space<vmem>>
            %dma_wait3A_188 = tpu.memref_squeeze %dma_wait3A_187 : memref<1x128xi32, #tpu.memory_space<vmem>> -> memref<128xi32, #tpu.memory_space<vmem>>
            %dma_wait3A_189 = arith.constant 0 : i32
            %dma_wait3A_190 = arith.constant 0 : i32
            %dma_wait3A_191 = tpu.memref_slice %arg14[%dma_wait3A_189, %dma_wait3A_190] : memref<51200x32xf32, #tpu.memory_space<vmem_shared>> -> memref<51200x32xf32, #tpu.memory_space<vmem_shared>>
            tpu.wait_indirect_dma semaphore(%arg20 : memref<!tpu.dma_semaphore, #tpu.memory_space<semaphore_mem>>) src(%arg10 : memref<128x32xf32, #tpu.memory_space<vmem>>) dst(%dma_wait3A_191 : memref<51200x32xf32, #tpu.memory_space<vmem_shared>>)
          } else {
          }
          %lt3A_142 = arith.constant 13 : i32
          %lt3A_143 = arith.cmpi slt, %add3A_130, %lt3A_142 : i32
          %convert_element_type3A_144 = arith.extui %lt3A_143 : i1 to i32
          %cond3A_145 = arith.constant 0 : i32
          %cond3A_146 = arith.cmpi ne, %convert_element_type3A_144, %cond3A_145 : i32
          scf.if %cond3A_146 {
            %add3A_180 = arith.constant 2 : i32
            %add3A_181 = arith.addi %mul3A_132, %add3A_180 : i32
            %dma_start3A_182 = arith.constant 0 : i32
            %dma_start3A_183 = tpu.memref_slice %arg7[%add3A_181, %dma_start3A_182] : memref<28x128xi32, #tpu.memory_space<vmem>> -> memref<1x128xi32, #tpu.memory_space<vmem>>
            %dma_start3A_184 = tpu.memref_squeeze %dma_start3A_183 : memref<1x128xi32, #tpu.memory_space<vmem>> -> memref<128xi32, #tpu.memory_space<vmem>>
            %dma_start3A_185 = arith.constant 0 : i32
            %dma_start3A_186 = arith.constant 0 : i32
            %dma_start3A_187 = tpu.memref_slice %arg2[%scan3A_22, %dma_start3A_185, %dma_start3A_186] : memref<2x50000x32xf32, #tpu.memory_space<hbm>> -> memref<1x50000x32xf32, #tpu.memory_space<hbm>>
            %dma_start3A_188 = tpu.memref_squeeze %dma_start3A_187 : memref<1x50000x32xf32, #tpu.memory_space<hbm>> -> memref<50000x32xf32, #tpu.memory_space<hbm>>
            %dma_start3A_189 = arith.constant 0 : i32
            %dma_start3A_190 = arith.constant 0 : i32
            %dma_start3A_191 = tpu.memref_slice %dma_start3A_188[%dma_start3A_189, %dma_start3A_190] : memref<50000x32xf32, #tpu.memory_space<hbm>> -> memref<50000x32xf32, #tpu.memory_space<hbm>>
            tpu.enqueue_indirect_dma source(%dma_start3A_191 : memref<50000x32xf32, #tpu.memory_space<hbm>>) target(%arg9 : memref<128x32xf32, #tpu.memory_space<vmem>>) offsets(%dma_start3A_184 : memref<128xi32, #tpu.memory_space<vmem>>) semaphore(%arg15 : memref<!tpu.dma_semaphore, #tpu.memory_space<semaphore_mem>>)
            %add3A_192 = arith.constant 2 : i32
            %add3A_193 = arith.addi %add3A_136, %add3A_192 : i32
            %dma_start3A_194 = arith.constant 0 : i32
            %dma_start3A_195 = tpu.memref_slice %arg7[%add3A_193, %dma_start3A_194] : memref<28x128xi32, #tpu.memory_space<vmem>> -> memref<1x128xi32, #tpu.memory_space<vmem>>
            %dma_start3A_196 = tpu.memref_squeeze %dma_start3A_195 : memref<1x128xi32, #tpu.memory_space<vmem>> -> memref<128xi32, #tpu.memory_space<vmem>>
            %dma_start3A_197 = arith.constant 0 : i32
            %dma_start3A_198 = arith.constant 0 : i32
            %dma_start3A_199 = tpu.memref_slice %arg2[%scan3A_22, %dma_start3A_197, %dma_start3A_198] : memref<2x50000x32xf32, #tpu.memory_space<hbm>> -> memref<1x50000x32xf32, #tpu.memory_space<hbm>>
            %dma_start3A_200 = tpu.memref_squeeze %dma_start3A_199 : memref<1x50000x32xf32, #tpu.memory_space<hbm>> -> memref<50000x32xf32, #tpu.memory_space<hbm>>
            %dma_start3A_201 = arith.constant 0 : i32
            %dma_start3A_202 = arith.constant 0 : i32
            %dma_start3A_203 = tpu.memref_slice %dma_start3A_200[%dma_start3A_201, %dma_start3A_202] : memref<50000x32xf32, #tpu.memory_space<hbm>> -> memref<50000x32xf32, #tpu.memory_space<hbm>>
            tpu.enqueue_indirect_dma source(%dma_start3A_203 : memref<50000x32xf32, #tpu.memory_space<hbm>>) target(%arg10 : memref<128x32xf32, #tpu.memory_space<vmem>>) offsets(%dma_start3A_196 : memref<128xi32, #tpu.memory_space<vmem>>) semaphore(%arg16 : memref<!tpu.dma_semaphore, #tpu.memory_space<semaphore_mem>>)
          } else {
          }
          %dma_wait3A_147 = arith.constant 0 : i32
          %dma_wait3A_148 = tpu.memref_slice %arg7[%mul3A_132, %dma_wait3A_147] : memref<28x128xi32, #tpu.memory_space<vmem>> -> memref<1x128xi32, #tpu.memory_space<vmem>>
          %dma_wait3A_149 = tpu.memref_squeeze %dma_wait3A_148 : memref<1x128xi32, #tpu.memory_space<vmem>> -> memref<128xi32, #tpu.memory_space<vmem>>
          %dma_wait3A_150 = arith.constant 0 : i32
          %dma_wait3A_151 = arith.constant 0 : i32
          %dma_wait3A_152 = tpu.memref_slice %arg2[%scan3A_22, %dma_wait3A_150, %dma_wait3A_151] : memref<2x50000x32xf32, #tpu.memory_space<hbm>> -> memref<1x50000x32xf32, #tpu.memory_space<hbm>>
          %dma_wait3A_153 = tpu.memref_squeeze %dma_wait3A_152 : memref<1x50000x32xf32, #tpu.memory_space<hbm>> -> memref<50000x32xf32, #tpu.memory_space<hbm>>
          %dma_wait3A_154 = arith.constant 0 : i32
          %dma_wait3A_155 = arith.constant 0 : i32
          %dma_wait3A_156 = tpu.memref_slice %dma_wait3A_153[%dma_wait3A_154, %dma_wait3A_155] : memref<50000x32xf32, #tpu.memory_space<hbm>> -> memref<50000x32xf32, #tpu.memory_space<hbm>>
          tpu.wait_indirect_dma semaphore(%arg17 : memref<!tpu.dma_semaphore, #tpu.memory_space<semaphore_mem>>) src(%dma_wait3A_156 : memref<50000x32xf32, #tpu.memory_space<hbm>>) dst(%arg11 : memref<128x32xf32, #tpu.memory_space<vmem>>)
          %dma_start3A_157 = arith.constant 0 : i32
          %dma_start3A_158 = tpu.memref_slice %arg8[%mul3A_132, %dma_start3A_157] : memref<28x128xi32, #tpu.memory_space<vmem>> -> memref<1x128xi32, #tpu.memory_space<vmem>>
          %dma_start3A_159 = tpu.memref_squeeze %dma_start3A_158 : memref<1x128xi32, #tpu.memory_space<vmem>> -> memref<128xi32, #tpu.memory_space<vmem>>
          %dma_start3A_160 = arith.constant 0 : i32
          %dma_start3A_161 = arith.constant 0 : i32
          %dma_start3A_162 = tpu.memref_slice %arg14[%dma_start3A_160, %dma_start3A_161] : memref<51200x32xf32, #tpu.memory_space<vmem_shared>> -> memref<51200x32xf32, #tpu.memory_space<vmem_shared>>
          tpu.enqueue_indirect_dma source(%arg11 : memref<128x32xf32, #tpu.memory_space<vmem>>) target(%dma_start3A_162 : memref<51200x32xf32, #tpu.memory_space<vmem_shared>>) offsets(%dma_start3A_159 : memref<128xi32, #tpu.memory_space<vmem>>) semaphore(%arg21 : memref<!tpu.dma_semaphore, #tpu.memory_space<semaphore_mem>>) {add = true}
          %dma_wait3A_163 = arith.constant 0 : i32
          %dma_wait3A_164 = tpu.memref_slice %arg7[%add3A_136, %dma_wait3A_163] : memref<28x128xi32, #tpu.memory_space<vmem>> -> memref<1x128xi32, #tpu.memory_space<vmem>>
          %dma_wait3A_165 = tpu.memref_squeeze %dma_wait3A_164 : memref<1x128xi32, #tpu.memory_space<vmem>> -> memref<128xi32, #tpu.memory_space<vmem>>
          %dma_wait3A_166 = arith.constant 0 : i32
          %dma_wait3A_167 = arith.constant 0 : i32
          %dma_wait3A_168 = tpu.memref_slice %arg2[%scan3A_22, %dma_wait3A_166, %dma_wait3A_167] : memref<2x50000x32xf32, #tpu.memory_space<hbm>> -> memref<1x50000x32xf32, #tpu.memory_space<hbm>>
          %dma_wait3A_169 = tpu.memref_squeeze %dma_wait3A_168 : memref<1x50000x32xf32, #tpu.memory_space<hbm>> -> memref<50000x32xf32, #tpu.memory_space<hbm>>
          %dma_wait3A_170 = arith.constant 0 : i32
          %dma_wait3A_171 = arith.constant 0 : i32
          %dma_wait3A_172 = tpu.memref_slice %dma_wait3A_169[%dma_wait3A_170, %dma_wait3A_171] : memref<50000x32xf32, #tpu.memory_space<hbm>> -> memref<50000x32xf32, #tpu.memory_space<hbm>>
          tpu.wait_indirect_dma semaphore(%arg18 : memref<!tpu.dma_semaphore, #tpu.memory_space<semaphore_mem>>) src(%dma_wait3A_172 : memref<50000x32xf32, #tpu.memory_space<hbm>>) dst(%arg12 : memref<128x32xf32, #tpu.memory_space<vmem>>)
          %dma_start3A_173 = arith.constant 0 : i32
          %dma_start3A_174 = tpu.memref_slice %arg8[%add3A_136, %dma_start3A_173] : memref<28x128xi32, #tpu.memory_space<vmem>> -> memref<1x128xi32, #tpu.memory_space<vmem>>
          %dma_start3A_175 = tpu.memref_squeeze %dma_start3A_174 : memref<1x128xi32, #tpu.memory_space<vmem>> -> memref<128xi32, #tpu.memory_space<vmem>>
          %dma_start3A_176 = arith.constant 0 : i32
          %dma_start3A_177 = arith.constant 0 : i32
          %dma_start3A_178 = tpu.memref_slice %arg14[%dma_start3A_176, %dma_start3A_177] : memref<51200x32xf32, #tpu.memory_space<vmem_shared>> -> memref<51200x32xf32, #tpu.memory_space<vmem_shared>>
          tpu.enqueue_indirect_dma source(%arg12 : memref<128x32xf32, #tpu.memory_space<vmem>>) target(%dma_start3A_178 : memref<51200x32xf32, #tpu.memory_space<vmem_shared>>) offsets(%dma_start3A_175 : memref<128xi32, #tpu.memory_space<vmem>>) semaphore(%arg22 : memref<!tpu.dma_semaphore, #tpu.memory_space<semaphore_mem>>) {add = true}
          %scan3A_179 = arith.constant 0 : i32
          scf.yield %scan3A_179 : i32
        }
        %scan3A_63 = arith.constant 7 : i32
        %dma_wait3A = arith.constant 0 : i32
        %dma_wait3A_64 = arith.constant 0 : i32
        %dma_wait3A_65 = tpu.memref_slice %arg8[%dma_wait3A, %dma_wait3A_64] : memref<28x128xi32, #tpu.memory_space<vmem>> -> memref<1x128xi32, #tpu.memory_space<vmem>>
        %dma_wait3A_66 = tpu.memref_squeeze %dma_wait3A_65 : memref<1x128xi32, #tpu.memory_space<vmem>> -> memref<128xi32, #tpu.memory_space<vmem>>
        %dma_wait3A_67 = arith.constant 0 : i32
        %dma_wait3A_68 = arith.constant 0 : i32
        %dma_wait3A_69 = tpu.memref_slice %arg14[%dma_wait3A_67, %dma_wait3A_68] : memref<51200x32xf32, #tpu.memory_space<vmem_shared>> -> memref<51200x32xf32, #tpu.memory_space<vmem_shared>>
        tpu.wait_indirect_dma semaphore(%arg21 : memref<!tpu.dma_semaphore, #tpu.memory_space<semaphore_mem>>) src(%arg11 : memref<128x32xf32, #tpu.memory_space<vmem>>) dst(%dma_wait3A_69 : memref<51200x32xf32, #tpu.memory_space<vmem_shared>>)
        %dma_wait3A_70 = arith.constant 1 : i32
        %dma_wait3A_71 = arith.constant 0 : i32
        %dma_wait3A_72 = tpu.memref_slice %arg8[%dma_wait3A_70, %dma_wait3A_71] : memref<28x128xi32, #tpu.memory_space<vmem>> -> memref<1x128xi32, #tpu.memory_space<vmem>>
        %dma_wait3A_73 = tpu.memref_squeeze %dma_wait3A_72 : memref<1x128xi32, #tpu.memory_space<vmem>> -> memref<128xi32, #tpu.memory_space<vmem>>
        %dma_wait3A_74 = arith.constant 0 : i32
        %dma_wait3A_75 = arith.constant 0 : i32
        %dma_wait3A_76 = tpu.memref_slice %arg14[%dma_wait3A_74, %dma_wait3A_75] : memref<51200x32xf32, #tpu.memory_space<vmem_shared>> -> memref<51200x32xf32, #tpu.memory_space<vmem_shared>>
        tpu.wait_indirect_dma semaphore(%arg22 : memref<!tpu.dma_semaphore, #tpu.memory_space<semaphore_mem>>) src(%arg12 : memref<128x32xf32, #tpu.memory_space<vmem>>) dst(%dma_wait3A_76 : memref<51200x32xf32, #tpu.memory_space<vmem_shared>>)
        %scan3A_77 = arith.constant 0 : i32
        scf.yield %scan3A_77 : i32
      }
      %scan3A_29 = arith.constant 14 : i32
    } else {
    }
    %barrier3A_14 = arith.constant 0 : index
    tpu.barrier barrier_id(%barrier3A_14)
    %scan3A_15 = arith.constant 0 : i32
    %scan3A_16 = arith.constant 0 : i32
    %scan3A_17 = arith.constant 25 : i32
    %scan3A_18 = arith.addi %scan3A_16, %scan3A_17 : i32
    %scan3A_19 = arith.constant 1 : i32
    %scan3A_20 = scf.for %scan3A_22 = %scan3A_16 to %scan3A_18 step %scan3A_19 iter_args(%scan3A_23 = %scan3A_15) -> (i32)  : i32 {
      %mul3A_24 = arith.constant 128 : i32
      %mul3A_25 = arith.muli %scan3A_22, %mul3A_24 : i32
      %add3A = arith.addi %mul3A_0, %mul3A_25 : i32
      "tpu.region"() ({
        %run_scoped3A = tpu.sem_alloc : memref<!tpu.dma_semaphore, #tpu.memory_space<semaphore_mem>>
        %dma_start3A = arith.constant 0 : i32
        %dma_start3A_33 = tpu.memref_slice %arg14[%add3A, %dma_start3A] : memref<51200x32xf32, #tpu.memory_space<vmem_shared>> -> memref<128x32xf32, #tpu.memory_space<vmem_shared>>
        %dma_start3A_34 = arith.constant 0 : i32
        %dma_start3A_35 = tpu.memref_slice %arg14[%add3A, %dma_start3A_34] : memref<51200x32xf32, #tpu.memory_space<vmem_shared>> -> memref<128x32xf32, #tpu.memory_space<vmem_shared>>
        tpu.enqueue_dma source(%dma_start3A_35 : memref<128x32xf32, #tpu.memory_space<vmem_shared>>) target(%arg9 : memref<128x32xf32, #tpu.memory_space<vmem>>) target_semaphore(%run_scoped3A : memref<!tpu.dma_semaphore, #tpu.memory_space<semaphore_mem>>)
        %dma_wait3A = arith.constant 0 : i32
        %dma_wait3A_36 = tpu.memref_slice %arg14[%add3A, %dma_wait3A] : memref<51200x32xf32, #tpu.memory_space<vmem_shared>> -> memref<128x32xf32, #tpu.memory_space<vmem_shared>>
        %dma_wait3A_37 = arith.constant 0 : i32
        %dma_wait3A_38 = tpu.memref_slice %arg14[%add3A, %dma_wait3A_37] : memref<51200x32xf32, #tpu.memory_space<vmem_shared>> -> memref<128x32xf32, #tpu.memory_space<vmem_shared>>
        tpu.wait_dma2 semaphore(%run_scoped3A : memref<!tpu.dma_semaphore, #tpu.memory_space<semaphore_mem>>) src(%dma_wait3A_38 : memref<128x32xf32, #tpu.memory_space<vmem_shared>>) dst(%arg9 : memref<128x32xf32, #tpu.memory_space<vmem>>)
        tpu.yield
      }) : () -> ()
      %mul3A_26 = arith.constant 51200 : i32
      %mul3A_27 = arith.muli %arg0, %mul3A_26 : i32
      %add3A_28 = arith.addi %mul3A_27, %mul3A_0 : i32
      %mul3A_29 = arith.constant 128 : i32
      %mul3A_30 = arith.muli %scan3A_22, %mul3A_29 : i32
      %add3A_31 = arith.addi %add3A_28, %mul3A_30 : i32
      "tpu.region"() ({
        %run_scoped3A = tpu.sem_alloc : memref<!tpu.dma_semaphore, #tpu.memory_space<semaphore_mem>>
        %dma_start3A = arith.constant 0 : i32
        %dma_start3A_33 = tpu.memref_slice %arg6[%add3A_31, %dma_start3A] : memref<102400x32xf32, #tpu.memory_space<hbm>> -> memref<128x32xf32, #tpu.memory_space<hbm>>
        %dma_start3A_34 = arith.constant 0 : i32
        %dma_start3A_35 = tpu.memref_slice %arg6[%add3A_31, %dma_start3A_34] : memref<102400x32xf32, #tpu.memory_space<hbm>> -> memref<128x32xf32, #tpu.memory_space<hbm>>
        tpu.enqueue_dma source(%arg9 : memref<128x32xf32, #tpu.memory_space<vmem>>) target(%dma_start3A_35 : memref<128x32xf32, #tpu.memory_space<hbm>>) target_semaphore(%run_scoped3A : memref<!tpu.dma_semaphore, #tpu.memory_space<semaphore_mem>>)
        %dma_wait3A = arith.constant 0 : i32
        %dma_wait3A_36 = tpu.memref_slice %arg6[%add3A_31, %dma_wait3A] : memref<102400x32xf32, #tpu.memory_space<hbm>> -> memref<128x32xf32, #tpu.memory_space<hbm>>
        %dma_wait3A_37 = arith.constant 0 : i32
        %dma_wait3A_38 = tpu.memref_slice %arg6[%add3A_31, %dma_wait3A_37] : memref<102400x32xf32, #tpu.memory_space<hbm>> -> memref<128x32xf32, #tpu.memory_space<hbm>>
        tpu.wait_dma2 semaphore(%run_scoped3A : memref<!tpu.dma_semaphore, #tpu.memory_space<semaphore_mem>>) src(%arg9 : memref<128x32xf32, #tpu.memory_space<vmem>>) dst(%dma_wait3A_38 : memref<128x32xf32, #tpu.memory_space<hbm>>)
        tpu.yield
      }) : () -> ()
      %scan3A_32 = arith.constant 0 : i32
      scf.yield %scan3A_32 : i32
    }
    %scan3A_21 = arith.constant 25 : i32
    return
  }
}

#map = affine_map<(d0, d1) -> (0, 0, 0)>
#map1 = affine_map<(d0, d1) -> (0, 0)>
module attributes {stable_mosaic.version = 14 : i64} {
  func.func @_agg_body(%arg0: i32, %arg1: i32, %arg2: memref<2x50000x32xf32, #tpu.memory_space<hbm>>, %arg3: memref<16x392x128xi32, #tpu.memory_space<hbm>>, %arg4: memref<16x392x128xi32, #tpu.memory_space<hbm>>, %arg5: memref<128x32xf32, #tpu.memory_space<hbm>>, %arg6: memref<102400x32xf32, #tpu.memory_space<hbm>>, %arg7: memref<28x128xi32, #tpu.memory_space<vmem>>, %arg8: memref<28x128xi32, #tpu.memory_space<vmem>>, %arg9: memref<128x32xf32, #tpu.memory_space<vmem>>, %arg10: memref<128x32xf32, #tpu.memory_space<vmem>>, %arg11: memref<128x32xf32, #tpu.memory_space<vmem>>, %arg12: memref<128x32xf32, #tpu.memory_space<vmem>>, %arg13: memref<128x32xf32, #tpu.memory_space<vmem>>, %arg14: memref<51200x32xf32, #tpu.memory_space<vmem_shared>>, %arg15: memref<!tpu.dma_semaphore, #tpu.memory_space<semaphore_mem>>, %arg16: memref<!tpu.dma_semaphore, #tpu.memory_space<semaphore_mem>>, %arg17: memref<!tpu.dma_semaphore, #tpu.memory_space<semaphore_mem>>, %arg18: memref<!tpu.dma_semaphore, #tpu.memory_space<semaphore_mem>>, %arg19: memref<!tpu.dma_semaphore, #tpu.memory_space<semaphore_mem>>, %arg20: memref<!tpu.dma_semaphore, #tpu.memory_space<semaphore_mem>>, %arg21: memref<!tpu.dma_semaphore, #tpu.memory_space<semaphore_mem>>, %arg22: memref<!tpu.dma_semaphore, #tpu.memory_space<semaphore_mem>>) attributes {dimension_semantics = [#tpu.dimension_semantics<core_parallel>, #tpu.dimension_semantics<subcore_parallel>], iteration_bounds = array<i64: 2, 16>, scalar_prefetch = 0 : i64, scratch_operands = 16 : i64, tpu.core_type = #tpu.core_type<sc_vector_subcore>, window_params = [{transform_indices = #map}, {transform_indices = #map}, {transform_indices = #map}, {transform_indices = #map1}, {transform_indices = #map1}]} {
    %mul3A = arith.constant 3200 : i32
    %mul3A_0 = arith.muli %arg1, %mul3A : i32
    "tpu.region"() ({
      %run_scoped3A = tpu.sem_alloc : memref<!tpu.dma_semaphore, #tpu.memory_space<semaphore_mem>>
      tpu.enqueue_dma source(%arg5 : memref<128x32xf32, #tpu.memory_space<hbm>>) target(%arg13 : memref<128x32xf32, #tpu.memory_space<vmem>>) target_semaphore(%run_scoped3A : memref<!tpu.dma_semaphore, #tpu.memory_space<semaphore_mem>>)
      tpu.wait_dma2 semaphore(%run_scoped3A : memref<!tpu.dma_semaphore, #tpu.memory_space<semaphore_mem>>) src(%arg5 : memref<128x32xf32, #tpu.memory_space<hbm>>) dst(%arg13 : memref<128x32xf32, #tpu.memory_space<vmem>>)
      tpu.yield
    }) : () -> ()
    %scan3A = arith.constant 0 : i32
    %scan3A_1 = arith.constant 0 : i32
    %scan3A_2 = arith.constant 25 : i32
    %scan3A_3 = arith.addi %scan3A_1, %scan3A_2 : i32
    %scan3A_4 = arith.constant 1 : i32
    %scan3A_5 = scf.for %scan3A_22 = %scan3A_1 to %scan3A_3 step %scan3A_4 iter_args(%scan3A_23 = %scan3A) -> (i32)  : i32 {
      %mul3A_24 = arith.constant 128 : i32
      %mul3A_25 = arith.muli %scan3A_22, %mul3A_24 : i32
      %add3A = arith.addi %mul3A_0, %mul3A_25 : i32
      "tpu.region"() ({
        %run_scoped3A = tpu.sem_alloc : memref<!tpu.dma_semaphore, #tpu.memory_space<semaphore_mem>>
        %dma_start3A = arith.constant 0 : i32
        %dma_start3A_27 = tpu.memref_slice %arg14[%add3A, %dma_start3A] : memref<51200x32xf32, #tpu.memory_space<vmem_shared>> -> memref<128x32xf32, #tpu.memory_space<vmem_shared>>
        %dma_start3A_28 = arith.constant 0 : i32
        %dma_start3A_29 = tpu.memref_slice %arg14[%add3A, %dma_start3A_28] : memref<51200x32xf32, #tpu.memory_space<vmem_shared>> -> memref<128x32xf32, #tpu.memory_space<vmem_shared>>
        tpu.enqueue_dma source(%arg13 : memref<128x32xf32, #tpu.memory_space<vmem>>) target(%dma_start3A_29 : memref<128x32xf32, #tpu.memory_space<vmem_shared>>) target_semaphore(%run_scoped3A : memref<!tpu.dma_semaphore, #tpu.memory_space<semaphore_mem>>)
        %dma_wait3A = arith.constant 0 : i32
        %dma_wait3A_30 = tpu.memref_slice %arg14[%add3A, %dma_wait3A] : memref<51200x32xf32, #tpu.memory_space<vmem_shared>> -> memref<128x32xf32, #tpu.memory_space<vmem_shared>>
        %dma_wait3A_31 = arith.constant 0 : i32
        %dma_wait3A_32 = tpu.memref_slice %arg14[%add3A, %dma_wait3A_31] : memref<51200x32xf32, #tpu.memory_space<vmem_shared>> -> memref<128x32xf32, #tpu.memory_space<vmem_shared>>
        tpu.wait_dma2 semaphore(%run_scoped3A : memref<!tpu.dma_semaphore, #tpu.memory_space<semaphore_mem>>) src(%arg13 : memref<128x32xf32, #tpu.memory_space<vmem>>) dst(%dma_wait3A_32 : memref<128x32xf32, #tpu.memory_space<vmem_shared>>)
        tpu.yield
      }) : () -> ()
      %scan3A_26 = arith.constant 0 : i32
      scf.yield %scan3A_26 : i32
    }
    %scan3A_6 = arith.constant 25 : i32
    %barrier3A = arith.constant 0 : index
    tpu.barrier barrier_id(%barrier3A)
    %eq3A = arith.constant 0 : i32
    %eq3A_7 = arith.cmpi eq, %arg0, %eq3A : i32
    %convert_element_type3A = arith.extui %eq3A_7 : i1 to i32
    %cond3A = arith.constant 0 : i32
    %cond3A_8 = arith.cmpi ne, %convert_element_type3A, %cond3A : i32
    scf.if %cond3A_8 {
      %scan3A_22 = arith.constant 0 : i32
      %scan3A_23 = arith.constant 0 : i32
      %scan3A_24 = arith.constant 0 : i32
      %scan3A_25 = arith.constant 14 : i32
      %scan3A_26 = arith.addi %scan3A_24, %scan3A_25 : i32
      %scan3A_27 = arith.constant 1 : i32
      %scan3A_28 = scf.for %scan3A_30 = %scan3A_24 to %scan3A_26 step %scan3A_27 iter_args(%scan3A_31 = %scan3A_23) -> (i32)  : i32 {
        %mul3A_32 = arith.constant 28 : i32
        %mul3A_33 = arith.muli %scan3A_30, %mul3A_32 : i32
        "tpu.region"() ({
          %run_scoped3A = tpu.sem_alloc : memref<!tpu.dma_semaphore, #tpu.memory_space<semaphore_mem>>
          %dma_start3A_78 = arith.constant 0 : i32
          %dma_start3A_79 = tpu.memref_slice %arg3[%arg1, %mul3A_33, %dma_start3A_78] : memref<16x392x128xi32, #tpu.memory_space<hbm>> -> memref<1x28x128xi32, #tpu.memory_space<hbm>>
          %dma_start3A_80 = tpu.memref_squeeze %dma_start3A_79 : memref<1x28x128xi32, #tpu.memory_space<hbm>> -> memref<28x128xi32, #tpu.memory_space<hbm>>
          %dma_start3A_81 = arith.constant 0 : i32
          %dma_start3A_82 = tpu.memref_slice %arg3[%arg1, %mul3A_33, %dma_start3A_81] : memref<16x392x128xi32, #tpu.memory_space<hbm>> -> memref<1x28x128xi32, #tpu.memory_space<hbm>>
          %dma_start3A_83 = tpu.memref_squeeze %dma_start3A_82 : memref<1x28x128xi32, #tpu.memory_space<hbm>> -> memref<28x128xi32, #tpu.memory_space<hbm>>
          tpu.enqueue_dma source(%dma_start3A_83 : memref<28x128xi32, #tpu.memory_space<hbm>>) target(%arg7 : memref<28x128xi32, #tpu.memory_space<vmem>>) target_semaphore(%run_scoped3A : memref<!tpu.dma_semaphore, #tpu.memory_space<semaphore_mem>>)
          %dma_wait3A_84 = arith.constant 0 : i32
          %dma_wait3A_85 = tpu.memref_slice %arg3[%arg1, %mul3A_33, %dma_wait3A_84] : memref<16x392x128xi32, #tpu.memory_space<hbm>> -> memref<1x28x128xi32, #tpu.memory_space<hbm>>
          %dma_wait3A_86 = tpu.memref_squeeze %dma_wait3A_85 : memref<1x28x128xi32, #tpu.memory_space<hbm>> -> memref<28x128xi32, #tpu.memory_space<hbm>>
          %dma_wait3A_87 = arith.constant 0 : i32
          %dma_wait3A_88 = tpu.memref_slice %arg3[%arg1, %mul3A_33, %dma_wait3A_87] : memref<16x392x128xi32, #tpu.memory_space<hbm>> -> memref<1x28x128xi32, #tpu.memory_space<hbm>>
          %dma_wait3A_89 = tpu.memref_squeeze %dma_wait3A_88 : memref<1x28x128xi32, #tpu.memory_space<hbm>> -> memref<28x128xi32, #tpu.memory_space<hbm>>
          tpu.wait_dma2 semaphore(%run_scoped3A : memref<!tpu.dma_semaphore, #tpu.memory_space<semaphore_mem>>) src(%dma_wait3A_89 : memref<28x128xi32, #tpu.memory_space<hbm>>) dst(%arg7 : memref<28x128xi32, #tpu.memory_space<vmem>>)
          tpu.yield
        }) : () -> ()
        %mul3A_34 = arith.constant 28 : i32
        %mul3A_35 = arith.muli %scan3A_30, %mul3A_34 : i32
        "tpu.region"() ({
          %run_scoped3A = tpu.sem_alloc : memref<!tpu.dma_semaphore, #tpu.memory_space<semaphore_mem>>
          %dma_start3A_78 = arith.constant 0 : i32
          %dma_start3A_79 = tpu.memref_slice %arg4[%arg1, %mul3A_35, %dma_start3A_78] : memref<16x392x128xi32, #tpu.memory_space<hbm>> -> memref<1x28x128xi32, #tpu.memory_space<hbm>>
          %dma_start3A_80 = tpu.memref_squeeze %dma_start3A_79 : memref<1x28x128xi32, #tpu.memory_space<hbm>> -> memref<28x128xi32, #tpu.memory_space<hbm>>
          %dma_start3A_81 = arith.constant 0 : i32
          %dma_start3A_82 = tpu.memref_slice %arg4[%arg1, %mul3A_35, %dma_start3A_81] : memref<16x392x128xi32, #tpu.memory_space<hbm>> -> memref<1x28x128xi32, #tpu.memory_space<hbm>>
          %dma_start3A_83 = tpu.memref_squeeze %dma_start3A_82 : memref<1x28x128xi32, #tpu.memory_space<hbm>> -> memref<28x128xi32, #tpu.memory_space<hbm>>
          tpu.enqueue_dma source(%dma_start3A_83 : memref<28x128xi32, #tpu.memory_space<hbm>>) target(%arg8 : memref<28x128xi32, #tpu.memory_space<vmem>>) target_semaphore(%run_scoped3A : memref<!tpu.dma_semaphore, #tpu.memory_space<semaphore_mem>>)
          %dma_wait3A_84 = arith.constant 0 : i32
          %dma_wait3A_85 = tpu.memref_slice %arg4[%arg1, %mul3A_35, %dma_wait3A_84] : memref<16x392x128xi32, #tpu.memory_space<hbm>> -> memref<1x28x128xi32, #tpu.memory_space<hbm>>
          %dma_wait3A_86 = tpu.memref_squeeze %dma_wait3A_85 : memref<1x28x128xi32, #tpu.memory_space<hbm>> -> memref<28x128xi32, #tpu.memory_space<hbm>>
          %dma_wait3A_87 = arith.constant 0 : i32
          %dma_wait3A_88 = tpu.memref_slice %arg4[%arg1, %mul3A_35, %dma_wait3A_87] : memref<16x392x128xi32, #tpu.memory_space<hbm>> -> memref<1x28x128xi32, #tpu.memory_space<hbm>>
          %dma_wait3A_89 = tpu.memref_squeeze %dma_wait3A_88 : memref<1x28x128xi32, #tpu.memory_space<hbm>> -> memref<28x128xi32, #tpu.memory_space<hbm>>
          tpu.wait_dma2 semaphore(%run_scoped3A : memref<!tpu.dma_semaphore, #tpu.memory_space<semaphore_mem>>) src(%dma_wait3A_89 : memref<28x128xi32, #tpu.memory_space<hbm>>) dst(%arg8 : memref<28x128xi32, #tpu.memory_space<vmem>>)
          tpu.yield
        }) : () -> ()
        %dma_start3A = arith.constant 0 : i32
        %dma_start3A_36 = arith.constant 0 : i32
        %dma_start3A_37 = tpu.memref_slice %arg7[%dma_start3A, %dma_start3A_36] : memref<28x128xi32, #tpu.memory_space<vmem>> -> memref<1x128xi32, #tpu.memory_space<vmem>>
        %dma_start3A_38 = tpu.memref_squeeze %dma_start3A_37 : memref<1x128xi32, #tpu.memory_space<vmem>> -> memref<128xi32, #tpu.memory_space<vmem>>
        %dma_start3A_39 = arith.constant 0 : i32
        %dma_start3A_40 = arith.constant 0 : i32
        %dma_start3A_41 = tpu.memref_slice %arg2[%scan3A_22, %dma_start3A_39, %dma_start3A_40] : memref<2x50000x32xf32, #tpu.memory_space<hbm>> -> memref<1x50000x32xf32, #tpu.memory_space<hbm>>
        %dma_start3A_42 = tpu.memref_squeeze %dma_start3A_41 : memref<1x50000x32xf32, #tpu.memory_space<hbm>> -> memref<50000x32xf32, #tpu.memory_space<hbm>>
        %dma_start3A_43 = arith.constant 0 : i32
        %dma_start3A_44 = arith.constant 0 : i32
        %dma_start3A_45 = tpu.memref_slice %dma_start3A_42[%dma_start3A_43, %dma_start3A_44] : memref<50000x32xf32, #tpu.memory_space<hbm>> -> memref<50000x32xf32, #tpu.memory_space<hbm>>
        tpu.enqueue_indirect_dma source(%dma_start3A_45 : memref<50000x32xf32, #tpu.memory_space<hbm>>) target(%arg9 : memref<128x32xf32, #tpu.memory_space<vmem>>) offsets(%dma_start3A_38 : memref<128xi32, #tpu.memory_space<vmem>>) semaphore(%arg15 : memref<!tpu.dma_semaphore, #tpu.memory_space<semaphore_mem>>)
        %dma_start3A_46 = arith.constant 1 : i32
        %dma_start3A_47 = arith.constant 0 : i32
        %dma_start3A_48 = tpu.memref_slice %arg7[%dma_start3A_46, %dma_start3A_47] : memref<28x128xi32, #tpu.memory_space<vmem>> -> memref<1x128xi32, #tpu.memory_space<vmem>>
        %dma_start3A_49 = tpu.memref_squeeze %dma_start3A_48 : memref<1x128xi32, #tpu.memory_space<vmem>> -> memref<128xi32, #tpu.memory_space<vmem>>
        %dma_start3A_50 = arith.constant 0 : i32
        %dma_start3A_51 = arith.constant 0 : i32
        %dma_start3A_52 = tpu.memref_slice %arg2[%scan3A_22, %dma_start3A_50, %dma_start3A_51] : memref<2x50000x32xf32, #tpu.memory_space<hbm>> -> memref<1x50000x32xf32, #tpu.memory_space<hbm>>
        %dma_start3A_53 = tpu.memref_squeeze %dma_start3A_52 : memref<1x50000x32xf32, #tpu.memory_space<hbm>> -> memref<50000x32xf32, #tpu.memory_space<hbm>>
        %dma_start3A_54 = arith.constant 0 : i32
        %dma_start3A_55 = arith.constant 0 : i32
        %dma_start3A_56 = tpu.memref_slice %dma_start3A_53[%dma_start3A_54, %dma_start3A_55] : memref<50000x32xf32, #tpu.memory_space<hbm>> -> memref<50000x32xf32, #tpu.memory_space<hbm>>
        tpu.enqueue_indirect_dma source(%dma_start3A_56 : memref<50000x32xf32, #tpu.memory_space<hbm>>) target(%arg10 : memref<128x32xf32, #tpu.memory_space<vmem>>) offsets(%dma_start3A_49 : memref<128xi32, #tpu.memory_space<vmem>>) semaphore(%arg16 : memref<!tpu.dma_semaphore, #tpu.memory_space<semaphore_mem>>)
        %scan3A_57 = arith.constant 0 : i32
        %scan3A_58 = arith.constant 0 : i32
        %scan3A_59 = arith.constant 7 : i32
        %scan3A_60 = arith.addi %scan3A_58, %scan3A_59 : i32
        %scan3A_61 = arith.constant 1 : i32
        %scan3A_62 = scf.for %scan3A_78 = %scan3A_58 to %scan3A_60 step %scan3A_61 iter_args(%scan3A_79 = %scan3A_57) -> (i32)  : i32 {
          %mul3A_80 = arith.constant 2 : i32
          %mul3A_81 = arith.muli %mul3A_80, %scan3A_78 : i32
          %mul3A_82 = arith.constant 2 : i32
          %mul3A_83 = arith.muli %mul3A_82, %mul3A_81 : i32
          %mul3A_84 = arith.constant 2 : i32
          %mul3A_85 = arith.muli %mul3A_84, %mul3A_81 : i32
          %add3A = arith.constant 1 : i32
          %add3A_86 = arith.addi %mul3A_85, %add3A : i32
          %gt3A = arith.constant 0 : i32
          %gt3A_87 = arith.cmpi sgt, %mul3A_81, %gt3A : i32
          %convert_element_type3A_88 = arith.extui %gt3A_87 : i1 to i32
          %cond3A_89 = arith.constant 0 : i32
          %cond3A_90 = arith.cmpi ne, %convert_element_type3A_88, %cond3A_89 : i32
          scf.if %cond3A_90 {
            %dma_wait3A_180 = arith.constant 0 : i32
            %dma_wait3A_181 = tpu.memref_slice %arg8[%mul3A_83, %dma_wait3A_180] : memref<28x128xi32, #tpu.memory_space<vmem>> -> memref<1x128xi32, #tpu.memory_space<vmem>>
            %dma_wait3A_182 = tpu.memref_squeeze %dma_wait3A_181 : memref<1x128xi32, #tpu.memory_space<vmem>> -> memref<128xi32, #tpu.memory_space<vmem>>
            %dma_wait3A_183 = arith.constant 0 : i32
            %dma_wait3A_184 = arith.constant 0 : i32
            %dma_wait3A_185 = tpu.memref_slice %arg14[%dma_wait3A_183, %dma_wait3A_184] : memref<51200x32xf32, #tpu.memory_space<vmem_shared>> -> memref<51200x32xf32, #tpu.memory_space<vmem_shared>>
            tpu.wait_indirect_dma semaphore(%arg21 : memref<!tpu.dma_semaphore, #tpu.memory_space<semaphore_mem>>) src(%arg11 : memref<128x32xf32, #tpu.memory_space<vmem>>) dst(%dma_wait3A_185 : memref<51200x32xf32, #tpu.memory_space<vmem_shared>>)
            %dma_wait3A_186 = arith.constant 0 : i32
            %dma_wait3A_187 = tpu.memref_slice %arg8[%add3A_86, %dma_wait3A_186] : memref<28x128xi32, #tpu.memory_space<vmem>> -> memref<1x128xi32, #tpu.memory_space<vmem>>
            %dma_wait3A_188 = tpu.memref_squeeze %dma_wait3A_187 : memref<1x128xi32, #tpu.memory_space<vmem>> -> memref<128xi32, #tpu.memory_space<vmem>>
            %dma_wait3A_189 = arith.constant 0 : i32
            %dma_wait3A_190 = arith.constant 0 : i32
            %dma_wait3A_191 = tpu.memref_slice %arg14[%dma_wait3A_189, %dma_wait3A_190] : memref<51200x32xf32, #tpu.memory_space<vmem_shared>> -> memref<51200x32xf32, #tpu.memory_space<vmem_shared>>
            tpu.wait_indirect_dma semaphore(%arg22 : memref<!tpu.dma_semaphore, #tpu.memory_space<semaphore_mem>>) src(%arg12 : memref<128x32xf32, #tpu.memory_space<vmem>>) dst(%dma_wait3A_191 : memref<51200x32xf32, #tpu.memory_space<vmem_shared>>)
          } else {
          }
          %lt3A = arith.constant 13 : i32
          %lt3A_91 = arith.cmpi slt, %mul3A_81, %lt3A : i32
          %convert_element_type3A_92 = arith.extui %lt3A_91 : i1 to i32
          %cond3A_93 = arith.constant 0 : i32
          %cond3A_94 = arith.cmpi ne, %convert_element_type3A_92, %cond3A_93 : i32
          scf.if %cond3A_94 {
            %add3A_180 = arith.constant 2 : i32
            %add3A_181 = arith.addi %mul3A_83, %add3A_180 : i32
            %dma_start3A_182 = arith.constant 0 : i32
            %dma_start3A_183 = tpu.memref_slice %arg7[%add3A_181, %dma_start3A_182] : memref<28x128xi32, #tpu.memory_space<vmem>> -> memref<1x128xi32, #tpu.memory_space<vmem>>
            %dma_start3A_184 = tpu.memref_squeeze %dma_start3A_183 : memref<1x128xi32, #tpu.memory_space<vmem>> -> memref<128xi32, #tpu.memory_space<vmem>>
            %dma_start3A_185 = arith.constant 0 : i32
            %dma_start3A_186 = arith.constant 0 : i32
            %dma_start3A_187 = tpu.memref_slice %arg2[%scan3A_22, %dma_start3A_185, %dma_start3A_186] : memref<2x50000x32xf32, #tpu.memory_space<hbm>> -> memref<1x50000x32xf32, #tpu.memory_space<hbm>>
            %dma_start3A_188 = tpu.memref_squeeze %dma_start3A_187 : memref<1x50000x32xf32, #tpu.memory_space<hbm>> -> memref<50000x32xf32, #tpu.memory_space<hbm>>
            %dma_start3A_189 = arith.constant 0 : i32
            %dma_start3A_190 = arith.constant 0 : i32
            %dma_start3A_191 = tpu.memref_slice %dma_start3A_188[%dma_start3A_189, %dma_start3A_190] : memref<50000x32xf32, #tpu.memory_space<hbm>> -> memref<50000x32xf32, #tpu.memory_space<hbm>>
            tpu.enqueue_indirect_dma source(%dma_start3A_191 : memref<50000x32xf32, #tpu.memory_space<hbm>>) target(%arg11 : memref<128x32xf32, #tpu.memory_space<vmem>>) offsets(%dma_start3A_184 : memref<128xi32, #tpu.memory_space<vmem>>) semaphore(%arg17 : memref<!tpu.dma_semaphore, #tpu.memory_space<semaphore_mem>>)
            %add3A_192 = arith.constant 2 : i32
            %add3A_193 = arith.addi %add3A_86, %add3A_192 : i32
            %dma_start3A_194 = arith.constant 0 : i32
            %dma_start3A_195 = tpu.memref_slice %arg7[%add3A_193, %dma_start3A_194] : memref<28x128xi32, #tpu.memory_space<vmem>> -> memref<1x128xi32, #tpu.memory_space<vmem>>
            %dma_start3A_196 = tpu.memref_squeeze %dma_start3A_195 : memref<1x128xi32, #tpu.memory_space<vmem>> -> memref<128xi32, #tpu.memory_space<vmem>>
            %dma_start3A_197 = arith.constant 0 : i32
            %dma_start3A_198 = arith.constant 0 : i32
            %dma_start3A_199 = tpu.memref_slice %arg2[%scan3A_22, %dma_start3A_197, %dma_start3A_198] : memref<2x50000x32xf32, #tpu.memory_space<hbm>> -> memref<1x50000x32xf32, #tpu.memory_space<hbm>>
            %dma_start3A_200 = tpu.memref_squeeze %dma_start3A_199 : memref<1x50000x32xf32, #tpu.memory_space<hbm>> -> memref<50000x32xf32, #tpu.memory_space<hbm>>
            %dma_start3A_201 = arith.constant 0 : i32
            %dma_start3A_202 = arith.constant 0 : i32
            %dma_start3A_203 = tpu.memref_slice %dma_start3A_200[%dma_start3A_201, %dma_start3A_202] : memref<50000x32xf32, #tpu.memory_space<hbm>> -> memref<50000x32xf32, #tpu.memory_space<hbm>>
            tpu.enqueue_indirect_dma source(%dma_start3A_203 : memref<50000x32xf32, #tpu.memory_space<hbm>>) target(%arg12 : memref<128x32xf32, #tpu.memory_space<vmem>>) offsets(%dma_start3A_196 : memref<128xi32, #tpu.memory_space<vmem>>) semaphore(%arg18 : memref<!tpu.dma_semaphore, #tpu.memory_space<semaphore_mem>>)
          } else {
          }
          %dma_wait3A_95 = arith.constant 0 : i32
          %dma_wait3A_96 = tpu.memref_slice %arg7[%mul3A_83, %dma_wait3A_95] : memref<28x128xi32, #tpu.memory_space<vmem>> -> memref<1x128xi32, #tpu.memory_space<vmem>>
          %dma_wait3A_97 = tpu.memref_squeeze %dma_wait3A_96 : memref<1x128xi32, #tpu.memory_space<vmem>> -> memref<128xi32, #tpu.memory_space<vmem>>
          %dma_wait3A_98 = arith.constant 0 : i32
          %dma_wait3A_99 = arith.constant 0 : i32
          %dma_wait3A_100 = tpu.memref_slice %arg2[%scan3A_22, %dma_wait3A_98, %dma_wait3A_99] : memref<2x50000x32xf32, #tpu.memory_space<hbm>> -> memref<1x50000x32xf32, #tpu.memory_space<hbm>>
          %dma_wait3A_101 = tpu.memref_squeeze %dma_wait3A_100 : memref<1x50000x32xf32, #tpu.memory_space<hbm>> -> memref<50000x32xf32, #tpu.memory_space<hbm>>
          %dma_wait3A_102 = arith.constant 0 : i32
          %dma_wait3A_103 = arith.constant 0 : i32
          %dma_wait3A_104 = tpu.memref_slice %dma_wait3A_101[%dma_wait3A_102, %dma_wait3A_103] : memref<50000x32xf32, #tpu.memory_space<hbm>> -> memref<50000x32xf32, #tpu.memory_space<hbm>>
          tpu.wait_indirect_dma semaphore(%arg15 : memref<!tpu.dma_semaphore, #tpu.memory_space<semaphore_mem>>) src(%dma_wait3A_104 : memref<50000x32xf32, #tpu.memory_space<hbm>>) dst(%arg9 : memref<128x32xf32, #tpu.memory_space<vmem>>)
          %dma_start3A_105 = arith.constant 0 : i32
          %dma_start3A_106 = tpu.memref_slice %arg8[%mul3A_83, %dma_start3A_105] : memref<28x128xi32, #tpu.memory_space<vmem>> -> memref<1x128xi32, #tpu.memory_space<vmem>>
          %dma_start3A_107 = tpu.memref_squeeze %dma_start3A_106 : memref<1x128xi32, #tpu.memory_space<vmem>> -> memref<128xi32, #tpu.memory_space<vmem>>
          %dma_start3A_108 = arith.constant 0 : i32
          %dma_start3A_109 = arith.constant 0 : i32
          %dma_start3A_110 = tpu.memref_slice %arg14[%dma_start3A_108, %dma_start3A_109] : memref<51200x32xf32, #tpu.memory_space<vmem_shared>> -> memref<51200x32xf32, #tpu.memory_space<vmem_shared>>
          tpu.enqueue_indirect_dma source(%arg9 : memref<128x32xf32, #tpu.memory_space<vmem>>) target(%dma_start3A_110 : memref<51200x32xf32, #tpu.memory_space<vmem_shared>>) offsets(%dma_start3A_107 : memref<128xi32, #tpu.memory_space<vmem>>) semaphore(%arg19 : memref<!tpu.dma_semaphore, #tpu.memory_space<semaphore_mem>>) {add = true}
          %dma_wait3A_111 = arith.constant 0 : i32
          %dma_wait3A_112 = tpu.memref_slice %arg7[%add3A_86, %dma_wait3A_111] : memref<28x128xi32, #tpu.memory_space<vmem>> -> memref<1x128xi32, #tpu.memory_space<vmem>>
          %dma_wait3A_113 = tpu.memref_squeeze %dma_wait3A_112 : memref<1x128xi32, #tpu.memory_space<vmem>> -> memref<128xi32, #tpu.memory_space<vmem>>
          %dma_wait3A_114 = arith.constant 0 : i32
          %dma_wait3A_115 = arith.constant 0 : i32
          %dma_wait3A_116 = tpu.memref_slice %arg2[%scan3A_22, %dma_wait3A_114, %dma_wait3A_115] : memref<2x50000x32xf32, #tpu.memory_space<hbm>> -> memref<1x50000x32xf32, #tpu.memory_space<hbm>>
          %dma_wait3A_117 = tpu.memref_squeeze %dma_wait3A_116 : memref<1x50000x32xf32, #tpu.memory_space<hbm>> -> memref<50000x32xf32, #tpu.memory_space<hbm>>
          %dma_wait3A_118 = arith.constant 0 : i32
          %dma_wait3A_119 = arith.constant 0 : i32
          %dma_wait3A_120 = tpu.memref_slice %dma_wait3A_117[%dma_wait3A_118, %dma_wait3A_119] : memref<50000x32xf32, #tpu.memory_space<hbm>> -> memref<50000x32xf32, #tpu.memory_space<hbm>>
          tpu.wait_indirect_dma semaphore(%arg16 : memref<!tpu.dma_semaphore, #tpu.memory_space<semaphore_mem>>) src(%dma_wait3A_120 : memref<50000x32xf32, #tpu.memory_space<hbm>>) dst(%arg10 : memref<128x32xf32, #tpu.memory_space<vmem>>)
          %dma_start3A_121 = arith.constant 0 : i32
          %dma_start3A_122 = tpu.memref_slice %arg8[%add3A_86, %dma_start3A_121] : memref<28x128xi32, #tpu.memory_space<vmem>> -> memref<1x128xi32, #tpu.memory_space<vmem>>
          %dma_start3A_123 = tpu.memref_squeeze %dma_start3A_122 : memref<1x128xi32, #tpu.memory_space<vmem>> -> memref<128xi32, #tpu.memory_space<vmem>>
          %dma_start3A_124 = arith.constant 0 : i32
          %dma_start3A_125 = arith.constant 0 : i32
          %dma_start3A_126 = tpu.memref_slice %arg14[%dma_start3A_124, %dma_start3A_125] : memref<51200x32xf32, #tpu.memory_space<vmem_shared>> -> memref<51200x32xf32, #tpu.memory_space<vmem_shared>>
          tpu.enqueue_indirect_dma source(%arg10 : memref<128x32xf32, #tpu.memory_space<vmem>>) target(%dma_start3A_126 : memref<51200x32xf32, #tpu.memory_space<vmem_shared>>) offsets(%dma_start3A_123 : memref<128xi32, #tpu.memory_space<vmem>>) semaphore(%arg20 : memref<!tpu.dma_semaphore, #tpu.memory_space<semaphore_mem>>) {add = true}
          %mul3A_127 = arith.constant 2 : i32
          %mul3A_128 = arith.muli %mul3A_127, %scan3A_78 : i32
          %add3A_129 = arith.constant 1 : i32
          %add3A_130 = arith.addi %mul3A_128, %add3A_129 : i32
          %mul3A_131 = arith.constant 2 : i32
          %mul3A_132 = arith.muli %mul3A_131, %add3A_130 : i32
          %mul3A_133 = arith.constant 2 : i32
          %mul3A_134 = arith.muli %mul3A_133, %add3A_130 : i32
          %add3A_135 = arith.constant 1 : i32
          %add3A_136 = arith.addi %mul3A_134, %add3A_135 : i32
          %gt3A_137 = arith.constant 0 : i32
          %gt3A_138 = arith.cmpi sgt, %add3A_130, %gt3A_137 : i32
          %convert_element_type3A_139 = arith.extui %gt3A_138 : i1 to i32
          %cond3A_140 = arith.constant 0 : i32
          %cond3A_141 = arith.cmpi ne, %convert_element_type3A_139, %cond3A_140 : i32
          scf.if %cond3A_141 {
            %dma_wait3A_180 = arith.constant 0 : i32
            %dma_wait3A_181 = tpu.memref_slice %arg8[%mul3A_132, %dma_wait3A_180] : memref<28x128xi32, #tpu.memory_space<vmem>> -> memref<1x128xi32, #tpu.memory_space<vmem>>
            %dma_wait3A_182 = tpu.memref_squeeze %dma_wait3A_181 : memref<1x128xi32, #tpu.memory_space<vmem>> -> memref<128xi32, #tpu.memory_space<vmem>>
            %dma_wait3A_183 = arith.constant 0 : i32
            %dma_wait3A_184 = arith.constant 0 : i32
            %dma_wait3A_185 = tpu.memref_slice %arg14[%dma_wait3A_183, %dma_wait3A_184] : memref<51200x32xf32, #tpu.memory_space<vmem_shared>> -> memref<51200x32xf32, #tpu.memory_space<vmem_shared>>
            tpu.wait_indirect_dma semaphore(%arg19 : memref<!tpu.dma_semaphore, #tpu.memory_space<semaphore_mem>>) src(%arg9 : memref<128x32xf32, #tpu.memory_space<vmem>>) dst(%dma_wait3A_185 : memref<51200x32xf32, #tpu.memory_space<vmem_shared>>)
            %dma_wait3A_186 = arith.constant 0 : i32
            %dma_wait3A_187 = tpu.memref_slice %arg8[%add3A_136, %dma_wait3A_186] : memref<28x128xi32, #tpu.memory_space<vmem>> -> memref<1x128xi32, #tpu.memory_space<vmem>>
            %dma_wait3A_188 = tpu.memref_squeeze %dma_wait3A_187 : memref<1x128xi32, #tpu.memory_space<vmem>> -> memref<128xi32, #tpu.memory_space<vmem>>
            %dma_wait3A_189 = arith.constant 0 : i32
            %dma_wait3A_190 = arith.constant 0 : i32
            %dma_wait3A_191 = tpu.memref_slice %arg14[%dma_wait3A_189, %dma_wait3A_190] : memref<51200x32xf32, #tpu.memory_space<vmem_shared>> -> memref<51200x32xf32, #tpu.memory_space<vmem_shared>>
            tpu.wait_indirect_dma semaphore(%arg20 : memref<!tpu.dma_semaphore, #tpu.memory_space<semaphore_mem>>) src(%arg10 : memref<128x32xf32, #tpu.memory_space<vmem>>) dst(%dma_wait3A_191 : memref<51200x32xf32, #tpu.memory_space<vmem_shared>>)
          } else {
          }
          %lt3A_142 = arith.constant 13 : i32
          %lt3A_143 = arith.cmpi slt, %add3A_130, %lt3A_142 : i32
          %convert_element_type3A_144 = arith.extui %lt3A_143 : i1 to i32
          %cond3A_145 = arith.constant 0 : i32
          %cond3A_146 = arith.cmpi ne, %convert_element_type3A_144, %cond3A_145 : i32
          scf.if %cond3A_146 {
            %add3A_180 = arith.constant 2 : i32
            %add3A_181 = arith.addi %mul3A_132, %add3A_180 : i32
            %dma_start3A_182 = arith.constant 0 : i32
            %dma_start3A_183 = tpu.memref_slice %arg7[%add3A_181, %dma_start3A_182] : memref<28x128xi32, #tpu.memory_space<vmem>> -> memref<1x128xi32, #tpu.memory_space<vmem>>
            %dma_start3A_184 = tpu.memref_squeeze %dma_start3A_183 : memref<1x128xi32, #tpu.memory_space<vmem>> -> memref<128xi32, #tpu.memory_space<vmem>>
            %dma_start3A_185 = arith.constant 0 : i32
            %dma_start3A_186 = arith.constant 0 : i32
            %dma_start3A_187 = tpu.memref_slice %arg2[%scan3A_22, %dma_start3A_185, %dma_start3A_186] : memref<2x50000x32xf32, #tpu.memory_space<hbm>> -> memref<1x50000x32xf32, #tpu.memory_space<hbm>>
            %dma_start3A_188 = tpu.memref_squeeze %dma_start3A_187 : memref<1x50000x32xf32, #tpu.memory_space<hbm>> -> memref<50000x32xf32, #tpu.memory_space<hbm>>
            %dma_start3A_189 = arith.constant 0 : i32
            %dma_start3A_190 = arith.constant 0 : i32
            %dma_start3A_191 = tpu.memref_slice %dma_start3A_188[%dma_start3A_189, %dma_start3A_190] : memref<50000x32xf32, #tpu.memory_space<hbm>> -> memref<50000x32xf32, #tpu.memory_space<hbm>>
            tpu.enqueue_indirect_dma source(%dma_start3A_191 : memref<50000x32xf32, #tpu.memory_space<hbm>>) target(%arg9 : memref<128x32xf32, #tpu.memory_space<vmem>>) offsets(%dma_start3A_184 : memref<128xi32, #tpu.memory_space<vmem>>) semaphore(%arg15 : memref<!tpu.dma_semaphore, #tpu.memory_space<semaphore_mem>>)
            %add3A_192 = arith.constant 2 : i32
            %add3A_193 = arith.addi %add3A_136, %add3A_192 : i32
            %dma_start3A_194 = arith.constant 0 : i32
            %dma_start3A_195 = tpu.memref_slice %arg7[%add3A_193, %dma_start3A_194] : memref<28x128xi32, #tpu.memory_space<vmem>> -> memref<1x128xi32, #tpu.memory_space<vmem>>
            %dma_start3A_196 = tpu.memref_squeeze %dma_start3A_195 : memref<1x128xi32, #tpu.memory_space<vmem>> -> memref<128xi32, #tpu.memory_space<vmem>>
            %dma_start3A_197 = arith.constant 0 : i32
            %dma_start3A_198 = arith.constant 0 : i32
            %dma_start3A_199 = tpu.memref_slice %arg2[%scan3A_22, %dma_start3A_197, %dma_start3A_198] : memref<2x50000x32xf32, #tpu.memory_space<hbm>> -> memref<1x50000x32xf32, #tpu.memory_space<hbm>>
            %dma_start3A_200 = tpu.memref_squeeze %dma_start3A_199 : memref<1x50000x32xf32, #tpu.memory_space<hbm>> -> memref<50000x32xf32, #tpu.memory_space<hbm>>
            %dma_start3A_201 = arith.constant 0 : i32
            %dma_start3A_202 = arith.constant 0 : i32
            %dma_start3A_203 = tpu.memref_slice %dma_start3A_200[%dma_start3A_201, %dma_start3A_202] : memref<50000x32xf32, #tpu.memory_space<hbm>> -> memref<50000x32xf32, #tpu.memory_space<hbm>>
            tpu.enqueue_indirect_dma source(%dma_start3A_203 : memref<50000x32xf32, #tpu.memory_space<hbm>>) target(%arg10 : memref<128x32xf32, #tpu.memory_space<vmem>>) offsets(%dma_start3A_196 : memref<128xi32, #tpu.memory_space<vmem>>) semaphore(%arg16 : memref<!tpu.dma_semaphore, #tpu.memory_space<semaphore_mem>>)
          } else {
          }
          %dma_wait3A_147 = arith.constant 0 : i32
          %dma_wait3A_148 = tpu.memref_slice %arg7[%mul3A_132, %dma_wait3A_147] : memref<28x128xi32, #tpu.memory_space<vmem>> -> memref<1x128xi32, #tpu.memory_space<vmem>>
          %dma_wait3A_149 = tpu.memref_squeeze %dma_wait3A_148 : memref<1x128xi32, #tpu.memory_space<vmem>> -> memref<128xi32, #tpu.memory_space<vmem>>
          %dma_wait3A_150 = arith.constant 0 : i32
          %dma_wait3A_151 = arith.constant 0 : i32
          %dma_wait3A_152 = tpu.memref_slice %arg2[%scan3A_22, %dma_wait3A_150, %dma_wait3A_151] : memref<2x50000x32xf32, #tpu.memory_space<hbm>> -> memref<1x50000x32xf32, #tpu.memory_space<hbm>>
          %dma_wait3A_153 = tpu.memref_squeeze %dma_wait3A_152 : memref<1x50000x32xf32, #tpu.memory_space<hbm>> -> memref<50000x32xf32, #tpu.memory_space<hbm>>
          %dma_wait3A_154 = arith.constant 0 : i32
          %dma_wait3A_155 = arith.constant 0 : i32
          %dma_wait3A_156 = tpu.memref_slice %dma_wait3A_153[%dma_wait3A_154, %dma_wait3A_155] : memref<50000x32xf32, #tpu.memory_space<hbm>> -> memref<50000x32xf32, #tpu.memory_space<hbm>>
          tpu.wait_indirect_dma semaphore(%arg17 : memref<!tpu.dma_semaphore, #tpu.memory_space<semaphore_mem>>) src(%dma_wait3A_156 : memref<50000x32xf32, #tpu.memory_space<hbm>>) dst(%arg11 : memref<128x32xf32, #tpu.memory_space<vmem>>)
          %dma_start3A_157 = arith.constant 0 : i32
          %dma_start3A_158 = tpu.memref_slice %arg8[%mul3A_132, %dma_start3A_157] : memref<28x128xi32, #tpu.memory_space<vmem>> -> memref<1x128xi32, #tpu.memory_space<vmem>>
          %dma_start3A_159 = tpu.memref_squeeze %dma_start3A_158 : memref<1x128xi32, #tpu.memory_space<vmem>> -> memref<128xi32, #tpu.memory_space<vmem>>
          %dma_start3A_160 = arith.constant 0 : i32
          %dma_start3A_161 = arith.constant 0 : i32
          %dma_start3A_162 = tpu.memref_slice %arg14[%dma_start3A_160, %dma_start3A_161] : memref<51200x32xf32, #tpu.memory_space<vmem_shared>> -> memref<51200x32xf32, #tpu.memory_space<vmem_shared>>
          tpu.enqueue_indirect_dma source(%arg11 : memref<128x32xf32, #tpu.memory_space<vmem>>) target(%dma_start3A_162 : memref<51200x32xf32, #tpu.memory_space<vmem_shared>>) offsets(%dma_start3A_159 : memref<128xi32, #tpu.memory_space<vmem>>) semaphore(%arg21 : memref<!tpu.dma_semaphore, #tpu.memory_space<semaphore_mem>>) {add = true}
          %dma_wait3A_163 = arith.constant 0 : i32
          %dma_wait3A_164 = tpu.memref_slice %arg7[%add3A_136, %dma_wait3A_163] : memref<28x128xi32, #tpu.memory_space<vmem>> -> memref<1x128xi32, #tpu.memory_space<vmem>>
          %dma_wait3A_165 = tpu.memref_squeeze %dma_wait3A_164 : memref<1x128xi32, #tpu.memory_space<vmem>> -> memref<128xi32, #tpu.memory_space<vmem>>
          %dma_wait3A_166 = arith.constant 0 : i32
          %dma_wait3A_167 = arith.constant 0 : i32
          %dma_wait3A_168 = tpu.memref_slice %arg2[%scan3A_22, %dma_wait3A_166, %dma_wait3A_167] : memref<2x50000x32xf32, #tpu.memory_space<hbm>> -> memref<1x50000x32xf32, #tpu.memory_space<hbm>>
          %dma_wait3A_169 = tpu.memref_squeeze %dma_wait3A_168 : memref<1x50000x32xf32, #tpu.memory_space<hbm>> -> memref<50000x32xf32, #tpu.memory_space<hbm>>
          %dma_wait3A_170 = arith.constant 0 : i32
          %dma_wait3A_171 = arith.constant 0 : i32
          %dma_wait3A_172 = tpu.memref_slice %dma_wait3A_169[%dma_wait3A_170, %dma_wait3A_171] : memref<50000x32xf32, #tpu.memory_space<hbm>> -> memref<50000x32xf32, #tpu.memory_space<hbm>>
          tpu.wait_indirect_dma semaphore(%arg18 : memref<!tpu.dma_semaphore, #tpu.memory_space<semaphore_mem>>) src(%dma_wait3A_172 : memref<50000x32xf32, #tpu.memory_space<hbm>>) dst(%arg12 : memref<128x32xf32, #tpu.memory_space<vmem>>)
          %dma_start3A_173 = arith.constant 0 : i32
          %dma_start3A_174 = tpu.memref_slice %arg8[%add3A_136, %dma_start3A_173] : memref<28x128xi32, #tpu.memory_space<vmem>> -> memref<1x128xi32, #tpu.memory_space<vmem>>
          %dma_start3A_175 = tpu.memref_squeeze %dma_start3A_174 : memref<1x128xi32, #tpu.memory_space<vmem>> -> memref<128xi32, #tpu.memory_space<vmem>>
          %dma_start3A_176 = arith.constant 0 : i32
          %dma_start3A_177 = arith.constant 0 : i32
          %dma_start3A_178 = tpu.memref_slice %arg14[%dma_start3A_176, %dma_start3A_177] : memref<51200x32xf32, #tpu.memory_space<vmem_shared>> -> memref<51200x32xf32, #tpu.memory_space<vmem_shared>>
          tpu.enqueue_indirect_dma source(%arg12 : memref<128x32xf32, #tpu.memory_space<vmem>>) target(%dma_start3A_178 : memref<51200x32xf32, #tpu.memory_space<vmem_shared>>) offsets(%dma_start3A_175 : memref<128xi32, #tpu.memory_space<vmem>>) semaphore(%arg22 : memref<!tpu.dma_semaphore, #tpu.memory_space<semaphore_mem>>) {add = true}
          %scan3A_179 = arith.constant 0 : i32
          scf.yield %scan3A_179 : i32
        }
        %scan3A_63 = arith.constant 7 : i32
        %dma_wait3A = arith.constant 0 : i32
        %dma_wait3A_64 = arith.constant 0 : i32
        %dma_wait3A_65 = tpu.memref_slice %arg8[%dma_wait3A, %dma_wait3A_64] : memref<28x128xi32, #tpu.memory_space<vmem>> -> memref<1x128xi32, #tpu.memory_space<vmem>>
        %dma_wait3A_66 = tpu.memref_squeeze %dma_wait3A_65 : memref<1x128xi32, #tpu.memory_space<vmem>> -> memref<128xi32, #tpu.memory_space<vmem>>
        %dma_wait3A_67 = arith.constant 0 : i32
        %dma_wait3A_68 = arith.constant 0 : i32
        %dma_wait3A_69 = tpu.memref_slice %arg14[%dma_wait3A_67, %dma_wait3A_68] : memref<51200x32xf32, #tpu.memory_space<vmem_shared>> -> memref<51200x32xf32, #tpu.memory_space<vmem_shared>>
        tpu.wait_indirect_dma semaphore(%arg21 : memref<!tpu.dma_semaphore, #tpu.memory_space<semaphore_mem>>) src(%arg11 : memref<128x32xf32, #tpu.memory_space<vmem>>) dst(%dma_wait3A_69 : memref<51200x32xf32, #tpu.memory_space<vmem_shared>>)
        %dma_wait3A_70 = arith.constant 1 : i32
        %dma_wait3A_71 = arith.constant 0 : i32
        %dma_wait3A_72 = tpu.memref_slice %arg8[%dma_wait3A_70, %dma_wait3A_71] : memref<28x128xi32, #tpu.memory_space<vmem>> -> memref<1x128xi32, #tpu.memory_space<vmem>>
        %dma_wait3A_73 = tpu.memref_squeeze %dma_wait3A_72 : memref<1x128xi32, #tpu.memory_space<vmem>> -> memref<128xi32, #tpu.memory_space<vmem>>
        %dma_wait3A_74 = arith.constant 0 : i32
        %dma_wait3A_75 = arith.constant 0 : i32
        %dma_wait3A_76 = tpu.memref_slice %arg14[%dma_wait3A_74, %dma_wait3A_75] : memref<51200x32xf32, #tpu.memory_space<vmem_shared>> -> memref<51200x32xf32, #tpu.memory_space<vmem_shared>>
        tpu.wait_indirect_dma semaphore(%arg22 : memref<!tpu.dma_semaphore, #tpu.memory_space<semaphore_mem>>) src(%arg12 : memref<128x32xf32, #tpu.memory_space<vmem>>) dst(%dma_wait3A_76 : memref<51200x32xf32, #tpu.memory_space<vmem_shared>>)
        %scan3A_77 = arith.constant 0 : i32
        scf.yield %scan3A_77 : i32
      }
      %scan3A_29 = arith.constant 14 : i32
    } else {
    }
    %eq3A_9 = arith.constant 1 : i32
    %eq3A_10 = arith.cmpi eq, %arg0, %eq3A_9 : i32
    %convert_element_type3A_11 = arith.extui %eq3A_10 : i1 to i32
    %cond3A_12 = arith.constant 0 : i32
    %cond3A_13 = arith.cmpi ne, %convert_element_type3A_11, %cond3A_12 : i32
    scf.if %cond3A_13 {
      %scan3A_22 = arith.constant 1 : i32
      %scan3A_23 = arith.constant 0 : i32
      %scan3A_24 = arith.constant 0 : i32
      %scan3A_25 = arith.constant 14 : i32
      %scan3A_26 = arith.addi %scan3A_24, %scan3A_25 : i32
      %scan3A_27 = arith.constant 1 : i32
      %scan3A_28 = scf.for %scan3A_30 = %scan3A_24 to %scan3A_26 step %scan3A_27 iter_args(%scan3A_31 = %scan3A_23) -> (i32)  : i32 {
        %mul3A_32 = arith.constant 28 : i32
        %mul3A_33 = arith.muli %scan3A_30, %mul3A_32 : i32
        "tpu.region"() ({
          %run_scoped3A = tpu.sem_alloc : memref<!tpu.dma_semaphore, #tpu.memory_space<semaphore_mem>>
          %dma_start3A_78 = arith.constant 0 : i32
          %dma_start3A_79 = tpu.memref_slice %arg3[%arg1, %mul3A_33, %dma_start3A_78] : memref<16x392x128xi32, #tpu.memory_space<hbm>> -> memref<1x28x128xi32, #tpu.memory_space<hbm>>
          %dma_start3A_80 = tpu.memref_squeeze %dma_start3A_79 : memref<1x28x128xi32, #tpu.memory_space<hbm>> -> memref<28x128xi32, #tpu.memory_space<hbm>>
          %dma_start3A_81 = arith.constant 0 : i32
          %dma_start3A_82 = tpu.memref_slice %arg3[%arg1, %mul3A_33, %dma_start3A_81] : memref<16x392x128xi32, #tpu.memory_space<hbm>> -> memref<1x28x128xi32, #tpu.memory_space<hbm>>
          %dma_start3A_83 = tpu.memref_squeeze %dma_start3A_82 : memref<1x28x128xi32, #tpu.memory_space<hbm>> -> memref<28x128xi32, #tpu.memory_space<hbm>>
          tpu.enqueue_dma source(%dma_start3A_83 : memref<28x128xi32, #tpu.memory_space<hbm>>) target(%arg7 : memref<28x128xi32, #tpu.memory_space<vmem>>) target_semaphore(%run_scoped3A : memref<!tpu.dma_semaphore, #tpu.memory_space<semaphore_mem>>)
          %dma_wait3A_84 = arith.constant 0 : i32
          %dma_wait3A_85 = tpu.memref_slice %arg3[%arg1, %mul3A_33, %dma_wait3A_84] : memref<16x392x128xi32, #tpu.memory_space<hbm>> -> memref<1x28x128xi32, #tpu.memory_space<hbm>>
          %dma_wait3A_86 = tpu.memref_squeeze %dma_wait3A_85 : memref<1x28x128xi32, #tpu.memory_space<hbm>> -> memref<28x128xi32, #tpu.memory_space<hbm>>
          %dma_wait3A_87 = arith.constant 0 : i32
          %dma_wait3A_88 = tpu.memref_slice %arg3[%arg1, %mul3A_33, %dma_wait3A_87] : memref<16x392x128xi32, #tpu.memory_space<hbm>> -> memref<1x28x128xi32, #tpu.memory_space<hbm>>
          %dma_wait3A_89 = tpu.memref_squeeze %dma_wait3A_88 : memref<1x28x128xi32, #tpu.memory_space<hbm>> -> memref<28x128xi32, #tpu.memory_space<hbm>>
          tpu.wait_dma2 semaphore(%run_scoped3A : memref<!tpu.dma_semaphore, #tpu.memory_space<semaphore_mem>>) src(%dma_wait3A_89 : memref<28x128xi32, #tpu.memory_space<hbm>>) dst(%arg7 : memref<28x128xi32, #tpu.memory_space<vmem>>)
          tpu.yield
        }) : () -> ()
        %mul3A_34 = arith.constant 28 : i32
        %mul3A_35 = arith.muli %scan3A_30, %mul3A_34 : i32
        "tpu.region"() ({
          %run_scoped3A = tpu.sem_alloc : memref<!tpu.dma_semaphore, #tpu.memory_space<semaphore_mem>>
          %dma_start3A_78 = arith.constant 0 : i32
          %dma_start3A_79 = tpu.memref_slice %arg4[%arg1, %mul3A_35, %dma_start3A_78] : memref<16x392x128xi32, #tpu.memory_space<hbm>> -> memref<1x28x128xi32, #tpu.memory_space<hbm>>
          %dma_start3A_80 = tpu.memref_squeeze %dma_start3A_79 : memref<1x28x128xi32, #tpu.memory_space<hbm>> -> memref<28x128xi32, #tpu.memory_space<hbm>>
          %dma_start3A_81 = arith.constant 0 : i32
          %dma_start3A_82 = tpu.memref_slice %arg4[%arg1, %mul3A_35, %dma_start3A_81] : memref<16x392x128xi32, #tpu.memory_space<hbm>> -> memref<1x28x128xi32, #tpu.memory_space<hbm>>
          %dma_start3A_83 = tpu.memref_squeeze %dma_start3A_82 : memref<1x28x128xi32, #tpu.memory_space<hbm>> -> memref<28x128xi32, #tpu.memory_space<hbm>>
          tpu.enqueue_dma source(%dma_start3A_83 : memref<28x128xi32, #tpu.memory_space<hbm>>) target(%arg8 : memref<28x128xi32, #tpu.memory_space<vmem>>) target_semaphore(%run_scoped3A : memref<!tpu.dma_semaphore, #tpu.memory_space<semaphore_mem>>)
          %dma_wait3A_84 = arith.constant 0 : i32
          %dma_wait3A_85 = tpu.memref_slice %arg4[%arg1, %mul3A_35, %dma_wait3A_84] : memref<16x392x128xi32, #tpu.memory_space<hbm>> -> memref<1x28x128xi32, #tpu.memory_space<hbm>>
          %dma_wait3A_86 = tpu.memref_squeeze %dma_wait3A_85 : memref<1x28x128xi32, #tpu.memory_space<hbm>> -> memref<28x128xi32, #tpu.memory_space<hbm>>
          %dma_wait3A_87 = arith.constant 0 : i32
          %dma_wait3A_88 = tpu.memref_slice %arg4[%arg1, %mul3A_35, %dma_wait3A_87] : memref<16x392x128xi32, #tpu.memory_space<hbm>> -> memref<1x28x128xi32, #tpu.memory_space<hbm>>
          %dma_wait3A_89 = tpu.memref_squeeze %dma_wait3A_88 : memref<1x28x128xi32, #tpu.memory_space<hbm>> -> memref<28x128xi32, #tpu.memory_space<hbm>>
          tpu.wait_dma2 semaphore(%run_scoped3A : memref<!tpu.dma_semaphore, #tpu.memory_space<semaphore_mem>>) src(%dma_wait3A_89 : memref<28x128xi32, #tpu.memory_space<hbm>>) dst(%arg8 : memref<28x128xi32, #tpu.memory_space<vmem>>)
          tpu.yield
        }) : () -> ()
        %dma_start3A = arith.constant 0 : i32
        %dma_start3A_36 = arith.constant 0 : i32
        %dma_start3A_37 = tpu.memref_slice %arg7[%dma_start3A, %dma_start3A_36] : memref<28x128xi32, #tpu.memory_space<vmem>> -> memref<1x128xi32, #tpu.memory_space<vmem>>
        %dma_start3A_38 = tpu.memref_squeeze %dma_start3A_37 : memref<1x128xi32, #tpu.memory_space<vmem>> -> memref<128xi32, #tpu.memory_space<vmem>>
        %dma_start3A_39 = arith.constant 0 : i32
        %dma_start3A_40 = arith.constant 0 : i32
        %dma_start3A_41 = tpu.memref_slice %arg2[%scan3A_22, %dma_start3A_39, %dma_start3A_40] : memref<2x50000x32xf32, #tpu.memory_space<hbm>> -> memref<1x50000x32xf32, #tpu.memory_space<hbm>>
        %dma_start3A_42 = tpu.memref_squeeze %dma_start3A_41 : memref<1x50000x32xf32, #tpu.memory_space<hbm>> -> memref<50000x32xf32, #tpu.memory_space<hbm>>
        %dma_start3A_43 = arith.constant 0 : i32
        %dma_start3A_44 = arith.constant 0 : i32
        %dma_start3A_45 = tpu.memref_slice %dma_start3A_42[%dma_start3A_43, %dma_start3A_44] : memref<50000x32xf32, #tpu.memory_space<hbm>> -> memref<50000x32xf32, #tpu.memory_space<hbm>>
        tpu.enqueue_indirect_dma source(%dma_start3A_45 : memref<50000x32xf32, #tpu.memory_space<hbm>>) target(%arg9 : memref<128x32xf32, #tpu.memory_space<vmem>>) offsets(%dma_start3A_38 : memref<128xi32, #tpu.memory_space<vmem>>) semaphore(%arg15 : memref<!tpu.dma_semaphore, #tpu.memory_space<semaphore_mem>>)
        %dma_start3A_46 = arith.constant 1 : i32
        %dma_start3A_47 = arith.constant 0 : i32
        %dma_start3A_48 = tpu.memref_slice %arg7[%dma_start3A_46, %dma_start3A_47] : memref<28x128xi32, #tpu.memory_space<vmem>> -> memref<1x128xi32, #tpu.memory_space<vmem>>
        %dma_start3A_49 = tpu.memref_squeeze %dma_start3A_48 : memref<1x128xi32, #tpu.memory_space<vmem>> -> memref<128xi32, #tpu.memory_space<vmem>>
        %dma_start3A_50 = arith.constant 0 : i32
        %dma_start3A_51 = arith.constant 0 : i32
        %dma_start3A_52 = tpu.memref_slice %arg2[%scan3A_22, %dma_start3A_50, %dma_start3A_51] : memref<2x50000x32xf32, #tpu.memory_space<hbm>> -> memref<1x50000x32xf32, #tpu.memory_space<hbm>>
        %dma_start3A_53 = tpu.memref_squeeze %dma_start3A_52 : memref<1x50000x32xf32, #tpu.memory_space<hbm>> -> memref<50000x32xf32, #tpu.memory_space<hbm>>
        %dma_start3A_54 = arith.constant 0 : i32
        %dma_start3A_55 = arith.constant 0 : i32
        %dma_start3A_56 = tpu.memref_slice %dma_start3A_53[%dma_start3A_54, %dma_start3A_55] : memref<50000x32xf32, #tpu.memory_space<hbm>> -> memref<50000x32xf32, #tpu.memory_space<hbm>>
        tpu.enqueue_indirect_dma source(%dma_start3A_56 : memref<50000x32xf32, #tpu.memory_space<hbm>>) target(%arg10 : memref<128x32xf32, #tpu.memory_space<vmem>>) offsets(%dma_start3A_49 : memref<128xi32, #tpu.memory_space<vmem>>) semaphore(%arg16 : memref<!tpu.dma_semaphore, #tpu.memory_space<semaphore_mem>>)
        %scan3A_57 = arith.constant 0 : i32
        %scan3A_58 = arith.constant 0 : i32
        %scan3A_59 = arith.constant 7 : i32
        %scan3A_60 = arith.addi %scan3A_58, %scan3A_59 : i32
        %scan3A_61 = arith.constant 1 : i32
        %scan3A_62 = scf.for %scan3A_78 = %scan3A_58 to %scan3A_60 step %scan3A_61 iter_args(%scan3A_79 = %scan3A_57) -> (i32)  : i32 {
          %mul3A_80 = arith.constant 2 : i32
          %mul3A_81 = arith.muli %mul3A_80, %scan3A_78 : i32
          %mul3A_82 = arith.constant 2 : i32
          %mul3A_83 = arith.muli %mul3A_82, %mul3A_81 : i32
          %mul3A_84 = arith.constant 2 : i32
          %mul3A_85 = arith.muli %mul3A_84, %mul3A_81 : i32
          %add3A = arith.constant 1 : i32
          %add3A_86 = arith.addi %mul3A_85, %add3A : i32
          %gt3A = arith.constant 0 : i32
          %gt3A_87 = arith.cmpi sgt, %mul3A_81, %gt3A : i32
          %convert_element_type3A_88 = arith.extui %gt3A_87 : i1 to i32
          %cond3A_89 = arith.constant 0 : i32
          %cond3A_90 = arith.cmpi ne, %convert_element_type3A_88, %cond3A_89 : i32
          scf.if %cond3A_90 {
            %dma_wait3A_180 = arith.constant 0 : i32
            %dma_wait3A_181 = tpu.memref_slice %arg8[%mul3A_83, %dma_wait3A_180] : memref<28x128xi32, #tpu.memory_space<vmem>> -> memref<1x128xi32, #tpu.memory_space<vmem>>
            %dma_wait3A_182 = tpu.memref_squeeze %dma_wait3A_181 : memref<1x128xi32, #tpu.memory_space<vmem>> -> memref<128xi32, #tpu.memory_space<vmem>>
            %dma_wait3A_183 = arith.constant 0 : i32
            %dma_wait3A_184 = arith.constant 0 : i32
            %dma_wait3A_185 = tpu.memref_slice %arg14[%dma_wait3A_183, %dma_wait3A_184] : memref<51200x32xf32, #tpu.memory_space<vmem_shared>> -> memref<51200x32xf32, #tpu.memory_space<vmem_shared>>
            tpu.wait_indirect_dma semaphore(%arg21 : memref<!tpu.dma_semaphore, #tpu.memory_space<semaphore_mem>>) src(%arg11 : memref<128x32xf32, #tpu.memory_space<vmem>>) dst(%dma_wait3A_185 : memref<51200x32xf32, #tpu.memory_space<vmem_shared>>)
            %dma_wait3A_186 = arith.constant 0 : i32
            %dma_wait3A_187 = tpu.memref_slice %arg8[%add3A_86, %dma_wait3A_186] : memref<28x128xi32, #tpu.memory_space<vmem>> -> memref<1x128xi32, #tpu.memory_space<vmem>>
            %dma_wait3A_188 = tpu.memref_squeeze %dma_wait3A_187 : memref<1x128xi32, #tpu.memory_space<vmem>> -> memref<128xi32, #tpu.memory_space<vmem>>
            %dma_wait3A_189 = arith.constant 0 : i32
            %dma_wait3A_190 = arith.constant 0 : i32
            %dma_wait3A_191 = tpu.memref_slice %arg14[%dma_wait3A_189, %dma_wait3A_190] : memref<51200x32xf32, #tpu.memory_space<vmem_shared>> -> memref<51200x32xf32, #tpu.memory_space<vmem_shared>>
            tpu.wait_indirect_dma semaphore(%arg22 : memref<!tpu.dma_semaphore, #tpu.memory_space<semaphore_mem>>) src(%arg12 : memref<128x32xf32, #tpu.memory_space<vmem>>) dst(%dma_wait3A_191 : memref<51200x32xf32, #tpu.memory_space<vmem_shared>>)
          } else {
          }
          %lt3A = arith.constant 13 : i32
          %lt3A_91 = arith.cmpi slt, %mul3A_81, %lt3A : i32
          %convert_element_type3A_92 = arith.extui %lt3A_91 : i1 to i32
          %cond3A_93 = arith.constant 0 : i32
          %cond3A_94 = arith.cmpi ne, %convert_element_type3A_92, %cond3A_93 : i32
          scf.if %cond3A_94 {
            %add3A_180 = arith.constant 2 : i32
            %add3A_181 = arith.addi %mul3A_83, %add3A_180 : i32
            %dma_start3A_182 = arith.constant 0 : i32
            %dma_start3A_183 = tpu.memref_slice %arg7[%add3A_181, %dma_start3A_182] : memref<28x128xi32, #tpu.memory_space<vmem>> -> memref<1x128xi32, #tpu.memory_space<vmem>>
            %dma_start3A_184 = tpu.memref_squeeze %dma_start3A_183 : memref<1x128xi32, #tpu.memory_space<vmem>> -> memref<128xi32, #tpu.memory_space<vmem>>
            %dma_start3A_185 = arith.constant 0 : i32
            %dma_start3A_186 = arith.constant 0 : i32
            %dma_start3A_187 = tpu.memref_slice %arg2[%scan3A_22, %dma_start3A_185, %dma_start3A_186] : memref<2x50000x32xf32, #tpu.memory_space<hbm>> -> memref<1x50000x32xf32, #tpu.memory_space<hbm>>
            %dma_start3A_188 = tpu.memref_squeeze %dma_start3A_187 : memref<1x50000x32xf32, #tpu.memory_space<hbm>> -> memref<50000x32xf32, #tpu.memory_space<hbm>>
            %dma_start3A_189 = arith.constant 0 : i32
            %dma_start3A_190 = arith.constant 0 : i32
            %dma_start3A_191 = tpu.memref_slice %dma_start3A_188[%dma_start3A_189, %dma_start3A_190] : memref<50000x32xf32, #tpu.memory_space<hbm>> -> memref<50000x32xf32, #tpu.memory_space<hbm>>
            tpu.enqueue_indirect_dma source(%dma_start3A_191 : memref<50000x32xf32, #tpu.memory_space<hbm>>) target(%arg11 : memref<128x32xf32, #tpu.memory_space<vmem>>) offsets(%dma_start3A_184 : memref<128xi32, #tpu.memory_space<vmem>>) semaphore(%arg17 : memref<!tpu.dma_semaphore, #tpu.memory_space<semaphore_mem>>)
            %add3A_192 = arith.constant 2 : i32
            %add3A_193 = arith.addi %add3A_86, %add3A_192 : i32
            %dma_start3A_194 = arith.constant 0 : i32
            %dma_start3A_195 = tpu.memref_slice %arg7[%add3A_193, %dma_start3A_194] : memref<28x128xi32, #tpu.memory_space<vmem>> -> memref<1x128xi32, #tpu.memory_space<vmem>>
            %dma_start3A_196 = tpu.memref_squeeze %dma_start3A_195 : memref<1x128xi32, #tpu.memory_space<vmem>> -> memref<128xi32, #tpu.memory_space<vmem>>
            %dma_start3A_197 = arith.constant 0 : i32
            %dma_start3A_198 = arith.constant 0 : i32
            %dma_start3A_199 = tpu.memref_slice %arg2[%scan3A_22, %dma_start3A_197, %dma_start3A_198] : memref<2x50000x32xf32, #tpu.memory_space<hbm>> -> memref<1x50000x32xf32, #tpu.memory_space<hbm>>
            %dma_start3A_200 = tpu.memref_squeeze %dma_start3A_199 : memref<1x50000x32xf32, #tpu.memory_space<hbm>> -> memref<50000x32xf32, #tpu.memory_space<hbm>>
            %dma_start3A_201 = arith.constant 0 : i32
            %dma_start3A_202 = arith.constant 0 : i32
            %dma_start3A_203 = tpu.memref_slice %dma_start3A_200[%dma_start3A_201, %dma_start3A_202] : memref<50000x32xf32, #tpu.memory_space<hbm>> -> memref<50000x32xf32, #tpu.memory_space<hbm>>
            tpu.enqueue_indirect_dma source(%dma_start3A_203 : memref<50000x32xf32, #tpu.memory_space<hbm>>) target(%arg12 : memref<128x32xf32, #tpu.memory_space<vmem>>) offsets(%dma_start3A_196 : memref<128xi32, #tpu.memory_space<vmem>>) semaphore(%arg18 : memref<!tpu.dma_semaphore, #tpu.memory_space<semaphore_mem>>)
          } else {
          }
          %dma_wait3A_95 = arith.constant 0 : i32
          %dma_wait3A_96 = tpu.memref_slice %arg7[%mul3A_83, %dma_wait3A_95] : memref<28x128xi32, #tpu.memory_space<vmem>> -> memref<1x128xi32, #tpu.memory_space<vmem>>
          %dma_wait3A_97 = tpu.memref_squeeze %dma_wait3A_96 : memref<1x128xi32, #tpu.memory_space<vmem>> -> memref<128xi32, #tpu.memory_space<vmem>>
          %dma_wait3A_98 = arith.constant 0 : i32
          %dma_wait3A_99 = arith.constant 0 : i32
          %dma_wait3A_100 = tpu.memref_slice %arg2[%scan3A_22, %dma_wait3A_98, %dma_wait3A_99] : memref<2x50000x32xf32, #tpu.memory_space<hbm>> -> memref<1x50000x32xf32, #tpu.memory_space<hbm>>
          %dma_wait3A_101 = tpu.memref_squeeze %dma_wait3A_100 : memref<1x50000x32xf32, #tpu.memory_space<hbm>> -> memref<50000x32xf32, #tpu.memory_space<hbm>>
          %dma_wait3A_102 = arith.constant 0 : i32
          %dma_wait3A_103 = arith.constant 0 : i32
          %dma_wait3A_104 = tpu.memref_slice %dma_wait3A_101[%dma_wait3A_102, %dma_wait3A_103] : memref<50000x32xf32, #tpu.memory_space<hbm>> -> memref<50000x32xf32, #tpu.memory_space<hbm>>
          tpu.wait_indirect_dma semaphore(%arg15 : memref<!tpu.dma_semaphore, #tpu.memory_space<semaphore_mem>>) src(%dma_wait3A_104 : memref<50000x32xf32, #tpu.memory_space<hbm>>) dst(%arg9 : memref<128x32xf32, #tpu.memory_space<vmem>>)
          %dma_start3A_105 = arith.constant 0 : i32
          %dma_start3A_106 = tpu.memref_slice %arg8[%mul3A_83, %dma_start3A_105] : memref<28x128xi32, #tpu.memory_space<vmem>> -> memref<1x128xi32, #tpu.memory_space<vmem>>
          %dma_start3A_107 = tpu.memref_squeeze %dma_start3A_106 : memref<1x128xi32, #tpu.memory_space<vmem>> -> memref<128xi32, #tpu.memory_space<vmem>>
          %dma_start3A_108 = arith.constant 0 : i32
          %dma_start3A_109 = arith.constant 0 : i32
          %dma_start3A_110 = tpu.memref_slice %arg14[%dma_start3A_108, %dma_start3A_109] : memref<51200x32xf32, #tpu.memory_space<vmem_shared>> -> memref<51200x32xf32, #tpu.memory_space<vmem_shared>>
          tpu.enqueue_indirect_dma source(%arg9 : memref<128x32xf32, #tpu.memory_space<vmem>>) target(%dma_start3A_110 : memref<51200x32xf32, #tpu.memory_space<vmem_shared>>) offsets(%dma_start3A_107 : memref<128xi32, #tpu.memory_space<vmem>>) semaphore(%arg19 : memref<!tpu.dma_semaphore, #tpu.memory_space<semaphore_mem>>) {add = true}
          %dma_wait3A_111 = arith.constant 0 : i32
          %dma_wait3A_112 = tpu.memref_slice %arg7[%add3A_86, %dma_wait3A_111] : memref<28x128xi32, #tpu.memory_space<vmem>> -> memref<1x128xi32, #tpu.memory_space<vmem>>
          %dma_wait3A_113 = tpu.memref_squeeze %dma_wait3A_112 : memref<1x128xi32, #tpu.memory_space<vmem>> -> memref<128xi32, #tpu.memory_space<vmem>>
          %dma_wait3A_114 = arith.constant 0 : i32
          %dma_wait3A_115 = arith.constant 0 : i32
          %dma_wait3A_116 = tpu.memref_slice %arg2[%scan3A_22, %dma_wait3A_114, %dma_wait3A_115] : memref<2x50000x32xf32, #tpu.memory_space<hbm>> -> memref<1x50000x32xf32, #tpu.memory_space<hbm>>
          %dma_wait3A_117 = tpu.memref_squeeze %dma_wait3A_116 : memref<1x50000x32xf32, #tpu.memory_space<hbm>> -> memref<50000x32xf32, #tpu.memory_space<hbm>>
          %dma_wait3A_118 = arith.constant 0 : i32
          %dma_wait3A_119 = arith.constant 0 : i32
          %dma_wait3A_120 = tpu.memref_slice %dma_wait3A_117[%dma_wait3A_118, %dma_wait3A_119] : memref<50000x32xf32, #tpu.memory_space<hbm>> -> memref<50000x32xf32, #tpu.memory_space<hbm>>
          tpu.wait_indirect_dma semaphore(%arg16 : memref<!tpu.dma_semaphore, #tpu.memory_space<semaphore_mem>>) src(%dma_wait3A_120 : memref<50000x32xf32, #tpu.memory_space<hbm>>) dst(%arg10 : memref<128x32xf32, #tpu.memory_space<vmem>>)
          %dma_start3A_121 = arith.constant 0 : i32
          %dma_start3A_122 = tpu.memref_slice %arg8[%add3A_86, %dma_start3A_121] : memref<28x128xi32, #tpu.memory_space<vmem>> -> memref<1x128xi32, #tpu.memory_space<vmem>>
          %dma_start3A_123 = tpu.memref_squeeze %dma_start3A_122 : memref<1x128xi32, #tpu.memory_space<vmem>> -> memref<128xi32, #tpu.memory_space<vmem>>
          %dma_start3A_124 = arith.constant 0 : i32
          %dma_start3A_125 = arith.constant 0 : i32
          %dma_start3A_126 = tpu.memref_slice %arg14[%dma_start3A_124, %dma_start3A_125] : memref<51200x32xf32, #tpu.memory_space<vmem_shared>> -> memref<51200x32xf32, #tpu.memory_space<vmem_shared>>
          tpu.enqueue_indirect_dma source(%arg10 : memref<128x32xf32, #tpu.memory_space<vmem>>) target(%dma_start3A_126 : memref<51200x32xf32, #tpu.memory_space<vmem_shared>>) offsets(%dma_start3A_123 : memref<128xi32, #tpu.memory_space<vmem>>) semaphore(%arg20 : memref<!tpu.dma_semaphore, #tpu.memory_space<semaphore_mem>>) {add = true}
          %mul3A_127 = arith.constant 2 : i32
          %mul3A_128 = arith.muli %mul3A_127, %scan3A_78 : i32
          %add3A_129 = arith.constant 1 : i32
          %add3A_130 = arith.addi %mul3A_128, %add3A_129 : i32
          %mul3A_131 = arith.constant 2 : i32
          %mul3A_132 = arith.muli %mul3A_131, %add3A_130 : i32
          %mul3A_133 = arith.constant 2 : i32
          %mul3A_134 = arith.muli %mul3A_133, %add3A_130 : i32
          %add3A_135 = arith.constant 1 : i32
          %add3A_136 = arith.addi %mul3A_134, %add3A_135 : i32
          %gt3A_137 = arith.constant 0 : i32
          %gt3A_138 = arith.cmpi sgt, %add3A_130, %gt3A_137 : i32
          %convert_element_type3A_139 = arith.extui %gt3A_138 : i1 to i32
          %cond3A_140 = arith.constant 0 : i32
          %cond3A_141 = arith.cmpi ne, %convert_element_type3A_139, %cond3A_140 : i32
          scf.if %cond3A_141 {
            %dma_wait3A_180 = arith.constant 0 : i32
            %dma_wait3A_181 = tpu.memref_slice %arg8[%mul3A_132, %dma_wait3A_180] : memref<28x128xi32, #tpu.memory_space<vmem>> -> memref<1x128xi32, #tpu.memory_space<vmem>>
            %dma_wait3A_182 = tpu.memref_squeeze %dma_wait3A_181 : memref<1x128xi32, #tpu.memory_space<vmem>> -> memref<128xi32, #tpu.memory_space<vmem>>
            %dma_wait3A_183 = arith.constant 0 : i32
            %dma_wait3A_184 = arith.constant 0 : i32
            %dma_wait3A_185 = tpu.memref_slice %arg14[%dma_wait3A_183, %dma_wait3A_184] : memref<51200x32xf32, #tpu.memory_space<vmem_shared>> -> memref<51200x32xf32, #tpu.memory_space<vmem_shared>>
            tpu.wait_indirect_dma semaphore(%arg19 : memref<!tpu.dma_semaphore, #tpu.memory_space<semaphore_mem>>) src(%arg9 : memref<128x32xf32, #tpu.memory_space<vmem>>) dst(%dma_wait3A_185 : memref<51200x32xf32, #tpu.memory_space<vmem_shared>>)
            %dma_wait3A_186 = arith.constant 0 : i32
            %dma_wait3A_187 = tpu.memref_slice %arg8[%add3A_136, %dma_wait3A_186] : memref<28x128xi32, #tpu.memory_space<vmem>> -> memref<1x128xi32, #tpu.memory_space<vmem>>
            %dma_wait3A_188 = tpu.memref_squeeze %dma_wait3A_187 : memref<1x128xi32, #tpu.memory_space<vmem>> -> memref<128xi32, #tpu.memory_space<vmem>>
            %dma_wait3A_189 = arith.constant 0 : i32
            %dma_wait3A_190 = arith.constant 0 : i32
            %dma_wait3A_191 = tpu.memref_slice %arg14[%dma_wait3A_189, %dma_wait3A_190] : memref<51200x32xf32, #tpu.memory_space<vmem_shared>> -> memref<51200x32xf32, #tpu.memory_space<vmem_shared>>
            tpu.wait_indirect_dma semaphore(%arg20 : memref<!tpu.dma_semaphore, #tpu.memory_space<semaphore_mem>>) src(%arg10 : memref<128x32xf32, #tpu.memory_space<vmem>>) dst(%dma_wait3A_191 : memref<51200x32xf32, #tpu.memory_space<vmem_shared>>)
          } else {
          }
          %lt3A_142 = arith.constant 13 : i32
          %lt3A_143 = arith.cmpi slt, %add3A_130, %lt3A_142 : i32
          %convert_element_type3A_144 = arith.extui %lt3A_143 : i1 to i32
          %cond3A_145 = arith.constant 0 : i32
          %cond3A_146 = arith.cmpi ne, %convert_element_type3A_144, %cond3A_145 : i32
          scf.if %cond3A_146 {
            %add3A_180 = arith.constant 2 : i32
            %add3A_181 = arith.addi %mul3A_132, %add3A_180 : i32
            %dma_start3A_182 = arith.constant 0 : i32
            %dma_start3A_183 = tpu.memref_slice %arg7[%add3A_181, %dma_start3A_182] : memref<28x128xi32, #tpu.memory_space<vmem>> -> memref<1x128xi32, #tpu.memory_space<vmem>>
            %dma_start3A_184 = tpu.memref_squeeze %dma_start3A_183 : memref<1x128xi32, #tpu.memory_space<vmem>> -> memref<128xi32, #tpu.memory_space<vmem>>
            %dma_start3A_185 = arith.constant 0 : i32
            %dma_start3A_186 = arith.constant 0 : i32
            %dma_start3A_187 = tpu.memref_slice %arg2[%scan3A_22, %dma_start3A_185, %dma_start3A_186] : memref<2x50000x32xf32, #tpu.memory_space<hbm>> -> memref<1x50000x32xf32, #tpu.memory_space<hbm>>
            %dma_start3A_188 = tpu.memref_squeeze %dma_start3A_187 : memref<1x50000x32xf32, #tpu.memory_space<hbm>> -> memref<50000x32xf32, #tpu.memory_space<hbm>>
            %dma_start3A_189 = arith.constant 0 : i32
            %dma_start3A_190 = arith.constant 0 : i32
            %dma_start3A_191 = tpu.memref_slice %dma_start3A_188[%dma_start3A_189, %dma_start3A_190] : memref<50000x32xf32, #tpu.memory_space<hbm>> -> memref<50000x32xf32, #tpu.memory_space<hbm>>
            tpu.enqueue_indirect_dma source(%dma_start3A_191 : memref<50000x32xf32, #tpu.memory_space<hbm>>) target(%arg9 : memref<128x32xf32, #tpu.memory_space<vmem>>) offsets(%dma_start3A_184 : memref<128xi32, #tpu.memory_space<vmem>>) semaphore(%arg15 : memref<!tpu.dma_semaphore, #tpu.memory_space<semaphore_mem>>)
            %add3A_192 = arith.constant 2 : i32
            %add3A_193 = arith.addi %add3A_136, %add3A_192 : i32
            %dma_start3A_194 = arith.constant 0 : i32
            %dma_start3A_195 = tpu.memref_slice %arg7[%add3A_193, %dma_start3A_194] : memref<28x128xi32, #tpu.memory_space<vmem>> -> memref<1x128xi32, #tpu.memory_space<vmem>>
            %dma_start3A_196 = tpu.memref_squeeze %dma_start3A_195 : memref<1x128xi32, #tpu.memory_space<vmem>> -> memref<128xi32, #tpu.memory_space<vmem>>
            %dma_start3A_197 = arith.constant 0 : i32
            %dma_start3A_198 = arith.constant 0 : i32
            %dma_start3A_199 = tpu.memref_slice %arg2[%scan3A_22, %dma_start3A_197, %dma_start3A_198] : memref<2x50000x32xf32, #tpu.memory_space<hbm>> -> memref<1x50000x32xf32, #tpu.memory_space<hbm>>
            %dma_start3A_200 = tpu.memref_squeeze %dma_start3A_199 : memref<1x50000x32xf32, #tpu.memory_space<hbm>> -> memref<50000x32xf32, #tpu.memory_space<hbm>>
            %dma_start3A_201 = arith.constant 0 : i32
            %dma_start3A_202 = arith.constant 0 : i32
            %dma_start3A_203 = tpu.memref_slice %dma_start3A_200[%dma_start3A_201, %dma_start3A_202] : memref<50000x32xf32, #tpu.memory_space<hbm>> -> memref<50000x32xf32, #tpu.memory_space<hbm>>
            tpu.enqueue_indirect_dma source(%dma_start3A_203 : memref<50000x32xf32, #tpu.memory_space<hbm>>) target(%arg10 : memref<128x32xf32, #tpu.memory_space<vmem>>) offsets(%dma_start3A_196 : memref<128xi32, #tpu.memory_space<vmem>>) semaphore(%arg16 : memref<!tpu.dma_semaphore, #tpu.memory_space<semaphore_mem>>)
          } else {
          }
          %dma_wait3A_147 = arith.constant 0 : i32
          %dma_wait3A_148 = tpu.memref_slice %arg7[%mul3A_132, %dma_wait3A_147] : memref<28x128xi32, #tpu.memory_space<vmem>> -> memref<1x128xi32, #tpu.memory_space<vmem>>
          %dma_wait3A_149 = tpu.memref_squeeze %dma_wait3A_148 : memref<1x128xi32, #tpu.memory_space<vmem>> -> memref<128xi32, #tpu.memory_space<vmem>>
          %dma_wait3A_150 = arith.constant 0 : i32
          %dma_wait3A_151 = arith.constant 0 : i32
          %dma_wait3A_152 = tpu.memref_slice %arg2[%scan3A_22, %dma_wait3A_150, %dma_wait3A_151] : memref<2x50000x32xf32, #tpu.memory_space<hbm>> -> memref<1x50000x32xf32, #tpu.memory_space<hbm>>
          %dma_wait3A_153 = tpu.memref_squeeze %dma_wait3A_152 : memref<1x50000x32xf32, #tpu.memory_space<hbm>> -> memref<50000x32xf32, #tpu.memory_space<hbm>>
          %dma_wait3A_154 = arith.constant 0 : i32
          %dma_wait3A_155 = arith.constant 0 : i32
          %dma_wait3A_156 = tpu.memref_slice %dma_wait3A_153[%dma_wait3A_154, %dma_wait3A_155] : memref<50000x32xf32, #tpu.memory_space<hbm>> -> memref<50000x32xf32, #tpu.memory_space<hbm>>
          tpu.wait_indirect_dma semaphore(%arg17 : memref<!tpu.dma_semaphore, #tpu.memory_space<semaphore_mem>>) src(%dma_wait3A_156 : memref<50000x32xf32, #tpu.memory_space<hbm>>) dst(%arg11 : memref<128x32xf32, #tpu.memory_space<vmem>>)
          %dma_start3A_157 = arith.constant 0 : i32
          %dma_start3A_158 = tpu.memref_slice %arg8[%mul3A_132, %dma_start3A_157] : memref<28x128xi32, #tpu.memory_space<vmem>> -> memref<1x128xi32, #tpu.memory_space<vmem>>
          %dma_start3A_159 = tpu.memref_squeeze %dma_start3A_158 : memref<1x128xi32, #tpu.memory_space<vmem>> -> memref<128xi32, #tpu.memory_space<vmem>>
          %dma_start3A_160 = arith.constant 0 : i32
          %dma_start3A_161 = arith.constant 0 : i32
          %dma_start3A_162 = tpu.memref_slice %arg14[%dma_start3A_160, %dma_start3A_161] : memref<51200x32xf32, #tpu.memory_space<vmem_shared>> -> memref<51200x32xf32, #tpu.memory_space<vmem_shared>>
          tpu.enqueue_indirect_dma source(%arg11 : memref<128x32xf32, #tpu.memory_space<vmem>>) target(%dma_start3A_162 : memref<51200x32xf32, #tpu.memory_space<vmem_shared>>) offsets(%dma_start3A_159 : memref<128xi32, #tpu.memory_space<vmem>>) semaphore(%arg21 : memref<!tpu.dma_semaphore, #tpu.memory_space<semaphore_mem>>) {add = true}
          %dma_wait3A_163 = arith.constant 0 : i32
          %dma_wait3A_164 = tpu.memref_slice %arg7[%add3A_136, %dma_wait3A_163] : memref<28x128xi32, #tpu.memory_space<vmem>> -> memref<1x128xi32, #tpu.memory_space<vmem>>
          %dma_wait3A_165 = tpu.memref_squeeze %dma_wait3A_164 : memref<1x128xi32, #tpu.memory_space<vmem>> -> memref<128xi32, #tpu.memory_space<vmem>>
          %dma_wait3A_166 = arith.constant 0 : i32
          %dma_wait3A_167 = arith.constant 0 : i32
          %dma_wait3A_168 = tpu.memref_slice %arg2[%scan3A_22, %dma_wait3A_166, %dma_wait3A_167] : memref<2x50000x32xf32, #tpu.memory_space<hbm>> -> memref<1x50000x32xf32, #tpu.memory_space<hbm>>
          %dma_wait3A_169 = tpu.memref_squeeze %dma_wait3A_168 : memref<1x50000x32xf32, #tpu.memory_space<hbm>> -> memref<50000x32xf32, #tpu.memory_space<hbm>>
          %dma_wait3A_170 = arith.constant 0 : i32
          %dma_wait3A_171 = arith.constant 0 : i32
          %dma_wait3A_172 = tpu.memref_slice %dma_wait3A_169[%dma_wait3A_170, %dma_wait3A_171] : memref<50000x32xf32, #tpu.memory_space<hbm>> -> memref<50000x32xf32, #tpu.memory_space<hbm>>
          tpu.wait_indirect_dma semaphore(%arg18 : memref<!tpu.dma_semaphore, #tpu.memory_space<semaphore_mem>>) src(%dma_wait3A_172 : memref<50000x32xf32, #tpu.memory_space<hbm>>) dst(%arg12 : memref<128x32xf32, #tpu.memory_space<vmem>>)
          %dma_start3A_173 = arith.constant 0 : i32
          %dma_start3A_174 = tpu.memref_slice %arg8[%add3A_136, %dma_start3A_173] : memref<28x128xi32, #tpu.memory_space<vmem>> -> memref<1x128xi32, #tpu.memory_space<vmem>>
          %dma_start3A_175 = tpu.memref_squeeze %dma_start3A_174 : memref<1x128xi32, #tpu.memory_space<vmem>> -> memref<128xi32, #tpu.memory_space<vmem>>
          %dma_start3A_176 = arith.constant 0 : i32
          %dma_start3A_177 = arith.constant 0 : i32
          %dma_start3A_178 = tpu.memref_slice %arg14[%dma_start3A_176, %dma_start3A_177] : memref<51200x32xf32, #tpu.memory_space<vmem_shared>> -> memref<51200x32xf32, #tpu.memory_space<vmem_shared>>
          tpu.enqueue_indirect_dma source(%arg12 : memref<128x32xf32, #tpu.memory_space<vmem>>) target(%dma_start3A_178 : memref<51200x32xf32, #tpu.memory_space<vmem_shared>>) offsets(%dma_start3A_175 : memref<128xi32, #tpu.memory_space<vmem>>) semaphore(%arg22 : memref<!tpu.dma_semaphore, #tpu.memory_space<semaphore_mem>>) {add = true}
          %scan3A_179 = arith.constant 0 : i32
          scf.yield %scan3A_179 : i32
        }
        %scan3A_63 = arith.constant 7 : i32
        %dma_wait3A = arith.constant 0 : i32
        %dma_wait3A_64 = arith.constant 0 : i32
        %dma_wait3A_65 = tpu.memref_slice %arg8[%dma_wait3A, %dma_wait3A_64] : memref<28x128xi32, #tpu.memory_space<vmem>> -> memref<1x128xi32, #tpu.memory_space<vmem>>
        %dma_wait3A_66 = tpu.memref_squeeze %dma_wait3A_65 : memref<1x128xi32, #tpu.memory_space<vmem>> -> memref<128xi32, #tpu.memory_space<vmem>>
        %dma_wait3A_67 = arith.constant 0 : i32
        %dma_wait3A_68 = arith.constant 0 : i32
        %dma_wait3A_69 = tpu.memref_slice %arg14[%dma_wait3A_67, %dma_wait3A_68] : memref<51200x32xf32, #tpu.memory_space<vmem_shared>> -> memref<51200x32xf32, #tpu.memory_space<vmem_shared>>
        tpu.wait_indirect_dma semaphore(%arg21 : memref<!tpu.dma_semaphore, #tpu.memory_space<semaphore_mem>>) src(%arg11 : memref<128x32xf32, #tpu.memory_space<vmem>>) dst(%dma_wait3A_69 : memref<51200x32xf32, #tpu.memory_space<vmem_shared>>)
        %dma_wait3A_70 = arith.constant 1 : i32
        %dma_wait3A_71 = arith.constant 0 : i32
        %dma_wait3A_72 = tpu.memref_slice %arg8[%dma_wait3A_70, %dma_wait3A_71] : memref<28x128xi32, #tpu.memory_space<vmem>> -> memref<1x128xi32, #tpu.memory_space<vmem>>
        %dma_wait3A_73 = tpu.memref_squeeze %dma_wait3A_72 : memref<1x128xi32, #tpu.memory_space<vmem>> -> memref<128xi32, #tpu.memory_space<vmem>>
        %dma_wait3A_74 = arith.constant 0 : i32
        %dma_wait3A_75 = arith.constant 0 : i32
        %dma_wait3A_76 = tpu.memref_slice %arg14[%dma_wait3A_74, %dma_wait3A_75] : memref<51200x32xf32, #tpu.memory_space<vmem_shared>> -> memref<51200x32xf32, #tpu.memory_space<vmem_shared>>
        tpu.wait_indirect_dma semaphore(%arg22 : memref<!tpu.dma_semaphore, #tpu.memory_space<semaphore_mem>>) src(%arg12 : memref<128x32xf32, #tpu.memory_space<vmem>>) dst(%dma_wait3A_76 : memref<51200x32xf32, #tpu.memory_space<vmem_shared>>)
        %scan3A_77 = arith.constant 0 : i32
        scf.yield %scan3A_77 : i32
      }
      %scan3A_29 = arith.constant 14 : i32
    } else {
    }
    %barrier3A_14 = arith.constant 0 : index
    tpu.barrier barrier_id(%barrier3A_14)
    %scan3A_15 = arith.constant 0 : i32
    %scan3A_16 = arith.constant 0 : i32
    %scan3A_17 = arith.constant 25 : i32
    %scan3A_18 = arith.addi %scan3A_16, %scan3A_17 : i32
    %scan3A_19 = arith.constant 1 : i32
    %scan3A_20 = scf.for %scan3A_22 = %scan3A_16 to %scan3A_18 step %scan3A_19 iter_args(%scan3A_23 = %scan3A_15) -> (i32)  : i32 {
      %mul3A_24 = arith.constant 128 : i32
      %mul3A_25 = arith.muli %scan3A_22, %mul3A_24 : i32
      %add3A = arith.addi %mul3A_0, %mul3A_25 : i32
      "tpu.region"() ({
        %run_scoped3A = tpu.sem_alloc : memref<!tpu.dma_semaphore, #tpu.memory_space<semaphore_mem>>
        %dma_start3A = arith.constant 0 : i32
        %dma_start3A_33 = tpu.memref_slice %arg14[%add3A, %dma_start3A] : memref<51200x32xf32, #tpu.memory_space<vmem_shared>> -> memref<128x32xf32, #tpu.memory_space<vmem_shared>>
        %dma_start3A_34 = arith.constant 0 : i32
        %dma_start3A_35 = tpu.memref_slice %arg14[%add3A, %dma_start3A_34] : memref<51200x32xf32, #tpu.memory_space<vmem_shared>> -> memref<128x32xf32, #tpu.memory_space<vmem_shared>>
        tpu.enqueue_dma source(%dma_start3A_35 : memref<128x32xf32, #tpu.memory_space<vmem_shared>>) target(%arg9 : memref<128x32xf32, #tpu.memory_space<vmem>>) target_semaphore(%run_scoped3A : memref<!tpu.dma_semaphore, #tpu.memory_space<semaphore_mem>>)
        %dma_wait3A = arith.constant 0 : i32
        %dma_wait3A_36 = tpu.memref_slice %arg14[%add3A, %dma_wait3A] : memref<51200x32xf32, #tpu.memory_space<vmem_shared>> -> memref<128x32xf32, #tpu.memory_space<vmem_shared>>
        %dma_wait3A_37 = arith.constant 0 : i32
        %dma_wait3A_38 = tpu.memref_slice %arg14[%add3A, %dma_wait3A_37] : memref<51200x32xf32, #tpu.memory_space<vmem_shared>> -> memref<128x32xf32, #tpu.memory_space<vmem_shared>>
        tpu.wait_dma2 semaphore(%run_scoped3A : memref<!tpu.dma_semaphore, #tpu.memory_space<semaphore_mem>>) src(%dma_wait3A_38 : memref<128x32xf32, #tpu.memory_space<vmem_shared>>) dst(%arg9 : memref<128x32xf32, #tpu.memory_space<vmem>>)
        tpu.yield
      }) : () -> ()
      %mul3A_26 = arith.constant 51200 : i32
      %mul3A_27 = arith.muli %arg0, %mul3A_26 : i32
      %add3A_28 = arith.addi %mul3A_27, %mul3A_0 : i32
      %mul3A_29 = arith.constant 128 : i32
      %mul3A_30 = arith.muli %scan3A_22, %mul3A_29 : i32
      %add3A_31 = arith.addi %add3A_28, %mul3A_30 : i32
      "tpu.region"() ({
        %run_scoped3A = tpu.sem_alloc : memref<!tpu.dma_semaphore, #tpu.memory_space<semaphore_mem>>
        %dma_start3A = arith.constant 0 : i32
        %dma_start3A_33 = tpu.memref_slice %arg6[%add3A_31, %dma_start3A] : memref<102400x32xf32, #tpu.memory_space<hbm>> -> memref<128x32xf32, #tpu.memory_space<hbm>>
        %dma_start3A_34 = arith.constant 0 : i32
        %dma_start3A_35 = tpu.memref_slice %arg6[%add3A_31, %dma_start3A_34] : memref<102400x32xf32, #tpu.memory_space<hbm>> -> memref<128x32xf32, #tpu.memory_space<hbm>>
        tpu.enqueue_dma source(%arg9 : memref<128x32xf32, #tpu.memory_space<vmem>>) target(%dma_start3A_35 : memref<128x32xf32, #tpu.memory_space<hbm>>) target_semaphore(%run_scoped3A : memref<!tpu.dma_semaphore, #tpu.memory_space<semaphore_mem>>)
        %dma_wait3A = arith.constant 0 : i32
        %dma_wait3A_36 = tpu.memref_slice %arg6[%add3A_31, %dma_wait3A] : memref<102400x32xf32, #tpu.memory_space<hbm>> -> memref<128x32xf32, #tpu.memory_space<hbm>>
        %dma_wait3A_37 = arith.constant 0 : i32
        %dma_wait3A_38 = tpu.memref_slice %arg6[%add3A_31, %dma_wait3A_37] : memref<102400x32xf32, #tpu.memory_space<hbm>> -> memref<128x32xf32, #tpu.memory_space<hbm>>
        tpu.wait_dma2 semaphore(%run_scoped3A : memref<!tpu.dma_semaphore, #tpu.memory_space<semaphore_mem>>) src(%arg9 : memref<128x32xf32, #tpu.memory_space<vmem>>) dst(%dma_wait3A_38 : memref<128x32xf32, #tpu.memory_space<hbm>>)
        tpu.yield
      }) : () -> ()
      %scan3A_32 = arith.constant 0 : i32
      scf.yield %scan3A_32 : i32
    }
    %scan3A_21 = arith.constant 25 : i32
    return
  }
}

module attributes {stable_mosaic.version = 14 : i64} {
  func.func @_prep1_body(%arg0: i32, %arg1: memref<2x2000x16xf32, #tpu.memory_space<vmem>>, %arg2: memref<2000x64xf32, #tpu.memory_space<vmem>>, %arg3: memref<64x64xf32, #tpu.memory_space<vmem>>, %arg4: memref<2x2000x32xf32, #tpu.memory_space<vmem>>, %arg5: memref<2000x64xf32, #tpu.memory_space<vmem>>) attributes {dimension_semantics = [#tpu.dimension_semantics<arbitrary>], iteration_bounds = array<i64: 25>, scalar_prefetch = 0 : i64, scratch_operands = 0 : i64, tpu.core_type = #tpu.core_type<tc>, window_params = [{transform_indices = @transform_0, window_bounds = array<i64: 2, 2000, 16>}, {transform_indices = @transform_1, window_bounds = array<i64: 2000, 64>}, {pipeline_mode = #tpu.pipeline_mode<synchronous>, transform_indices = @transform_2, window_bounds = array<i64: 64, 64>}, {transform_indices = @transform_3, window_bounds = array<i64: 2, 2000, 32>}, {transform_indices = @transform_4, window_bounds = array<i64: 2000, 64>}]} {
    %get3A = arith.constant 0 : index
    %get3A_0 = arith.constant 0 : index
    %get3A_1 = arith.constant 0 : index
    %get3A_2 = vector.load %arg1[%get3A, %get3A_0, %get3A_1] : memref<2x2000x16xf32, #tpu.memory_space<vmem>>, vector<1x2000x16xf32>
    %get3A_3 = vector.shape_cast %get3A_2 : vector<1x2000x16xf32> to vector<2000x16xf32>
    %slice3A = vector.extract_strided_slice %get3A_3 {offsets = [0, 0], sizes = [2000, 1], strides = [1, 1]} : vector<2000x16xf32> to vector<2000x1xf32>
    %get3A_4 = arith.constant 1 : index
    %get3A_5 = arith.constant 0 : index
    %get3A_6 = arith.constant 0 : index
    %get3A_7 = vector.load %arg1[%get3A_4, %get3A_5, %get3A_6] : memref<2x2000x16xf32, #tpu.memory_space<vmem>>, vector<1x2000x16xf32>
    %get3A_8 = vector.shape_cast %get3A_7 : vector<1x2000x16xf32> to vector<2000x16xf32>
    %slice3A_9 = vector.extract_strided_slice %get3A_8 {offsets = [0, 0], sizes = [2000, 1], strides = [1, 1]} : vector<2000x16xf32> to vector<2000x1xf32>
    %add3A = arith.addf %slice3A, %slice3A_9 : vector<2000x1xf32>
    %add3A_10 = arith.constant 1.000000e+00 : f32
    %add3A_11 = vector.broadcast %add3A_10 : f32 to vector<2000x1xf32>
    %add3A_12 = arith.addf %add3A, %add3A_11 : vector<2000x1xf32>
    %rsqrt3A = math.rsqrt %add3A_12 : vector<2000x1xf32>
    %get3A_13 = arith.constant 0 : index
    %get3A_14 = arith.constant 0 : index
    %get3A_15 = vector.load %arg2[%get3A_13, %get3A_14] : memref<2000x64xf32, #tpu.memory_space<vmem>>, vector<2000x64xf32>
    %get3A_16 = arith.constant 0 : index
    %get3A_17 = arith.constant 0 : index
    %get3A_18 = vector.load %arg3[%get3A_16, %get3A_17] : memref<64x64xf32, #tpu.memory_space<vmem>>, vector<64x64xf32>
    %dot_general3A = arith.constant dense<0.000000e+00> : vector<2000x64xf32>
    %dot_general3A_19 = tpu.matmul %get3A_15, %get3A_18, %dot_general3A {dimension_numbers = #tpu.dot_dimension_numbers<[1], [0], [0], [1], [0, 0, 1, 1], [], []>, transpose_lhs_hint = false} : vector<2000x64xf32>, vector<64x64xf32>, vector<2000x64xf32> -> vector<2000x64xf32>
    %swap3A = arith.constant 0 : index
    %swap3A_20 = arith.constant 0 : index
    %swap3A_21 = vector.load %arg5[%swap3A, %swap3A_20] : memref<2000x64xf32, #tpu.memory_space<vmem>>, vector<2000x64xf32>
    tpu.vector_store %arg5[%swap3A, %swap3A_20], %dot_general3A_19 {strides = array<i32>} : memref<2000x64xf32, #tpu.memory_space<vmem>>, vector<2000x64xf32>,
    %mul3A = vector.broadcast %rsqrt3A : vector<2000x1xf32> to vector<2000x64xf32>
    %mul3A_22 = arith.mulf %dot_general3A_19, %mul3A : vector<2000x64xf32>
    %slice3A_23 = vector.extract_strided_slice %mul3A_22 {offsets = [0, 0], sizes = [2000, 32], strides = [1, 1]} : vector<2000x64xf32> to vector<2000x32xf32>
    %swap3A_24 = arith.constant 0 : index
    %swap3A_25 = arith.constant 0 : index
    %swap3A_26 = arith.constant 0 : index
    %swap3A_27 = vector.load %arg4[%swap3A_24, %swap3A_25, %swap3A_26] : memref<2x2000x32xf32, #tpu.memory_space<vmem>>, vector<1x2000x32xf32>
    %swap3A_28 = vector.shape_cast %swap3A_27 : vector<1x2000x32xf32> to vector<2000x32xf32>
    %swap3A_29 = vector.shape_cast %slice3A_23 : vector<2000x32xf32> to vector<1x2000x32xf32>
    tpu.vector_store %arg4[%swap3A_24, %swap3A_25, %swap3A_26], %swap3A_29 {strides = array<i32>} : memref<2x2000x32xf32, #tpu.memory_space<vmem>>, vector<1x2000x32xf32>,
    %slice3A_30 = vector.extract_strided_slice %mul3A_22 {offsets = [0, 32], sizes = [2000, 32], strides = [1, 1]} : vector<2000x64xf32> to vector<2000x32xf32>
    %swap3A_31 = arith.constant 1 : index
    %swap3A_32 = arith.constant 0 : index
    %swap3A_33 = arith.constant 0 : index
    %swap3A_34 = vector.load %arg4[%swap3A_31, %swap3A_32, %swap3A_33] : memref<2x2000x32xf32, #tpu.memory_space<vmem>>, vector<1x2000x32xf32>
    %swap3A_35 = vector.shape_cast %swap3A_34 : vector<1x2000x32xf32> to vector<2000x32xf32>
    %swap3A_36 = vector.shape_cast %slice3A_30 : vector<2000x32xf32> to vector<1x2000x32xf32>
    tpu.vector_store %arg4[%swap3A_31, %swap3A_32, %swap3A_33], %swap3A_36 {strides = array<i32>} : memref<2x2000x32xf32, #tpu.memory_space<vmem>>, vector<1x2000x32xf32>,
    return
  }
  func.func @transform_0(%arg0: i32) -> (i32, i32, i32) {
    %c0_i32 = arith.constant 0 : i32
    %c0_i32_0 = arith.constant 0 : i32
    %c0_i32_1 = arith.constant 0 : i32
    return %c0_i32, %arg0, %c0_i32_0 : i32, i32, i32
  }
  func.func @transform_1(%arg0: i32) -> (i32, i32) {
    %c0_i32 = arith.constant 0 : i32
    %c0_i32_0 = arith.constant 0 : i32
    return %arg0, %c0_i32 : i32, i32
  }
  func.func @transform_2(%arg0: i32) -> (i32, i32) {
    %c0_i32 = arith.constant 0 : i32
    %c0_i32_0 = arith.constant 0 : i32
    %c0_i32_1 = arith.constant 0 : i32
    return %c0_i32, %c0_i32_0 : i32, i32
  }
  func.func @transform_3(%arg0: i32) -> (i32, i32, i32) {
    %c0_i32 = arith.constant 0 : i32
    %c0_i32_0 = arith.constant 0 : i32
    %c0_i32_1 = arith.constant 0 : i32
    return %c0_i32, %arg0, %c0_i32_0 : i32, i32, i32
  }
  func.func @transform_4(%arg0: i32) -> (i32, i32) {
    %c0_i32 = arith.constant 0 : i32
    %c0_i32_0 = arith.constant 0 : i32
    return %arg0, %c0_i32 : i32, i32
  }
}

module attributes {stable_mosaic.version = 14 : i64} {
  func.func @_mid_body(%arg0: i32, %arg1: memref<2x2000x16xf32, #tpu.memory_space<vmem>>, %arg2: memref<2x2000x32xf32, #tpu.memory_space<vmem>>, %arg3: memref<2000x64xf32, #tpu.memory_space<vmem>>, %arg4: memref<1x64xf32, #tpu.memory_space<vmem>>, %arg5: memref<64x64xf32, #tpu.memory_space<vmem>>, %arg6: memref<2x2000x32xf32, #tpu.memory_space<vmem>>, %arg7: memref<2000x64xf32, #tpu.memory_space<vmem>>) attributes {dimension_semantics = [#tpu.dimension_semantics<arbitrary>], iteration_bounds = array<i64: 25>, scalar_prefetch = 0 : i64, scratch_operands = 0 : i64, tpu.core_type = #tpu.core_type<tc>, window_params = [{transform_indices = @transform_0, window_bounds = array<i64: 2, 2000, 16>}, {transform_indices = @transform_1, window_bounds = array<i64: 2, 2000, 32>}, {transform_indices = @transform_2, window_bounds = array<i64: 2000, 64>}, {pipeline_mode = #tpu.pipeline_mode<synchronous>, transform_indices = @transform_3, window_bounds = array<i64: 1, 64>}, {pipeline_mode = #tpu.pipeline_mode<synchronous>, transform_indices = @transform_4, window_bounds = array<i64: 64, 64>}, {transform_indices = @transform_5, window_bounds = array<i64: 2, 2000, 32>}, {transform_indices = @transform_6, window_bounds = array<i64: 2000, 64>}]} {
    %get3A = arith.constant 0 : index
    %get3A_0 = arith.constant 0 : index
    %get3A_1 = arith.constant 0 : index
    %get3A_2 = vector.load %arg1[%get3A, %get3A_0, %get3A_1] : memref<2x2000x16xf32, #tpu.memory_space<vmem>>, vector<1x2000x16xf32>
    %get3A_3 = vector.shape_cast %get3A_2 : vector<1x2000x16xf32> to vector<2000x16xf32>
    %slice3A = vector.extract_strided_slice %get3A_3 {offsets = [0, 0], sizes = [2000, 1], strides = [1, 1]} : vector<2000x16xf32> to vector<2000x1xf32>
    %get3A_4 = arith.constant 1 : index
    %get3A_5 = arith.constant 0 : index
    %get3A_6 = arith.constant 0 : index
    %get3A_7 = vector.load %arg1[%get3A_4, %get3A_5, %get3A_6] : memref<2x2000x16xf32, #tpu.memory_space<vmem>>, vector<1x2000x16xf32>
    %get3A_8 = vector.shape_cast %get3A_7 : vector<1x2000x16xf32> to vector<2000x16xf32>
    %slice3A_9 = vector.extract_strided_slice %get3A_8 {offsets = [0, 0], sizes = [2000, 1], strides = [1, 1]} : vector<2000x16xf32> to vector<2000x1xf32>
    %add3A = arith.addf %slice3A, %slice3A_9 : vector<2000x1xf32>
    %add3A_10 = arith.constant 1.000000e+00 : f32
    %add3A_11 = vector.broadcast %add3A_10 : f32 to vector<2000x1xf32>
    %add3A_12 = arith.addf %add3A, %add3A_11 : vector<2000x1xf32>
    %rsqrt3A = math.rsqrt %add3A_12 : vector<2000x1xf32>
    %get3A_13 = arith.constant 0 : index
    %get3A_14 = arith.constant 0 : index
    %get3A_15 = arith.constant 0 : index
    %get3A_16 = vector.load %arg2[%get3A_13, %get3A_14, %get3A_15] : memref<2x2000x32xf32, #tpu.memory_space<vmem>>, vector<1x2000x32xf32>
    %get3A_17 = vector.shape_cast %get3A_16 : vector<1x2000x32xf32> to vector<2000x32xf32>
    %get3A_18 = arith.constant 1 : index
    %get3A_19 = arith.constant 0 : index
    %get3A_20 = arith.constant 0 : index
    %get3A_21 = vector.load %arg2[%get3A_18, %get3A_19, %get3A_20] : memref<2x2000x32xf32, #tpu.memory_space<vmem>>, vector<1x2000x32xf32>
    %get3A_22 = vector.shape_cast %get3A_21 : vector<1x2000x32xf32> to vector<2000x32xf32>
    %concatenate3A = tpu.concatenate %get3A_17, %get3A_22 in 1 : vector<2000x32xf32>, vector<2000x32xf32> -> vector<2000x64xf32>
    %mul3A = vector.broadcast %rsqrt3A : vector<2000x1xf32> to vector<2000x64xf32>
    %mul3A_23 = arith.mulf %concatenate3A, %mul3A : vector<2000x64xf32>
    %get3A_24 = arith.constant 0 : index
    %get3A_25 = arith.constant 0 : index
    %get3A_26 = vector.load %arg3[%get3A_24, %get3A_25] : memref<2000x64xf32, #tpu.memory_space<vmem>>, vector<2000x64xf32>
    %mul3A_27 = arith.mulf %rsqrt3A, %rsqrt3A : vector<2000x1xf32>
    %mul3A_28 = vector.broadcast %mul3A_27 : vector<2000x1xf32> to vector<2000x64xf32>
    %mul3A_29 = arith.mulf %get3A_26, %mul3A_28 : vector<2000x64xf32>
    %add3A_30 = arith.addf %mul3A_23, %mul3A_29 : vector<2000x64xf32>
    %get3A_31 = arith.constant 0 : index
    %get3A_32 = arith.constant 0 : index
    %get3A_33 = vector.load %arg4[%get3A_31, %get3A_32] : memref<1x64xf32, #tpu.memory_space<vmem>>, vector<1x64xf32>
    %add3A_34 = vector.broadcast %get3A_33 : vector<1x64xf32> to vector<2000x64xf32>
    %add3A_35 = arith.addf %add3A_30, %add3A_34 : vector<2000x64xf32>
    %max3A = arith.constant 0.000000e+00 : f32
    %max3A_36 = vector.broadcast %max3A : f32 to vector<2000x64xf32>
    %max3A_37 = arith.maximumf %add3A_35, %max3A_36 : vector<2000x64xf32>
    %get3A_38 = arith.constant 0 : index
    %get3A_39 = arith.constant 0 : index
    %get3A_40 = vector.load %arg5[%get3A_38, %get3A_39] : memref<64x64xf32, #tpu.memory_space<vmem>>, vector<64x64xf32>
    %dot_general3A = arith.constant dense<0.000000e+00> : vector<2000x64xf32>
    %dot_general3A_41 = tpu.matmul %max3A_37, %get3A_40, %dot_general3A {dimension_numbers = #tpu.dot_dimension_numbers<[1], [0], [0], [1], [0, 0, 1, 1], [], []>, transpose_lhs_hint = false} : vector<2000x64xf32>, vector<64x64xf32>, vector<2000x64xf32> -> vector<2000x64xf32>
    %swap3A = arith.constant 0 : index
    %swap3A_42 = arith.constant 0 : index
    %swap3A_43 = vector.load %arg7[%swap3A, %swap3A_42] : memref<2000x64xf32, #tpu.memory_space<vmem>>, vector<2000x64xf32>
    tpu.vector_store %arg7[%swap3A, %swap3A_42], %dot_general3A_41 {strides = array<i32>} : memref<2000x64xf32, #tpu.memory_space<vmem>>, vector<2000x64xf32>,
    %mul3A_44 = vector.broadcast %rsqrt3A : vector<2000x1xf32> to vector<2000x64xf32>
    %mul3A_45 = arith.mulf %dot_general3A_41, %mul3A_44 : vector<2000x64xf32>
    %slice3A_46 = vector.extract_strided_slice %mul3A_45 {offsets = [0, 0], sizes = [2000, 32], strides = [1, 1]} : vector<2000x64xf32> to vector<2000x32xf32>
    %swap3A_47 = arith.constant 0 : index
    %swap3A_48 = arith.constant 0 : index
    %swap3A_49 = arith.constant 0 : index
    %swap3A_50 = vector.load %arg6[%swap3A_47, %swap3A_48, %swap3A_49] : memref<2x2000x32xf32, #tpu.memory_space<vmem>>, vector<1x2000x32xf32>
    %swap3A_51 = vector.shape_cast %swap3A_50 : vector<1x2000x32xf32> to vector<2000x32xf32>
    %swap3A_52 = vector.shape_cast %slice3A_46 : vector<2000x32xf32> to vector<1x2000x32xf32>
    tpu.vector_store %arg6[%swap3A_47, %swap3A_48, %swap3A_49], %swap3A_52 {strides = array<i32>} : memref<2x2000x32xf32, #tpu.memory_space<vmem>>, vector<1x2000x32xf32>,
    %slice3A_53 = vector.extract_strided_slice %mul3A_45 {offsets = [0, 32], sizes = [2000, 32], strides = [1, 1]} : vector<2000x64xf32> to vector<2000x32xf32>
    %swap3A_54 = arith.constant 1 : index
    %swap3A_55 = arith.constant 0 : index
    %swap3A_56 = arith.constant 0 : index
    %swap3A_57 = vector.load %arg6[%swap3A_54, %swap3A_55, %swap3A_56] : memref<2x2000x32xf32, #tpu.memory_space<vmem>>, vector<1x2000x32xf32>
    %swap3A_58 = vector.shape_cast %swap3A_57 : vector<1x2000x32xf32> to vector<2000x32xf32>
    %swap3A_59 = vector.shape_cast %slice3A_53 : vector<2000x32xf32> to vector<1x2000x32xf32>
    tpu.vector_store %arg6[%swap3A_54, %swap3A_55, %swap3A_56], %swap3A_59 {strides = array<i32>} : memref<2x2000x32xf32, #tpu.memory_space<vmem>>, vector<1x2000x32xf32>,
    return
  }
  func.func @transform_0(%arg0: i32) -> (i32, i32, i32) {
    %c0_i32 = arith.constant 0 : i32
    %c0_i32_0 = arith.constant 0 : i32
    %c0_i32_1 = arith.constant 0 : i32
    return %c0_i32, %arg0, %c0_i32_0 : i32, i32, i32
  }
  func.func @transform_1(%arg0: i32) -> (i32, i32, i32) {
    %c0_i32 = arith.constant 0 : i32
    %c0_i32_0 = arith.constant 0 : i32
    %c0_i32_1 = arith.constant 0 : i32
    return %c0_i32, %arg0, %c0_i32_0 : i32, i32, i32
  }
  func.func @transform_2(%arg0: i32) -> (i32, i32) {
    %c0_i32 = arith.constant 0 : i32
    %c0_i32_0 = arith.constant 0 : i32
    return %arg0, %c0_i32 : i32, i32
  }
  func.func @transform_3(%arg0: i32) -> (i32, i32) {
    %c0_i32 = arith.constant 0 : i32
    %c0_i32_0 = arith.constant 0 : i32
    %c0_i32_1 = arith.constant 0 : i32
    return %c0_i32, %c0_i32_0 : i32, i32
  }
  func.func @transform_4(%arg0: i32) -> (i32, i32) {
    %c0_i32 = arith.constant 0 : i32
    %c0_i32_0 = arith.constant 0 : i32
    %c0_i32_1 = arith.constant 0 : i32
    return %c0_i32, %c0_i32_0 : i32, i32
  }
  func.func @transform_5(%arg0: i32) -> (i32, i32, i32) {
    %c0_i32 = arith.constant 0 : i32
    %c0_i32_0 = arith.constant 0 : i32
    %c0_i32_1 = arith.constant 0 : i32
    return %c0_i32, %arg0, %c0_i32_0 : i32, i32, i32
  }
  func.func @transform_6(%arg0: i32) -> (i32, i32) {
    %c0_i32 = arith.constant 0 : i32
    %c0_i32_0 = arith.constant 0 : i32
    return %arg0, %c0_i32 : i32, i32
  }
}

module attributes {stable_mosaic.version = 14 : i64} {
  func.func @_fin_body(%arg0: i32, %arg1: memref<2x2000x16xf32, #tpu.memory_space<vmem>>, %arg2: memref<2x2000x32xf32, #tpu.memory_space<vmem>>, %arg3: memref<2000x64xf32, #tpu.memory_space<vmem>>, %arg4: memref<1x64xf32, #tpu.memory_space<vmem>>, %arg5: memref<2000x64xf32, #tpu.memory_space<vmem>>) attributes {dimension_semantics = [#tpu.dimension_semantics<arbitrary>], iteration_bounds = array<i64: 25>, scalar_prefetch = 0 : i64, scratch_operands = 0 : i64, tpu.core_type = #tpu.core_type<tc>, window_params = [{transform_indices = @transform_0, window_bounds = array<i64: 2, 2000, 16>}, {transform_indices = @transform_1, window_bounds = array<i64: 2, 2000, 32>}, {transform_indices = @transform_2, window_bounds = array<i64: 2000, 64>}, {pipeline_mode = #tpu.pipeline_mode<synchronous>, transform_indices = @transform_3, window_bounds = array<i64: 1, 64>}, {transform_indices = @transform_4, window_bounds = array<i64: 2000, 64>}]} {
    %get3A = arith.constant 0 : index
    %get3A_0 = arith.constant 0 : index
    %get3A_1 = arith.constant 0 : index
    %get3A_2 = vector.load %arg1[%get3A, %get3A_0, %get3A_1] : memref<2x2000x16xf32, #tpu.memory_space<vmem>>, vector<1x2000x16xf32>
    %get3A_3 = vector.shape_cast %get3A_2 : vector<1x2000x16xf32> to vector<2000x16xf32>
    %slice3A = vector.extract_strided_slice %get3A_3 {offsets = [0, 0], sizes = [2000, 1], strides = [1, 1]} : vector<2000x16xf32> to vector<2000x1xf32>
    %get3A_4 = arith.constant 1 : index
    %get3A_5 = arith.constant 0 : index
    %get3A_6 = arith.constant 0 : index
    %get3A_7 = vector.load %arg1[%get3A_4, %get3A_5, %get3A_6] : memref<2x2000x16xf32, #tpu.memory_space<vmem>>, vector<1x2000x16xf32>
    %get3A_8 = vector.shape_cast %get3A_7 : vector<1x2000x16xf32> to vector<2000x16xf32>
    %slice3A_9 = vector.extract_strided_slice %get3A_8 {offsets = [0, 0], sizes = [2000, 1], strides = [1, 1]} : vector<2000x16xf32> to vector<2000x1xf32>
    %add3A = arith.addf %slice3A, %slice3A_9 : vector<2000x1xf32>
    %add3A_10 = arith.constant 1.000000e+00 : f32
    %add3A_11 = vector.broadcast %add3A_10 : f32 to vector<2000x1xf32>
    %add3A_12 = arith.addf %add3A, %add3A_11 : vector<2000x1xf32>
    %rsqrt3A = math.rsqrt %add3A_12 : vector<2000x1xf32>
    %get3A_13 = arith.constant 0 : index
    %get3A_14 = arith.constant 0 : index
    %get3A_15 = arith.constant 0 : index
    %get3A_16 = vector.load %arg2[%get3A_13, %get3A_14, %get3A_15] : memref<2x2000x32xf32, #tpu.memory_space<vmem>>, vector<1x2000x32xf32>
    %get3A_17 = vector.shape_cast %get3A_16 : vector<1x2000x32xf32> to vector<2000x32xf32>
    %get3A_18 = arith.constant 1 : index
    %get3A_19 = arith.constant 0 : index
    %get3A_20 = arith.constant 0 : index
    %get3A_21 = vector.load %arg2[%get3A_18, %get3A_19, %get3A_20] : memref<2x2000x32xf32, #tpu.memory_space<vmem>>, vector<1x2000x32xf32>
    %get3A_22 = vector.shape_cast %get3A_21 : vector<1x2000x32xf32> to vector<2000x32xf32>
    %concatenate3A = tpu.concatenate %get3A_17, %get3A_22 in 1 : vector<2000x32xf32>, vector<2000x32xf32> -> vector<2000x64xf32>
    %mul3A = vector.broadcast %rsqrt3A : vector<2000x1xf32> to vector<2000x64xf32>
    %mul3A_23 = arith.mulf %concatenate3A, %mul3A : vector<2000x64xf32>
    %get3A_24 = arith.constant 0 : index
    %get3A_25 = arith.constant 0 : index
    %get3A_26 = vector.load %arg3[%get3A_24, %get3A_25] : memref<2000x64xf32, #tpu.memory_space<vmem>>, vector<2000x64xf32>
    %mul3A_27 = arith.mulf %rsqrt3A, %rsqrt3A : vector<2000x1xf32>
    %mul3A_28 = vector.broadcast %mul3A_27 : vector<2000x1xf32> to vector<2000x64xf32>
    %mul3A_29 = arith.mulf %get3A_26, %mul3A_28 : vector<2000x64xf32>
    %add3A_30 = arith.addf %mul3A_23, %mul3A_29 : vector<2000x64xf32>
    %get3A_31 = arith.constant 0 : index
    %get3A_32 = arith.constant 0 : index
    %get3A_33 = vector.load %arg4[%get3A_31, %get3A_32] : memref<1x64xf32, #tpu.memory_space<vmem>>, vector<1x64xf32>
    %add3A_34 = vector.broadcast %get3A_33 : vector<1x64xf32> to vector<2000x64xf32>
    %add3A_35 = arith.addf %add3A_30, %add3A_34 : vector<2000x64xf32>
    %swap3A = arith.constant 0 : index
    %swap3A_36 = arith.constant 0 : index
    %swap3A_37 = vector.load %arg5[%swap3A, %swap3A_36] : memref<2000x64xf32, #tpu.memory_space<vmem>>, vector<2000x64xf32>
    tpu.vector_store %arg5[%swap3A, %swap3A_36], %add3A_35 {strides = array<i32>} : memref<2000x64xf32, #tpu.memory_space<vmem>>, vector<2000x64xf32>,
    return
  }
  func.func @transform_0(%arg0: i32) -> (i32, i32, i32) {
    %c0_i32 = arith.constant 0 : i32
    %c0_i32_0 = arith.constant 0 : i32
    %c0_i32_1 = arith.constant 0 : i32
    return %c0_i32, %arg0, %c0_i32_0 : i32, i32, i32
  }
  func.func @transform_1(%arg0: i32) -> (i32, i32, i32) {
    %c0_i32 = arith.constant 0 : i32
    %c0_i32_0 = arith.constant 0 : i32
    %c0_i32_1 = arith.constant 0 : i32
    return %c0_i32, %arg0, %c0_i32_0 : i32, i32, i32
  }
  func.func @transform_2(%arg0: i32) -> (i32, i32) {
    %c0_i32 = arith.constant 0 : i32
    %c0_i32_0 = arith.constant 0 : i32
    return %arg0, %c0_i32 : i32, i32
  }
  func.func @transform_3(%arg0: i32) -> (i32, i32) {
    %c0_i32 = arith.constant 0 : i32
    %c0_i32_0 = arith.constant 0 : i32
    %c0_i32_1 = arith.constant 0 : i32
    return %c0_i32, %c0_i32_0 : i32, i32
  }
  func.func @transform_4(%arg0: i32) -> (i32, i32) {
    %c0_i32 = arith.constant 0 : i32
    %c0_i32_0 = arith.constant 0 : i32
    return %arg0, %c0_i32 : i32, i32
  }
}

module attributes {stable_mosaic.version = 14 : i64} {
  func.func @_dot_body(%arg0: i32, %arg1: memref<2048x64xf32, #tpu.memory_space<vmem>>, %arg2: memref<2048x64xf32, #tpu.memory_space<vmem>>, %arg3: memref<8x256xf32, #tpu.memory_space<vmem>>) attributes {dimension_semantics = [#tpu.dimension_semantics<arbitrary>], iteration_bounds = array<i64: 50>, scalar_prefetch = 0 : i64, scratch_operands = 0 : i64, tpu.core_type = #tpu.core_type<tc>, window_params = [{transform_indices = @transform_0, window_bounds = array<i64: 2048, 64>}, {transform_indices = @transform_1, window_bounds = array<i64: 2048, 64>}, {transform_indices = @transform_2, window_bounds = array<i64: 8, 256>}]} {
    %get3A = arith.constant 0 : index
    %get3A_0 = arith.constant 0 : index
    %get3A_1 = vector.load %arg1[%get3A, %get3A_0] : memref<2048x64xf32, #tpu.memory_space<vmem>>, vector<2048x64xf32>
    %get3A_2 = arith.constant 0 : index
    %get3A_3 = arith.constant 0 : index
    %get3A_4 = vector.load %arg2[%get3A_2, %get3A_3] : memref<2048x64xf32, #tpu.memory_space<vmem>>, vector<2048x64xf32>
    %mul3A = arith.mulf %get3A_1, %get3A_4 : vector<2048x64xf32>
    %reduce_sum3A = arith.constant dense<0.000000e+00> : vector<2048xf32>
    %reduce_sum3A_5 = vector.multi_reduction <add>, %mul3A, %reduce_sum3A [1] : vector<2048x64xf32> to vector<2048xf32>
    %reshape3A = vector.shape_cast %reduce_sum3A_5 : vector<2048xf32> to vector<8x256xf32>
    %swap3A = arith.constant 0 : index
    %swap3A_6 = arith.constant 0 : index
    %swap3A_7 = vector.load %arg3[%swap3A, %swap3A_6] : memref<8x256xf32, #tpu.memory_space<vmem>>, vector<8x256xf32>
    tpu.vector_store %arg3[%swap3A, %swap3A_6], %reshape3A {strides = array<i32>} : memref<8x256xf32, #tpu.memory_space<vmem>>, vector<8x256xf32>,
    return
  }
  func.func @transform_0(%arg0: i32) -> (i32, i32) {
    %c0_i32 = arith.constant 0 : i32
    %c0_i32_0 = arith.constant 0 : i32
    return %arg0, %c0_i32 : i32, i32
  }
  func.func @transform_1(%arg0: i32) -> (i32, i32) {
    %c0_i32 = arith.constant 0 : i32
    %c0_i32_0 = arith.constant 0 : i32
    return %arg0, %c0_i32 : i32, i32
  }
  func.func @transform_2(%arg0: i32) -> (i32, i32) {
    %c0_i32 = arith.constant 0 : i32
    %c0_i32_0 = arith.constant 0 : i32
    return %arg0, %c0_i32 : i32, i32
  }
}

</mosaic_0001>

<sc_bundles>
// kernel: kernel.10.cloned.1.call-start
scs
__scs_entry_jumppad:
0x0: {  	(pc) =	sbr.rel $0x88, $3  }
0x1: {  	(tag) =	ssettag $0x0;
	lr =	simm.s32 $0x1  }
0x2: {  	[smem:$0x3F9A] =	sst lr;
	_ =	strace $0xD0000000  }
0x3: {  	_ = 	snop  }
0x4: {  	_ = 	snop  }
0x5: {  	_ = 	snop  }
0x6: {  	_ = 	snop  }
0x7: {  	_ = 	snop  }
__scs_overlays_trampoline_lowered:
0x8: {  	[smem:$0x3FA9] =	sst s0  }
0x9: {  	[smem:$0x3FAA] =	sst s1  }
0xa: {  	[smem:$0x3FAB] =	sst s2  }
0xb: {  	[smem:$0x3FAC] =	sst s3  }
0xc: {  	[smem:$0x3FAD] =	sst s4  }
0xd: {  	[smem:$0x3FAE] =	sst s5  }
0xe: {  	[smem:$0x3FAF] =	sst s6  }
0xf: {  	[smem:$0x3FB0] =	sst s7  }
0x10: {  	[smem:$0x3FB1] =	sst s8  }
0x11: {  	[smem:$0x3FB2] =	sst s9;
	s0 =	simm.s32 @!p0 $0x0  }
0x12: {  	s1 =	sld [smem:$0x3F98];
	s0 =	simm.s32 @p0 $0x1  }
0x13: {  	[smem:$0x3FB3] =	sst s0;
	s0 =	simm.s32 @!p1 $0x0  }
0x14: {  	s2 =	sld [smem:$0x3F97];
	s0 =	simm.s32 @p1 $0x1  }
0x15: {  	[smem:$0x3FB4] =	sst s0;
	s0 =	simm.s32 @!p2 $0x0  }
0x16: {  	s3 =	sld [smem:$0x3FDB];
	s0 =	simm.s32 @p2 $0x1  }
0x17: {  	s4 =	simm.s32 $0x1BF5;
	[smem:$0x3FB6] =	sst s0  }
0x18: {  	s0 =	sld [smem:$0x3F99];
	_ =	swait.ge [sflag:s4], $0x0  }
0x19: {  	s7 =	sld [smem:$0x3F9A]  }
0x1a: {  	s8 =	sadd.s32 $0xFFFFE003, lr  }
0x1b: {  	s9 =	sadd.s32 $0xFFFFFEF7, lr;
	s5 =	simm.s32 $0xFFFFFFFF;
	p2 =	slt.u32 s8, $0xFFFFF086  }
0x1c: {  	p1 =	slt.u32 s9, $0xF7A;
	s5 =	simm.s32 @!p2 $0x0  }
0x1d: {  	s5 =	simm.s32 @p1 $0x1;
	p0 =	seq.s32 s7, s2  }
0x1e: {  	s7 =	smul.u32 @!p0 $0xF7A, s2;
	p2 =	seq.s32 @!p0 s5, $0x0  }
0x1f: {  	s9 =	smul.u32 $0xF7A, s1;
	s8 =	simm.s32 @!p0 $0x1BF5;
	p2 =	por !p2, p0  }
0x20: {  	[sflag:s8] =	ssyncset.s32 @!p0 $0xFFFFF086;
	s6 =	sadd.s32 @!p0 s3, s7;
	s7 =	simm.s32 @!p0 $0x108  }
0x21: {  	s3 =	sadd.s32 s3, s9;
	s6 =	sadd.s32 @!p0 $0x88, s6;
	s7 =	simm.s32 @p2 $0x1082  }
0x22: {  	[simem:s7], [sflag:s8] =	dma.local @!p0 [hbm:s6], $0xF7A  }
0x23: {  	s9 =	sor.u32 $0xD0000000, s2;
	s6 =	simm.s32 $0x108;
	_ =	swait.ge @!p0 [sflag:s8], $0x0  }
0x24: {  	s3 =	sadd.s32 $0x88, s3;
	s6 =	simm.s32 @!p1 $0x1082;
	[sflag:s4] =	ssyncset.s32 $0xFFFFF086  }
0x25: {  	[simem:s6], [sflag:s4] =	dma.local [hbm:s3], $0xF7A  }
0x26: {  	[smem:$0x3F9A] =	sst s1;
	(tag) =	ssettag s2;
	_ =	strace s9  }
0x27: {  	s1 =	sld [smem:$0x3FAA]  }
0x28: {  	s2 =	sld [smem:$0x3FAB]  }
0x29: {  	s4 =	sld [smem:$0x3FAD]  }
0x2a: {  	p0 =	seq.s32 s5, $0x0;
	s5 =	sld [smem:$0x3FAE]  }
0x2b: {  	s6 =	sld [smem:$0x3FAF]  }
0x2c: {  	s7 =	sld [smem:$0x3FB0]  }
0x2d: {  	s3 =	simm.s32 $0x108;
	s8 =	sld [smem:$0x3FB1]  }
0x2e: {  	s3 =	simm.s32 @!p0 $0x1082;
	s9 =	sld [smem:$0x3FB2]  }
0x2f: {  	lr =	sadd.s32 s0, s3;
	s0 =	sld [smem:$0x3FA9]  }
0x30: {  	s3 =	sld [smem:$0x3FAC]  }
0x31: {  	[smem:$0x3FB5] =	sst s10  }
0x32: {  	s10 =	sld [smem:$0x3FB3];
	_ =	sdelay $0x3  }
0x33: {  	p0 =	seq.s32 s10, $0x1;
	s10 =	sld [smem:$0x3FB5];
	_ =	sdelay $0x3  }
0x34: {  	[smem:$0x3FB5] =	sst s10  }
0x35: {  	s10 =	sld [smem:$0x3FB4];
	_ =	sdelay $0x3  }
0x36: {  	p1 =	seq.s32 s10, $0x1;
	s10 =	sld [smem:$0x3FB5];
	_ =	sdelay $0x3  }
0x37: {  	[smem:$0x3FB5] =	sst s10  }
0x38: {  	s10 =	sld [smem:$0x3FB6]  }
0x39: {  	_ = 	snop;
	(pc) =	sbr.ind lr, $3  }
0x3a: {  	_ = 	snop  }
0x3b: {  	_ = 	snop  }
0x3c: {  	p2 =	seq.s32 s10, $0x1;
	s10 =	sld [smem:$0x3FB5]  }
0x3d: {  	_ =	shalt  }
0x3e: {  	_ =	shalt  }
0x3f: {  	_ =	shalt  }
0x40: {  	_ =	shalt  }
0x41: {  	_ =	shalt  }
0x42: {  	_ =	shalt  }
0x43: {  	_ =	shalt  }
0x44: {  	_ =	shalt  }
0x45: {  	_ =	shalt  }
0x46: {  	_ =	shalt  }
0x47: {  	_ =	shalt  }
0x48: {  	_ =	shalt  }
0x49: {  	_ =	shalt  }
0x4a: {  	_ =	shalt  }
0x4b: {  	_ =	shalt  }
0x4c: {  	_ =	shalt  }
0x4d: {  	_ =	shalt  }
0x4e: {  	_ =	shalt  }
0x4f: {  	_ =	shalt  }
0x50: {  	_ =	shalt  }
0x51: {  	_ =	shalt  }
0x52: {  	_ =	shalt  }
0x53: {  	_ =	shalt  }
0x54: {  	_ =	shalt  }
0x55: {  	_ =	shalt  }
0x56: {  	_ =	shalt  }
0x57: {  	_ =	shalt  }
0x58: {  	_ =	shalt  }
0x59: {  	_ =	shalt  }
0x5a: {  	_ =	shalt  }
0x5b: {  	_ =	shalt  }
0x5c: {  	_ =	shalt  }
0x5d: {  	_ =	shalt  }
0x5e: {  	_ =	shalt  }
0x5f: {  	_ =	shalt  }
0x60: {  	_ =	shalt  }
0x61: {  	_ =	shalt  }
0x62: {  	_ =	shalt  }
0x63: {  	_ =	shalt  }
0x64: {  	_ =	shalt  }
0x65: {  	_ =	shalt  }
0x66: {  	_ =	shalt  }
0x67: {  	_ =	shalt  }
0x68: {  	_ =	shalt  }
0x69: {  	_ =	shalt  }
0x6a: {  	_ =	shalt  }
0x6b: {  	_ =	shalt  }
0x6c: {  	_ =	shalt  }
0x6d: {  	_ =	shalt  }
0x6e: {  	_ =	shalt  }
0x6f: {  	_ =	shalt  }
0x70: {  	_ =	shalt  }
0x71: {  	_ =	shalt  }
0x72: {  	_ =	shalt  }
0x73: {  	_ =	shalt  }
0x74: {  	_ =	shalt  }
0x75: {  	_ =	shalt  }
0x76: {  	_ =	shalt  }
0x77: {  	_ =	shalt  }
0x78: {  	_ =	shalt  }
0x79: {  	_ =	shalt  }
0x7a: {  	_ =	shalt  }
0x7b: {  	_ =	shalt  }
0x7c: {  	_ =	shalt  }
0x7d: {  	_ =	shalt  }
0x7e: {  	_ =	shalt  }
0x7f: {  	_ =	shalt  }
0x80: {  	_ =	shalt  }
0x81: {  	_ =	shalt  }
0x82: {  	_ =	shalt  }
0x83: {  	_ =	shalt  }
0x84: {  	_ =	shalt  }
0x85: {  	_ =	shalt  }
0x86: {  	_ =	shalt  }
0x87: {  	_ =	shalt  }
.Lfunc_end0:
.L_simem_size_0:
called_computation_lowered:
.L_overlay_start_0:
0x88: {  	s2 =	sld [smem:$0x3FD9]  }
0x89: {  	s3 =	sld [smem:$0x3FFE];
	_ =	sdelay $0x1  }
0x8a: {  	s1 =	srdreg.scid  }
0x8b: {  	s0 =	sand.u32 $0x1, s1  }
0x8c: {  	s17 =	sshll.u32 s0, $0xA;
	s2 =	sadd.s32 s3, s2  }
0x8d: {  	s2 =	sadd.s32 s2, s17  }
0x8e: {  	[smem:$0x3FC1] =	sst s2  }
0x8f: {  	_ = 	snop  }
0x90: {  	s2 =	sld [smem:$0x3FD0];
	(tm) =	ssettm $0x1  }
0x91: {  	s18 =	sld [smem:$0x3FFB];
	_ =	sdelay $0x3  }
0x92: {  	_ =	strace s18  }
0x93: {  	s3 =	sld [smem:$0x3FFC];
	_ =	sdelay $0x3  }
0x94: {  	_ =	strace s3  }
0x95: {  	s3 =	sld [smem:$0x3FFD];
	_ =	sdelay $0x3  }
0x96: {  	_ =	strace s3  }
0x97: {  	_ =	strace $0x8FFFFFFF  }
0x98: {  	s19 =	sld [smem:$0x3FDB];
	_ =	sdelay $0x1  }
0x99: {  	s4 =	simm.s32 $_scs_section_size  }
0x9a: {  	s5 =	simm.s32 $_size__tile_overlayer_lowered;
	s6 =	simm.s32 $_tile_overlayer_lowered  }
0x9b: {  	s22 =	simm.s32 $0x1BFF;
	s21 =	sshll.u32 s6, $0x1;
	s3 =	sadd.s32 s4, s19  }
0x9c: {  	s7 =	simm.s32 $0x0;
	s20 =	sshll.u32 s5, $0x1;
	s5 =	sadd.s32 s21, s3  }
0x9d: {  	[timem:s7], [sflag:s22] =	dma.local [hbm:s5], s20  }
0x9e: {  	_ =	swait.ge [sflag:s22], s20  }
0x9f: {  	s4 =	ssub.s32 $0x0, s20;
	[sflag:s22] =	ssyncset.done $0x0  }
0xa0: {  	[sflag:s22] =	ssyncadd.s32 s4;
	_ =	sdelay $0x1  }
0xa1: {  	s23 =	simm.s32 $0x1B8B  }
0xa2: {  	_ =	swait.ge [sflag:s23], $0x1  }
0xa3: {  	[sflag:s23] =	ssyncset.done $0x0  }
0xa4: {  	s25 =	simm.s32 $0x1B8E;
	s24 =	sld [smem:$0x3FFE];
	[sflag:s23] =	ssyncadd.s32 $0xFFFFFFFF  }
0xa5: {  	s26 =	simm.s32 $execute0_lowered;
	[smem:$0x3FD2] =	sst s25  }
0xa6: {  	s5 =	sshll.u32 s26, $0x1;
	_ =	strace $0x80000046;
	[dreg:$0x1] =	wrdreg $0xFFFFFFFF  }
0xa7: {  	s28 =	simm.s32 $_size_execute0_lowered;
	s3 =	sadd.s32 s3, s5;
	[dreg:$0x0] =	wrdreg $0x0  }
0xa8: {  	s5 =	sshll.u32 s28, $0x1;
	[dreg:$0x2] =	wrdreg s3  }
0xa9: {  	[dreg:$0x3] =	wrdreg s5  }
0xaa: {  	[dreg:$0x4] =	wrdreg $0xC0  }
0xab: {  	_ =	task [dreg:s7], $0x5FFFF  }
0xac: {  	[dreg:$0x1] =	wrdreg $0xFFFFFFFF  }
0xad: {  	[dreg:$0x0] =	wrdreg $0x60  }
0xae: {  	[dreg:$0x2] =	wrdreg s24  }
0xaf: {  	[dreg:$0x3] =	wrdreg s2  }
0xb0: {  	[dreg:$0x4] =	wrdreg $0x72000  }
0xb1: {  	[dreg:$0x5] =	wrdreg $0x9  }
0xb2: {  	_ =	task.clear_ibuf [dreg:s7], $0x6FFFF;
	_ =	strace $0x90000046  }
0xb3: {  	s29 =	simm.s32 $0x9;
	_ =	strace $0x80000048  }
0xb4: {  	_ =	swait.ge [sflag:s29], $0x1  }
0xb5: {  	[sflag:s29] =	ssyncadd.s32 $0xFFFFFFFF  }
0xb6: {  	_ =	strace $0x90000048  }
0xb7: {  	_ =	sfence  }
0xb8: {  	s30 =	sld [smem:$0x0];
	_ =	sdelay $0x2  }
0xb9: {  	s31 =	sshll.u32 s1, $0xD;
	s1 =	sshrl.u32 s1, $0x2  }
0xba: {  	s3 =	sand.u32 $0x4000, s31;
	s1 =	sadd.s32 s1, s30  }
0xbb: {  	s0 =	sor.u32 s3, s0;
	s1 =	sshll.u32 s1, $0x11  }
0xbc: {  	s0 =	sor.u32 s1, s0  }
0xbd: {  	s0 =	sadd.s32 $0x8F2B, s0  }
0xbe: {  	[sflag:s0] =	ssyncadd.remote.s32 $0x1  }
0xbf: {  	_ =	sfence.sel $0xFFFF  }
0xc0: {  	[dreg:$0x0] =	wrdreg $0xFFFFFFFF;
	(pc) =	sbr.abs _section_cstart, $3  }
0xc1: {  	[dreg:$0x1] =	wrdreg $0xFFFFFFFF  }
0xc2: {  	_ =	task.clear_ibuf [dreg:s7], $0x2FFFF;
	_ =	strace $0x9FFFFFFF  }
0xc3: {  	(tm) =	ssettm $0x7FFFFFFF  }
tec
execute0_lowered:
.L_overlay_start_1:
0x0: {  	(tag) =	ssettag $0x1  }
0x1: {  	s6 =	rddreg [dreg:$0x0]  }
0x2: {  	s2 =	rddreg [dreg:$0x1]  }
0x3: {  	s0 =	srdreg.scid;
	s3 =	rddreg [dreg:$0x2]  }
0x4: {  	s4 =	simm.s32 $0x0;
	s13 =	simm.s32 $0x80;
	s5 =	sand.u32 $0x1, s0  }
0x5: {  	s14 =	simm.s32 $0x1;
	s0 =	stileid.u32;
	s8 =	smul.u32 $0x19000, s5  }
0x6: {  	s15 =	simm.s32 $0x0;
	[smem:$0x7FF] =	sst s4;
	s10 =	smul.u32 $0x32000, s0  }
0x7: {  	s1 =	sshll.u32 s5, $0x4;
	s9 =	ssub.s32 $0x2, s5;
	s12 =	smul.u32 $0x1900, s0  }
0x8: {  	s5 =	sadd.s32 $0x1AA00, s6;
	s7 =	sor.u32 s0, s1;
	s1 =	rddreg [dreg:$0x3]  }
0x9: {  	_ =	strace $0x80000047;
	s11 =	sshrl.u32 s9, $0x1;
	s7 =	smul.u32 $0xC40, s7  }
0xa: {  	s8 =	sadd.s32 s8, s6;
	s9 =	ssub.s32 s9, s11;
	s30 =	sshrl.u32 s10, $0x2  }
0xb: {  	s10 =	simm.s32 $0x6A00;
	s11 =	simm.s32 $0x2;
	s31 =	sadd.s32 s12, s8  }
0xc: {  	s8 =	smax.u32 s9, $0x1;
	s12 =	simm.s32 $0x6200;
	s7 =	sadd.s32 s7, s6  }
0xd: {  	s9 =	sadd.s32 $0x1AC00, s31;
	s6 =	sadd.s32 $0x2200, s7;
	s7 =	sadd.s32 s30, s3  }
.LBB2_1:
0xe: {  	[tilespmem:s10], [sflag:$0x2] =	stream.linear.gather [hbm4b:s5+s4], $0x800, $0x38;
	[tilespmem:$0x13A00] =	vst v63  }
0xf: {  	_ =	swait.ge [sflag:s11], $0x800  }
0x10: {  	[sflag:s11] =	ssyncset.done $0x0  }
0x11: {  	[sflag:s11] =	ssyncadd.s32 $0xFFFFF800  }
0x12: {  	[tilespmem:s12], [sflag:$0x2] =	stream.linear.gather [hbm4b:s2+s4], $0x800, $0x38;
	[tilespmem:$0x13A00] =	vst v63  }
0x13: {  	_ =	swait.ge [sflag:s11], $0x800  }
0x14: {  	[sflag:s11] =	ssyncset.done $0x0  }
0x15: {  	[sflag:s11] =	ssyncadd.s32 $0xFFFFF800  }
0x16: {  	[tilespmem:s4], [sflag:$0x2] =	stream.linear.gather [hbm4b:s6+s4], $0x6200, $0x38;
	[tilespmem:$0x13A00] =	vst v63  }
0x17: {  	_ =	swait.ge [sflag:s11], $0x6200  }
0x18: {  	[sflag:s11] =	ssyncset.done $0x0  }
0x19: {  	s16 =	sadd.s32 $0x0, s7;
	[sflag:s11] =	ssyncadd.s32 $0xFFFF9E00  }
0x1a: {  	[spmem:s16] =	stream.linear.scatter [tilespmem:s10], [sflag:$0x2], $0x800, $0x38;
	[tilespmem:$0x13A00] =	vst v63  }
0x1b: {  	s16 =	simm.s32 $0x2000;
	_ =	swait.ge [sflag:s11], $0x800  }
.LBB2_2:
0x1c: {  	s17 =	sshra.s32 s16, $0x2;
	[sflag:s11] =	ssyncset.done $0x0;
	p0 =	sne.s32 s16, $0x30000  }
.Ltmp0:
0x1d: {  	s17 =	sadd.s32 s17, s7;
	[sflag:s11] =	ssyncadd.s32 $0xFFFFF800;
	(pc) =	sbr.rel @p0 .LBB2_2-.Ltmp0, $3  }
0x1e: {  	[spmem:s17] =	stream.linear.scatter [tilespmem:s10], [sflag:$0x2], $0x800, $0x38;
	[tilespmem:$0x13A00] =	vst v63  }
0x1f: {  	s16 =	sadd.s32 $0x2000, s16;
	_ =	sdelay $0x1  }
0x20: {  	_ =	swait.ge [sflag:s11], $0x800  }
0x21: {  	[sflag:s11] =	ssyncset.done $0x0  }
0x22: {  	[sflag:s11] =	ssyncadd.s32 $0xFFFFF800  }
0x23: {  	s16 =	simm.s32 $0x0;
	[bflag:$0x0] =	sbarrier.arrive $0xFFFF  }
0x24: {  	[spmem:s3] =	stream.indirect.scatter.add.f32 [tilespmem:s12], [sflag:$0x1], $0x10, s16, s13, $0xb8;
	[tilespmem:$0x13A00] =	vst v63  }
0x25: {  	s25 =	simm.s32 $0x80  }
0x26: {  	[spmem:s3] =	stream.indirect.scatter.add.f32 [tilespmem:s12], [sflag:$0x1], $0x10, s25, s13, $0xb8;
	[tilespmem:$0x13A00] =	vst v63  }
0x27: {  	s26 =	simm.s32 $0x100  }
0x28: {  	[spmem:s3] =	stream.indirect.scatter.add.f32 [tilespmem:s12], [sflag:$0x1], $0x10, s26, s13, $0xb8;
	[tilespmem:$0x13A00] =	vst v63  }
0x29: {  	s28 =	simm.s32 $0x180  }
0x2a: {  	[spmem:s3] =	stream.indirect.scatter.add.f32 [tilespmem:s12], [sflag:$0x1], $0x10, s28, s13, $0xb8;
	[tilespmem:$0x13A00] =	vst v63  }
0x2b: {  	s29 =	simm.s32 $0x200  }
0x2c: {  	[spmem:s3] =	stream.indirect.scatter.add.f32 [tilespmem:s12], [sflag:$0x1], $0x10, s29, s13, $0xb8;
	[tilespmem:$0x13A00] =	vst v63  }
0x2d: {  	s30 =	simm.s32 $0x280  }
0x2e: {  	[spmem:s3] =	stream.indirect.scatter.add.f32 [tilespmem:s12], [sflag:$0x1], $0x10, s30, s13, $0xb8;
	[tilespmem:$0x13A00] =	vst v63  }
0x2f: {  	s31 =	simm.s32 $0x300  }
0x30: {  	[spmem:s3] =	stream.indirect.scatter.add.f32 [tilespmem:s12], [sflag:$0x1], $0x10, s31, s13, $0xb8;
	[tilespmem:$0x13A00] =	vst v63  }
0x31: {  	_ =	swait.ge [sflag:s14], $0x800  }
0x32: {  	[sflag:s14] =	ssyncset.done $0x0  }
0x33: {  	[sflag:s14] =	ssyncadd.s32 $0xFFFFF800  }
0x34: {  	_ =	swait.ge [sflag:s14], $0x800  }
0x35: {  	[sflag:s14] =	ssyncset.done $0x0  }
0x36: {  	[sflag:s14] =	ssyncadd.s32 $0xFFFFF800  }
0x37: {  	_ =	swait.ge [sflag:s14], $0x800  }
0x38: {  	[sflag:s14] =	ssyncset.done $0x0  }
0x39: {  	[sflag:s14] =	ssyncadd.s32 $0xFFFFF800  }
0x3a: {  	_ =	swait.ge [sflag:s14], $0x800  }
0x3b: {  	[sflag:s14] =	ssyncset.done $0x0  }
0x3c: {  	[sflag:s14] =	ssyncadd.s32 $0xFFFFF800  }
0x3d: {  	_ =	swait.ge [sflag:s14], $0x800  }
0x3e: {  	[sflag:s14] =	ssyncset.done $0x0  }
0x3f: {  	[sflag:s14] =	ssyncadd.s32 $0xFFFFF800  }
0x40: {  	_ =	swait.ge [sflag:s14], $0x800  }
0x41: {  	[sflag:s14] =	ssyncset.done $0x0  }
0x42: {  	[sflag:s14] =	ssyncadd.s32 $0xFFFFF800  }
0x43: {  	_ =	swait.ge [sflag:s14], $0x800  }
0x44: {  	s18 =	simm.s32 $0x1C00;
	s16 =	simm.s32 $0xE00;
	[sflag:s14] =	ssyncset.done $0x0  }
.LBB2_4:
0x45: {  	s19 =	sshra.s32 s16, $0x2  }
0x46: {  	[sflag:s14] =	ssyncadd.s32 $0xFFFFF800;
	s16 =	smov.u32 s18;
	s17 =	sadd.s32 $0xE00, s18  }
0x47: {  	[spmem:s3] =	stream.indirect.scatter.add.f32 [tilespmem:s12], [sflag:$0x1], $0x10, s19, s13, $0xb8;
	[tilespmem:$0x13A00] =	vst v63  }
0x48: {  	p0 =	sne.s32 s18, $0x17A00;
	s18 =	sadd.s32 $0x80, s19  }
0x49: {  	[spmem:s3] =	stream.indirect.scatter.add.f32 [tilespmem:s12], [sflag:$0x1], $0x10, s18, s13, $0xb8;
	[tilespmem:$0x13A00] =	vst v63  }
0x4a: {  	s18 =	sadd.s32 $0x100, s19  }
0x4b: {  	[spmem:s3] =	stream.indirect.scatter.add.f32 [tilespmem:s12], [sflag:$0x1], $0x10, s18, s13, $0xb8;
	[tilespmem:$0x13A00] =	vst v63  }
0x4c: {  	s18 =	sadd.s32 $0x180, s19  }
0x4d: {  	[spmem:s3] =	stream.indirect.scatter.add.f32 [tilespmem:s12], [sflag:$0x1], $0x10, s18, s13, $0xb8;
	[tilespmem:$0x13A00] =	vst v63  }
0x4e: {  	s18 =	sadd.s32 $0x200, s19  }
0x4f: {  	[spmem:s3] =	stream.indirect.scatter.add.f32 [tilespmem:s12], [sflag:$0x1], $0x10, s18, s13, $0xb8;
	[tilespmem:$0x13A00] =	vst v63  }
0x50: {  	s18 =	sadd.s32 $0x280, s19  }
0x51: {  	[spmem:s3] =	stream.indirect.scatter.add.f32 [tilespmem:s12], [sflag:$0x1], $0x10, s18, s13, $0xb8;
	[tilespmem:$0x13A00] =	vst v63  }
0x52: {  	s18 =	sadd.s32 $0x300, s19  }
0x53: {  	[spmem:s3] =	stream.indirect.scatter.add.f32 [tilespmem:s12], [sflag:$0x1], $0x10, s18, s13, $0xb8;
	[tilespmem:$0x13A00] =	vst v63  }
0x54: {  	_ =	swait.ge [sflag:s14], $0x800  }
0x55: {  	[sflag:s14] =	ssyncset.done $0x0  }
0x56: {  	[sflag:s14] =	ssyncadd.s32 $0xFFFFF800  }
0x57: {  	_ =	swait.ge [sflag:s14], $0x800  }
0x58: {  	[sflag:s14] =	ssyncset.done $0x0  }
0x59: {  	[sflag:s14] =	ssyncadd.s32 $0xFFFFF800  }
0x5a: {  	_ =	swait.ge [sflag:s14], $0x800  }
0x5b: {  	[sflag:s14] =	ssyncset.done $0x0  }
0x5c: {  	[sflag:s14] =	ssyncadd.s32 $0xFFFFF800  }
0x5d: {  	_ =	swait.ge [sflag:s14], $0x800  }
0x5e: {  	[sflag:s14] =	ssyncset.done $0x0  }
0x5f: {  	[sflag:s14] =	ssyncadd.s32 $0xFFFFF800  }
0x60: {  	_ =	swait.ge [sflag:s14], $0x800  }
0x61: {  	[sflag:s14] =	ssyncset.done $0x0  }
0x62: {  	[sflag:s14] =	ssyncadd.s32 $0xFFFFF800  }
.Ltmp1:
0x63: {  	_ =	swait.ge [sflag:s14], $0x800;
	(pc) =	sbr.rel @p0 .LBB2_4-.Ltmp1, $4  }
0x64: {  	[sflag:s14] =	ssyncset.done $0x0  }
0x65: {  	[sflag:s14] =	ssyncadd.s32 $0xFFFFF800  }
0x66: {  	_ =	swait.ge [sflag:s14], $0x800  }
0x67: {  	s18 =	smov.u32 s17;
	[sflag:s14] =	ssyncset.done $0x0  }
0x68: {  	s16 =	sshra.s32 s16, $0x2;
	[sflag:s14] =	ssyncadd.s32 $0xFFFFF800  }
0x69: {  	[spmem:s3] =	stream.indirect.scatter.add.f32 [tilespmem:s12], [sflag:$0x1], $0x10, s16, s13, $0xb8;
	[tilespmem:$0x13A00] =	vst v63  }
0x6a: {  	s17 =	sadd.s32 $0x80, s16  }
0x6b: {  	[spmem:s3] =	stream.indirect.scatter.add.f32 [tilespmem:s12], [sflag:$0x1], $0x10, s17, s13, $0xb8;
	[tilespmem:$0x13A00] =	vst v63  }
0x6c: {  	s26 =	sadd.s32 $0x100, s16  }
0x6d: {  	[spmem:s3] =	stream.indirect.scatter.add.f32 [tilespmem:s12], [sflag:$0x1], $0x10, s26, s13, $0xb8;
	[tilespmem:$0x13A00] =	vst v63  }
0x6e: {  	s28 =	sadd.s32 $0x180, s16  }
0x6f: {  	[spmem:s3] =	stream.indirect.scatter.add.f32 [tilespmem:s12], [sflag:$0x1], $0x10, s28, s13, $0xb8;
	[tilespmem:$0x13A00] =	vst v63  }
0x70: {  	s29 =	sadd.s32 $0x200, s16  }
0x71: {  	[spmem:s3] =	stream.indirect.scatter.add.f32 [tilespmem:s12], [sflag:$0x1], $0x10, s29, s13, $0xb8;
	[tilespmem:$0x13A00] =	vst v63  }
0x72: {  	s30 =	sadd.s32 $0x280, s16  }
0x73: {  	[spmem:s3] =	stream.indirect.scatter.add.f32 [tilespmem:s12], [sflag:$0x1], $0x10, s30, s13, $0xb8;
	[tilespmem:$0x13A00] =	vst v63  }
0x74: {  	s16 =	sadd.s32 $0x300, s16  }
0x75: {  	[spmem:s3] =	stream.indirect.scatter.add.f32 [tilespmem:s12], [sflag:$0x1], $0x10, s16, s13, $0xb8;
	[tilespmem:$0x13A00] =	vst v63  }
0x76: {  	_ =	swait.ge [sflag:s14], $0x800  }
0x77: {  	[sflag:s14] =	ssyncset.done $0x0  }
0x78: {  	[sflag:s14] =	ssyncadd.s32 $0xFFFFF800  }
0x79: {  	_ =	swait.ge [sflag:s14], $0x800  }
0x7a: {  	[sflag:s14] =	ssyncset.done $0x0  }
0x7b: {  	[sflag:s14] =	ssyncadd.s32 $0xFFFFF800  }
0x7c: {  	_ =	swait.ge [sflag:s14], $0x800  }
0x7d: {  	[sflag:s14] =	ssyncset.done $0x0  }
0x7e: {  	[sflag:s14] =	ssyncadd.s32 $0xFFFFF800  }
0x7f: {  	_ =	swait.ge [sflag:s14], $0x800  }
0x80: {  	[sflag:s14] =	ssyncset.done $0x0  }
0x81: {  	[sflag:s14] =	ssyncadd.s32 $0xFFFFF800  }
0x82: {  	_ =	swait.ge [sflag:s14], $0x800  }
0x83: {  	[sflag:s14] =	ssyncset.done $0x0  }
0x84: {  	[sflag:s14] =	ssyncadd.s32 $0xFFFFF800  }
0x85: {  	_ =	swait.ge [sflag:s14], $0x800  }
0x86: {  	[sflag:s14] =	ssyncset.done $0x0  }
0x87: {  	[sflag:s14] =	ssyncadd.s32 $0xFFFFF800  }
0x88: {  	_ =	swait.ge [sflag:s14], $0x800  }
0x89: {  	[sflag:s14] =	ssyncset.done $0x0  }
0x8a: {  	[sflag:s14] =	ssyncadd.s32 $0xFFFFF800  }
0x8b: {  	[bflag:$0x0] =	sbarrier.arrive $0xFFFF  }
0x8c: {  	[tilespmem:s10], [sflag:$0x2] =	stream.linear.gather [spmem:s7], $0x800, $0x38;
	[tilespmem:$0x13A00] =	vst v63  }
0x8d: {  	_ =	swait.ge [sflag:s11], $0x800  }
0x8e: {  	[sflag:s11] =	ssyncset.done $0x0  }
0x8f: {  	s31 =	sadd.s32 $0x0, s9;
	[sflag:s11] =	ssyncadd.s32 $0xFFFFF800  }
0x90: {  	[hbm4b:s31+s4] =	stream.linear.scatter [tilespmem:s10], [sflag:$0x2], $0x800, $0x38;
	[tilespmem:$0x13A00] =	vst v63  }
0x91: {  	_ =	swait.ge [sflag:s11], $0x800  }
0x92: {  	s17 =	smov.u32 s7;
	s16 =	simm.s32 $0x100;
	[sflag:s11] =	ssyncset.done $0x0  }
.LBB2_6:
0x93: {  	p0 =	sne.s32 s16, $0x1800;
	[sflag:s11] =	ssyncadd.s32 $0xFFFFF800;
	s17 =	sadd.s32 $0x800, s17  }
0x94: {  	[tilespmem:s10], [sflag:$0x2] =	stream.linear.gather [spmem:s17], $0x800, $0x38;
	[tilespmem:$0x13A00] =	vst v63  }
0x95: {  	s18 =	smov.u32 s16;
	s16 =	sadd.s32 $0x100, s16;
	_ =	swait.ge [sflag:s11], $0x800  }
.Ltmp2:
0x96: {  	[sflag:s11] =	ssyncset.done $0x0;
	(pc) =	sbr.rel @p0 .LBB2_6-.Ltmp2, $4  }
0x97: {  	s18 =	sadd.s32 s18, s9;
	[sflag:s11] =	ssyncadd.s32 $0xFFFFF800  }
0x98: {  	[hbm4b:s18+s4] =	stream.linear.scatter [tilespmem:s10], [sflag:$0x2], $0x800, $0x38;
	[tilespmem:$0x13A00] =	vst v63  }
0x99: {  	_ =	swait.ge [sflag:s11], $0x800  }
0x9a: {  	[sflag:s11] =	ssyncset.done $0x0  }
0x9b: {  	s15 =	sadd.s32 $0x1, s15  }
0x9c: {  	p0 =	sne.s32 s15, s8  }
.Ltmp3:
0x9d: {  	_ = 	snop;
	(pc) =	sbr.rel @p0 .LBB2_1-.Ltmp3, $2  }
0x9e: {  	_ =	sdelay $0x2  }
0x9f: {  	[sflag:s11] =	ssyncadd.s32 $0xFFFFF800  }
0xa0: {  	_ =	sfence.sel $0x180000  }
0xa1: {  	[bflag:$0x0] =	sbarrier.arrive $0xFFFF  }
0xa2: {  	p0 =	sne.s32 s0, $0x0;
	_ =	strace $0x90000047  }
0xa3: {  	s0 =	sadd.s32 @!p0 $0x100000, s1;
	[bflag:$0x2] =	sbarrier.arrive $0xFFFF  }
0xa4: {  	[sflag:s0] =	ssyncadd.tile.s32 @!p0 $0x1;
	_ =	shalt  }
.Lfunc_end2:
_tile_overlayer_lowered:
.L_overlay_start_2:
0xa5: {  	(tag) =	ssettag $0x2  }
0xa6: {  	s0 =	rddreg [dreg:$0x0];
	s2 =	stileid.u32  }
0xa7: {  	s1 =	rddreg [dreg:$0x1];
	p0 =	sne.s32 s2, $0x0  }
0xa8: {  	s3 =	rddreg [dreg:$0x2];
	[bflag:$0x3] =	sbarrier.arrive $0xFFFF;
	s2 =	simm.s32 @!p0 $0x1C02  }
0xa9: {  	[timem:s3], [sflag:s2] =	dma.local @!p0 [hbm:s0], s1  }
0xaa: {  	s0 =	simm.s32 @!p0 $0x2  }
0xab: {  	_ =	swait.ge @!p0 [sflag:s0], s1  }
0xac: {  	s1 =	ssub.s32 @!p0 $0x0, s1;
	[sflag:s0] =	ssyncset.done @!p0 $0x0  }
0xad: {  	[sflag:s0] =	ssyncadd.s32 @!p0 s1  }
0xae: {  	[bflag:$0x3] =	sbarrier.arrive $0xFFFF  }
0xaf: {  	_ =	shalt  }

// kernel: kernel.13.cloned.1.call-start
scs
__scs_entry_jumppad:
0x0: {  	(pc) =	sbr.rel $0x88, $3  }
0x1: {  	(tag) =	ssettag $0x0;
	lr =	simm.s32 $0x1  }
0x2: {  	[smem:$0x3F9A] =	sst lr;
	_ =	strace $0xD0000000  }
0x3: {  	_ = 	snop  }
0x4: {  	_ = 	snop  }
0x5: {  	_ = 	snop  }
0x6: {  	_ = 	snop  }
0x7: {  	_ = 	snop  }
__scs_overlays_trampoline_lowered:
0x8: {  	[smem:$0x3FA9] =	sst s0  }
0x9: {  	[smem:$0x3FAA] =	sst s1  }
0xa: {  	[smem:$0x3FAB] =	sst s2  }
0xb: {  	[smem:$0x3FAC] =	sst s3  }
0xc: {  	[smem:$0x3FAD] =	sst s4  }
0xd: {  	[smem:$0x3FAE] =	sst s5  }
0xe: {  	[smem:$0x3FAF] =	sst s6  }
0xf: {  	[smem:$0x3FB0] =	sst s7  }
0x10: {  	[smem:$0x3FB1] =	sst s8  }
0x11: {  	[smem:$0x3FB2] =	sst s9;
	s0 =	simm.s32 @!p0 $0x0  }
0x12: {  	s1 =	sld [smem:$0x3F98];
	s0 =	simm.s32 @p0 $0x1  }
0x13: {  	[smem:$0x3FB3] =	sst s0;
	s0 =	simm.s32 @!p1 $0x0  }
0x14: {  	s2 =	sld [smem:$0x3F97];
	s0 =	simm.s32 @p1 $0x1  }
0x15: {  	[smem:$0x3FB4] =	sst s0;
	s0 =	simm.s32 @!p2 $0x0  }
0x16: {  	s3 =	sld [smem:$0x3FDB];
	s0 =	simm.s32 @p2 $0x1  }
0x17: {  	s4 =	simm.s32 $0x1BF5;
	[smem:$0x3FB6] =	sst s0  }
0x18: {  	s0 =	sld [smem:$0x3F99];
	_ =	swait.ge [sflag:s4], $0x0  }
0x19: {  	s7 =	sld [smem:$0x3F9A]  }
0x1a: {  	s8 =	sadd.s32 $0xFFFFE003, lr  }
0x1b: {  	s9 =	sadd.s32 $0xFFFFFEF7, lr;
	s5 =	simm.s32 $0xFFFFFFFF;
	p2 =	slt.u32 s8, $0xFFFFF086  }
0x1c: {  	p1 =	slt.u32 s9, $0xF7A;
	s5 =	simm.s32 @!p2 $0x0  }
0x1d: {  	s5 =	simm.s32 @p1 $0x1;
	p0 =	seq.s32 s7, s2  }
0x1e: {  	s7 =	smul.u32 @!p0 $0xF7A, s2;
	p2 =	seq.s32 @!p0 s5, $0x0  }
0x1f: {  	s9 =	smul.u32 $0xF7A, s1;
	s8 =	simm.s32 @!p0 $0x1BF5;
	p2 =	por !p2, p0  }
0x20: {  	[sflag:s8] =	ssyncset.s32 @!p0 $0xFFFFF086;
	s6 =	sadd.s32 @!p0 s3, s7;
	s7 =	simm.s32 @!p0 $0x108  }
0x21: {  	s3 =	sadd.s32 s3, s9;
	s6 =	sadd.s32 @!p0 $0x88, s6;
	s7 =	simm.s32 @p2 $0x1082  }
0x22: {  	[simem:s7], [sflag:s8] =	dma.local @!p0 [hbm:s6], $0xF7A  }
0x23: {  	s9 =	sor.u32 $0xD0000000, s2;
	s6 =	simm.s32 $0x108;
	_ =	swait.ge @!p0 [sflag:s8], $0x0  }
0x24: {  	s3 =	sadd.s32 $0x88, s3;
	s6 =	simm.s32 @!p1 $0x1082;
	[sflag:s4] =	ssyncset.s32 $0xFFFFF086  }
0x25: {  	[simem:s6], [sflag:s4] =	dma.local [hbm:s3], $0xF7A  }
0x26: {  	[smem:$0x3F9A] =	sst s1;
	(tag) =	ssettag s2;
	_ =	strace s9  }
0x27: {  	s1 =	sld [smem:$0x3FAA]  }
0x28: {  	s2 =	sld [smem:$0x3FAB]  }
0x29: {  	s4 =	sld [smem:$0x3FAD]  }
0x2a: {  	p0 =	seq.s32 s5, $0x0;
	s5 =	sld [smem:$0x3FAE]  }
0x2b: {  	s6 =	sld [smem:$0x3FAF]  }
0x2c: {  	s7 =	sld [smem:$0x3FB0]  }
0x2d: {  	s3 =	simm.s32 $0x108;
	s8 =	sld [smem:$0x3FB1]  }
0x2e: {  	s3 =	simm.s32 @!p0 $0x1082;
	s9 =	sld [smem:$0x3FB2]  }
0x2f: {  	lr =	sadd.s32 s0, s3;
	s0 =	sld [smem:$0x3FA9]  }
0x30: {  	s3 =	sld [smem:$0x3FAC]  }
0x31: {  	[smem:$0x3FB5] =	sst s10  }
0x32: {  	s10 =	sld [smem:$0x3FB3];
	_ =	sdelay $0x3  }
0x33: {  	p0 =	seq.s32 s10, $0x1;
	s10 =	sld [smem:$0x3FB5];
	_ =	sdelay $0x3  }
0x34: {  	[smem:$0x3FB5] =	sst s10  }
0x35: {  	s10 =	sld [smem:$0x3FB4];
	_ =	sdelay $0x3  }
0x36: {  	p1 =	seq.s32 s10, $0x1;
	s10 =	sld [smem:$0x3FB5];
	_ =	sdelay $0x3  }
0x37: {  	[smem:$0x3FB5] =	sst s10  }
0x38: {  	s10 =	sld [smem:$0x3FB6]  }
0x39: {  	_ = 	snop;
	(pc) =	sbr.ind lr, $3  }
0x3a: {  	_ = 	snop  }
0x3b: {  	_ = 	snop  }
0x3c: {  	p2 =	seq.s32 s10, $0x1;
	s10 =	sld [smem:$0x3FB5]  }
0x3d: {  	_ =	shalt  }
0x3e: {  	_ =	shalt  }
0x3f: {  	_ =	shalt  }
0x40: {  	_ =	shalt  }
0x41: {  	_ =	shalt  }
0x42: {  	_ =	shalt  }
0x43: {  	_ =	shalt  }
0x44: {  	_ =	shalt  }
0x45: {  	_ =	shalt  }
0x46: {  	_ =	shalt  }
0x47: {  	_ =	shalt  }
0x48: {  	_ =	shalt  }
0x49: {  	_ =	shalt  }
0x4a: {  	_ =	shalt  }
0x4b: {  	_ =	shalt  }
0x4c: {  	_ =	shalt  }
0x4d: {  	_ =	shalt  }
0x4e: {  	_ =	shalt  }
0x4f: {  	_ =	shalt  }
0x50: {  	_ =	shalt  }
0x51: {  	_ =	shalt  }
0x52: {  	_ =	shalt  }
0x53: {  	_ =	shalt  }
0x54: {  	_ =	shalt  }
0x55: {  	_ =	shalt  }
0x56: {  	_ =	shalt  }
0x57: {  	_ =	shalt  }
0x58: {  	_ =	shalt  }
0x59: {  	_ =	shalt  }
0x5a: {  	_ =	shalt  }
0x5b: {  	_ =	shalt  }
0x5c: {  	_ =	shalt  }
0x5d: {  	_ =	shalt  }
0x5e: {  	_ =	shalt  }
0x5f: {  	_ =	shalt  }
0x60: {  	_ =	shalt  }
0x61: {  	_ =	shalt  }
0x62: {  	_ =	shalt  }
0x63: {  	_ =	shalt  }
0x64: {  	_ =	shalt  }
0x65: {  	_ =	shalt  }
0x66: {  	_ =	shalt  }
0x67: {  	_ =	shalt  }
0x68: {  	_ =	shalt  }
0x69: {  	_ =	shalt  }
0x6a: {  	_ =	shalt  }
0x6b: {  	_ =	shalt  }
0x6c: {  	_ =	shalt  }
0x6d: {  	_ =	shalt  }
0x6e: {  	_ =	shalt  }
0x6f: {  	_ =	shalt  }
0x70: {  	_ =	shalt  }
0x71: {  	_ =	shalt  }
0x72: {  	_ =	shalt  }
0x73: {  	_ =	shalt  }
0x74: {  	_ =	shalt  }
0x75: {  	_ =	shalt  }
0x76: {  	_ =	shalt  }
0x77: {  	_ =	shalt  }
0x78: {  	_ =	shalt  }
0x79: {  	_ =	shalt  }
0x7a: {  	_ =	shalt  }
0x7b: {  	_ =	shalt  }
0x7c: {  	_ =	shalt  }
0x7d: {  	_ =	shalt  }
0x7e: {  	_ =	shalt  }
0x7f: {  	_ =	shalt  }
0x80: {  	_ =	shalt  }
0x81: {  	_ =	shalt  }
0x82: {  	_ =	shalt  }
0x83: {  	_ =	shalt  }
0x84: {  	_ =	shalt  }
0x85: {  	_ =	shalt  }
0x86: {  	_ =	shalt  }
0x87: {  	_ =	shalt  }
.Lfunc_end0:
.L_simem_size_0:
called_computation.1_lowered:
.L_overlay_start_0:
0x88: {  	s2 =	sld [smem:$0x3FD9]  }
0x89: {  	s3 =	sld [smem:$0x3FFE];
	_ =	sdelay $0x1  }
0x8a: {  	s1 =	srdreg.scid  }
0x8b: {  	s0 =	sand.u32 $0x1, s1  }
0x8c: {  	s17 =	sshll.u32 s0, $0xA;
	s2 =	sadd.s32 s3, s2  }
0x8d: {  	s2 =	sadd.s32 s2, s17  }
0x8e: {  	[smem:$0x3FC1] =	sst s2  }
0x8f: {  	_ = 	snop  }
0x90: {  	s2 =	sld [smem:$0x3FD0];
	(tm) =	ssettm $0x1  }
0x91: {  	s18 =	sld [smem:$0x3FFB];
	_ =	sdelay $0x3  }
0x92: {  	_ =	strace s18  }
0x93: {  	s3 =	sld [smem:$0x3FFC];
	_ =	sdelay $0x3  }
0x94: {  	_ =	strace s3  }
0x95: {  	s3 =	sld [smem:$0x3FFD];
	_ =	sdelay $0x3  }
0x96: {  	_ =	strace s3  }
0x97: {  	_ =	strace $0x8FFFFFFF  }
0x98: {  	s19 =	sld [smem:$0x3FDB];
	_ =	sdelay $0x1  }
0x99: {  	s4 =	simm.s32 $_scs_section_size  }
0x9a: {  	s5 =	simm.s32 $_size__tile_overlayer_lowered;
	s6 =	simm.s32 $_tile_overlayer_lowered  }
0x9b: {  	s22 =	simm.s32 $0x1BFF;
	s21 =	sshll.u32 s6, $0x1;
	s3 =	sadd.s32 s4, s19  }
0x9c: {  	s7 =	simm.s32 $0x0;
	s20 =	sshll.u32 s5, $0x1;
	s5 =	sadd.s32 s21, s3  }
0x9d: {  	[timem:s7], [sflag:s22] =	dma.local [hbm:s5], s20  }
0x9e: {  	_ =	swait.ge [sflag:s22], s20  }
0x9f: {  	s4 =	ssub.s32 $0x0, s20;
	[sflag:s22] =	ssyncset.done $0x0  }
0xa0: {  	[sflag:s22] =	ssyncadd.s32 s4;
	_ =	sdelay $0x1  }
0xa1: {  	s23 =	simm.s32 $0x1B8B  }
0xa2: {  	_ =	swait.ge [sflag:s23], $0x1  }
0xa3: {  	[sflag:s23] =	ssyncset.done $0x0  }
0xa4: {  	s25 =	simm.s32 $0x1B8E;
	s24 =	sld [smem:$0x3FFE];
	[sflag:s23] =	ssyncadd.s32 $0xFFFFFFFF  }
0xa5: {  	s26 =	simm.s32 $execute0_lowered;
	[smem:$0x3FD2] =	sst s25  }
0xa6: {  	s5 =	sshll.u32 s26, $0x1;
	_ =	strace $0x80000049;
	[dreg:$0x1] =	wrdreg $0xFFFFFFFF  }
0xa7: {  	s28 =	simm.s32 $_size_execute0_lowered;
	s3 =	sadd.s32 s3, s5;
	[dreg:$0x0] =	wrdreg $0x0  }
0xa8: {  	s5 =	sshll.u32 s28, $0x1;
	[dreg:$0x2] =	wrdreg s3  }
0xa9: {  	[dreg:$0x3] =	wrdreg s5  }
0xaa: {  	[dreg:$0x4] =	wrdreg $0xC0  }
0xab: {  	_ =	task [dreg:s7], $0x5FFFF  }
0xac: {  	[dreg:$0x1] =	wrdreg $0xFFFFFFFF  }
0xad: {  	[dreg:$0x0] =	wrdreg $0x60  }
0xae: {  	[dreg:$0x2] =	wrdreg s24  }
0xaf: {  	[dreg:$0x3] =	wrdreg s2  }
0xb0: {  	[dreg:$0x4] =	wrdreg $0x6C000  }
0xb1: {  	[dreg:$0x5] =	wrdreg $0x9  }
0xb2: {  	_ =	task.clear_ibuf [dreg:s7], $0x6FFFF;
	_ =	strace $0x90000049  }
0xb3: {  	s29 =	simm.s32 $0x9;
	_ =	strace $0x8000004B  }
0xb4: {  	_ =	swait.ge [sflag:s29], $0x1  }
0xb5: {  	[sflag:s29] =	ssyncadd.s32 $0xFFFFFFFF  }
0xb6: {  	_ =	strace $0x9000004B  }
0xb7: {  	_ =	sfence  }
0xb8: {  	s30 =	sld [smem:$0x0];
	_ =	sdelay $0x2  }
0xb9: {  	s31 =	sshll.u32 s1, $0xD;
	s1 =	sshrl.u32 s1, $0x2  }
0xba: {  	s3 =	sand.u32 $0x4000, s31;
	s1 =	sadd.s32 s1, s30  }
0xbb: {  	s0 =	sor.u32 s3, s0;
	s1 =	sshll.u32 s1, $0x11  }
0xbc: {  	s0 =	sor.u32 s1, s0  }
0xbd: {  	s0 =	sadd.s32 $0x8F2B, s0  }
0xbe: {  	[sflag:s0] =	ssyncadd.remote.s32 $0x1  }
0xbf: {  	_ =	sfence.sel $0xFFFF  }
0xc0: {  	[dreg:$0x0] =	wrdreg $0xFFFFFFFF;
	(pc) =	sbr.abs _section_cstart, $3  }
0xc1: {  	[dreg:$0x1] =	wrdreg $0xFFFFFFFF  }
0xc2: {  	_ =	task.clear_ibuf [dreg:s7], $0x2FFFF;
	_ =	strace $0x9FFFFFFF  }
0xc3: {  	(tm) =	ssettm $0x7FFFFFFF  }
tec
execute0_lowered:
.L_overlay_start_1:
0x0: {  	(tag) =	ssettag $0x1  }
0x1: {  	s0 =	rddreg [dreg:$0x0]  }
0x2: {  	s2 =	rddreg [dreg:$0x2];
	s3 =	simm.s32 $0x0  }
0x3: {  	s1 =	srdreg.scid;
	s14 =	stileid.u32;
	s15 =	simm.s32 $0xE00  }
0x4: {  	s16 =	simm.s32 $0x80;
	s17 =	simm.s32 $0x1C00;
	s18 =	simm.s32 $0x2C00  }
0x5: {  	s20 =	simm.s32 $0x3C00;
	s22 =	simm.s32 $0x4C00;
	s23 =	simm.s32 $0x1  }
0x6: {  	s24 =	simm.s32 $0x2;
	s26 =	simm.s32 $0x5;
	s28 =	simm.s32 $0x6  }
0x7: {  	s31 =	simm.s32 $0x3;
	s19 =	simm.s32 $0x8;
	s21 =	simm.s32 $0x0  }
0x8: {  	[smem:$0x7FF] =	sst s3;
	s5 =	sadd.s32 $0x1AA00, s0;
	s4 =	smul.u32 $0x64000, s14  }
0x9: {  	s6 =	sadd.s32 $0x110200, s0;
	s1 =	sand.u32 $0x1, s1;
	s11 =	smul.u32 $0x3200, s14  }
0xa: {  	s7 =	sadd.s32 $0x2200, s0;
	_ =	strace $0x8000004A;
	s8 =	smul.u32 $0x32000, s1  }
0xb: {  	s9 =	ssub.s32 $0x2, s1;
	p0 =	seq.s32 s1, $0x1;
	s1 =	simm.s32 $0x1B80  }
0xc: {  	s10 =	sshrl.u32 s9, $0x1;
	s4 =	sshrl.u32 s4, $0x2;
	s12 =	sadd.s32 s8, s0  }
0xd: {  	s13 =	ssub.s32 s9, s10;
	s8 =	sadd.s32 s4, s2;
	s9 =	smul.u32 $0xC400, s14  }
0xe: {  	s10 =	sadd.s32 $0x4B740, s0;
	s14 =	simm.s32 $0x9;
	s4 =	simm.s32 $0x4  }
0xf: {  	s29 =	sadd.s32 s11, s12;
	s30 =	smax.u32 s13, $0x1;
	s13 =	simm.s32 $0x5C00  }
0x10: {  	s11 =	simm.s32 $0x7;
	[dreg:$0x4] =	wrdreg s30;
	s12 =	sadd.s32 $0x7C600, s29  }
.LBB2_1:
0x11: {  	[dreg:$0x5] =	wrdreg s21  }
0x12: {  	s0 =	rddreg [dreg:$0x1]  }
0x13: {  	[tilespmem:s13], [sflag:$0x9] =	stream.linear.gather [hbm4b:s0+s3], $0x1000, $0x38;
	[tilespmem:$0x1FC00] =	vst v63  }
0x14: {  	_ =	swait.ge [sflag:s14], $0x1000  }
0x15: {  	[sflag:s14] =	ssyncset.done $0x0  }
0x16: {  	s30 =	sadd.s32 $0x0, s8;
	[sflag:s14] =	ssyncadd.s32 $0xFFFFF000  }
0x17: {  	[spmem:s30] =	stream.linear.scatter [tilespmem:s13], [sflag:$0x9], $0x1000, $0x38;
	[tilespmem:$0x1FC00] =	vst v63  }
0x18: {  	s21 =	simm.s32 $0x4000;
	_ =	swait.ge [sflag:s14], $0x1000  }
.LBB2_2:
0x19: {  	s25 =	sshra.s32 s21, $0x2;
	[sflag:s14] =	ssyncset.done $0x0;
	p1 =	sne.s32 s21, $0x60000  }
.Ltmp0:
0x1a: {  	s25 =	sadd.s32 s25, s8;
	[sflag:s14] =	ssyncadd.s32 $0xFFFFF000;
	(pc) =	sbr.rel @p1 .LBB2_2-.Ltmp0, $3  }
0x1b: {  	[spmem:s25] =	stream.linear.scatter [tilespmem:s13], [sflag:$0x9], $0x1000, $0x38;
	[tilespmem:$0x1FC00] =	vst v63  }
0x1c: {  	s21 =	sadd.s32 $0x4000, s21;
	_ =	sdelay $0x1  }
0x1d: {  	_ =	swait.ge [sflag:s14], $0x1000  }
.Ltmp1:
0x1e: {  	(pc) =	sbr.rel @!p0 .LBB2_4-.Ltmp1, $4  }
0x1f: {  	[sflag:s14] =	ssyncset.done $0x0  }
0x20: {  	[sflag:s14] =	ssyncadd.s32 $0xFFFFF000  }
0x21: {  	[bflag:$0x0] =	sbarrier.arrive $0xFFFF  }
0x22: {  	s21 =	simm.s32 $0x0;
	s25 =	simm.s32 $0x0;
	s29 =	simm.s32 $0x0  }
.LBB2_7:
0x23: {  	s0 =	smul.u32 $0xE00, s29;
	_ =	sdelay $0x1  }
0x24: {  	s0 =	sadd.s32 s9, s0  }
0x25: {  	s0 =	sshrl.u32 s0, $0x3  }
0x26: {  	s25 =	sadd.s32 s6, s0  }
0x27: {  	[tilespmem:s21], [sflag:$0x9] =	stream.linear.gather [hbm4b:s25+s21], $0xE00, $0x38;
	[tilespmem:$0x1FC00] =	vst v63  }
0x28: {  	_ =	swait.ge [sflag:s14], $0xE00  }
0x29: {  	[sflag:s14] =	ssyncset.done $0x0  }
0x2a: {  	s0 =	sadd.s32 s7, s0;
	[sflag:s14] =	ssyncadd.s32 $0xFFFFF200  }
0x2b: {  	[tilespmem:s15], [sflag:$0x9] =	stream.linear.gather [hbm4b:s0+s21], $0xE00, $0x38;
	[tilespmem:$0x1FC00] =	vst v63  }
0x2c: {  	_ =	swait.ge [sflag:s14], $0xE00  }
0x2d: {  	[sflag:s14] =	ssyncset.done $0x0  }
0x2e: {  	[sflag:s14] =	ssyncadd.s32 $0xFFFFF200  }
0x2f: {  	[tilespmem:s17], [sflag:$0x1] =	stream.indirect.gather [hbm4b:s10+s16], $0x20, s21, s16, $0xb8;
	[tilespmem:$0x1FC00] =	vst v63  }
0x30: {  	_ = 	snop  }
0x31: {  	[tilespmem:s18], [sflag:$0x2] =	stream.indirect.gather [hbm4b:s10+s16], $0x20, s16, s16, $0xb8;
	[tilespmem:$0x1FC00] =	vst v63  }
0x32: {  	s25 =	simm.s32 $0x100  }
0x33: {  	[tilespmem:s20], [sflag:$0x3] =	stream.indirect.gather [hbm4b:s10+s16], $0x20, s25, s16, $0xb8;
	[tilespmem:$0x1FC00] =	vst v63  }
0x34: {  	s25 =	simm.s32 $0x180  }
0x35: {  	[tilespmem:s22], [sflag:$0x4] =	stream.indirect.gather [hbm4b:s10+s16], $0x20, s25, s16, $0xb8;
	[tilespmem:$0x1FC00] =	vst v63  }
0x36: {  	_ =	swait.ge [sflag:s23], $0x1000  }
0x37: {  	[sflag:s23] =	ssyncset.done $0x0  }
0x38: {  	[sflag:s23] =	ssyncadd.s32 $0xFFFFF000  }
0x39: {  	[spmem:s2] =	stream.indirect.scatter.add.f32 [tilespmem:s17], [sflag:$0x5], $0x20, s15, s16, $0xb8;
	[tilespmem:$0x1FC00] =	vst v63  }
0x3a: {  	_ =	swait.ge [sflag:s24], $0x1000  }
0x3b: {  	[sflag:s24] =	ssyncset.done $0x0  }
0x3c: {  	s25 =	simm.s32 $0xE80;
	[sflag:s24] =	ssyncadd.s32 $0xFFFFF000  }
0x3d: {  	[spmem:s2] =	stream.indirect.scatter.add.f32 [tilespmem:s18], [sflag:$0x6], $0x20, s25, s16, $0xb8;
	[tilespmem:$0x1FC00] =	vst v63  }
0x3e: {  	_ =	swait.ge [sflag:s26], $0x1000  }
0x3f: {  	[sflag:s26] =	ssyncset.done $0x0  }
0x40: {  	[sflag:s26] =	ssyncadd.s32 $0xFFFFF000  }
0x41: {  	_ =	swait.ge [sflag:s28], $0x1000  }
0x42: {  	[sflag:s28] =	ssyncset.done $0x0  }
0x43: {  	s25 =	simm.s32 $0x200;
	[sflag:s28] =	ssyncadd.s32 $0xFFFFF000  }
0x44: {  	[tilespmem:s17], [sflag:$0x1] =	stream.indirect.gather [hbm4b:s10+s16], $0x20, s25, s16, $0xb8;
	[tilespmem:$0x1FC00] =	vst v63  }
0x45: {  	s25 =	simm.s32 $0x280  }
0x46: {  	[tilespmem:s18], [sflag:$0x2] =	stream.indirect.gather [hbm4b:s10+s16], $0x20, s25, s16, $0xb8;
	[tilespmem:$0x1FC00] =	vst v63  }
0x47: {  	_ =	swait.ge [sflag:s31], $0x1000  }
0x48: {  	[sflag:s31] =	ssyncset.done $0x0  }
0x49: {  	s25 =	simm.s32 $0xF00;
	[sflag:s31] =	ssyncadd.s32 $0xFFFFF000  }
0x4a: {  	[spmem:s2] =	stream.indirect.scatter.add.f32 [tilespmem:s20], [sflag:$0x7], $0x20, s25, s16, $0xb8;
	[tilespmem:$0x1FC00] =	vst v63  }
0x4b: {  	_ =	swait.ge [sflag:s4], $0x1000  }
0x4c: {  	[sflag:s4] =	ssyncset.done $0x0  }
0x4d: {  	s25 =	simm.s32 $0xF80;
	[sflag:s4] =	ssyncadd.s32 $0xFFFFF000  }
0x4e: {  	[spmem:s2] =	stream.indirect.scatter.add.f32 [tilespmem:s22], [sflag:$0x8], $0x20, s25, s16, $0xb8;
	[tilespmem:$0x1FC00] =	vst v63  }
0x4f: {  	_ =	swait.ge [sflag:s11], $0x1000  }
0x50: {  	[sflag:s11] =	ssyncset.done $0x0  }
0x51: {  	[sflag:s11] =	ssyncadd.s32 $0xFFFFF000  }
0x52: {  	_ =	swait.ge [sflag:s19], $0x1000  }
0x53: {  	[sflag:s19] =	ssyncset.done $0x0  }
0x54: {  	s25 =	simm.s32 $0x300;
	[sflag:s19] =	ssyncadd.s32 $0xFFFFF000  }
0x55: {  	[tilespmem:s20], [sflag:$0x3] =	stream.indirect.gather [hbm4b:s10+s16], $0x20, s25, s16, $0xb8;
	[tilespmem:$0x1FC00] =	vst v63  }
0x56: {  	s25 =	simm.s32 $0x380  }
0x57: {  	[tilespmem:s22], [sflag:$0x4] =	stream.indirect.gather [hbm4b:s10+s16], $0x20, s25, s16, $0xb8;
	[tilespmem:$0x1FC00] =	vst v63  }
0x58: {  	_ =	swait.ge [sflag:s23], $0x1000  }
0x59: {  	[sflag:s23] =	ssyncset.done $0x0  }
0x5a: {  	s25 =	simm.s32 $0x1000;
	[sflag:s23] =	ssyncadd.s32 $0xFFFFF000  }
0x5b: {  	[spmem:s2] =	stream.indirect.scatter.add.f32 [tilespmem:s17], [sflag:$0x5], $0x20, s25, s16, $0xb8;
	[tilespmem:$0x1FC00] =	vst v63  }
0x5c: {  	_ =	swait.ge [sflag:s24], $0x1000  }
0x5d: {  	[sflag:s24] =	ssyncset.done $0x0  }
0x5e: {  	s25 =	simm.s32 $0x1080;
	[sflag:s24] =	ssyncadd.s32 $0xFFFFF000  }
0x5f: {  	[spmem:s2] =	stream.indirect.scatter.add.f32 [tilespmem:s18], [sflag:$0x6], $0x20, s25, s16, $0xb8;
	[tilespmem:$0x1FC00] =	vst v63  }
0x60: {  	_ =	swait.ge [sflag:s26], $0x1000  }
0x61: {  	[sflag:s26] =	ssyncset.done $0x0  }
0x62: {  	[sflag:s26] =	ssyncadd.s32 $0xFFFFF000  }
0x63: {  	_ =	swait.ge [sflag:s28], $0x1000  }
0x64: {  	[sflag:s28] =	ssyncset.done $0x0  }
0x65: {  	s25 =	simm.s32 $0x400;
	[sflag:s28] =	ssyncadd.s32 $0xFFFFF000  }
0x66: {  	[tilespmem:s17], [sflag:$0x1] =	stream.indirect.gather [hbm4b:s10+s16], $0x20, s25, s16, $0xb8;
	[tilespmem:$0x1FC00] =	vst v63  }
0x67: {  	s25 =	simm.s32 $0x480  }
0x68: {  	[tilespmem:s18], [sflag:$0x2] =	stream.indirect.gather [hbm4b:s10+s16], $0x20, s25, s16, $0xb8;
	[tilespmem:$0x1FC00] =	vst v63  }
0x69: {  	_ =	swait.ge [sflag:s31], $0x1000  }
0x6a: {  	[sflag:s31] =	ssyncset.done $0x0  }
0x6b: {  	s25 =	simm.s32 $0x1100;
	[sflag:s31] =	ssyncadd.s32 $0xFFFFF000  }
0x6c: {  	[spmem:s2] =	stream.indirect.scatter.add.f32 [tilespmem:s20], [sflag:$0x7], $0x20, s25, s16, $0xb8;
	[tilespmem:$0x1FC00] =	vst v63  }
0x6d: {  	_ =	swait.ge [sflag:s4], $0x1000  }
0x6e: {  	[sflag:s4] =	ssyncset.done $0x0  }
0x6f: {  	s30 =	simm.s32 $0x1180;
	s25 =	simm.s32 $0x800;
	[sflag:s4] =	ssyncadd.s32 $0xFFFFF000  }
.LBB2_8:
0x70: {  	[spmem:s2] =	stream.indirect.scatter.add.f32 [tilespmem:s22], [sflag:$0x8], $0x20, s30, s16, $0xb8;
	[tilespmem:$0x1FC00] =	vst v63  }
0x71: {  	s0 =	smov.u32 s25  }
0x72: {  	p1 =	sne.s32 s25, $0x2000;
	s25 =	sadd.s32 $0x800, s25;
	_ =	swait.ge [sflag:s11], $0x1000  }
0x73: {  	[sflag:s11] =	ssyncset.done $0x0  }
0x74: {  	[sflag:s11] =	ssyncadd.s32 $0xFFFFF000  }
0x75: {  	_ =	swait.ge [sflag:s19], $0x1000  }
0x76: {  	s0 =	sshra.s32 s0, $0x2;
	[sflag:s19] =	ssyncset.done $0x0  }
0x77: {  	s30 =	sadd.s32 $0x300, s0;
	[sflag:s19] =	ssyncadd.s32 $0xFFFFF000  }
0x78: {  	[tilespmem:s20], [sflag:$0x3] =	stream.indirect.gather [hbm4b:s10+s16], $0x20, s30, s16, $0xb8;
	[tilespmem:$0x1FC00] =	vst v63  }
0x79: {  	s30 =	sadd.s32 $0x380, s0  }
0x7a: {  	[tilespmem:s22], [sflag:$0x4] =	stream.indirect.gather [hbm4b:s10+s16], $0x20, s30, s16, $0xb8;
	[tilespmem:$0x1FC00] =	vst v63  }
0x7b: {  	_ =	swait.ge [sflag:s23], $0x1000  }
0x7c: {  	[sflag:s23] =	ssyncset.done $0x0  }
0x7d: {  	s30 =	sadd.s32 $0x1000, s0;
	[sflag:s23] =	ssyncadd.s32 $0xFFFFF000  }
0x7e: {  	[spmem:s2] =	stream.indirect.scatter.add.f32 [tilespmem:s17], [sflag:$0x5], $0x20, s30, s16, $0xb8;
	[tilespmem:$0x1FC00] =	vst v63  }
0x7f: {  	_ =	swait.ge [sflag:s24], $0x1000  }
0x80: {  	[sflag:s24] =	ssyncset.done $0x0  }
0x81: {  	s30 =	sadd.s32 $0x1080, s0;
	[sflag:s24] =	ssyncadd.s32 $0xFFFFF000  }
0x82: {  	[spmem:s2] =	stream.indirect.scatter.add.f32 [tilespmem:s18], [sflag:$0x6], $0x20, s30, s16, $0xb8;
	[tilespmem:$0x1FC00] =	vst v63  }
0x83: {  	_ =	swait.ge [sflag:s26], $0x1000  }
0x84: {  	[sflag:s26] =	ssyncset.done $0x0  }
0x85: {  	[sflag:s26] =	ssyncadd.s32 $0xFFFFF000  }
0x86: {  	_ =	swait.ge [sflag:s28], $0x1000  }
0x87: {  	[sflag:s28] =	ssyncset.done $0x0  }
0x88: {  	s30 =	sadd.s32 $0x400, s0;
	[sflag:s28] =	ssyncadd.s32 $0xFFFFF000  }
0x89: {  	[tilespmem:s17], [sflag:$0x1] =	stream.indirect.gather [hbm4b:s10+s16], $0x20, s30, s16, $0xb8;
	[tilespmem:$0x1FC00] =	vst v63  }
0x8a: {  	s30 =	sadd.s32 $0x480, s0  }
0x8b: {  	[tilespmem:s18], [sflag:$0x2] =	stream.indirect.gather [hbm4b:s10+s16], $0x20, s30, s16, $0xb8;
	[tilespmem:$0x1FC00] =	vst v63  }
0x8c: {  	_ =	swait.ge [sflag:s31], $0x1000  }
0x8d: {  	[sflag:s31] =	ssyncset.done $0x0  }
.Ltmp2:
0x8e: {  	s30 =	sadd.s32 $0x1100, s0;
	[sflag:s31] =	ssyncadd.s32 $0xFFFFF000;
	(pc) =	sbr.rel @p1 .LBB2_8-.Ltmp2, $4  }
0x8f: {  	[spmem:s2] =	stream.indirect.scatter.add.f32 [tilespmem:s20], [sflag:$0x7], $0x20, s30, s16, $0xb8;
	[tilespmem:$0x1FC00] =	vst v63  }
0x90: {  	_ =	swait.ge [sflag:s4], $0x1000  }
0x91: {  	[sflag:s4] =	ssyncset.done $0x0  }
0x92: {  	s30 =	sadd.s32 $0x1180, s0;
	[sflag:s4] =	ssyncadd.s32 $0xFFFFF000  }
0x93: {  	[spmem:s2] =	stream.indirect.scatter.add.f32 [tilespmem:s22], [sflag:$0x8], $0x20, s30, s16, $0xb8;
	[tilespmem:$0x1FC00] =	vst v63  }
0x94: {  	_ =	swait.ge [sflag:s11], $0x1000  }
0x95: {  	[sflag:s11] =	ssyncset.done $0x0  }
0x96: {  	[sflag:s11] =	ssyncadd.s32 $0xFFFFF000  }
0x97: {  	_ =	swait.ge [sflag:s19], $0x1000  }
0x98: {  	[sflag:s19] =	ssyncset.done $0x0  }
0x99: {  	s0 =	simm.s32 $0xD00;
	[sflag:s19] =	ssyncadd.s32 $0xFFFFF000  }
0x9a: {  	[tilespmem:s20], [sflag:$0x3] =	stream.indirect.gather [hbm4b:s10+s16], $0x20, s0, s16, $0xb8;
	[tilespmem:$0x1FC00] =	vst v63  }
0x9b: {  	s25 =	simm.s32 $0xD80  }
0x9c: {  	[tilespmem:s22], [sflag:$0x4] =	stream.indirect.gather [hbm4b:s10+s16], $0x20, s25, s16, $0xb8;
	[tilespmem:$0x1FC00] =	vst v63  }
0x9d: {  	_ =	swait.ge [sflag:s23], $0x1000  }
0x9e: {  	[sflag:s23] =	ssyncset.done $0x0  }
0x9f: {  	s30 =	simm.s32 $0x1A00;
	[sflag:s23] =	ssyncadd.s32 $0xFFFFF000  }
0xa0: {  	[spmem:s2] =	stream.indirect.scatter.add.f32 [tilespmem:s17], [sflag:$0x5], $0x20, s30, s16, $0xb8;
	[tilespmem:$0x1FC00] =	vst v63  }
0xa1: {  	_ =	swait.ge [sflag:s24], $0x1000  }
0xa2: {  	[sflag:s24] =	ssyncset.done $0x0  }
0xa3: {  	s25 =	simm.s32 $0x1A80;
	[sflag:s24] =	ssyncadd.s32 $0xFFFFF000  }
0xa4: {  	[spmem:s2] =	stream.indirect.scatter.add.f32 [tilespmem:s18], [sflag:$0x6], $0x20, s25, s16, $0xb8;
	[tilespmem:$0x1FC00] =	vst v63  }
0xa5: {  	_ =	swait.ge [sflag:s26], $0x1000  }
0xa6: {  	[sflag:s26] =	ssyncset.done $0x0  }
0xa7: {  	[sflag:s26] =	ssyncadd.s32 $0xFFFFF000  }
0xa8: {  	_ =	swait.ge [sflag:s28], $0x1000  }
0xa9: {  	[sflag:s28] =	ssyncset.done $0x0  }
0xaa: {  	[sflag:s28] =	ssyncadd.s32 $0xFFFFF000  }
0xab: {  	_ =	swait.ge [sflag:s31], $0x1000  }
0xac: {  	[sflag:s31] =	ssyncset.done $0x0  }
0xad: {  	s30 =	simm.s32 $0x1B00;
	[sflag:s31] =	ssyncadd.s32 $0xFFFFF000  }
0xae: {  	[spmem:s2] =	stream.indirect.scatter.add.f32 [tilespmem:s20], [sflag:$0x7], $0x20, s30, s16, $0xb8;
	[tilespmem:$0x1FC00] =	vst v63  }
0xaf: {  	_ =	swait.ge [sflag:s4], $0x1000  }
0xb0: {  	[sflag:s4] =	ssyncset.done $0x0  }
0xb1: {  	s29 =	sadd.s32 $0x1, s29;
	[sflag:s4] =	ssyncadd.s32 $0xFFFFF000  }
0xb2: {  	[spmem:s2] =	stream.indirect.scatter.add.f32 [tilespmem:s22], [sflag:$0x8], $0x20, s1, s16, $0xb8;
	[tilespmem:$0x1FC00] =	vst v63  }
0xb3: {  	p1 =	sne.s32 s29, $0xE;
	_ =	swait.ge [sflag:s11], $0x1000  }
.Ltmp3:
0xb4: {  	[sflag:s11] =	ssyncset.done $0x0;
	(pc) =	sbr.rel @p1 .LBB2_7-.Ltmp3, $4  }
.Ltmp4:
0xb5: {  	[sflag:s11] =	ssyncadd.s32 $0xFFFFF000;
	(pc) =	sbr.rel @!p1 .LBB2_10-.Ltmp4, $4  }
0xb6: {  	_ =	swait.ge [sflag:s19], $0x1000  }
0xb7: {  	[sflag:s19] =	ssyncset.done $0x0  }
0xb8: {  	[sflag:s19] =	ssyncadd.s32 $0xFFFFF000  }
0xb9: {  	_ = 	snop  }
.LBB2_4:
0xba: {  	s29 =	smul.u32 $0xE00, s25;
	_ =	sdelay $0x1  }
0xbb: {  	s29 =	sadd.s32 s9, s29  }
0xbc: {  	s29 =	sshrl.u32 s29, $0x3  }
0xbd: {  	s30 =	sadd.s32 s6, s29  }
0xbe: {  	[tilespmem:s21], [sflag:$0x9] =	stream.linear.gather [hbm4b:s30+s21], $0xE00, $0x38;
	[tilespmem:$0x1FC00] =	vst v63  }
0xbf: {  	_ =	swait.ge [sflag:s14], $0xE00  }
0xc0: {  	[sflag:s14] =	ssyncset.done $0x0  }
0xc1: {  	s29 =	sadd.s32 s7, s29;
	[sflag:s14] =	ssyncadd.s32 $0xFFFFF200  }
0xc2: {  	[tilespmem:s15], [sflag:$0x9] =	stream.linear.gather [hbm4b:s29+s21], $0xE00, $0x38;
	[tilespmem:$0x1FC00] =	vst v63  }
0xc3: {  	_ =	swait.ge [sflag:s14], $0xE00  }
0xc4: {  	[sflag:s14] =	ssyncset.done $0x0  }
0xc5: {  	[sflag:s14] =	ssyncadd.s32 $0xFFFFF200  }
0xc6: {  	[tilespmem:s17], [sflag:$0x1] =	stream.indirect.gather [hbm4b:s5+s16], $0x20, s21, s16, $0xb8;
	[tilespmem:$0x1FC00] =	vst v63  }
0xc7: {  	_ = 	snop  }
0xc8: {  	[tilespmem:s18], [sflag:$0x2] =	stream.indirect.gather [hbm4b:s5+s16], $0x20, s16, s16, $0xb8;
	[tilespmem:$0x1FC00] =	vst v63  }
0xc9: {  	s0 =	simm.s32 $0x100  }
0xca: {  	[tilespmem:s20], [sflag:$0x3] =	stream.indirect.gather [hbm4b:s5+s16], $0x20, s0, s16, $0xb8;
	[tilespmem:$0x1FC00] =	vst v63  }
0xcb: {  	s0 =	simm.s32 $0x180  }
0xcc: {  	[tilespmem:s22], [sflag:$0x4] =	stream.indirect.gather [hbm4b:s5+s16], $0x20, s0, s16, $0xb8;
	[tilespmem:$0x1FC00] =	vst v63  }
0xcd: {  	_ =	swait.ge [sflag:s23], $0x1000  }
0xce: {  	[sflag:s23] =	ssyncset.done $0x0  }
0xcf: {  	[sflag:s23] =	ssyncadd.s32 $0xFFFFF000  }
0xd0: {  	[spmem:s2] =	stream.indirect.scatter.add.f32 [tilespmem:s17], [sflag:$0x5], $0x20, s15, s16, $0xb8;
	[tilespmem:$0x1FC00] =	vst v63  }
0xd1: {  	_ =	swait.ge [sflag:s24], $0x1000  }
0xd2: {  	[sflag:s24] =	ssyncset.done $0x0  }
0xd3: {  	s0 =	simm.s32 $0xE80;
	[sflag:s24] =	ssyncadd.s32 $0xFFFFF000  }
0xd4: {  	[spmem:s2] =	stream.indirect.scatter.add.f32 [tilespmem:s18], [sflag:$0x6], $0x20, s0, s16, $0xb8;
	[tilespmem:$0x1FC00] =	vst v63  }
0xd5: {  	_ =	swait.ge [sflag:s26], $0x1000  }
0xd6: {  	[sflag:s26] =	ssyncset.done $0x0  }
0xd7: {  	[sflag:s26] =	ssyncadd.s32 $0xFFFFF000  }
0xd8: {  	_ =	swait.ge [sflag:s28], $0x1000  }
0xd9: {  	[sflag:s28] =	ssyncset.done $0x0  }
0xda: {  	s0 =	simm.s32 $0x200;
	[sflag:s28] =	ssyncadd.s32 $0xFFFFF000  }
0xdb: {  	[tilespmem:s17], [sflag:$0x1] =	stream.indirect.gather [hbm4b:s5+s16], $0x20, s0, s16, $0xb8;
	[tilespmem:$0x1FC00] =	vst v63  }
0xdc: {  	s0 =	simm.s32 $0x280  }
0xdd: {  	[tilespmem:s18], [sflag:$0x2] =	stream.indirect.gather [hbm4b:s5+s16], $0x20, s0, s16, $0xb8;
	[tilespmem:$0x1FC00] =	vst v63  }
0xde: {  	_ =	swait.ge [sflag:s31], $0x1000  }
0xdf: {  	[sflag:s31] =	ssyncset.done $0x0  }
0xe0: {  	s0 =	simm.s32 $0xF00;
	[sflag:s31] =	ssyncadd.s32 $0xFFFFF000  }
0xe1: {  	[spmem:s2] =	stream.indirect.scatter.add.f32 [tilespmem:s20], [sflag:$0x7], $0x20, s0, s16, $0xb8;
	[tilespmem:$0x1FC00] =	vst v63  }
0xe2: {  	_ =	swait.ge [sflag:s4], $0x1000  }
0xe3: {  	[sflag:s4] =	ssyncset.done $0x0  }
0xe4: {  	s0 =	simm.s32 $0xF80;
	[sflag:s4] =	ssyncadd.s32 $0xFFFFF000  }
0xe5: {  	[spmem:s2] =	stream.indirect.scatter.add.f32 [tilespmem:s22], [sflag:$0x8], $0x20, s0, s16, $0xb8;
	[tilespmem:$0x1FC00] =	vst v63  }
0xe6: {  	_ =	swait.ge [sflag:s11], $0x1000  }
0xe7: {  	[sflag:s11] =	ssyncset.done $0x0  }
0xe8: {  	[sflag:s11] =	ssyncadd.s32 $0xFFFFF000  }
0xe9: {  	_ =	swait.ge [sflag:s19], $0x1000  }
0xea: {  	[sflag:s19] =	ssyncset.done $0x0  }
0xeb: {  	s29 =	simm.s32 $0x300;
	[sflag:s19] =	ssyncadd.s32 $0xFFFFF000  }
0xec: {  	[tilespmem:s20], [sflag:$0x3] =	stream.indirect.gather [hbm4b:s5+s16], $0x20, s29, s16, $0xb8;
	[tilespmem:$0x1FC00] =	vst v63  }
0xed: {  	s29 =	simm.s32 $0x380  }
0xee: {  	[tilespmem:s22], [sflag:$0x4] =	stream.indirect.gather [hbm4b:s5+s16], $0x20, s29, s16, $0xb8;
	[tilespmem:$0x1FC00] =	vst v63  }
0xef: {  	_ =	swait.ge [sflag:s23], $0x1000  }
0xf0: {  	[sflag:s23] =	ssyncset.done $0x0  }
0xf1: {  	s29 =	simm.s32 $0x1000;
	[sflag:s23] =	ssyncadd.s32 $0xFFFFF000  }
0xf2: {  	[spmem:s2] =	stream.indirect.scatter.add.f32 [tilespmem:s17], [sflag:$0x5], $0x20, s29, s16, $0xb8;
	[tilespmem:$0x1FC00] =	vst v63  }
0xf3: {  	_ =	swait.ge [sflag:s24], $0x1000  }
0xf4: {  	[sflag:s24] =	ssyncset.done $0x0  }
0xf5: {  	s29 =	simm.s32 $0x1080;
	[sflag:s24] =	ssyncadd.s32 $0xFFFFF000  }
0xf6: {  	[spmem:s2] =	stream.indirect.scatter.add.f32 [tilespmem:s18], [sflag:$0x6], $0x20, s29, s16, $0xb8;
	[tilespmem:$0x1FC00] =	vst v63  }
0xf7: {  	_ =	swait.ge [sflag:s26], $0x1000  }
0xf8: {  	[sflag:s26] =	ssyncset.done $0x0  }
0xf9: {  	[sflag:s26] =	ssyncadd.s32 $0xFFFFF000  }
0xfa: {  	_ =	swait.ge [sflag:s28], $0x1000  }
0xfb: {  	[sflag:s28] =	ssyncset.done $0x0  }
0xfc: {  	s29 =	simm.s32 $0x400;
	[sflag:s28] =	ssyncadd.s32 $0xFFFFF000  }
0xfd: {  	[tilespmem:s17], [sflag:$0x1] =	stream.indirect.gather [hbm4b:s5+s16], $0x20, s29, s16, $0xb8;
	[tilespmem:$0x1FC00] =	vst v63  }
0xfe: {  	s29 =	simm.s32 $0x480  }
0xff: {  	[tilespmem:s18], [sflag:$0x2] =	stream.indirect.gather [hbm4b:s5+s16], $0x20, s29, s16, $0xb8;
	[tilespmem:$0x1FC00] =	vst v63  }
0x100: {  	_ =	swait.ge [sflag:s31], $0x1000  }
0x101: {  	[sflag:s31] =	ssyncset.done $0x0  }
0x102: {  	s29 =	simm.s32 $0x1100;
	[sflag:s31] =	ssyncadd.s32 $0xFFFFF000  }
0x103: {  	[spmem:s2] =	stream.indirect.scatter.add.f32 [tilespmem:s20], [sflag:$0x7], $0x20, s29, s16, $0xb8;
	[tilespmem:$0x1FC00] =	vst v63  }
0x104: {  	_ =	swait.ge [sflag:s4], $0x1000  }
0x105: {  	[sflag:s4] =	ssyncset.done $0x0  }
0x106: {  	s30 =	simm.s32 $0x1180;
	s29 =	simm.s32 $0x800;
	[sflag:s4] =	ssyncadd.s32 $0xFFFFF000  }
.LBB2_5:
0x107: {  	[spmem:s2] =	stream.indirect.scatter.add.f32 [tilespmem:s22], [sflag:$0x8], $0x20, s30, s16, $0xb8;
	[tilespmem:$0x1FC00] =	vst v63  }
0x108: {  	s30 =	smov.u32 s29  }
0x109: {  	p1 =	sne.s32 s29, $0x2000;
	s29 =	sadd.s32 $0x800, s29;
	_ =	swait.ge [sflag:s11], $0x1000  }
0x10a: {  	[sflag:s11] =	ssyncset.done $0x0  }
0x10b: {  	[sflag:s11] =	ssyncadd.s32 $0xFFFFF000  }
0x10c: {  	_ =	swait.ge [sflag:s19], $0x1000  }
0x10d: {  	s30 =	sshra.s32 s30, $0x2;
	[sflag:s19] =	ssyncset.done $0x0  }
0x10e: {  	s0 =	sadd.s32 $0x300, s30;
	[sflag:s19] =	ssyncadd.s32 $0xFFFFF000  }
0x10f: {  	[tilespmem:s20], [sflag:$0x3] =	stream.indirect.gather [hbm4b:s5+s16], $0x20, s0, s16, $0xb8;
	[tilespmem:$0x1FC00] =	vst v63  }
0x110: {  	s0 =	sadd.s32 $0x380, s30  }
0x111: {  	[tilespmem:s22], [sflag:$0x4] =	stream.indirect.gather [hbm4b:s5+s16], $0x20, s0, s16, $0xb8;
	[tilespmem:$0x1FC00] =	vst v63  }
0x112: {  	_ =	swait.ge [sflag:s23], $0x1000  }
0x113: {  	[sflag:s23] =	ssyncset.done $0x0  }
0x114: {  	s0 =	sadd.s32 $0x1000, s30;
	[sflag:s23] =	ssyncadd.s32 $0xFFFFF000  }
0x115: {  	[spmem:s2] =	stream.indirect.scatter.add.f32 [tilespmem:s17], [sflag:$0x5], $0x20, s0, s16, $0xb8;
	[tilespmem:$0x1FC00] =	vst v63  }
0x116: {  	_ =	swait.ge [sflag:s24], $0x1000  }
0x117: {  	[sflag:s24] =	ssyncset.done $0x0  }
0x118: {  	s0 =	sadd.s32 $0x1080, s30;
	[sflag:s24] =	ssyncadd.s32 $0xFFFFF000  }
0x119: {  	[spmem:s2] =	stream.indirect.scatter.add.f32 [tilespmem:s18], [sflag:$0x6], $0x20, s0, s16, $0xb8;
	[tilespmem:$0x1FC00] =	vst v63  }
0x11a: {  	_ =	swait.ge [sflag:s26], $0x1000  }
0x11b: {  	[sflag:s26] =	ssyncset.done $0x0  }
0x11c: {  	[sflag:s26] =	ssyncadd.s32 $0xFFFFF000  }
0x11d: {  	_ =	swait.ge [sflag:s28], $0x1000  }
0x11e: {  	[sflag:s28] =	ssyncset.done $0x0  }
0x11f: {  	s0 =	sadd.s32 $0x400, s30;
	[sflag:s28] =	ssyncadd.s32 $0xFFFFF000  }
0x120: {  	[tilespmem:s17], [sflag:$0x1] =	stream.indirect.gather [hbm4b:s5+s16], $0x20, s0, s16, $0xb8;
	[tilespmem:$0x1FC00] =	vst v63  }
0x121: {  	s0 =	sadd.s32 $0x480, s30  }
0x122: {  	[tilespmem:s18], [sflag:$0x2] =	stream.indirect.gather [hbm4b:s5+s16], $0x20, s0, s16, $0xb8;
	[tilespmem:$0x1FC00] =	vst v63  }
0x123: {  	_ =	swait.ge [sflag:s31], $0x1000  }
0x124: {  	[sflag:s31] =	ssyncset.done $0x0  }
.Ltmp5:
0x125: {  	s0 =	sadd.s32 $0x1100, s30;
	[sflag:s31] =	ssyncadd.s32 $0xFFFFF000;
	(pc) =	sbr.rel @p1 .LBB2_5-.Ltmp5, $4  }
0x126: {  	[spmem:s2] =	stream.indirect.scatter.add.f32 [tilespmem:s20], [sflag:$0x7], $0x20, s0, s16, $0xb8;
	[tilespmem:$0x1FC00] =	vst v63  }
0x127: {  	_ =	swait.ge [sflag:s4], $0x1000  }
0x128: {  	[sflag:s4] =	ssyncset.done $0x0  }
0x129: {  	s30 =	sadd.s32 $0x1180, s30;
	[sflag:s4] =	ssyncadd.s32 $0xFFFFF000  }
0x12a: {  	[spmem:s2] =	stream.indirect.scatter.add.f32 [tilespmem:s22], [sflag:$0x8], $0x20, s30, s16, $0xb8;
	[tilespmem:$0x1FC00] =	vst v63  }
0x12b: {  	_ =	swait.ge [sflag:s11], $0x1000  }
0x12c: {  	[sflag:s11] =	ssyncset.done $0x0  }
0x12d: {  	[sflag:s11] =	ssyncadd.s32 $0xFFFFF000  }
0x12e: {  	_ =	swait.ge [sflag:s19], $0x1000  }
0x12f: {  	[sflag:s19] =	ssyncset.done $0x0  }
0x130: {  	s0 =	simm.s32 $0xD00;
	[sflag:s19] =	ssyncadd.s32 $0xFFFFF000  }
0x131: {  	[tilespmem:s20], [sflag:$0x3] =	stream.indirect.gather [hbm4b:s5+s16], $0x20, s0, s16, $0xb8;
	[tilespmem:$0x1FC00] =	vst v63  }
0x132: {  	s29 =	simm.s32 $0xD80  }
0x133: {  	[tilespmem:s22], [sflag:$0x4] =	stream.indirect.gather [hbm4b:s5+s16], $0x20, s29, s16, $0xb8;
	[tilespmem:$0x1FC00] =	vst v63  }
0x134: {  	_ =	swait.ge [sflag:s23], $0x1000  }
0x135: {  	[sflag:s23] =	ssyncset.done $0x0  }
0x136: {  	s30 =	simm.s32 $0x1A00;
	[sflag:s23] =	ssyncadd.s32 $0xFFFFF000  }
0x137: {  	[spmem:s2] =	stream.indirect.scatter.add.f32 [tilespmem:s17], [sflag:$0x5], $0x20, s30, s16, $0xb8;
	[tilespmem:$0x1FC00] =	vst v63  }
0x138: {  	_ =	swait.ge [sflag:s24], $0x1000  }
0x139: {  	[sflag:s24] =	ssyncset.done $0x0  }
0x13a: {  	s29 =	simm.s32 $0x1A80;
	[sflag:s24] =	ssyncadd.s32 $0xFFFFF000  }
0x13b: {  	[spmem:s2] =	stream.indirect.scatter.add.f32 [tilespmem:s18], [sflag:$0x6], $0x20, s29, s16, $0xb8;
	[tilespmem:$0x1FC00] =	vst v63  }
0x13c: {  	_ =	swait.ge [sflag:s26], $0x1000  }
0x13d: {  	[sflag:s26] =	ssyncset.done $0x0  }
0x13e: {  	[sflag:s26] =	ssyncadd.s32 $0xFFFFF000  }
0x13f: {  	_ =	swait.ge [sflag:s28], $0x1000  }
0x140: {  	[sflag:s28] =	ssyncset.done $0x0  }
0x141: {  	[sflag:s28] =	ssyncadd.s32 $0xFFFFF000  }
0x142: {  	_ =	swait.ge [sflag:s31], $0x1000  }
0x143: {  	[sflag:s31] =	ssyncset.done $0x0  }
0x144: {  	s30 =	simm.s32 $0x1B00;
	[sflag:s31] =	ssyncadd.s32 $0xFFFFF000  }
0x145: {  	[spmem:s2] =	stream.indirect.scatter.add.f32 [tilespmem:s20], [sflag:$0x7], $0x20, s30, s16, $0xb8;
	[tilespmem:$0x1FC00] =	vst v63  }
0x146: {  	_ =	swait.ge [sflag:s4], $0x1000  }
0x147: {  	[sflag:s4] =	ssyncset.done $0x0  }
0x148: {  	s25 =	sadd.s32 $0x1, s25;
	[sflag:s4] =	ssyncadd.s32 $0xFFFFF000  }
0x149: {  	[spmem:s2] =	stream.indirect.scatter.add.f32 [tilespmem:s22], [sflag:$0x8], $0x20, s1, s16, $0xb8;
	[tilespmem:$0x1FC00] =	vst v63  }
0x14a: {  	p1 =	seq.s32 s25, $0xE;
	_ =	swait.ge [sflag:s11], $0x1000  }
.Ltmp6:
0x14b: {  	[sflag:s11] =	ssyncset.done $0x0;
	(pc) =	sbr.rel @!p1 .LBB2_4-.Ltmp6, $4  }
0x14c: {  	[sflag:s11] =	ssyncadd.s32 $0xFFFFF000  }
0x14d: {  	_ =	swait.ge [sflag:s19], $0x1000  }
0x14e: {  	[sflag:s19] =	ssyncset.done $0x0  }
0x14f: {  	[sflag:s19] =	ssyncadd.s32 $0xFFFFF000  }
.LBB2_10:
0x150: {  	[bflag:$0x0] =	sbarrier.arrive $0xFFFF  }
0x151: {  	[tilespmem:s17], [sflag:$0x9] =	stream.linear.gather [spmem:s8], $0x1000, $0x38;
	[tilespmem:$0x1FC00] =	vst v63  }
0x152: {  	_ =	swait.ge [sflag:s14], $0x1000  }
0x153: {  	[sflag:s14] =	ssyncset.done $0x0  }
0x154: {  	s0 =	sadd.s32 $0x0, s12;
	[sflag:s14] =	ssyncadd.s32 $0xFFFFF000  }
0x155: {  	[hbm4b:s0+s3] =	stream.linear.scatter [tilespmem:s17], [sflag:$0x9], $0x1000, $0x38;
	[tilespmem:$0x1FC00] =	vst v63  }
0x156: {  	_ =	swait.ge [sflag:s14], $0x1000  }
0x157: {  	s21 =	simm.s32 $0x200;
	s25 =	smov.u32 s8;
	[sflag:s14] =	ssyncset.done $0x0  }
.LBB2_11:
0x158: {  	p1 =	sne.s32 s21, $0x3000;
	[sflag:s14] =	ssyncadd.s32 $0xFFFFF000;
	s25 =	sadd.s32 $0x1000, s25  }
0x159: {  	[tilespmem:s17], [sflag:$0x9] =	stream.linear.gather [spmem:s25], $0x1000, $0x38;
	[tilespmem:$0x1FC00] =	vst v63  }
0x15a: {  	s0 =	smov.u32 s21;
	s21 =	sadd.s32 $0x200, s21;
	_ =	swait.ge [sflag:s14], $0x1000  }
.Ltmp7:
0x15b: {  	[sflag:s14] =	ssyncset.done $0x0;
	(pc) =	sbr.rel @p1 .LBB2_11-.Ltmp7, $4  }
0x15c: {  	s0 =	sadd.s32 s0, s12;
	[sflag:s14] =	ssyncadd.s32 $0xFFFFF000  }
0x15d: {  	[hbm4b:s0+s3] =	stream.linear.scatter [tilespmem:s17], [sflag:$0x9], $0x1000, $0x38;
	[tilespmem:$0x1FC00] =	vst v63  }
0x15e: {  	_ =	swait.ge [sflag:s14], $0x1000  }
0x15f: {  	[sflag:s14] =	ssyncset.done $0x0  }
0x160: {  	s21 =	rddreg [dreg:$0x5]  }
0x161: {  	s0 =	rddreg [dreg:$0x4];
	s21 =	sadd.s32 $0x1, s21  }
0x162: {  	p1 =	sne.s32 s21, s0  }
.Ltmp8:
0x163: {  	_ = 	snop;
	(pc) =	sbr.rel @p1 .LBB2_1-.Ltmp8, $2  }
0x164: {  	_ =	sdelay $0x2  }
0x165: {  	[sflag:s14] =	ssyncadd.s32 $0xFFFFF000  }
0x166: {  	_ =	sfence.sel $0x180000  }
0x167: {  	[bflag:$0x0] =	sbarrier.arrive $0xFFFF  }
0x168: {  	_ =	strace $0x9000004A  }
0x169: {  	s0 =	stileid.u32;
	[bflag:$0x2] =	sbarrier.arrive $0xFFFF  }
0x16a: {  	p0 =	sne.s32 s0, $0x0;
	s0 =	rddreg [dreg:$0x3]  }
0x16b: {  	s0 =	sadd.s32 @!p0 $0x100000, s0  }
0x16c: {  	[sflag:s0] =	ssyncadd.tile.s32 @!p0 $0x1;
	_ =	shalt  }
.Lfunc_end2:
_tile_overlayer_lowered:
.L_overlay_start_2:
0x16d: {  	(tag) =	ssettag $0x2  }
0x16e: {  	s0 =	rddreg [dreg:$0x0];
	s2 =	stileid.u32  }
0x16f: {  	s1 =	rddreg [dreg:$0x1];
	p0 =	sne.s32 s2, $0x0  }
0x170: {  	s3 =	rddreg [dreg:$0x2];
	[bflag:$0x3] =	sbarrier.arrive $0xFFFF;
	s2 =	simm.s32 @!p0 $0x1C09  }
0x171: {  	[timem:s3], [sflag:s2] =	dma.local @!p0 [hbm:s0], s1  }
0x172: {  	s0 =	simm.s32 @!p0 $0x9  }
0x173: {  	_ =	swait.ge @!p0 [sflag:s0], s1  }
0x174: {  	s1 =	ssub.s32 @!p0 $0x0, s1;
	[sflag:s0] =	ssyncset.done @!p0 $0x0  }
0x175: {  	[sflag:s0] =	ssyncadd.s32 @!p0 s1  }
0x176: {  	[bflag:$0x3] =	sbarrier.arrive $0xFFFF  }
0x177: {  	_ =	shalt  }

// kernel: kernel.16.cloned.1.call-start
scs
__scs_entry_jumppad:
0x0: {  	(pc) =	sbr.rel $0x88, $3  }
0x1: {  	(tag) =	ssettag $0x0;
	lr =	simm.s32 $0x1  }
0x2: {  	[smem:$0x3F9A] =	sst lr;
	_ =	strace $0xD0000000  }
0x3: {  	_ = 	snop  }
0x4: {  	_ = 	snop  }
0x5: {  	_ = 	snop  }
0x6: {  	_ = 	snop  }
0x7: {  	_ = 	snop  }
__scs_overlays_trampoline_lowered:
0x8: {  	[smem:$0x3FA9] =	sst s0  }
0x9: {  	[smem:$0x3FAA] =	sst s1  }
0xa: {  	[smem:$0x3FAB] =	sst s2  }
0xb: {  	[smem:$0x3FAC] =	sst s3  }
0xc: {  	[smem:$0x3FAD] =	sst s4  }
0xd: {  	[smem:$0x3FAE] =	sst s5  }
0xe: {  	[smem:$0x3FAF] =	sst s6  }
0xf: {  	[smem:$0x3FB0] =	sst s7  }
0x10: {  	[smem:$0x3FB1] =	sst s8  }
0x11: {  	[smem:$0x3FB2] =	sst s9;
	s0 =	simm.s32 @!p0 $0x0  }
0x12: {  	s1 =	sld [smem:$0x3F98];
	s0 =	simm.s32 @p0 $0x1  }
0x13: {  	[smem:$0x3FB3] =	sst s0;
	s0 =	simm.s32 @!p1 $0x0  }
0x14: {  	s2 =	sld [smem:$0x3F97];
	s0 =	simm.s32 @p1 $0x1  }
0x15: {  	[smem:$0x3FB4] =	sst s0;
	s0 =	simm.s32 @!p2 $0x0  }
0x16: {  	s3 =	sld [smem:$0x3FDB];
	s0 =	simm.s32 @p2 $0x1  }
0x17: {  	s4 =	simm.s32 $0x1BF5;
	[smem:$0x3FB6] =	sst s0  }
0x18: {  	s0 =	sld [smem:$0x3F99];
	_ =	swait.ge [sflag:s4], $0x0  }
0x19: {  	s7 =	sld [smem:$0x3F9A]  }
0x1a: {  	s8 =	sadd.s32 $0xFFFFE003, lr  }
0x1b: {  	s9 =	sadd.s32 $0xFFFFFEF7, lr;
	s5 =	simm.s32 $0xFFFFFFFF;
	p2 =	slt.u32 s8, $0xFFFFF086  }
0x1c: {  	p1 =	slt.u32 s9, $0xF7A;
	s5 =	simm.s32 @!p2 $0x0  }
0x1d: {  	s5 =	simm.s32 @p1 $0x1;
	p0 =	seq.s32 s7, s2  }
0x1e: {  	s7 =	smul.u32 @!p0 $0xF7A, s2;
	p2 =	seq.s32 @!p0 s5, $0x0  }
0x1f: {  	s9 =	smul.u32 $0xF7A, s1;
	s8 =	simm.s32 @!p0 $0x1BF5;
	p2 =	por !p2, p0  }
0x20: {  	[sflag:s8] =	ssyncset.s32 @!p0 $0xFFFFF086;
	s6 =	sadd.s32 @!p0 s3, s7;
	s7 =	simm.s32 @!p0 $0x108  }
0x21: {  	s3 =	sadd.s32 s3, s9;
	s6 =	sadd.s32 @!p0 $0x88, s6;
	s7 =	simm.s32 @p2 $0x1082  }
0x22: {  	[simem:s7], [sflag:s8] =	dma.local @!p0 [hbm:s6], $0xF7A  }
0x23: {  	s9 =	sor.u32 $0xD0000000, s2;
	s6 =	simm.s32 $0x108;
	_ =	swait.ge @!p0 [sflag:s8], $0x0  }
0x24: {  	s3 =	sadd.s32 $0x88, s3;
	s6 =	simm.s32 @!p1 $0x1082;
	[sflag:s4] =	ssyncset.s32 $0xFFFFF086  }
0x25: {  	[simem:s6], [sflag:s4] =	dma.local [hbm:s3], $0xF7A  }
0x26: {  	[smem:$0x3F9A] =	sst s1;
	(tag) =	ssettag s2;
	_ =	strace s9  }
0x27: {  	s1 =	sld [smem:$0x3FAA]  }
0x28: {  	s2 =	sld [smem:$0x3FAB]  }
0x29: {  	s4 =	sld [smem:$0x3FAD]  }
0x2a: {  	p0 =	seq.s32 s5, $0x0;
	s5 =	sld [smem:$0x3FAE]  }
0x2b: {  	s6 =	sld [smem:$0x3FAF]  }
0x2c: {  	s7 =	sld [smem:$0x3FB0]  }
0x2d: {  	s3 =	simm.s32 $0x108;
	s8 =	sld [smem:$0x3FB1]  }
0x2e: {  	s3 =	simm.s32 @!p0 $0x1082;
	s9 =	sld [smem:$0x3FB2]  }
0x2f: {  	lr =	sadd.s32 s0, s3;
	s0 =	sld [smem:$0x3FA9]  }
0x30: {  	s3 =	sld [smem:$0x3FAC]  }
0x31: {  	[smem:$0x3FB5] =	sst s10  }
0x32: {  	s10 =	sld [smem:$0x3FB3];
	_ =	sdelay $0x3  }
0x33: {  	p0 =	seq.s32 s10, $0x1;
	s10 =	sld [smem:$0x3FB5];
	_ =	sdelay $0x3  }
0x34: {  	[smem:$0x3FB5] =	sst s10  }
0x35: {  	s10 =	sld [smem:$0x3FB4];
	_ =	sdelay $0x3  }
0x36: {  	p1 =	seq.s32 s10, $0x1;
	s10 =	sld [smem:$0x3FB5];
	_ =	sdelay $0x3  }
0x37: {  	[smem:$0x3FB5] =	sst s10  }
0x38: {  	s10 =	sld [smem:$0x3FB6]  }
0x39: {  	_ = 	snop;
	(pc) =	sbr.ind lr, $3  }
0x3a: {  	_ = 	snop  }
0x3b: {  	_ = 	snop  }
0x3c: {  	p2 =	seq.s32 s10, $0x1;
	s10 =	sld [smem:$0x3FB5]  }
0x3d: {  	_ =	shalt  }
0x3e: {  	_ =	shalt  }
0x3f: {  	_ =	shalt  }
0x40: {  	_ =	shalt  }
0x41: {  	_ =	shalt  }
0x42: {  	_ =	shalt  }
0x43: {  	_ =	shalt  }
0x44: {  	_ =	shalt  }
0x45: {  	_ =	shalt  }
0x46: {  	_ =	shalt  }
0x47: {  	_ =	shalt  }
0x48: {  	_ =	shalt  }
0x49: {  	_ =	shalt  }
0x4a: {  	_ =	shalt  }
0x4b: {  	_ =	shalt  }
0x4c: {  	_ =	shalt  }
0x4d: {  	_ =	shalt  }
0x4e: {  	_ =	shalt  }
0x4f: {  	_ =	shalt  }
0x50: {  	_ =	shalt  }
0x51: {  	_ =	shalt  }
0x52: {  	_ =	shalt  }
0x53: {  	_ =	shalt  }
0x54: {  	_ =	shalt  }
0x55: {  	_ =	shalt  }
0x56: {  	_ =	shalt  }
0x57: {  	_ =	shalt  }
0x58: {  	_ =	shalt  }
0x59: {  	_ =	shalt  }
0x5a: {  	_ =	shalt  }
0x5b: {  	_ =	shalt  }
0x5c: {  	_ =	shalt  }
0x5d: {  	_ =	shalt  }
0x5e: {  	_ =	shalt  }
0x5f: {  	_ =	shalt  }
0x60: {  	_ =	shalt  }
0x61: {  	_ =	shalt  }
0x62: {  	_ =	shalt  }
0x63: {  	_ =	shalt  }
0x64: {  	_ =	shalt  }
0x65: {  	_ =	shalt  }
0x66: {  	_ =	shalt  }
0x67: {  	_ =	shalt  }
0x68: {  	_ =	shalt  }
0x69: {  	_ =	shalt  }
0x6a: {  	_ =	shalt  }
0x6b: {  	_ =	shalt  }
0x6c: {  	_ =	shalt  }
0x6d: {  	_ =	shalt  }
0x6e: {  	_ =	shalt  }
0x6f: {  	_ =	shalt  }
0x70: {  	_ =	shalt  }
0x71: {  	_ =	shalt  }
0x72: {  	_ =	shalt  }
0x73: {  	_ =	shalt  }
0x74: {  	_ =	shalt  }
0x75: {  	_ =	shalt  }
0x76: {  	_ =	shalt  }
0x77: {  	_ =	shalt  }
0x78: {  	_ =	shalt  }
0x79: {  	_ =	shalt  }
0x7a: {  	_ =	shalt  }
0x7b: {  	_ =	shalt  }
0x7c: {  	_ =	shalt  }
0x7d: {  	_ =	shalt  }
0x7e: {  	_ =	shalt  }
0x7f: {  	_ =	shalt  }
0x80: {  	_ =	shalt  }
0x81: {  	_ =	shalt  }
0x82: {  	_ =	shalt  }
0x83: {  	_ =	shalt  }
0x84: {  	_ =	shalt  }
0x85: {  	_ =	shalt  }
0x86: {  	_ =	shalt  }
0x87: {  	_ =	shalt  }
.Lfunc_end0:
.L_simem_size_0:
called_computation.2_lowered:
.L_overlay_start_0:
0x88: {  	s2 =	sld [smem:$0x3FD9]  }
0x89: {  	s3 =	sld [smem:$0x3FFE];
	_ =	sdelay $0x1  }
0x8a: {  	s1 =	srdreg.scid  }
0x8b: {  	s0 =	sand.u32 $0x1, s1  }
0x8c: {  	s17 =	sshll.u32 s0, $0xA;
	s2 =	sadd.s32 s3, s2  }
0x8d: {  	s2 =	sadd.s32 s2, s17  }
0x8e: {  	[smem:$0x3FC1] =	sst s2  }
0x8f: {  	_ = 	snop  }
0x90: {  	s2 =	sld [smem:$0x3FD0];
	(tm) =	ssettm $0x1  }
0x91: {  	s18 =	sld [smem:$0x3FFB];
	_ =	sdelay $0x3  }
0x92: {  	_ =	strace s18  }
0x93: {  	s3 =	sld [smem:$0x3FFC];
	_ =	sdelay $0x3  }
0x94: {  	_ =	strace s3  }
0x95: {  	s3 =	sld [smem:$0x3FFD];
	_ =	sdelay $0x3  }
0x96: {  	_ =	strace s3  }
0x97: {  	_ =	strace $0x8FFFFFFF  }
0x98: {  	s19 =	sld [smem:$0x3FDB];
	_ =	sdelay $0x1  }
0x99: {  	s4 =	simm.s32 $_scs_section_size  }
0x9a: {  	s5 =	simm.s32 $_size__tile_overlayer_lowered;
	s6 =	simm.s32 $_tile_overlayer_lowered  }
0x9b: {  	s22 =	simm.s32 $0x1BFF;
	s21 =	sshll.u32 s6, $0x1;
	s3 =	sadd.s32 s4, s19  }
0x9c: {  	s7 =	simm.s32 $0x0;
	s20 =	sshll.u32 s5, $0x1;
	s5 =	sadd.s32 s21, s3  }
0x9d: {  	[timem:s7], [sflag:s22] =	dma.local [hbm:s5], s20  }
0x9e: {  	_ =	swait.ge [sflag:s22], s20  }
0x9f: {  	s4 =	ssub.s32 $0x0, s20;
	[sflag:s22] =	ssyncset.done $0x0  }
0xa0: {  	[sflag:s22] =	ssyncadd.s32 s4;
	_ =	sdelay $0x1  }
0xa1: {  	s23 =	simm.s32 $0x1B8B  }
0xa2: {  	_ =	swait.ge [sflag:s23], $0x1  }
0xa3: {  	[sflag:s23] =	ssyncset.done $0x0  }
0xa4: {  	s25 =	simm.s32 $0x1B8E;
	s24 =	sld [smem:$0x3FFE];
	[sflag:s23] =	ssyncadd.s32 $0xFFFFFFFF  }
0xa5: {  	s26 =	simm.s32 $execute0_lowered;
	[smem:$0x3FD2] =	sst s25  }
0xa6: {  	s5 =	sshll.u32 s26, $0x1;
	_ =	strace $0x8000004C;
	[dreg:$0x1] =	wrdreg $0xFFFFFFFF  }
0xa7: {  	s28 =	simm.s32 $_size_execute0_lowered;
	s3 =	sadd.s32 s3, s5;
	[dreg:$0x0] =	wrdreg $0x0  }
0xa8: {  	s5 =	sshll.u32 s28, $0x1;
	[dreg:$0x2] =	wrdreg s3  }
0xa9: {  	[dreg:$0x3] =	wrdreg s5  }
0xaa: {  	[dreg:$0x4] =	wrdreg $0xC0  }
0xab: {  	_ =	task [dreg:s7], $0x5FFFF  }
0xac: {  	[dreg:$0x1] =	wrdreg $0xFFFFFFFF  }
0xad: {  	[dreg:$0x0] =	wrdreg $0x60  }
0xae: {  	[dreg:$0x2] =	wrdreg s24  }
0xaf: {  	[dreg:$0x3] =	wrdreg s2  }
0xb0: {  	[dreg:$0x4] =	wrdreg $0x6C000  }
0xb1: {  	[dreg:$0x5] =	wrdreg $0x9  }
0xb2: {  	_ =	task.clear_ibuf [dreg:s7], $0x6FFFF;
	_ =	strace $0x9000004C  }
0xb3: {  	s29 =	simm.s32 $0x9;
	_ =	strace $0x8000004E  }
0xb4: {  	_ =	swait.ge [sflag:s29], $0x1  }
0xb5: {  	[sflag:s29] =	ssyncadd.s32 $0xFFFFFFFF  }
0xb6: {  	_ =	strace $0x9000004E  }
0xb7: {  	_ =	sfence  }
0xb8: {  	s30 =	sld [smem:$0x0];
	_ =	sdelay $0x2  }
0xb9: {  	s31 =	sshll.u32 s1, $0xD;
	s1 =	sshrl.u32 s1, $0x2  }
0xba: {  	s3 =	sand.u32 $0x4000, s31;
	s1 =	sadd.s32 s1, s30  }
0xbb: {  	s0 =	sor.u32 s3, s0;
	s1 =	sshll.u32 s1, $0x11  }
0xbc: {  	s0 =	sor.u32 s1, s0  }
0xbd: {  	s0 =	sadd.s32 $0x8F2B, s0  }
0xbe: {  	[sflag:s0] =	ssyncadd.remote.s32 $0x1  }
0xbf: {  	_ =	sfence.sel $0xFFFF  }
0xc0: {  	[dreg:$0x0] =	wrdreg $0xFFFFFFFF;
	(pc) =	sbr.abs _section_cstart, $3  }
0xc1: {  	[dreg:$0x1] =	wrdreg $0xFFFFFFFF  }
0xc2: {  	_ =	task.clear_ibuf [dreg:s7], $0x2FFFF;
	_ =	strace $0x9FFFFFFF  }
0xc3: {  	(tm) =	ssettm $0x7FFFFFFF  }
tec
execute0_lowered:
.L_overlay_start_1:
0x0: {  	(tag) =	ssettag $0x1  }
0x1: {  	s0 =	rddreg [dreg:$0x0]  }
0x2: {  	s2 =	rddreg [dreg:$0x2];
	s3 =	simm.s32 $0x0  }
0x3: {  	s1 =	srdreg.scid;
	s14 =	stileid.u32;
	s15 =	simm.s32 $0xE00  }
0x4: {  	s16 =	simm.s32 $0x80;
	s17 =	simm.s32 $0x1C00;
	s18 =	simm.s32 $0x2C00  }
0x5: {  	s20 =	simm.s32 $0x3C00;
	s22 =	simm.s32 $0x4C00;
	s23 =	simm.s32 $0x1  }
0x6: {  	s24 =	simm.s32 $0x2;
	s26 =	simm.s32 $0x5;
	s28 =	simm.s32 $0x6  }
0x7: {  	s31 =	simm.s32 $0x3;
	s19 =	simm.s32 $0x8;
	s21 =	simm.s32 $0x0  }
0x8: {  	[smem:$0x7FF] =	sst s3;
	s5 =	sadd.s32 $0x43F400, s0;
	s4 =	smul.u32 $0x64000, s14  }
0x9: {  	s6 =	sadd.s32 $0x110200, s0;
	s1 =	sand.u32 $0x1, s1;
	s11 =	smul.u32 $0x3200, s14  }
0xa: {  	s7 =	sadd.s32 $0x2200, s0;
	_ =	strace $0x8000004D;
	s8 =	smul.u32 $0x32000, s1  }
0xb: {  	s9 =	ssub.s32 $0x2, s1;
	p0 =	seq.s32 s1, $0x1;
	s1 =	simm.s32 $0x1B80  }
0xc: {  	s10 =	sshrl.u32 s9, $0x1;
	s4 =	sshrl.u32 s4, $0x2;
	s12 =	sadd.s32 s8, s0  }
0xd: {  	s13 =	ssub.s32 s9, s10;
	s8 =	sadd.s32 s4, s2;
	s9 =	smul.u32 $0xC400, s14  }
0xe: {  	s10 =	sadd.s32 $0x470140, s0;
	s14 =	simm.s32 $0x9;
	s4 =	simm.s32 $0x4  }
0xf: {  	s29 =	sadd.s32 s11, s12;
	s30 =	smax.u32 s13, $0x1;
	s13 =	simm.s32 $0x5C00  }
0x10: {  	s11 =	simm.s32 $0x7;
	[dreg:$0x4] =	wrdreg s30;
	s12 =	sadd.s32 $0x2B8A00, s29  }
.LBB2_1:
0x11: {  	[dreg:$0x5] =	wrdreg s21  }
0x12: {  	s0 =	rddreg [dreg:$0x1]  }
0x13: {  	[tilespmem:s13], [sflag:$0x9] =	stream.linear.gather [hbm4b:s0+s3], $0x1000, $0x38;
	[tilespmem:$0x1FC00] =	vst v63  }
0x14: {  	_ =	swait.ge [sflag:s14], $0x1000  }
0x15: {  	[sflag:s14] =	ssyncset.done $0x0  }
0x16: {  	s30 =	sadd.s32 $0x0, s8;
	[sflag:s14] =	ssyncadd.s32 $0xFFFFF000  }
0x17: {  	[spmem:s30] =	stream.linear.scatter [tilespmem:s13], [sflag:$0x9], $0x1000, $0x38;
	[tilespmem:$0x1FC00] =	vst v63  }
0x18: {  	s21 =	simm.s32 $0x4000;
	_ =	swait.ge [sflag:s14], $0x1000  }
.LBB2_2:
0x19: {  	s25 =	sshra.s32 s21, $0x2;
	[sflag:s14] =	ssyncset.done $0x0;
	p1 =	sne.s32 s21, $0x60000  }
.Ltmp0:
0x1a: {  	s25 =	sadd.s32 s25, s8;
	[sflag:s14] =	ssyncadd.s32 $0xFFFFF000;
	(pc) =	sbr.rel @p1 .LBB2_2-.Ltmp0, $3  }
0x1b: {  	[spmem:s25] =	stream.linear.scatter [tilespmem:s13], [sflag:$0x9], $0x1000, $0x38;
	[tilespmem:$0x1FC00] =	vst v63  }
0x1c: {  	s21 =	sadd.s32 $0x4000, s21;
	_ =	sdelay $0x1  }
0x1d: {  	_ =	swait.ge [sflag:s14], $0x1000  }
.Ltmp1:
0x1e: {  	(pc) =	sbr.rel @!p0 .LBB2_4-.Ltmp1, $4  }
0x1f: {  	[sflag:s14] =	ssyncset.done $0x0  }
0x20: {  	[sflag:s14] =	ssyncadd.s32 $0xFFFFF000  }
0x21: {  	[bflag:$0x0] =	sbarrier.arrive $0xFFFF  }
0x22: {  	s21 =	simm.s32 $0x0;
	s25 =	simm.s32 $0x0;
	s29 =	simm.s32 $0x0  }
.LBB2_7:
0x23: {  	s0 =	smul.u32 $0xE00, s29;
	_ =	sdelay $0x1  }
0x24: {  	s0 =	sadd.s32 s9, s0  }
0x25: {  	s0 =	sshrl.u32 s0, $0x3  }
0x26: {  	s25 =	sadd.s32 s6, s0  }
0x27: {  	[tilespmem:s21], [sflag:$0x9] =	stream.linear.gather [hbm4b:s25+s21], $0xE00, $0x38;
	[tilespmem:$0x1FC00] =	vst v63  }
0x28: {  	_ =	swait.ge [sflag:s14], $0xE00  }
0x29: {  	[sflag:s14] =	ssyncset.done $0x0  }
0x2a: {  	s0 =	sadd.s32 s7, s0;
	[sflag:s14] =	ssyncadd.s32 $0xFFFFF200  }
0x2b: {  	[tilespmem:s15], [sflag:$0x9] =	stream.linear.gather [hbm4b:s0+s21], $0xE00, $0x38;
	[tilespmem:$0x1FC00] =	vst v63  }
0x2c: {  	_ =	swait.ge [sflag:s14], $0xE00  }
0x2d: {  	[sflag:s14] =	ssyncset.done $0x0  }
0x2e: {  	[sflag:s14] =	ssyncadd.s32 $0xFFFFF200  }
0x2f: {  	[tilespmem:s17], [sflag:$0x1] =	stream.indirect.gather [hbm4b:s10+s16], $0x20, s21, s16, $0xb8;
	[tilespmem:$0x1FC00] =	vst v63  }
0x30: {  	_ = 	snop  }
0x31: {  	[tilespmem:s18], [sflag:$0x2] =	stream.indirect.gather [hbm4b:s10+s16], $0x20, s16, s16, $0xb8;
	[tilespmem:$0x1FC00] =	vst v63  }
0x32: {  	s25 =	simm.s32 $0x100  }
0x33: {  	[tilespmem:s20], [sflag:$0x3] =	stream.indirect.gather [hbm4b:s10+s16], $0x20, s25, s16, $0xb8;
	[tilespmem:$0x1FC00] =	vst v63  }
0x34: {  	s25 =	simm.s32 $0x180  }
0x35: {  	[tilespmem:s22], [sflag:$0x4] =	stream.indirect.gather [hbm4b:s10+s16], $0x20, s25, s16, $0xb8;
	[tilespmem:$0x1FC00] =	vst v63  }
0x36: {  	_ =	swait.ge [sflag:s23], $0x1000  }
0x37: {  	[sflag:s23] =	ssyncset.done $0x0  }
0x38: {  	[sflag:s23] =	ssyncadd.s32 $0xFFFFF000  }
0x39: {  	[spmem:s2] =	stream.indirect.scatter.add.f32 [tilespmem:s17], [sflag:$0x5], $0x20, s15, s16, $0xb8;
	[tilespmem:$0x1FC00] =	vst v63  }
0x3a: {  	_ =	swait.ge [sflag:s24], $0x1000  }
0x3b: {  	[sflag:s24] =	ssyncset.done $0x0  }
0x3c: {  	s25 =	simm.s32 $0xE80;
	[sflag:s24] =	ssyncadd.s32 $0xFFFFF000  }
0x3d: {  	[spmem:s2] =	stream.indirect.scatter.add.f32 [tilespmem:s18], [sflag:$0x6], $0x20, s25, s16, $0xb8;
	[tilespmem:$0x1FC00] =	vst v63  }
0x3e: {  	_ =	swait.ge [sflag:s26], $0x1000  }
0x3f: {  	[sflag:s26] =	ssyncset.done $0x0  }
0x40: {  	[sflag:s26] =	ssyncadd.s32 $0xFFFFF000  }
0x41: {  	_ =	swait.ge [sflag:s28], $0x1000  }
0x42: {  	[sflag:s28] =	ssyncset.done $0x0  }
0x43: {  	s25 =	simm.s32 $0x200;
	[sflag:s28] =	ssyncadd.s32 $0xFFFFF000  }
0x44: {  	[tilespmem:s17], [sflag:$0x1] =	stream.indirect.gather [hbm4b:s10+s16], $0x20, s25, s16, $0xb8;
	[tilespmem:$0x1FC00] =	vst v63  }
0x45: {  	s25 =	simm.s32 $0x280  }
0x46: {  	[tilespmem:s18], [sflag:$0x2] =	stream.indirect.gather [hbm4b:s10+s16], $0x20, s25, s16, $0xb8;
	[tilespmem:$0x1FC00] =	vst v63  }
0x47: {  	_ =	swait.ge [sflag:s31], $0x1000  }
0x48: {  	[sflag:s31] =	ssyncset.done $0x0  }
0x49: {  	s25 =	simm.s32 $0xF00;
	[sflag:s31] =	ssyncadd.s32 $0xFFFFF000  }
0x4a: {  	[spmem:s2] =	stream.indirect.scatter.add.f32 [tilespmem:s20], [sflag:$0x7], $0x20, s25, s16, $0xb8;
	[tilespmem:$0x1FC00] =	vst v63  }
0x4b: {  	_ =	swait.ge [sflag:s4], $0x1000  }
0x4c: {  	[sflag:s4] =	ssyncset.done $0x0  }
0x4d: {  	s25 =	simm.s32 $0xF80;
	[sflag:s4] =	ssyncadd.s32 $0xFFFFF000  }
0x4e: {  	[spmem:s2] =	stream.indirect.scatter.add.f32 [tilespmem:s22], [sflag:$0x8], $0x20, s25, s16, $0xb8;
	[tilespmem:$0x1FC00] =	vst v63  }
0x4f: {  	_ =	swait.ge [sflag:s11], $0x1000  }
0x50: {  	[sflag:s11] =	ssyncset.done $0x0  }
0x51: {  	[sflag:s11] =	ssyncadd.s32 $0xFFFFF000  }
0x52: {  	_ =	swait.ge [sflag:s19], $0x1000  }
0x53: {  	[sflag:s19] =	ssyncset.done $0x0  }
0x54: {  	s25 =	simm.s32 $0x300;
	[sflag:s19] =	ssyncadd.s32 $0xFFFFF000  }
0x55: {  	[tilespmem:s20], [sflag:$0x3] =	stream.indirect.gather [hbm4b:s10+s16], $0x20, s25, s16, $0xb8;
	[tilespmem:$0x1FC00] =	vst v63  }
0x56: {  	s25 =	simm.s32 $0x380  }
0x57: {  	[tilespmem:s22], [sflag:$0x4] =	stream.indirect.gather [hbm4b:s10+s16], $0x20, s25, s16, $0xb8;
	[tilespmem:$0x1FC00] =	vst v63  }
0x58: {  	_ =	swait.ge [sflag:s23], $0x1000  }
0x59: {  	[sflag:s23] =	ssyncset.done $0x0  }
0x5a: {  	s25 =	simm.s32 $0x1000;
	[sflag:s23] =	ssyncadd.s32 $0xFFFFF000  }
0x5b: {  	[spmem:s2] =	stream.indirect.scatter.add.f32 [tilespmem:s17], [sflag:$0x5], $0x20, s25, s16, $0xb8;
	[tilespmem:$0x1FC00] =	vst v63  }
0x5c: {  	_ =	swait.ge [sflag:s24], $0x1000  }
0x5d: {  	[sflag:s24] =	ssyncset.done $0x0  }
0x5e: {  	s25 =	simm.s32 $0x1080;
	[sflag:s24] =	ssyncadd.s32 $0xFFFFF000  }
0x5f: {  	[spmem:s2] =	stream.indirect.scatter.add.f32 [tilespmem:s18], [sflag:$0x6], $0x20, s25, s16, $0xb8;
	[tilespmem:$0x1FC00] =	vst v63  }
0x60: {  	_ =	swait.ge [sflag:s26], $0x1000  }
0x61: {  	[sflag:s26] =	ssyncset.done $0x0  }
0x62: {  	[sflag:s26] =	ssyncadd.s32 $0xFFFFF000  }
0x63: {  	_ =	swait.ge [sflag:s28], $0x1000  }
0x64: {  	[sflag:s28] =	ssyncset.done $0x0  }
0x65: {  	s25 =	simm.s32 $0x400;
	[sflag:s28] =	ssyncadd.s32 $0xFFFFF000  }
0x66: {  	[tilespmem:s17], [sflag:$0x1] =	stream.indirect.gather [hbm4b:s10+s16], $0x20, s25, s16, $0xb8;
	[tilespmem:$0x1FC00] =	vst v63  }
0x67: {  	s25 =	simm.s32 $0x480  }
0x68: {  	[tilespmem:s18], [sflag:$0x2] =	stream.indirect.gather [hbm4b:s10+s16], $0x20, s25, s16, $0xb8;
	[tilespmem:$0x1FC00] =	vst v63  }
0x69: {  	_ =	swait.ge [sflag:s31], $0x1000  }
0x6a: {  	[sflag:s31] =	ssyncset.done $0x0  }
0x6b: {  	s25 =	simm.s32 $0x1100;
	[sflag:s31] =	ssyncadd.s32 $0xFFFFF000  }
0x6c: {  	[spmem:s2] =	stream.indirect.scatter.add.f32 [tilespmem:s20], [sflag:$0x7], $0x20, s25, s16, $0xb8;
	[tilespmem:$0x1FC00] =	vst v63  }
0x6d: {  	_ =	swait.ge [sflag:s4], $0x1000  }
0x6e: {  	[sflag:s4] =	ssyncset.done $0x0  }
0x6f: {  	s30 =	simm.s32 $0x1180;
	s25 =	simm.s32 $0x800;
	[sflag:s4] =	ssyncadd.s32 $0xFFFFF000  }
.LBB2_8:
0x70: {  	[spmem:s2] =	stream.indirect.scatter.add.f32 [tilespmem:s22], [sflag:$0x8], $0x20, s30, s16, $0xb8;
	[tilespmem:$0x1FC00] =	vst v63  }
0x71: {  	s0 =	smov.u32 s25  }
0x72: {  	p1 =	sne.s32 s25, $0x2000;
	s25 =	sadd.s32 $0x800, s25;
	_ =	swait.ge [sflag:s11], $0x1000  }
0x73: {  	[sflag:s11] =	ssyncset.done $0x0  }
0x74: {  	[sflag:s11] =	ssyncadd.s32 $0xFFFFF000  }
0x75: {  	_ =	swait.ge [sflag:s19], $0x1000  }
0x76: {  	s0 =	sshra.s32 s0, $0x2;
	[sflag:s19] =	ssyncset.done $0x0  }
0x77: {  	s30 =	sadd.s32 $0x300, s0;
	[sflag:s19] =	ssyncadd.s32 $0xFFFFF000  }
0x78: {  	[tilespmem:s20], [sflag:$0x3] =	stream.indirect.gather [hbm4b:s10+s16], $0x20, s30, s16, $0xb8;
	[tilespmem:$0x1FC00] =	vst v63  }
0x79: {  	s30 =	sadd.s32 $0x380, s0  }
0x7a: {  	[tilespmem:s22], [sflag:$0x4] =	stream.indirect.gather [hbm4b:s10+s16], $0x20, s30, s16, $0xb8;
	[tilespmem:$0x1FC00] =	vst v63  }
0x7b: {  	_ =	swait.ge [sflag:s23], $0x1000  }
0x7c: {  	[sflag:s23] =	ssyncset.done $0x0  }
0x7d: {  	s30 =	sadd.s32 $0x1000, s0;
	[sflag:s23] =	ssyncadd.s32 $0xFFFFF000  }
0x7e: {  	[spmem:s2] =	stream.indirect.scatter.add.f32 [tilespmem:s17], [sflag:$0x5], $0x20, s30, s16, $0xb8;
	[tilespmem:$0x1FC00] =	vst v63  }
0x7f: {  	_ =	swait.ge [sflag:s24], $0x1000  }
0x80: {  	[sflag:s24] =	ssyncset.done $0x0  }
0x81: {  	s30 =	sadd.s32 $0x1080, s0;
	[sflag:s24] =	ssyncadd.s32 $0xFFFFF000  }
0x82: {  	[spmem:s2] =	stream.indirect.scatter.add.f32 [tilespmem:s18], [sflag:$0x6], $0x20, s30, s16, $0xb8;
	[tilespmem:$0x1FC00] =	vst v63  }
0x83: {  	_ =	swait.ge [sflag:s26], $0x1000  }
0x84: {  	[sflag:s26] =	ssyncset.done $0x0  }
0x85: {  	[sflag:s26] =	ssyncadd.s32 $0xFFFFF000  }
0x86: {  	_ =	swait.ge [sflag:s28], $0x1000  }
0x87: {  	[sflag:s28] =	ssyncset.done $0x0  }
0x88: {  	s30 =	sadd.s32 $0x400, s0;
	[sflag:s28] =	ssyncadd.s32 $0xFFFFF000  }
0x89: {  	[tilespmem:s17], [sflag:$0x1] =	stream.indirect.gather [hbm4b:s10+s16], $0x20, s30, s16, $0xb8;
	[tilespmem:$0x1FC00] =	vst v63  }
0x8a: {  	s30 =	sadd.s32 $0x480, s0  }
0x8b: {  	[tilespmem:s18], [sflag:$0x2] =	stream.indirect.gather [hbm4b:s10+s16], $0x20, s30, s16, $0xb8;
	[tilespmem:$0x1FC00] =	vst v63  }
0x8c: {  	_ =	swait.ge [sflag:s31], $0x1000  }
0x8d: {  	[sflag:s31] =	ssyncset.done $0x0  }
.Ltmp2:
0x8e: {  	s30 =	sadd.s32 $0x1100, s0;
	[sflag:s31] =	ssyncadd.s32 $0xFFFFF000;
	(pc) =	sbr.rel @p1 .LBB2_8-.Ltmp2, $4  }
0x8f: {  	[spmem:s2] =	stream.indirect.scatter.add.f32 [tilespmem:s20], [sflag:$0x7], $0x20, s30, s16, $0xb8;
	[tilespmem:$0x1FC00] =	vst v63  }
0x90: {  	_ =	swait.ge [sflag:s4], $0x1000  }
0x91: {  	[sflag:s4] =	ssyncset.done $0x0  }
0x92: {  	s30 =	sadd.s32 $0x1180, s0;
	[sflag:s4] =	ssyncadd.s32 $0xFFFFF000  }
0x93: {  	[spmem:s2] =	stream.indirect.scatter.add.f32 [tilespmem:s22], [sflag:$0x8], $0x20, s30, s16, $0xb8;
	[tilespmem:$0x1FC00] =	vst v63  }
0x94: {  	_ =	swait.ge [sflag:s11], $0x1000  }
0x95: {  	[sflag:s11] =	ssyncset.done $0x0  }
0x96: {  	[sflag:s11] =	ssyncadd.s32 $0xFFFFF000  }
0x97: {  	_ =	swait.ge [sflag:s19], $0x1000  }
0x98: {  	[sflag:s19] =	ssyncset.done $0x0  }
0x99: {  	s0 =	simm.s32 $0xD00;
	[sflag:s19] =	ssyncadd.s32 $0xFFFFF000  }
0x9a: {  	[tilespmem:s20], [sflag:$0x3] =	stream.indirect.gather [hbm4b:s10+s16], $0x20, s0, s16, $0xb8;
	[tilespmem:$0x1FC00] =	vst v63  }
0x9b: {  	s25 =	simm.s32 $0xD80  }
0x9c: {  	[tilespmem:s22], [sflag:$0x4] =	stream.indirect.gather [hbm4b:s10+s16], $0x20, s25, s16, $0xb8;
	[tilespmem:$0x1FC00] =	vst v63  }
0x9d: {  	_ =	swait.ge [sflag:s23], $0x1000  }
0x9e: {  	[sflag:s23] =	ssyncset.done $0x0  }
0x9f: {  	s30 =	simm.s32 $0x1A00;
	[sflag:s23] =	ssyncadd.s32 $0xFFFFF000  }
0xa0: {  	[spmem:s2] =	stream.indirect.scatter.add.f32 [tilespmem:s17], [sflag:$0x5], $0x20, s30, s16, $0xb8;
	[tilespmem:$0x1FC00] =	vst v63  }
0xa1: {  	_ =	swait.ge [sflag:s24], $0x1000  }
0xa2: {  	[sflag:s24] =	ssyncset.done $0x0  }
0xa3: {  	s25 =	simm.s32 $0x1A80;
	[sflag:s24] =	ssyncadd.s32 $0xFFFFF000  }
0xa4: {  	[spmem:s2] =	stream.indirect.scatter.add.f32 [tilespmem:s18], [sflag:$0x6], $0x20, s25, s16, $0xb8;
	[tilespmem:$0x1FC00] =	vst v63  }
0xa5: {  	_ =	swait.ge [sflag:s26], $0x1000  }
0xa6: {  	[sflag:s26] =	ssyncset.done $0x0  }
0xa7: {  	[sflag:s26] =	ssyncadd.s32 $0xFFFFF000  }
0xa8: {  	_ =	swait.ge [sflag:s28], $0x1000  }
0xa9: {  	[sflag:s28] =	ssyncset.done $0x0  }
0xaa: {  	[sflag:s28] =	ssyncadd.s32 $0xFFFFF000  }
0xab: {  	_ =	swait.ge [sflag:s31], $0x1000  }
0xac: {  	[sflag:s31] =	ssyncset.done $0x0  }
0xad: {  	s30 =	simm.s32 $0x1B00;
	[sflag:s31] =	ssyncadd.s32 $0xFFFFF000  }
0xae: {  	[spmem:s2] =	stream.indirect.scatter.add.f32 [tilespmem:s20], [sflag:$0x7], $0x20, s30, s16, $0xb8;
	[tilespmem:$0x1FC00] =	vst v63  }
0xaf: {  	_ =	swait.ge [sflag:s4], $0x1000  }
0xb0: {  	[sflag:s4] =	ssyncset.done $0x0  }
0xb1: {  	s29 =	sadd.s32 $0x1, s29;
	[sflag:s4] =	ssyncadd.s32 $0xFFFFF000  }
0xb2: {  	[spmem:s2] =	stream.indirect.scatter.add.f32 [tilespmem:s22], [sflag:$0x8], $0x20, s1, s16, $0xb8;
	[tilespmem:$0x1FC00] =	vst v63  }
0xb3: {  	p1 =	sne.s32 s29, $0xE;
	_ =	swait.ge [sflag:s11], $0x1000  }
.Ltmp3:
0xb4: {  	[sflag:s11] =	ssyncset.done $0x0;
	(pc) =	sbr.rel @p1 .LBB2_7-.Ltmp3, $4  }
.Ltmp4:
0xb5: {  	[sflag:s11] =	ssyncadd.s32 $0xFFFFF000;
	(pc) =	sbr.rel @!p1 .LBB2_10-.Ltmp4, $4  }
0xb6: {  	_ =	swait.ge [sflag:s19], $0x1000  }
0xb7: {  	[sflag:s19] =	ssyncset.done $0x0  }
0xb8: {  	[sflag:s19] =	ssyncadd.s32 $0xFFFFF000  }
0xb9: {  	_ = 	snop  }
.LBB2_4:
0xba: {  	s29 =	smul.u32 $0xE00, s25;
	_ =	sdelay $0x1  }
0xbb: {  	s29 =	sadd.s32 s9, s29  }
0xbc: {  	s29 =	sshrl.u32 s29, $0x3  }
0xbd: {  	s30 =	sadd.s32 s6, s29  }
0xbe: {  	[tilespmem:s21], [sflag:$0x9] =	stream.linear.gather [hbm4b:s30+s21], $0xE00, $0x38;
	[tilespmem:$0x1FC00] =	vst v63  }
0xbf: {  	_ =	swait.ge [sflag:s14], $0xE00  }
0xc0: {  	[sflag:s14] =	ssyncset.done $0x0  }
0xc1: {  	s29 =	sadd.s32 s7, s29;
	[sflag:s14] =	ssyncadd.s32 $0xFFFFF200  }
0xc2: {  	[tilespmem:s15], [sflag:$0x9] =	stream.linear.gather [hbm4b:s29+s21], $0xE00, $0x38;
	[tilespmem:$0x1FC00] =	vst v63  }
0xc3: {  	_ =	swait.ge [sflag:s14], $0xE00  }
0xc4: {  	[sflag:s14] =	ssyncset.done $0x0  }
0xc5: {  	[sflag:s14] =	ssyncadd.s32 $0xFFFFF200  }
0xc6: {  	[tilespmem:s17], [sflag:$0x1] =	stream.indirect.gather [hbm4b:s5+s16], $0x20, s21, s16, $0xb8;
	[tilespmem:$0x1FC00] =	vst v63  }
0xc7: {  	_ = 	snop  }
0xc8: {  	[tilespmem:s18], [sflag:$0x2] =	stream.indirect.gather [hbm4b:s5+s16], $0x20, s16, s16, $0xb8;
	[tilespmem:$0x1FC00] =	vst v63  }
0xc9: {  	s0 =	simm.s32 $0x100  }
0xca: {  	[tilespmem:s20], [sflag:$0x3] =	stream.indirect.gather [hbm4b:s5+s16], $0x20, s0, s16, $0xb8;
	[tilespmem:$0x1FC00] =	vst v63  }
0xcb: {  	s0 =	simm.s32 $0x180  }
0xcc: {  	[tilespmem:s22], [sflag:$0x4] =	stream.indirect.gather [hbm4b:s5+s16], $0x20, s0, s16, $0xb8;
	[tilespmem:$0x1FC00] =	vst v63  }
0xcd: {  	_ =	swait.ge [sflag:s23], $0x1000  }
0xce: {  	[sflag:s23] =	ssyncset.done $0x0  }
0xcf: {  	[sflag:s23] =	ssyncadd.s32 $0xFFFFF000  }
0xd0: {  	[spmem:s2] =	stream.indirect.scatter.add.f32 [tilespmem:s17], [sflag:$0x5], $0x20, s15, s16, $0xb8;
	[tilespmem:$0x1FC00] =	vst v63  }
0xd1: {  	_ =	swait.ge [sflag:s24], $0x1000  }
0xd2: {  	[sflag:s24] =	ssyncset.done $0x0  }
0xd3: {  	s0 =	simm.s32 $0xE80;
	[sflag:s24] =	ssyncadd.s32 $0xFFFFF000  }
0xd4: {  	[spmem:s2] =	stream.indirect.scatter.add.f32 [tilespmem:s18], [sflag:$0x6], $0x20, s0, s16, $0xb8;
	[tilespmem:$0x1FC00] =	vst v63  }
0xd5: {  	_ =	swait.ge [sflag:s26], $0x1000  }
0xd6: {  	[sflag:s26] =	ssyncset.done $0x0  }
0xd7: {  	[sflag:s26] =	ssyncadd.s32 $0xFFFFF000  }
0xd8: {  	_ =	swait.ge [sflag:s28], $0x1000  }
0xd9: {  	[sflag:s28] =	ssyncset.done $0x0  }
0xda: {  	s0 =	simm.s32 $0x200;
	[sflag:s28] =	ssyncadd.s32 $0xFFFFF000  }
0xdb: {  	[tilespmem:s17], [sflag:$0x1] =	stream.indirect.gather [hbm4b:s5+s16], $0x20, s0, s16, $0xb8;
	[tilespmem:$0x1FC00] =	vst v63  }
0xdc: {  	s0 =	simm.s32 $0x280  }
0xdd: {  	[tilespmem:s18], [sflag:$0x2] =	stream.indirect.gather [hbm4b:s5+s16], $0x20, s0, s16, $0xb8;
	[tilespmem:$0x1FC00] =	vst v63  }
0xde: {  	_ =	swait.ge [sflag:s31], $0x1000  }
0xdf: {  	[sflag:s31] =	ssyncset.done $0x0  }
0xe0: {  	s0 =	simm.s32 $0xF00;
	[sflag:s31] =	ssyncadd.s32 $0xFFFFF000  }
0xe1: {  	[spmem:s2] =	stream.indirect.scatter.add.f32 [tilespmem:s20], [sflag:$0x7], $0x20, s0, s16, $0xb8;
	[tilespmem:$0x1FC00] =	vst v63  }
0xe2: {  	_ =	swait.ge [sflag:s4], $0x1000  }
0xe3: {  	[sflag:s4] =	ssyncset.done $0x0  }
0xe4: {  	s0 =	simm.s32 $0xF80;
	[sflag:s4] =	ssyncadd.s32 $0xFFFFF000  }
0xe5: {  	[spmem:s2] =	stream.indirect.scatter.add.f32 [tilespmem:s22], [sflag:$0x8], $0x20, s0, s16, $0xb8;
	[tilespmem:$0x1FC00] =	vst v63  }
0xe6: {  	_ =	swait.ge [sflag:s11], $0x1000  }
0xe7: {  	[sflag:s11] =	ssyncset.done $0x0  }
0xe8: {  	[sflag:s11] =	ssyncadd.s32 $0xFFFFF000  }
0xe9: {  	_ =	swait.ge [sflag:s19], $0x1000  }
0xea: {  	[sflag:s19] =	ssyncset.done $0x0  }
0xeb: {  	s29 =	simm.s32 $0x300;
	[sflag:s19] =	ssyncadd.s32 $0xFFFFF000  }
0xec: {  	[tilespmem:s20], [sflag:$0x3] =	stream.indirect.gather [hbm4b:s5+s16], $0x20, s29, s16, $0xb8;
	[tilespmem:$0x1FC00] =	vst v63  }
0xed: {  	s29 =	simm.s32 $0x380  }
0xee: {  	[tilespmem:s22], [sflag:$0x4] =	stream.indirect.gather [hbm4b:s5+s16], $0x20, s29, s16, $0xb8;
	[tilespmem:$0x1FC00] =	vst v63  }
0xef: {  	_ =	swait.ge [sflag:s23], $0x1000  }
0xf0: {  	[sflag:s23] =	ssyncset.done $0x0  }
0xf1: {  	s29 =	simm.s32 $0x1000;
	[sflag:s23] =	ssyncadd.s32 $0xFFFFF000  }
0xf2: {  	[spmem:s2] =	stream.indirect.scatter.add.f32 [tilespmem:s17], [sflag:$0x5], $0x20, s29, s16, $0xb8;
	[tilespmem:$0x1FC00] =	vst v63  }
0xf3: {  	_ =	swait.ge [sflag:s24], $0x1000  }
0xf4: {  	[sflag:s24] =	ssyncset.done $0x0  }
0xf5: {  	s29 =	simm.s32 $0x1080;
	[sflag:s24] =	ssyncadd.s32 $0xFFFFF000  }
0xf6: {  	[spmem:s2] =	stream.indirect.scatter.add.f32 [tilespmem:s18], [sflag:$0x6], $0x20, s29, s16, $0xb8;
	[tilespmem:$0x1FC00] =	vst v63  }
0xf7: {  	_ =	swait.ge [sflag:s26], $0x1000  }
0xf8: {  	[sflag:s26] =	ssyncset.done $0x0  }
0xf9: {  	[sflag:s26] =	ssyncadd.s32 $0xFFFFF000  }
0xfa: {  	_ =	swait.ge [sflag:s28], $0x1000  }
0xfb: {  	[sflag:s28] =	ssyncset.done $0x0  }
0xfc: {  	s29 =	simm.s32 $0x400;
	[sflag:s28] =	ssyncadd.s32 $0xFFFFF000  }
0xfd: {  	[tilespmem:s17], [sflag:$0x1] =	stream.indirect.gather [hbm4b:s5+s16], $0x20, s29, s16, $0xb8;
	[tilespmem:$0x1FC00] =	vst v63  }
0xfe: {  	s29 =	simm.s32 $0x480  }
0xff: {  	[tilespmem:s18], [sflag:$0x2] =	stream.indirect.gather [hbm4b:s5+s16], $0x20, s29, s16, $0xb8;
	[tilespmem:$0x1FC00] =	vst v63  }
0x100: {  	_ =	swait.ge [sflag:s31], $0x1000  }
0x101: {  	[sflag:s31] =	ssyncset.done $0x0  }
0x102: {  	s29 =	simm.s32 $0x1100;
	[sflag:s31] =	ssyncadd.s32 $0xFFFFF000  }
0x103: {  	[spmem:s2] =	stream.indirect.scatter.add.f32 [tilespmem:s20], [sflag:$0x7], $0x20, s29, s16, $0xb8;
	[tilespmem:$0x1FC00] =	vst v63  }
0x104: {  	_ =	swait.ge [sflag:s4], $0x1000  }
0x105: {  	[sflag:s4] =	ssyncset.done $0x0  }
0x106: {  	s30 =	simm.s32 $0x1180;
	s29 =	simm.s32 $0x800;
	[sflag:s4] =	ssyncadd.s32 $0xFFFFF000  }
.LBB2_5:
0x107: {  	[spmem:s2] =	stream.indirect.scatter.add.f32 [tilespmem:s22], [sflag:$0x8], $0x20, s30, s16, $0xb8;
	[tilespmem:$0x1FC00] =	vst v63  }
0x108: {  	s30 =	smov.u32 s29  }
0x109: {  	p1 =	sne.s32 s29, $0x2000;
	s29 =	sadd.s32 $0x800, s29;
	_ =	swait.ge [sflag:s11], $0x1000  }
0x10a: {  	[sflag:s11] =	ssyncset.done $0x0  }
0x10b: {  	[sflag:s11] =	ssyncadd.s32 $0xFFFFF000  }
0x10c: {  	_ =	swait.ge [sflag:s19], $0x1000  }
0x10d: {  	s30 =	sshra.s32 s30, $0x2;
	[sflag:s19] =	ssyncset.done $0x0  }
0x10e: {  	s0 =	sadd.s32 $0x300, s30;
	[sflag:s19] =	ssyncadd.s32 $0xFFFFF000  }
0x10f: {  	[tilespmem:s20], [sflag:$0x3] =	stream.indirect.gather [hbm4b:s5+s16], $0x20, s0, s16, $0xb8;
	[tilespmem:$0x1FC00] =	vst v63  }
0x110: {  	s0 =	sadd.s32 $0x380, s30  }
0x111: {  	[tilespmem:s22], [sflag:$0x4] =	stream.indirect.gather [hbm4b:s5+s16], $0x20, s0, s16, $0xb8;
	[tilespmem:$0x1FC00] =	vst v63  }
0x112: {  	_ =	swait.ge [sflag:s23], $0x1000  }
0x113: {  	[sflag:s23] =	ssyncset.done $0x0  }
0x114: {  	s0 =	sadd.s32 $0x1000, s30;
	[sflag:s23] =	ssyncadd.s32 $0xFFFFF000  }
0x115: {  	[spmem:s2] =	stream.indirect.scatter.add.f32 [tilespmem:s17], [sflag:$0x5], $0x20, s0, s16, $0xb8;
	[tilespmem:$0x1FC00] =	vst v63  }
0x116: {  	_ =	swait.ge [sflag:s24], $0x1000  }
0x117: {  	[sflag:s24] =	ssyncset.done $0x0  }
0x118: {  	s0 =	sadd.s32 $0x1080, s30;
	[sflag:s24] =	ssyncadd.s32 $0xFFFFF000  }
0x119: {  	[spmem:s2] =	stream.indirect.scatter.add.f32 [tilespmem:s18], [sflag:$0x6], $0x20, s0, s16, $0xb8;
	[tilespmem:$0x1FC00] =	vst v63  }
0x11a: {  	_ =	swait.ge [sflag:s26], $0x1000  }
0x11b: {  	[sflag:s26] =	ssyncset.done $0x0  }
0x11c: {  	[sflag:s26] =	ssyncadd.s32 $0xFFFFF000  }
0x11d: {  	_ =	swait.ge [sflag:s28], $0x1000  }
0x11e: {  	[sflag:s28] =	ssyncset.done $0x0  }
0x11f: {  	s0 =	sadd.s32 $0x400, s30;
	[sflag:s28] =	ssyncadd.s32 $0xFFFFF000  }
0x120: {  	[tilespmem:s17], [sflag:$0x1] =	stream.indirect.gather [hbm4b:s5+s16], $0x20, s0, s16, $0xb8;
	[tilespmem:$0x1FC00] =	vst v63  }
0x121: {  	s0 =	sadd.s32 $0x480, s30  }
0x122: {  	[tilespmem:s18], [sflag:$0x2] =	stream.indirect.gather [hbm4b:s5+s16], $0x20, s0, s16, $0xb8;
	[tilespmem:$0x1FC00] =	vst v63  }
0x123: {  	_ =	swait.ge [sflag:s31], $0x1000  }
0x124: {  	[sflag:s31] =	ssyncset.done $0x0  }
.Ltmp5:
0x125: {  	s0 =	sadd.s32 $0x1100, s30;
	[sflag:s31] =	ssyncadd.s32 $0xFFFFF000;
	(pc) =	sbr.rel @p1 .LBB2_5-.Ltmp5, $4  }
0x126: {  	[spmem:s2] =	stream.indirect.scatter.add.f32 [tilespmem:s20], [sflag:$0x7], $0x20, s0, s16, $0xb8;
	[tilespmem:$0x1FC00] =	vst v63  }
0x127: {  	_ =	swait.ge [sflag:s4], $0x1000  }
0x128: {  	[sflag:s4] =	ssyncset.done $0x0  }
0x129: {  	s30 =	sadd.s32 $0x1180, s30;
	[sflag:s4] =	ssyncadd.s32 $0xFFFFF000  }
0x12a: {  	[spmem:s2] =	stream.indirect.scatter.add.f32 [tilespmem:s22], [sflag:$0x8], $0x20, s30, s16, $0xb8;
	[tilespmem:$0x1FC00] =	vst v63  }
0x12b: {  	_ =	swait.ge [sflag:s11], $0x1000  }
0x12c: {  	[sflag:s11] =	ssyncset.done $0x0  }
0x12d: {  	[sflag:s11] =	ssyncadd.s32 $0xFFFFF000  }
0x12e: {  	_ =	swait.ge [sflag:s19], $0x1000  }
0x12f: {  	[sflag:s19] =	ssyncset.done $0x0  }
0x130: {  	s0 =	simm.s32 $0xD00;
	[sflag:s19] =	ssyncadd.s32 $0xFFFFF000  }
0x131: {  	[tilespmem:s20], [sflag:$0x3] =	stream.indirect.gather [hbm4b:s5+s16], $0x20, s0, s16, $0xb8;
	[tilespmem:$0x1FC00] =	vst v63  }
0x132: {  	s29 =	simm.s32 $0xD80  }
0x133: {  	[tilespmem:s22], [sflag:$0x4] =	stream.indirect.gather [hbm4b:s5+s16], $0x20, s29, s16, $0xb8;
	[tilespmem:$0x1FC00] =	vst v63  }
0x134: {  	_ =	swait.ge [sflag:s23], $0x1000  }
0x135: {  	[sflag:s23] =	ssyncset.done $0x0  }
0x136: {  	s30 =	simm.s32 $0x1A00;
	[sflag:s23] =	ssyncadd.s32 $0xFFFFF000  }
0x137: {  	[spmem:s2] =	stream.indirect.scatter.add.f32 [tilespmem:s17], [sflag:$0x5], $0x20, s30, s16, $0xb8;
	[tilespmem:$0x1FC00] =	vst v63  }
0x138: {  	_ =	swait.ge [sflag:s24], $0x1000  }
0x139: {  	[sflag:s24] =	ssyncset.done $0x0  }
0x13a: {  	s29 =	simm.s32 $0x1A80;
	[sflag:s24] =	ssyncadd.s32 $0xFFFFF000  }
0x13b: {  	[spmem:s2] =	stream.indirect.scatter.add.f32 [tilespmem:s18], [sflag:$0x6], $0x20, s29, s16, $0xb8;
	[tilespmem:$0x1FC00] =	vst v63  }
0x13c: {  	_ =	swait.ge [sflag:s26], $0x1000  }
0x13d: {  	[sflag:s26] =	ssyncset.done $0x0  }
0x13e: {  	[sflag:s26] =	ssyncadd.s32 $0xFFFFF000  }
0x13f: {  	_ =	swait.ge [sflag:s28], $0x1000  }
0x140: {  	[sflag:s28] =	ssyncset.done $0x0  }
0x141: {  	[sflag:s28] =	ssyncadd.s32 $0xFFFFF000  }
0x142: {  	_ =	swait.ge [sflag:s31], $0x1000  }
0x143: {  	[sflag:s31] =	ssyncset.done $0x0  }
0x144: {  	s30 =	simm.s32 $0x1B00;
	[sflag:s31] =	ssyncadd.s32 $0xFFFFF000  }
0x145: {  	[spmem:s2] =	stream.indirect.scatter.add.f32 [tilespmem:s20], [sflag:$0x7], $0x20, s30, s16, $0xb8;
	[tilespmem:$0x1FC00] =	vst v63  }
0x146: {  	_ =	swait.ge [sflag:s4], $0x1000  }
0x147: {  	[sflag:s4] =	ssyncset.done $0x0  }
0x148: {  	s25 =	sadd.s32 $0x1, s25;
	[sflag:s4] =	ssyncadd.s32 $0xFFFFF000  }
0x149: {  	[spmem:s2] =	stream.indirect.scatter.add.f32 [tilespmem:s22], [sflag:$0x8], $0x20, s1, s16, $0xb8;
	[tilespmem:$0x1FC00] =	vst v63  }
0x14a: {  	p1 =	seq.s32 s25, $0xE;
	_ =	swait.ge [sflag:s11], $0x1000  }
.Ltmp6:
0x14b: {  	[sflag:s11] =	ssyncset.done $0x0;
	(pc) =	sbr.rel @!p1 .LBB2_4-.Ltmp6, $4  }
0x14c: {  	[sflag:s11] =	ssyncadd.s32 $0xFFFFF000  }
0x14d: {  	_ =	swait.ge [sflag:s19], $0x1000  }
0x14e: {  	[sflag:s19] =	ssyncset.done $0x0  }
0x14f: {  	[sflag:s19] =	ssyncadd.s32 $0xFFFFF000  }
.LBB2_10:
0x150: {  	[bflag:$0x0] =	sbarrier.arrive $0xFFFF  }
0x151: {  	[tilespmem:s17], [sflag:$0x9] =	stream.linear.gather [spmem:s8], $0x1000, $0x38;
	[tilespmem:$0x1FC00] =	vst v63  }
0x152: {  	_ =	swait.ge [sflag:s14], $0x1000  }
0x153: {  	[sflag:s14] =	ssyncset.done $0x0  }
0x154: {  	s0 =	sadd.s32 $0x0, s12;
	[sflag:s14] =	ssyncadd.s32 $0xFFFFF000  }
0x155: {  	[hbm4b:s0+s3] =	stream.linear.scatter [tilespmem:s17], [sflag:$0x9], $0x1000, $0x38;
	[tilespmem:$0x1FC00] =	vst v63  }
0x156: {  	_ =	swait.ge [sflag:s14], $0x1000  }
0x157: {  	s21 =	simm.s32 $0x200;
	s25 =	smov.u32 s8;
	[sflag:s14] =	ssyncset.done $0x0  }
.LBB2_11:
0x158: {  	p1 =	sne.s32 s21, $0x3000;
	[sflag:s14] =	ssyncadd.s32 $0xFFFFF000;
	s25 =	sadd.s32 $0x1000, s25  }
0x159: {  	[tilespmem:s17], [sflag:$0x9] =	stream.linear.gather [spmem:s25], $0x1000, $0x38;
	[tilespmem:$0x1FC00] =	vst v63  }
0x15a: {  	s0 =	smov.u32 s21;
	s21 =	sadd.s32 $0x200, s21;
	_ =	swait.ge [sflag:s14], $0x1000  }
.Ltmp7:
0x15b: {  	[sflag:s14] =	ssyncset.done $0x0;
	(pc) =	sbr.rel @p1 .LBB2_11-.Ltmp7, $4  }
0x15c: {  	s0 =	sadd.s32 s0, s12;
	[sflag:s14] =	ssyncadd.s32 $0xFFFFF000  }
0x15d: {  	[hbm4b:s0+s3] =	stream.linear.scatter [tilespmem:s17], [sflag:$0x9], $0x1000, $0x38;
	[tilespmem:$0x1FC00] =	vst v63  }
0x15e: {  	_ =	swait.ge [sflag:s14], $0x1000  }
0x15f: {  	[sflag:s14] =	ssyncset.done $0x0  }
0x160: {  	s21 =	rddreg [dreg:$0x5]  }
0x161: {  	s0 =	rddreg [dreg:$0x4];
	s21 =	sadd.s32 $0x1, s21  }
0x162: {  	p1 =	sne.s32 s21, s0  }
.Ltmp8:
0x163: {  	_ = 	snop;
	(pc) =	sbr.rel @p1 .LBB2_1-.Ltmp8, $2  }
0x164: {  	_ =	sdelay $0x2  }
0x165: {  	[sflag:s14] =	ssyncadd.s32 $0xFFFFF000  }
0x166: {  	_ =	sfence.sel $0x180000  }
0x167: {  	[bflag:$0x0] =	sbarrier.arrive $0xFFFF  }
0x168: {  	_ =	strace $0x9000004D  }
0x169: {  	s0 =	stileid.u32;
	[bflag:$0x2] =	sbarrier.arrive $0xFFFF  }
0x16a: {  	p0 =	sne.s32 s0, $0x0;
	s0 =	rddreg [dreg:$0x3]  }
0x16b: {  	s0 =	sadd.s32 @!p0 $0x100000, s0  }
0x16c: {  	[sflag:s0] =	ssyncadd.tile.s32 @!p0 $0x1;
	_ =	shalt  }
.Lfunc_end2:
_tile_overlayer_lowered:
.L_overlay_start_2:
0x16d: {  	(tag) =	ssettag $0x2  }
0x16e: {  	s0 =	rddreg [dreg:$0x0];
	s2 =	stileid.u32  }
0x16f: {  	s1 =	rddreg [dreg:$0x1];
	p0 =	sne.s32 s2, $0x0  }
0x170: {  	s3 =	rddreg [dreg:$0x2];
	[bflag:$0x3] =	sbarrier.arrive $0xFFFF;
	s2 =	simm.s32 @!p0 $0x1C09  }
0x171: {  	[timem:s3], [sflag:s2] =	dma.local @!p0 [hbm:s0], s1  }
0x172: {  	s0 =	simm.s32 @!p0 $0x9  }
0x173: {  	_ =	swait.ge @!p0 [sflag:s0], s1  }
0x174: {  	s1 =	ssub.s32 @!p0 $0x0, s1;
	[sflag:s0] =	ssyncset.done @!p0 $0x0  }
0x175: {  	[sflag:s0] =	ssyncadd.s32 @!p0 s1  }
0x176: {  	[bflag:$0x3] =	sbarrier.arrive $0xFFFF  }
0x177: {  	_ =	shalt  }

// kernel: kernel.19.cloned.1.call-start
scs
__scs_entry_jumppad:
0x0: {  	(pc) =	sbr.rel $0x88, $3  }
0x1: {  	(tag) =	ssettag $0x0;
	lr =	simm.s32 $0x1  }
0x2: {  	[smem:$0x3F9A] =	sst lr;
	_ =	strace $0xD0000000  }
0x3: {  	_ = 	snop  }
0x4: {  	_ = 	snop  }
0x5: {  	_ = 	snop  }
0x6: {  	_ = 	snop  }
0x7: {  	_ = 	snop  }
__scs_overlays_trampoline_lowered:
0x8: {  	[smem:$0x3FA9] =	sst s0  }
0x9: {  	[smem:$0x3FAA] =	sst s1  }
0xa: {  	[smem:$0x3FAB] =	sst s2  }
0xb: {  	[smem:$0x3FAC] =	sst s3  }
0xc: {  	[smem:$0x3FAD] =	sst s4  }
0xd: {  	[smem:$0x3FAE] =	sst s5  }
0xe: {  	[smem:$0x3FAF] =	sst s6  }
0xf: {  	[smem:$0x3FB0] =	sst s7  }
0x10: {  	[smem:$0x3FB1] =	sst s8  }
0x11: {  	[smem:$0x3FB2] =	sst s9;
	s0 =	simm.s32 @!p0 $0x0  }
0x12: {  	s1 =	sld [smem:$0x3F98];
	s0 =	simm.s32 @p0 $0x1  }
0x13: {  	[smem:$0x3FB3] =	sst s0;
	s0 =	simm.s32 @!p1 $0x0  }
0x14: {  	s2 =	sld [smem:$0x3F97];
	s0 =	simm.s32 @p1 $0x1  }
0x15: {  	[smem:$0x3FB4] =	sst s0;
	s0 =	simm.s32 @!p2 $0x0  }
0x16: {  	s3 =	sld [smem:$0x3FDB];
	s0 =	simm.s32 @p2 $0x1  }
0x17: {  	s4 =	simm.s32 $0x1BF5;
	[smem:$0x3FB6] =	sst s0  }
0x18: {  	s0 =	sld [smem:$0x3F99];
	_ =	swait.ge [sflag:s4], $0x0  }
0x19: {  	s7 =	sld [smem:$0x3F9A]  }
0x1a: {  	s8 =	sadd.s32 $0xFFFFE003, lr  }
0x1b: {  	s9 =	sadd.s32 $0xFFFFFEF7, lr;
	s5 =	simm.s32 $0xFFFFFFFF;
	p2 =	slt.u32 s8, $0xFFFFF086  }
0x1c: {  	p1 =	slt.u32 s9, $0xF7A;
	s5 =	simm.s32 @!p2 $0x0  }
0x1d: {  	s5 =	simm.s32 @p1 $0x1;
	p0 =	seq.s32 s7, s2  }
0x1e: {  	s7 =	smul.u32 @!p0 $0xF7A, s2;
	p2 =	seq.s32 @!p0 s5, $0x0  }
0x1f: {  	s9 =	smul.u32 $0xF7A, s1;
	s8 =	simm.s32 @!p0 $0x1BF5;
	p2 =	por !p2, p0  }
0x20: {  	[sflag:s8] =	ssyncset.s32 @!p0 $0xFFFFF086;
	s6 =	sadd.s32 @!p0 s3, s7;
	s7 =	simm.s32 @!p0 $0x108  }
0x21: {  	s3 =	sadd.s32 s3, s9;
	s6 =	sadd.s32 @!p0 $0x88, s6;
	s7 =	simm.s32 @p2 $0x1082  }
0x22: {  	[simem:s7], [sflag:s8] =	dma.local @!p0 [hbm:s6], $0xF7A  }
0x23: {  	s9 =	sor.u32 $0xD0000000, s2;
	s6 =	simm.s32 $0x108;
	_ =	swait.ge @!p0 [sflag:s8], $0x0  }
0x24: {  	s3 =	sadd.s32 $0x88, s3;
	s6 =	simm.s32 @!p1 $0x1082;
	[sflag:s4] =	ssyncset.s32 $0xFFFFF086  }
0x25: {  	[simem:s6], [sflag:s4] =	dma.local [hbm:s3], $0xF7A  }
0x26: {  	[smem:$0x3F9A] =	sst s1;
	(tag) =	ssettag s2;
	_ =	strace s9  }
0x27: {  	s1 =	sld [smem:$0x3FAA]  }
0x28: {  	s2 =	sld [smem:$0x3FAB]  }
0x29: {  	s4 =	sld [smem:$0x3FAD]  }
0x2a: {  	p0 =	seq.s32 s5, $0x0;
	s5 =	sld [smem:$0x3FAE]  }
0x2b: {  	s6 =	sld [smem:$0x3FAF]  }
0x2c: {  	s7 =	sld [smem:$0x3FB0]  }
0x2d: {  	s3 =	simm.s32 $0x108;
	s8 =	sld [smem:$0x3FB1]  }
0x2e: {  	s3 =	simm.s32 @!p0 $0x1082;
	s9 =	sld [smem:$0x3FB2]  }
0x2f: {  	lr =	sadd.s32 s0, s3;
	s0 =	sld [smem:$0x3FA9]  }
0x30: {  	s3 =	sld [smem:$0x3FAC]  }
0x31: {  	[smem:$0x3FB5] =	sst s10  }
0x32: {  	s10 =	sld [smem:$0x3FB3];
	_ =	sdelay $0x3  }
0x33: {  	p0 =	seq.s32 s10, $0x1;
	s10 =	sld [smem:$0x3FB5];
	_ =	sdelay $0x3  }
0x34: {  	[smem:$0x3FB5] =	sst s10  }
0x35: {  	s10 =	sld [smem:$0x3FB4];
	_ =	sdelay $0x3  }
0x36: {  	p1 =	seq.s32 s10, $0x1;
	s10 =	sld [smem:$0x3FB5];
	_ =	sdelay $0x3  }
0x37: {  	[smem:$0x3FB5] =	sst s10  }
0x38: {  	s10 =	sld [smem:$0x3FB6]  }
0x39: {  	_ = 	snop;
	(pc) =	sbr.ind lr, $3  }
0x3a: {  	_ = 	snop  }
0x3b: {  	_ = 	snop  }
0x3c: {  	p2 =	seq.s32 s10, $0x1;
	s10 =	sld [smem:$0x3FB5]  }
0x3d: {  	_ =	shalt  }
0x3e: {  	_ =	shalt  }
0x3f: {  	_ =	shalt  }
0x40: {  	_ =	shalt  }
0x41: {  	_ =	shalt  }
0x42: {  	_ =	shalt  }
0x43: {  	_ =	shalt  }
0x44: {  	_ =	shalt  }
0x45: {  	_ =	shalt  }
0x46: {  	_ =	shalt  }
0x47: {  	_ =	shalt  }
0x48: {  	_ =	shalt  }
0x49: {  	_ =	shalt  }
0x4a: {  	_ =	shalt  }
0x4b: {  	_ =	shalt  }
0x4c: {  	_ =	shalt  }
0x4d: {  	_ =	shalt  }
0x4e: {  	_ =	shalt  }
0x4f: {  	_ =	shalt  }
0x50: {  	_ =	shalt  }
0x51: {  	_ =	shalt  }
0x52: {  	_ =	shalt  }
0x53: {  	_ =	shalt  }
0x54: {  	_ =	shalt  }
0x55: {  	_ =	shalt  }
0x56: {  	_ =	shalt  }
0x57: {  	_ =	shalt  }
0x58: {  	_ =	shalt  }
0x59: {  	_ =	shalt  }
0x5a: {  	_ =	shalt  }
0x5b: {  	_ =	shalt  }
0x5c: {  	_ =	shalt  }
0x5d: {  	_ =	shalt  }
0x5e: {  	_ =	shalt  }
0x5f: {  	_ =	shalt  }
0x60: {  	_ =	shalt  }
0x61: {  	_ =	shalt  }
0x62: {  	_ =	shalt  }
0x63: {  	_ =	shalt  }
0x64: {  	_ =	shalt  }
0x65: {  	_ =	shalt  }
0x66: {  	_ =	shalt  }
0x67: {  	_ =	shalt  }
0x68: {  	_ =	shalt  }
0x69: {  	_ =	shalt  }
0x6a: {  	_ =	shalt  }
0x6b: {  	_ =	shalt  }
0x6c: {  	_ =	shalt  }
0x6d: {  	_ =	shalt  }
0x6e: {  	_ =	shalt  }
0x6f: {  	_ =	shalt  }
0x70: {  	_ =	shalt  }
0x71: {  	_ =	shalt  }
0x72: {  	_ =	shalt  }
0x73: {  	_ =	shalt  }
0x74: {  	_ =	shalt  }
0x75: {  	_ =	shalt  }
0x76: {  	_ =	shalt  }
0x77: {  	_ =	shalt  }
0x78: {  	_ =	shalt  }
0x79: {  	_ =	shalt  }
0x7a: {  	_ =	shalt  }
0x7b: {  	_ =	shalt  }
0x7c: {  	_ =	shalt  }
0x7d: {  	_ =	shalt  }
0x7e: {  	_ =	shalt  }
0x7f: {  	_ =	shalt  }
0x80: {  	_ =	shalt  }
0x81: {  	_ =	shalt  }
0x82: {  	_ =	shalt  }
0x83: {  	_ =	shalt  }
0x84: {  	_ =	shalt  }
0x85: {  	_ =	shalt  }
0x86: {  	_ =	shalt  }
0x87: {  	_ =	shalt  }
.Lfunc_end0:
.L_simem_size_0:
called_computation.3_lowered:
.L_overlay_start_0:
0x88: {  	s2 =	sld [smem:$0x3FD9]  }
0x89: {  	s3 =	sld [smem:$0x3FFE];
	_ =	sdelay $0x1  }
0x8a: {  	s1 =	srdreg.scid  }
0x8b: {  	s0 =	sand.u32 $0x1, s1  }
0x8c: {  	s16 =	sshll.u32 s0, $0xA;
	s2 =	sadd.s32 s3, s2  }
0x8d: {  	s2 =	sadd.s32 s2, s16  }
0x8e: {  	[smem:$0x3FC1] =	sst s2  }
0x8f: {  	_ = 	snop  }
0x90: {  	(tm) =	ssettm $0x1  }
0x91: {  	s17 =	sld [smem:$0x3FFB];
	_ =	sdelay $0x3  }
0x92: {  	_ =	strace s17  }
0x93: {  	s2 =	sld [smem:$0x3FFC];
	_ =	sdelay $0x3  }
0x94: {  	_ =	strace s2  }
0x95: {  	s2 =	sld [smem:$0x3FFD];
	_ =	sdelay $0x3  }
0x96: {  	_ =	strace s2  }
0x97: {  	_ =	strace $0x8FFFFFFF  }
0x98: {  	s18 =	sld [smem:$0x3FDB];
	_ =	sdelay $0x1  }
0x99: {  	s19 =	simm.s32 $_scs_section_size  }
0x9a: {  	s4 =	simm.s32 $_size__tile_overlayer_lowered;
	s5 =	simm.s32 $_tile_overlayer_lowered  }
0x9b: {  	s22 =	simm.s32 $0x1BFF;
	s21 =	sshll.u32 s5, $0x1;
	s2 =	sadd.s32 s19, s18  }
0x9c: {  	s6 =	simm.s32 $0x0;
	s20 =	sshll.u32 s4, $0x1;
	s4 =	sadd.s32 s21, s2  }
0x9d: {  	[timem:s6], [sflag:s22] =	dma.local [hbm:s4], s20  }
0x9e: {  	_ =	swait.ge [sflag:s22], s20  }
0x9f: {  	s3 =	ssub.s32 $0x0, s20;
	[sflag:s22] =	ssyncset.done $0x0  }
0xa0: {  	[sflag:s22] =	ssyncadd.s32 s3;
	_ =	sdelay $0x1  }
0xa1: {  	s23 =	simm.s32 $0x1B8B  }
0xa2: {  	_ =	swait.ge [sflag:s23], $0x1  }
0xa3: {  	[sflag:s23] =	ssyncset.done $0x0  }
0xa4: {  	s25 =	simm.s32 $0x1B8E;
	s24 =	sld [smem:$0x3FFE];
	[sflag:s23] =	ssyncadd.s32 $0xFFFFFFFF  }
0xa5: {  	s26 =	simm.s32 $execute0_lowered;
	[smem:$0x3FD2] =	sst s25  }
0xa6: {  	s4 =	sshll.u32 s26, $0x1;
	_ =	strace $0x8000004F;
	[dreg:$0x1] =	wrdreg $0xFFFFFFFF  }
0xa7: {  	s28 =	simm.s32 $_size_execute0_lowered;
	s2 =	sadd.s32 s2, s4;
	[dreg:$0x0] =	wrdreg $0x0  }
0xa8: {  	s4 =	sshll.u32 s28, $0x1;
	[dreg:$0x2] =	wrdreg s2  }
0xa9: {  	[dreg:$0x3] =	wrdreg s4  }
0xaa: {  	[dreg:$0x4] =	wrdreg $0xC0  }
0xab: {  	_ =	task [dreg:s6], $0x5FFFF  }
0xac: {  	[dreg:$0x1] =	wrdreg $0xFFFFFFFF  }
0xad: {  	[dreg:$0x0] =	wrdreg $0x60  }
0xae: {  	[dreg:$0x2] =	wrdreg s24  }
0xaf: {  	[dreg:$0x3] =	wrdreg $0x9  }
0xb0: {  	_ =	task.clear_ibuf [dreg:s6], $0x4FFFF;
	_ =	strace $0x9000004F  }
0xb1: {  	s29 =	simm.s32 $0x9;
	_ =	strace $0x80000051  }
0xb2: {  	_ =	swait.ge [sflag:s29], $0x1  }
0xb3: {  	[sflag:s29] =	ssyncadd.s32 $0xFFFFFFFF  }
0xb4: {  	_ =	strace $0x90000051  }
0xb5: {  	_ =	sfence  }
0xb6: {  	s30 =	sld [smem:$0x0];
	_ =	sdelay $0x2  }
0xb7: {  	s31 =	sshll.u32 s1, $0xD;
	s1 =	sshrl.u32 s1, $0x2  }
0xb8: {  	s3 =	sand.u32 $0x4000, s31;
	s1 =	sadd.s32 s1, s30  }
0xb9: {  	s0 =	sor.u32 s3, s0;
	s1 =	sshll.u32 s1, $0x11  }
0xba: {  	s0 =	sor.u32 s1, s0  }
0xbb: {  	s0 =	sadd.s32 $0x8F2B, s0  }
0xbc: {  	[sflag:s0] =	ssyncadd.remote.s32 $0x1  }
0xbd: {  	_ =	sfence.sel $0xFFFF  }
0xbe: {  	[dreg:$0x0] =	wrdreg $0xFFFFFFFF;
	(pc) =	sbr.abs _section_cstart, $3  }
0xbf: {  	[dreg:$0x1] =	wrdreg $0xFFFFFFFF  }
0xc0: {  	_ =	task.clear_ibuf [dreg:s6], $0x2FFFF;
	_ =	strace $0x9FFFFFFF  }
0xc1: {  	(tm) =	ssettm $0x7FFFFFFF  }
tec
execute0_lowered:
.L_overlay_start_1:
0x0: {  	(tag) =	ssettag $0x1  }
0x1: {  	s0 =	srdreg.scid  }
0x2: {  	s5 =	rddreg [dreg:$0x0];
	s1 =	stileid.u32  }
0x3: {  	s2 =	simm.s32 $0x0;
	s9 =	simm.s32 $0x3;
	s10 =	simm.s32 $0xC80  }
0x4: {  	s11 =	simm.s32 $0x80;
	s12 =	simm.s32 $0x1900;
	s13 =	simm.s32 $0x3900  }
0x5: {  	s14 =	simm.s32 $0x1;
	s15 =	simm.s32 $0x2;
	s4 =	sand.u32 $0x1, s0  }
0x6: {  	s16 =	simm.s32 $0x0;
	s8 =	smul.u32 $0x6400, s1;
	s3 =	sshll.u32 s4, $0x4  }
0x7: {  	s0 =	rddreg [dreg:$0x1];
	s7 =	smul.u32 $0x64000, s4;
	s3 =	sor.u32 s1, s3  }
0x8: {  	[smem:$0x7FF] =	sst s2;
	s4 =	ssub.s32 $0x2, s4;
	s6 =	smul.u32 $0x190, s3  }
0x9: {  	_ =	strace $0x80000050;
	s31 =	sshrl.u32 s4, $0x1;
	s3 =	sadd.s32 $0x2200, s5  }
0xa: {  	s6 =	sadd.s32 s6, s5;
	s5 =	sadd.s32 s7, s5;
	s7 =	ssub.s32 s4, s31  }
0xb: {  	s4 =	sadd.s32 $0xE1200, s6;
	s8 =	sadd.s32 s8, s5;
	s5 =	sadd.s32 $0xDE000, s6  }
0xc: {  	s6 =	smax.u32 s7, $0x1;
	s7 =	sadd.s32 $0xE4400, s8;
	s8 =	sadd.s32 $0x1AC400, s8  }
.LBB2_1:
0xd: {  	[tilespmem:s2], [sflag:$0x3] =	stream.linear.gather [hbm4b:s4+s2], $0xC80, $0x38;
	[tilespmem:$0x5900] =	vst v63  }
0xe: {  	_ =	swait.ge [sflag:s9], $0xC80  }
0xf: {  	[sflag:s9] =	ssyncset.done $0x0  }
0x10: {  	[sflag:s9] =	ssyncadd.s32 $0xFFFFF380  }
0x11: {  	[tilespmem:s10], [sflag:$0x3] =	stream.linear.gather [hbm4b:s5+s2], $0xC80, $0x38;
	[tilespmem:$0x5900] =	vst v63  }
0x12: {  	_ =	swait.ge [sflag:s9], $0xC80  }
0x13: {  	[sflag:s9] =	ssyncset.done $0x0  }
0x14: {  	s17 =	simm.s32 $0x0;
	[sflag:s9] =	ssyncadd.s32 $0xFFFFF380  }
0x15: {  	[tilespmem:s12], [sflag:$0x1] =	stream.indirect.gather [hbm4b:s3+s11], $0x40, s17, s11, $0xb8;
	[tilespmem:$0x5900] =	vst v63  }
0x16: {  	s31 =	simm.s32 $0xC80  }
0x17: {  	[tilespmem:s13], [sflag:$0x2] =	stream.indirect.gather [hbm4b:s3+s11], $0x40, s31, s11, $0xb8;
	[tilespmem:$0x5900] =	vst v63  }
0x18: {  	_ =	swait.ge [sflag:s14], $0x2000  }
0x19: {  	[sflag:s14] =	ssyncset.done $0x0  }
0x1a: {  	[sflag:s14] =	ssyncadd.s32 $0xFFFFE000  }
0x1b: {  	[hbm4b:s8+s2] =	stream.linear.scatter [tilespmem:s12], [sflag:$0x3], $0x2000, $0x38;
	[tilespmem:$0x5900] =	vst v63  }
0x1c: {  	_ =	swait.ge [sflag:s9], $0x2000  }
0x1d: {  	[sflag:s9] =	ssyncset.done $0x0  }
0x1e: {  	[sflag:s9] =	ssyncadd.s32 $0xFFFFE000  }
0x1f: {  	_ =	swait.ge [sflag:s15], $0x2000  }
0x20: {  	[sflag:s15] =	ssyncset.done $0x0  }
0x21: {  	[sflag:s15] =	ssyncadd.s32 $0xFFFFE000  }
0x22: {  	[hbm4b:s7+s2] =	stream.linear.scatter [tilespmem:s13], [sflag:$0x3], $0x2000, $0x38;
	[tilespmem:$0x5900] =	vst v63  }
0x23: {  	s19 =	simm.s32 $0x200;
	s20 =	simm.s32 $0x400;
	_ =	swait.ge [sflag:s9], $0x2000  }
0x24: {  	s18 =	sadd.s32 $0x400, s8;
	s17 =	sadd.s32 $0x400, s7;
	[sflag:s9] =	ssyncset.done $0x0  }
.LBB2_2:
0x25: {  	s21 =	sshra.s32 s19, $0x2  }
0x26: {  	[sflag:s9] =	ssyncadd.s32 $0xFFFFE000;
	s19 =	smov.u32 s20;
	s22 =	sadd.s32 $0x200, s20  }
0x27: {  	[tilespmem:s12], [sflag:$0x1] =	stream.indirect.gather [hbm4b:s3+s11], $0x40, s21, s11, $0xb8;
	[tilespmem:$0x5900] =	vst v63  }
0x28: {  	p0 =	sne.s32 s20, $0x3000;
	s20 =	sadd.s32 $0xC80, s21  }
0x29: {  	[tilespmem:s13], [sflag:$0x2] =	stream.indirect.gather [hbm4b:s3+s11], $0x40, s20, s11, $0xb8;
	[tilespmem:$0x5900] =	vst v63  }
0x2a: {  	_ =	swait.ge [sflag:s14], $0x2000  }
0x2b: {  	[sflag:s14] =	ssyncset.done $0x0  }
0x2c: {  	[sflag:s14] =	ssyncadd.s32 $0xFFFFE000  }
0x2d: {  	[hbm4b:s18+s2] =	stream.linear.scatter [tilespmem:s12], [sflag:$0x3], $0x2000, $0x38;
	[tilespmem:$0x5900] =	vst v63  }
0x2e: {  	_ =	swait.ge [sflag:s9], $0x2000  }
0x2f: {  	[sflag:s9] =	ssyncset.done $0x0  }
0x30: {  	[sflag:s9] =	ssyncadd.s32 $0xFFFFE000  }
0x31: {  	_ =	swait.ge [sflag:s15], $0x2000  }
.Ltmp0:
0x32: {  	[sflag:s15] =	ssyncset.done $0x0;
	(pc) =	sbr.rel @p0 .LBB2_2-.Ltmp0, $4  }
0x33: {  	[sflag:s15] =	ssyncadd.s32 $0xFFFFE000  }
0x34: {  	[hbm4b:s17+s2] =	stream.linear.scatter [tilespmem:s13], [sflag:$0x3], $0x2000, $0x38;
	[tilespmem:$0x5900] =	vst v63  }
0x35: {  	s20 =	smov.u32 s22;
	_ =	swait.ge [sflag:s9], $0x2000  }
0x36: {  	s18 =	sadd.s32 $0x400, s18;
	s17 =	sadd.s32 $0x400, s17;
	[sflag:s9] =	ssyncset.done $0x0  }
0x37: {  	s19 =	sshra.s32 s19, $0x2;
	[sflag:s9] =	ssyncadd.s32 $0xFFFFE000  }
0x38: {  	[tilespmem:s12], [sflag:$0x1] =	stream.indirect.gather [hbm4b:s3+s11], $0x40, s19, s11, $0xb8;
	[tilespmem:$0x5900] =	vst v63  }
0x39: {  	s19 =	sadd.s32 $0xC80, s19  }
0x3a: {  	[tilespmem:s13], [sflag:$0x2] =	stream.indirect.gather [hbm4b:s3+s11], $0x40, s19, s11, $0xb8;
	[tilespmem:$0x5900] =	vst v63  }
0x3b: {  	_ =	swait.ge [sflag:s14], $0x2000  }
0x3c: {  	[sflag:s14] =	ssyncset.done $0x0  }
0x3d: {  	[sflag:s14] =	ssyncadd.s32 $0xFFFFE000  }
0x3e: {  	[hbm4b:s18+s2] =	stream.linear.scatter [tilespmem:s12], [sflag:$0x3], $0x2000, $0x38;
	[tilespmem:$0x5900] =	vst v63  }
0x3f: {  	_ =	swait.ge [sflag:s9], $0x2000  }
0x40: {  	[sflag:s9] =	ssyncset.done $0x0  }
0x41: {  	[sflag:s9] =	ssyncadd.s32 $0xFFFFE000  }
0x42: {  	s16 =	sadd.s32 $0x1, s16;
	_ =	swait.ge [sflag:s15], $0x2000  }
0x43: {  	p0 =	sne.s32 s16, s6;
	[sflag:s15] =	ssyncset.done $0x0  }
.Ltmp1:
0x44: {  	[sflag:s15] =	ssyncadd.s32 $0xFFFFE000;
	(pc) =	sbr.rel @p0 .LBB2_1-.Ltmp1, $4  }
0x45: {  	[hbm4b:s17+s2] =	stream.linear.scatter [tilespmem:s13], [sflag:$0x3], $0x2000, $0x38;
	[tilespmem:$0x5900] =	vst v63  }
0x46: {  	_ =	swait.ge [sflag:s9], $0x2000  }
0x47: {  	[sflag:s9] =	ssyncset.done $0x0  }
0x48: {  	[sflag:s9] =	ssyncadd.s32 $0xFFFFE000  }
0x49: {  	_ =	sfence.sel $0x180000  }
0x4a: {  	[bflag:$0x0] =	sbarrier.arrive $0xFFFF  }
0x4b: {  	p0 =	sne.s32 s1, $0x0;
	_ =	strace $0x90000050  }
0x4c: {  	s0 =	sadd.s32 @!p0 $0x100000, s0;
	[bflag:$0x2] =	sbarrier.arrive $0xFFFF  }
0x4d: {  	[sflag:s0] =	ssyncadd.tile.s32 @!p0 $0x1;
	_ =	shalt  }
.Lfunc_end2:
_tile_overlayer_lowered:
.L_overlay_start_2:
0x4e: {  	(tag) =	ssettag $0x2  }
0x4f: {  	s0 =	rddreg [dreg:$0x0];
	s2 =	stileid.u32  }
0x50: {  	s1 =	rddreg [dreg:$0x1];
	p0 =	sne.s32 s2, $0x0  }
0x51: {  	s3 =	rddreg [dreg:$0x2];
	[bflag:$0x3] =	sbarrier.arrive $0xFFFF;
	s2 =	simm.s32 @!p0 $0x1C03  }
0x52: {  	[timem:s3], [sflag:s2] =	dma.local @!p0 [hbm:s0], s1  }
0x53: {  	s0 =	simm.s32 @!p0 $0x3  }
0x54: {  	_ =	swait.ge @!p0 [sflag:s0], s1  }
0x55: {  	s1 =	ssub.s32 @!p0 $0x0, s1;
	[sflag:s0] =	ssyncset.done @!p0 $0x0  }
0x56: {  	[sflag:s0] =	ssyncadd.s32 @!p0 s1  }
0x57: {  	[bflag:$0x3] =	sbarrier.arrive $0xFFFF  }
0x58: {  	_ =	shalt  }

</sc_bundles>
